<compile_context>
chip_gen: v7x
topology: tpu7x:2x2x1
jax: 0.10.2.dev20260603
libtpu: 0.0.44.dev20260713+nightly
codegen_flags: <defaults>
</compile_context>

<pallas_src>
import functools

import jax
import jax.numpy as jnp
from jax import lax
from jax.experimental import pallas as pl
from jax.experimental.pallas import tpu as pltpu
from jax.experimental.pallas import tpu_sc as plsc

SLR_INV_H = 4.0
NUM_SLRY = 4
NC, NS, L = 2, 16, 16
NW = NC * NS
CH = 8192


def _ceil_to(x, m):
  return (x + m - 1) // m * m


@functools.partial(jax.jit, static_argnums=())
def kernel(pos, flat_netpin, netpin_start, net_weights, net_mask,
           sll_counts_table):
  P = flat_netpin.shape[0]
  N = netpin_start.shape[0] - 1
  NB = -(-N // NW)
  ROW = _ceil_to(NB + 1 + 16, 16)
  NBR = _ceil_to(NB, 16)
  Np = NW * NB

  PY = P
  assert N == NW * NB and NBR <= N and P >= CH

  ns_ext = jnp.concatenate(
      [netpin_start, jnp.full((Np - N + ROW + 32,), P, jnp.int32)])
  wm = net_weights * net_mask.astype(jnp.float32)
  pos2 = pos.reshape(2, P)

  mesh = plsc.VectorSubcoreMesh(
      core_axis_name="c", subcore_axis_name="s",
      num_cores=NC, num_subcores=NS)

  @functools.partial(
      pl.kernel,
      out_type=jax.ShapeDtypeStruct((NW, L), jnp.float32),
      mesh=mesh,
      compiler_params=pltpu.CompilerParams(needs_layout_passes=False),
      scratch_types=dict(
          s_raw_ref=pltpu.VMEM((ROW + 16,), jnp.int32),
          s_ref=pltpu.VMEM((ROW,), jnp.int32),
          occ_ref=pltpu.VMEM((NBR,), jnp.int32),
          w_raw_ref=pltpu.VMEM((ROW + 16,), jnp.float32),
          w_ref=pltpu.VMEM((ROW,), jnp.float32),
          idx_ref=pltpu.VMEM((CH,), jnp.int32),
          delta_ref=pltpu.VMEM((CH,), jnp.int32),
          pya_ref=pltpu.VMEM((CH,), jnp.float32),
          pyb_ref=pltpu.VMEM((CH,), jnp.float32),
          tab_ref=pltpu.VMEM((16,), jnp.int32),
          outv_ref=pltpu.VMEM((L,), jnp.float32),
          shared_ref=pltpu.VMEM_SHARED((PY,), jnp.float32),
          sema=pltpu.SemaphoreType.DMA,
          semb=pltpu.SemaphoreType.DMA,
      ),
  )
  def sll_kernel(pos_hbm, fnp_hbm, ns_hbm, wm_hbm, tab_hbm, out_hbm, *,
                 s_raw_ref, s_ref, occ_ref, w_raw_ref, w_ref, idx_ref,
                 delta_ref, pya_ref, pyb_ref, tab_ref, outv_ref,
                 shared_ref, sema, semb):
    wid = lax.axis_index("s") * NC + lax.axis_index("c")
    lanes = lax.iota(jnp.int32, 16)

    pltpu.sync_copy(tab_hbm, tab_ref)

    n0 = wid * NB
    ab = pl.multiple_of(n0 - lax.rem(n0, 8), 8)
    s_off = n0 - ab

    pltpu.sync_copy(ns_hbm.at[pl.ds(ab, ROW + 16)], s_raw_ref)
    pltpu.sync_copy(wm_hbm.at[pl.ds(ab, NBR)], w_raw_ref.at[pl.ds(0, NBR)])

    def sbody(i, _):
      s_ref[pl.ds(i * 16, 16)] = s_raw_ref[pl.ds(i * 16 + s_off, 16)]
      w_ref[pl.ds(i * 16, 16)] = w_raw_ref[pl.ds(i * 16 + s_off, 16)]
      return 0

    lax.fori_loop(0, ROW // 16, sbody, 0)

    pv = s_ref[pl.ds(0, 16)]
    p0 = pv[0]
    qv = s_ref[pl.ds((NB // 16) * 16, 16)]
    p1 = qv[NB - (NB // 16) * 16]
    a0 = pl.multiple_of(p0 - lax.rem(p0, 8), 8)
    nch = lax.div(p1 - a0 + CH - 1, jnp.int32(CH))

    def zbody(i, _):
      occ_ref[pl.ds(i * 16, 16)] = jnp.zeros((16,), jnp.int32)
      return 0

    lax.fori_loop(0, NBR // 16, zbody, 0)

    def dzbody(i, _):
      delta_ref[pl.ds(i * 16, 16)] = jnp.zeros((16,), jnp.int32)
      return 0

    lax.fori_loop(0, CH // 16, dzbody, 0)

    ones16 = jnp.full((16,), 1, jnp.int32)
    zeros16 = jnp.zeros((16,), jnp.int32)
    shift_idx = [jnp.maximum(lanes - d, 0) for d in (1, 2, 4, 8)]
    shift_up1 = jnp.minimum(lanes + 1, 15)

    U = 4

    @pl.when(lax.axis_index("s") == 0)
    def _():
      pltpu.sync_copy(pos_hbm.at[1], shared_ref)

    plsc.subcore_barrier()

    def fire(c, py_ref, sem):
      base = pl.multiple_of(
          jnp.minimum(a0 + c * CH, jnp.int32(P - CH)), 8)
      pltpu.sync_copy(fnp_hbm.at[pl.ds(base, CH)], idx_ref)
      pltpu.async_copy(shared_ref.at[idx_ref], py_ref, sem)

    def drain(py_ref, sem):
      pltpu.make_async_copy(pos_hbm.at[0, pl.ds(0, CH)], py_ref,
                            sem).wait()

    @pl.when(nch > 0)
    def _():
      fire(0, pya_ref, sema)

    def compute_chunk(c, py_ref, car):
      base_l = a0 + c * CH
      base = pl.multiple_of(jnp.minimum(base_l, jnp.int32(P - CH)), 8)
      pmin = jnp.maximum(p0, base_l)
      cseg0, cbit0, cmax0, knet0 = car

      def scond(st):
        return st[1] == 16

      def sbody2(st):
        k, _ = st
        sv = s_ref[pl.ds(k, 16)]
        off = sv - base
        inb = (off >= 0) & (off < CH) & (k + lanes <= NB)
        vals = k + lanes + 1
        nxtoff = off.at[shift_up1].get(mode="promise_in_bounds")
        keep = ((off != nxtoff) | (lanes == 15)) & inb
        plsc.store_scatter(delta_ref, [jnp.clip(off, 0, CH - 1)], vals,
                           mask=keep)
        pc = plsc.all_reduce_population_count(inb)
        cnt = pc[0]
        return (k + cnt, cnt)

      knet1, _ = lax.while_loop(scond, sbody2, (knet0, jnp.int32(16)))
      car = (cseg0, cbit0, cmax0, knet1)

      def vbody(j, car):
        ps, bits, vms = [], [], []
        for u in range(U):
          off = j * (16 * U) + u * 16
          p = base + off + lanes
          py = py_ref[pl.ds(off, 16)]
          sy = jnp.clip((py * SLR_INV_H).astype(jnp.int32), 0,
                        NUM_SLRY - 1)
          valid = (p >= pmin) & (p < p1)
          bit = jnp.where(valid, jnp.left_shift(ones16, sy), zeros16)
          dv = delta_ref[pl.ds(off, 16)]
          delta_ref[pl.ds(off, 16)] = zeros16
          vms.append(plsc.cummax(dv))
          ps.append(p)
          bits.append(bit)
        cseg, cbit, cmax, knet = car
        segs = []
        for u in range(U):
          segr = jnp.maximum(vms[u], cmax)
          segs.append(jnp.maximum(segr - 1, 0))
          cmax = segr[15]
        lasts = []
        for u in range(U):
          send = plsc.load_gather(s_ref, [segs[u] + 1])
          lasts.append(ps[u] == send - 1)
        baccs = []
        for u in range(U):
          seg = segs[u]
          bacc = bits[u] | jnp.where(seg == cseg, cbit, 0)
          for si in shift_idx:
            sseg = seg.at[si].get(mode="promise_in_bounds")
            sbit = bacc.at[si].get(mode="promise_in_bounds")
            bacc = bacc | jnp.where(sseg == seg, sbit, 0)
          baccs.append(bacc)
          cseg = seg[15]
          cbit = bacc[15]
        car = (cseg, cbit, cmax, knet)
        for u in range(U):
          plsc.store_scatter(occ_ref, [segs[u]], baccs[u], mask=lasts[u])
        return car

      return lax.fori_loop(0, CH // (16 * U), vbody, car)

    def pair_body(i, car):
      c0 = 2 * i
      c1 = c0 + 1
      c2 = c0 + 2
      drain(pya_ref, sema)

      @pl.when(c1 < nch)
      def _():
        fire(c1, pyb_ref, semb)

      car = compute_chunk(c0, pya_ref, car)

      @pl.when(c1 < nch)
      def _():
        drain(pyb_ref, semb)

      @pl.when(c2 < nch)
      def _():
        fire(c2, pya_ref, sema)

      car = compute_chunk(c1, pyb_ref, car)
      return car

    carry0 = (jnp.int32(-1), jnp.int32(0), jnp.int32(0), jnp.int32(0))
    lax.fori_loop(0, (nch + 1) // 2, pair_body, carry0)

    def fbody(i, acc):
      occv = occ_ref[pl.ds(i * 16, 16)]
      sll = plsc.load_gather(tab_ref, [occv]).astype(jnp.float32)
      w = w_ref[pl.ds(i * 16, 16)]
      nmask = (i * 16 + lanes) < NB
      return acc + jnp.where(nmask, w * sll, 0.0)

    acc = lax.fori_loop(0, NBR // 16, fbody,
                        jnp.zeros((L,), jnp.float32))
    outv_ref[...] = acc
    pltpu.sync_copy(outv_ref, out_hbm.at[wid])

  partials = sll_kernel(pos2, flat_netpin, ns_ext, wm, sll_counts_table)
  return jnp.sum(partials)

# --- scband reference (transcript-rebuilt; emitter-appended) ---
"""Pipeline reference for scband-sll-67989332296064 (READ-ONLY COPY).

The authoritative reference and input builder live on the scoring server;
editing this copy changes nothing except your own understanding.
"""

import jax, jax.numpy as jnp
import numpy as np

XL = 0.0
YL = 0.0
SLR_W = 1.0
SLR_H = 0.25
NUM_SLRX = 1
NUM_SLRY = 4
NUM_PINS = 1000000
NUM_NETS = 200000


def setup_inputs(seed: int = 0):
    key = jax.random.key(seed)
    k1, k2, k3, k4 = jax.random.split(key, 4)
    pos = jax.random.uniform(k1, (2 * NUM_PINS,), dtype=jnp.float32)
    flat_netpin = jax.random.randint(k2, (NUM_PINS,), 0, NUM_PINS, dtype=jnp.int32)
    netpin_start = jnp.sort(jax.random.randint(k3, (NUM_NETS + 1,), 0, NUM_PINS, dtype=jnp.int32))
    netpin_start = netpin_start.at[0].set(0).at[-1].set(NUM_PINS)
    net_weights = jax.random.uniform(k4, (NUM_NETS,), dtype=jnp.float32)
    net_mask = jnp.ones((NUM_NETS,), dtype=bool)
    sll_counts_table = jnp.array([0, 0, 0, 1, 0, 2, 1, 2, 0, 3, 2, 3, 1, 3, 2, 3], dtype=jnp.int32)
    return {"pos": pos, "flat_netpin": flat_netpin, "netpin_start": netpin_start,
            "net_weights": net_weights, "net_mask": net_mask, "sll_counts_table": sll_counts_table}


def reference(pos, flat_netpin, netpin_start, net_weights, net_mask, sll_counts_table):
    P = flat_netpin.shape[0]
    N = netpin_start.shape[0] - 1
    # gather pin coordinates (pos = [x_0..x_{P-1}, y_0..y_{P-1}])
    px = pos[flat_netpin]
    py = pos[P + flat_netpin]
    # SLR index of each pin
    sx = jnp.clip(jnp.floor((px - XL) / SLR_W).astype(jnp.int32), 0, NUM_SLRX - 1)
    sy = jnp.clip(jnp.floor((py - YL) / SLR_H).astype(jnp.int32), 0, NUM_SLRY - 1)
    sid = sy * NUM_SLRX + sx
    num_slr = NUM_SLRX * NUM_SLRY
    onehot = jax.nn.one_hot(sid, num_slr, dtype=jnp.float32)
    # ragged CSR -> per-pin segment (net) ids
    seg = jnp.clip(jnp.searchsorted(netpin_start, jnp.arange(P, dtype=jnp.int32), side='right') - 1, 0, N - 1)
    # per-net SLR occupancy bitmask
    occ = jax.ops.segment_sum(onehot, seg, num_segments=N)
    occ_bits = (occ > 0).astype(jnp.int32)
    bit_weights = (2 ** jnp.arange(num_slr, dtype=jnp.int32))
    mask_idx = (occ_bits * bit_weights).sum(axis=-1)
    # deterministic SLL count lookup per net
    sll = sll_counts_table[mask_idx].astype(jnp.float32)
    out = (net_weights * net_mask.astype(jnp.float32) * sll).sum()
    return out

if __name__ == "__main__":
    import jax
    _d = setup_inputs()
    print(jax.jit(kernel)(*tuple(_d.values())))

</pallas_src>

<mosaic_0001>
#map = affine_map<(d0, d1) -> (0, 0)>
#map1 = affine_map<(d0, d1) -> (0)>
module attributes {stable_mosaic.version = 14 : i64} {
  func.func @sll_kernel(%arg0: i32, %arg1: i32, %arg2: memref<2x1000000xf32, #tpu.memory_space<hbm>>, %arg3: memref<1000000xi32, #tpu.memory_space<hbm>>, %arg4: memref<206305xi32, #tpu.memory_space<hbm>>, %arg5: memref<200000xf32, #tpu.memory_space<hbm>>, %arg6: memref<16xi32, #tpu.memory_space<hbm>>, %arg7: memref<32x16xf32, #tpu.memory_space<hbm>>, %arg8: memref<8192xi32, #tpu.memory_space<vmem>>, %arg9: memref<8192xi32, #tpu.memory_space<vmem>>, %arg10: memref<6256xi32, #tpu.memory_space<vmem>>, %arg11: memref<16xf32, #tpu.memory_space<vmem>>, %arg12: memref<8192xf32, #tpu.memory_space<vmem>>, %arg13: memref<8192xf32, #tpu.memory_space<vmem>>, %arg14: memref<6288xi32, #tpu.memory_space<vmem>>, %arg15: memref<6272xi32, #tpu.memory_space<vmem>>, %arg16: memref<!tpu.dma_semaphore, #tpu.memory_space<semaphore_mem>>, %arg17: memref<!tpu.dma_semaphore, #tpu.memory_space<semaphore_mem>>, %arg18: memref<1000000xf32, #tpu.memory_space<vmem_shared>>, %arg19: memref<16xi32, #tpu.memory_space<vmem>>, %arg20: memref<6288xf32, #tpu.memory_space<vmem>>, %arg21: memref<6272xf32, #tpu.memory_space<vmem>>) attributes {dimension_semantics = [#tpu.dimension_semantics<core_parallel>, #tpu.dimension_semantics<subcore_parallel>], iteration_bounds = array<i64: 2, 16>, scalar_prefetch = 0 : i64, scratch_operands = 14 : i64, tpu.core_type = #tpu.core_type<sc_vector_subcore>, window_params = [{transform_indices = #map}, {transform_indices = #map1}, {transform_indices = #map1}, {transform_indices = #map1}, {transform_indices = #map1}, {transform_indices = #map}]} {
    %mul3A = arith.constant 2 : i32
    %mul3A_0 = arith.muli %arg1, %mul3A : i32
    %add3A = arith.addi %mul3A_0, %arg0 : i32
    %iota3A = tpu.iota {dimensions = array<i32: 0>} : vector<16xi32>
    "tpu.region"() ({
      %run_scoped3A = tpu.sem_alloc : memref<!tpu.dma_semaphore, #tpu.memory_space<semaphore_mem>>
      tpu.enqueue_dma source(%arg6 : memref<16xi32, #tpu.memory_space<hbm>>) target(%arg19 : memref<16xi32, #tpu.memory_space<vmem>>) target_semaphore(%run_scoped3A : memref<!tpu.dma_semaphore, #tpu.memory_space<semaphore_mem>>)
      tpu.wait_dma2 semaphore(%run_scoped3A : memref<!tpu.dma_semaphore, #tpu.memory_space<semaphore_mem>>) src(%arg6 : memref<16xi32, #tpu.memory_space<hbm>>) dst(%arg19 : memref<16xi32, #tpu.memory_space<vmem>>)
      tpu.yield
    }) : () -> ()
    %mul3A_1 = arith.constant 6250 : i32
    %mul3A_2 = arith.muli %add3A, %mul3A_1 : i32
    %rem3A = arith.constant 8 : i32
    %rem3A_3 = arith.remsi %mul3A_2, %rem3A : i32
    %sub3A = arith.subi %mul3A_2, %rem3A_3 : i32
    %multiple_of3A = tpu.assume_multiple %sub3A, 8 : i32
    %sub3A_4 = arith.subi %mul3A_2, %multiple_of3A : i32
    "tpu.region"() ({
      %run_scoped3A = tpu.sem_alloc : memref<!tpu.dma_semaphore, #tpu.memory_space<semaphore_mem>>
      %dma_start3A = tpu.memref_slice %arg4[%multiple_of3A] : memref<206305xi32, #tpu.memory_space<hbm>> -> memref<6288xi32, #tpu.memory_space<hbm>>
      %dma_start3A_121 = tpu.memref_slice %arg4[%multiple_of3A] : memref<206305xi32, #tpu.memory_space<hbm>> -> memref<6288xi32, #tpu.memory_space<hbm>>
      tpu.enqueue_dma source(%dma_start3A_121 : memref<6288xi32, #tpu.memory_space<hbm>>) target(%arg14 : memref<6288xi32, #tpu.memory_space<vmem>>) target_semaphore(%run_scoped3A : memref<!tpu.dma_semaphore, #tpu.memory_space<semaphore_mem>>)
      %dma_wait3A = tpu.memref_slice %arg4[%multiple_of3A] : memref<206305xi32, #tpu.memory_space<hbm>> -> memref<6288xi32, #tpu.memory_space<hbm>>
      %dma_wait3A_122 = tpu.memref_slice %arg4[%multiple_of3A] : memref<206305xi32, #tpu.memory_space<hbm>> -> memref<6288xi32, #tpu.memory_space<hbm>>
      tpu.wait_dma2 semaphore(%run_scoped3A : memref<!tpu.dma_semaphore, #tpu.memory_space<semaphore_mem>>) src(%dma_wait3A_122 : memref<6288xi32, #tpu.memory_space<hbm>>) dst(%arg14 : memref<6288xi32, #tpu.memory_space<vmem>>)
      tpu.yield
    }) : () -> ()
    "tpu.region"() ({
      %run_scoped3A = tpu.sem_alloc : memref<!tpu.dma_semaphore, #tpu.memory_space<semaphore_mem>>
      %dma_start3A = arith.constant 0 : i32
      %dma_start3A_121 = tpu.memref_slice %arg20[%dma_start3A] : memref<6288xf32, #tpu.memory_space<vmem>> -> memref<6256xf32, #tpu.memory_space<vmem>>
      %dma_start3A_122 = tpu.memref_slice %arg5[%multiple_of3A] : memref<200000xf32, #tpu.memory_space<hbm>> -> memref<6256xf32, #tpu.memory_space<hbm>>
      %dma_start3A_123 = arith.constant 0 : i32
      %dma_start3A_124 = tpu.memref_slice %arg20[%dma_start3A_123] : memref<6288xf32, #tpu.memory_space<vmem>> -> memref<6256xf32, #tpu.memory_space<vmem>>
      %dma_start3A_125 = tpu.memref_slice %arg5[%multiple_of3A] : memref<200000xf32, #tpu.memory_space<hbm>> -> memref<6256xf32, #tpu.memory_space<hbm>>
      tpu.enqueue_dma source(%dma_start3A_125 : memref<6256xf32, #tpu.memory_space<hbm>>) target(%dma_start3A_124 : memref<6256xf32, #tpu.memory_space<vmem>>) target_semaphore(%run_scoped3A : memref<!tpu.dma_semaphore, #tpu.memory_space<semaphore_mem>>)
      %dma_wait3A = arith.constant 0 : i32
      %dma_wait3A_126 = tpu.memref_slice %arg20[%dma_wait3A] : memref<6288xf32, #tpu.memory_space<vmem>> -> memref<6256xf32, #tpu.memory_space<vmem>>
      %dma_wait3A_127 = tpu.memref_slice %arg5[%multiple_of3A] : memref<200000xf32, #tpu.memory_space<hbm>> -> memref<6256xf32, #tpu.memory_space<hbm>>
      %dma_wait3A_128 = arith.constant 0 : i32
      %dma_wait3A_129 = tpu.memref_slice %arg20[%dma_wait3A_128] : memref<6288xf32, #tpu.memory_space<vmem>> -> memref<6256xf32, #tpu.memory_space<vmem>>
      %dma_wait3A_130 = tpu.memref_slice %arg5[%multiple_of3A] : memref<200000xf32, #tpu.memory_space<hbm>> -> memref<6256xf32, #tpu.memory_space<hbm>>
      tpu.wait_dma2 semaphore(%run_scoped3A : memref<!tpu.dma_semaphore, #tpu.memory_space<semaphore_mem>>) src(%dma_wait3A_130 : memref<6256xf32, #tpu.memory_space<hbm>>) dst(%dma_wait3A_129 : memref<6256xf32, #tpu.memory_space<vmem>>)
      tpu.yield
    }) : () -> ()
    %scan3A = arith.constant 0 : i32
    %scan3A_5 = arith.constant 0 : i32
    %scan3A_6 = arith.constant 392 : i32
    %scan3A_7 = arith.addi %scan3A_5, %scan3A_6 : i32
    %scan3A_8 = arith.constant 1 : i32
    %scan3A_9 = scf.for %scan3A_121 = %scan3A_5 to %scan3A_7 step %scan3A_8 iter_args(%scan3A_122 = %scan3A) -> (i32)  : i32 {
      %mul3A_123 = arith.constant 16 : i32
      %mul3A_124 = arith.muli %scan3A_121, %mul3A_123 : i32
      %add3A_125 = arith.addi %mul3A_124, %sub3A_4 : i32
      %get3A_126 = arith.index_cast %add3A_125 : i32 to index
      %get3A_127 = tpu.vector_load %arg14[%get3A_126] {strides = array<i32>} : memref<6288xi32, #tpu.memory_space<vmem>>, vector<16xi32>,
      %mul3A_128 = arith.constant 16 : i32
      %mul3A_129 = arith.muli %scan3A_121, %mul3A_128 : i32
      %swap3A_130 = arith.index_cast %mul3A_129 : i32 to index
      %swap3A_131 = tpu.vector_load %arg15[%swap3A_130] {strides = array<i32>} : memref<6272xi32, #tpu.memory_space<vmem>>, vector<16xi32>,
      tpu.vector_store %arg15[%swap3A_130], %get3A_127 {strides = array<i32>} : memref<6272xi32, #tpu.memory_space<vmem>>, vector<16xi32>,
      %mul3A_132 = arith.constant 16 : i32
      %mul3A_133 = arith.muli %scan3A_121, %mul3A_132 : i32
      %add3A_134 = arith.addi %mul3A_133, %sub3A_4 : i32
      %get3A_135 = arith.index_cast %add3A_134 : i32 to index
      %get3A_136 = tpu.vector_load %arg20[%get3A_135] {strides = array<i32>} : memref<6288xf32, #tpu.memory_space<vmem>>, vector<16xf32>,
      %mul3A_137 = arith.constant 16 : i32
      %mul3A_138 = arith.muli %scan3A_121, %mul3A_137 : i32
      %swap3A_139 = arith.index_cast %mul3A_138 : i32 to index
      %swap3A_140 = tpu.vector_load %arg21[%swap3A_139] {strides = array<i32>} : memref<6272xf32, #tpu.memory_space<vmem>>, vector<16xf32>,
      tpu.vector_store %arg21[%swap3A_139], %get3A_136 {strides = array<i32>} : memref<6272xf32, #tpu.memory_space<vmem>>, vector<16xf32>,
      %scan3A_141 = arith.constant 0 : i32
      scf.yield %scan3A_141 : i32
    }
    %scan3A_10 = arith.constant 392 : i32
    %get3A = arith.constant 0 : index
    %get3A_11 = tpu.vector_load %arg15[%get3A] {strides = array<i32>} : memref<6272xi32, #tpu.memory_space<vmem>>, vector<16xi32>,
    %slice3A = vector.extract_strided_slice %get3A_11 {offsets = [0], sizes = [1], strides = [1]} : vector<16xi32> to vector<1xi32>
    %squeeze3A = vector.extract %slice3A[0] : i32 from vector<1xi32>
    %get3A_12 = arith.constant 6240 : index
    %get3A_13 = tpu.vector_load %arg15[%get3A_12] {strides = array<i32>} : memref<6272xi32, #tpu.memory_space<vmem>>, vector<16xi32>,
    %slice3A_14 = vector.extract_strided_slice %get3A_13 {offsets = [10], sizes = [1], strides = [1]} : vector<16xi32> to vector<1xi32>
    %squeeze3A_15 = vector.extract %slice3A_14[0] : i32 from vector<1xi32>
    %rem3A_16 = arith.constant 8 : i32
    %rem3A_17 = arith.remsi %squeeze3A, %rem3A_16 : i32
    %sub3A_18 = arith.subi %squeeze3A, %rem3A_17 : i32
    %multiple_of3A_19 = tpu.assume_multiple %sub3A_18, 8 : i32
    %sub3A_20 = arith.subi %squeeze3A_15, %multiple_of3A_19 : i32
    %add3A_21 = arith.constant 8192 : i32
    %add3A_22 = arith.addi %sub3A_20, %add3A_21 : i32
    %sub3A_23 = arith.constant 1 : i32
    %sub3A_24 = arith.subi %add3A_22, %sub3A_23 : i32
    %div3A = arith.constant 8192 : i32
    %div3A_25 = arith.divsi %sub3A_24, %div3A : i32
    %scan3A_26 = arith.constant 0 : i32
    %scan3A_27 = arith.constant 0 : i32
    %scan3A_28 = arith.constant 391 : i32
    %scan3A_29 = arith.addi %scan3A_27, %scan3A_28 : i32
    %scan3A_30 = arith.constant 1 : i32
    %scan3A_31 = scf.for %scan3A_121 = %scan3A_27 to %scan3A_29 step %scan3A_30 iter_args(%scan3A_122 = %scan3A_26) -> (i32)  : i32 {
      %broadcast_in_dim3A_123 = arith.constant 0 : i32
      %broadcast_in_dim3A_124 = vector.broadcast %broadcast_in_dim3A_123 : i32 to vector<16xi32>
      %mul3A_125 = arith.constant 16 : i32
      %mul3A_126 = arith.muli %scan3A_121, %mul3A_125 : i32
      %swap3A_127 = arith.index_cast %mul3A_126 : i32 to index
      %swap3A_128 = tpu.vector_load %arg10[%swap3A_127] {strides = array<i32>} : memref<6256xi32, #tpu.memory_space<vmem>>, vector<16xi32>,
      tpu.vector_store %arg10[%swap3A_127], %broadcast_in_dim3A_124 {strides = array<i32>} : memref<6256xi32, #tpu.memory_space<vmem>>, vector<16xi32>,
      %scan3A_129 = arith.constant 0 : i32
      scf.yield %scan3A_129 : i32
    }
    %scan3A_32 = arith.constant 391 : i32
    %scan3A_33 = arith.constant 0 : i32
    %scan3A_34 = arith.constant 0 : i32
    %scan3A_35 = arith.constant 512 : i32
    %scan3A_36 = arith.addi %scan3A_34, %scan3A_35 : i32
    %scan3A_37 = arith.constant 1 : i32
    %scan3A_38 = scf.for %scan3A_121 = %scan3A_34 to %scan3A_36 step %scan3A_37 iter_args(%scan3A_122 = %scan3A_33) -> (i32)  : i32 {
      %broadcast_in_dim3A_123 = arith.constant 0 : i32
      %broadcast_in_dim3A_124 = vector.broadcast %broadcast_in_dim3A_123 : i32 to vector<16xi32>
      %mul3A_125 = arith.constant 16 : i32
      %mul3A_126 = arith.muli %scan3A_121, %mul3A_125 : i32
      %swap3A_127 = arith.index_cast %mul3A_126 : i32 to index
      %swap3A_128 = tpu.vector_load %arg8[%swap3A_127] {strides = array<i32>} : memref<8192xi32, #tpu.memory_space<vmem>>, vector<16xi32>,
      tpu.vector_store %arg8[%swap3A_127], %broadcast_in_dim3A_124 {strides = array<i32>} : memref<8192xi32, #tpu.memory_space<vmem>>, vector<16xi32>,
      %scan3A_129 = arith.constant 0 : i32
      scf.yield %scan3A_129 : i32
    }
    %scan3A_39 = arith.constant 512 : i32
    %broadcast_in_dim3A = arith.constant 1 : i32
    %broadcast_in_dim3A_40 = vector.broadcast %broadcast_in_dim3A : i32 to vector<16xi32>
    %broadcast_in_dim3A_41 = arith.constant 0 : i32
    %broadcast_in_dim3A_42 = vector.broadcast %broadcast_in_dim3A_41 : i32 to vector<16xi32>
    %sub3A_43 = arith.constant 1 : i32
    %sub3A_44 = vector.broadcast %sub3A_43 : i32 to vector<16xi32>
    %sub3A_45 = arith.subi %iota3A, %sub3A_44 : vector<16xi32>
    %max3A = arith.constant 0 : i32
    %max3A_46 = vector.broadcast %max3A : i32 to vector<16xi32>
    %max3A_47 = arith.maxsi %sub3A_45, %max3A_46 : vector<16xi32>
    %sub3A_48 = arith.constant 2 : i32
    %sub3A_49 = vector.broadcast %sub3A_48 : i32 to vector<16xi32>
    %sub3A_50 = arith.subi %iota3A, %sub3A_49 : vector<16xi32>
    %max3A_51 = arith.constant 0 : i32
    %max3A_52 = vector.broadcast %max3A_51 : i32 to vector<16xi32>
    %max3A_53 = arith.maxsi %sub3A_50, %max3A_52 : vector<16xi32>
    %sub3A_54 = arith.constant 4 : i32
    %sub3A_55 = vector.broadcast %sub3A_54 : i32 to vector<16xi32>
    %sub3A_56 = arith.subi %iota3A, %sub3A_55 : vector<16xi32>
    %max3A_57 = arith.constant 0 : i32
    %max3A_58 = vector.broadcast %max3A_57 : i32 to vector<16xi32>
    %max3A_59 = arith.maxsi %sub3A_56, %max3A_58 : vector<16xi32>
    %sub3A_60 = arith.constant 8 : i32
    %sub3A_61 = vector.broadcast %sub3A_60 : i32 to vector<16xi32>
    %sub3A_62 = arith.subi %iota3A, %sub3A_61 : vector<16xi32>
    %max3A_63 = arith.constant 0 : i32
    %max3A_64 = vector.broadcast %max3A_63 : i32 to vector<16xi32>
    %max3A_65 = arith.maxsi %sub3A_62, %max3A_64 : vector<16xi32>
    %add3A_66 = arith.constant 1 : i32
    %add3A_67 = vector.broadcast %add3A_66 : i32 to vector<16xi32>
    %add3A_68 = arith.addi %iota3A, %add3A_67 : vector<16xi32>
    %min3A = arith.constant 15 : i32
    %min3A_69 = vector.broadcast %min3A : i32 to vector<16xi32>
    %min3A_70 = arith.minsi %add3A_68, %min3A_69 : vector<16xi32>
    %eq3A = arith.constant 0 : i32
    %eq3A_71 = arith.cmpi eq, %arg1, %eq3A : i32
    %convert_element_type3A = arith.extui %eq3A_71 : i1 to i32
    %cond3A = arith.constant 0 : i32
    %cond3A_72 = arith.cmpi ne, %convert_element_type3A, %cond3A : i32
    scf.if %cond3A_72 {
      %run_scoped3A = arith.constant 1 : i32
      "tpu.region"() ({
        %run_scoped3A_121 = tpu.sem_alloc : memref<!tpu.dma_semaphore, #tpu.memory_space<semaphore_mem>>
        %dma_start3A = arith.constant 0 : i32
        %dma_start3A_122 = tpu.memref_slice %arg2[%run_scoped3A, %dma_start3A] : memref<2x1000000xf32, #tpu.memory_space<hbm>> -> memref<1x1000000xf32, #tpu.memory_space<hbm>>
        %dma_start3A_123 = tpu.memref_squeeze %dma_start3A_122 : memref<1x1000000xf32, #tpu.memory_space<hbm>> -> memref<1000000xf32, #tpu.memory_space<hbm>>
        tpu.enqueue_dma source(%dma_start3A_123 : memref<1000000xf32, #tpu.memory_space<hbm>>) target(%arg18 : memref<1000000xf32, #tpu.memory_space<vmem_shared>>) target_semaphore(%run_scoped3A_121 : memref<!tpu.dma_semaphore, #tpu.memory_space<semaphore_mem>>)
        %dma_wait3A = arith.constant 0 : i32
        %dma_wait3A_124 = tpu.memref_slice %arg2[%run_scoped3A, %dma_wait3A] : memref<2x1000000xf32, #tpu.memory_space<hbm>> -> memref<1x1000000xf32, #tpu.memory_space<hbm>>
        %dma_wait3A_125 = tpu.memref_squeeze %dma_wait3A_124 : memref<1x1000000xf32, #tpu.memory_space<hbm>> -> memref<1000000xf32, #tpu.memory_space<hbm>>
        tpu.wait_dma2 semaphore(%run_scoped3A_121 : memref<!tpu.dma_semaphore, #tpu.memory_space<semaphore_mem>>) src(%dma_wait3A_125 : memref<1000000xf32, #tpu.memory_space<hbm>>) dst(%arg18 : memref<1000000xf32, #tpu.memory_space<vmem_shared>>)
        tpu.yield
      }) : () -> ()
    } else {
    }
    %barrier3A = arith.constant 0 : index
    tpu.barrier barrier_id(%barrier3A)
    %gt3A = arith.constant 0 : i32
    %gt3A_73 = arith.cmpi sgt, %div3A_25, %gt3A : i32
    %convert_element_type3A_74 = arith.extui %gt3A_73 : i1 to i32
    %cond3A_75 = arith.constant 0 : i32
    %cond3A_76 = arith.cmpi ne, %convert_element_type3A_74, %cond3A_75 : i32
    scf.if %cond3A_76 {
      %add3A_121 = arith.constant 0 : i32
      %add3A_122 = arith.addi %multiple_of3A_19, %add3A_121 : i32
      %min3A_123 = arith.constant 991808 : i32
      %min3A_124 = arith.minsi %add3A_122, %min3A_123 : i32
      %multiple_of3A_125 = tpu.assume_multiple %min3A_124, 8 : i32
      "tpu.region"() ({
        %run_scoped3A = tpu.sem_alloc : memref<!tpu.dma_semaphore, #tpu.memory_space<semaphore_mem>>
        %dma_start3A_127 = tpu.memref_slice %arg3[%multiple_of3A_125] : memref<1000000xi32, #tpu.memory_space<hbm>> -> memref<8192xi32, #tpu.memory_space<hbm>>
        %dma_start3A_128 = tpu.memref_slice %arg3[%multiple_of3A_125] : memref<1000000xi32, #tpu.memory_space<hbm>> -> memref<8192xi32, #tpu.memory_space<hbm>>
        tpu.enqueue_dma source(%dma_start3A_128 : memref<8192xi32, #tpu.memory_space<hbm>>) target(%arg9 : memref<8192xi32, #tpu.memory_space<vmem>>) target_semaphore(%run_scoped3A : memref<!tpu.dma_semaphore, #tpu.memory_space<semaphore_mem>>)
        %dma_wait3A = tpu.memref_slice %arg3[%multiple_of3A_125] : memref<1000000xi32, #tpu.memory_space<hbm>> -> memref<8192xi32, #tpu.memory_space<hbm>>
        %dma_wait3A_129 = tpu.memref_slice %arg3[%multiple_of3A_125] : memref<1000000xi32, #tpu.memory_space<hbm>> -> memref<8192xi32, #tpu.memory_space<hbm>>
        tpu.wait_dma2 semaphore(%run_scoped3A : memref<!tpu.dma_semaphore, #tpu.memory_space<semaphore_mem>>) src(%dma_wait3A_129 : memref<8192xi32, #tpu.memory_space<hbm>>) dst(%arg9 : memref<8192xi32, #tpu.memory_space<vmem>>)
        tpu.yield
      }) : () -> ()
      %dma_start3A = arith.constant 0 : i32
      %dma_start3A_126 = tpu.memref_slice %arg18[%dma_start3A] : memref<1000000xf32, #tpu.memory_space<vmem_shared>> -> memref<1000000xf32, #tpu.memory_space<vmem_shared>>
      tpu.enqueue_indirect_dma source(%dma_start3A_126 : memref<1000000xf32, #tpu.memory_space<vmem_shared>>) target(%arg12 : memref<8192xf32, #tpu.memory_space<vmem>>) offsets(%arg9 : memref<8192xi32, #tpu.memory_space<vmem>>) semaphore(%arg16 : memref<!tpu.dma_semaphore, #tpu.memory_space<semaphore_mem>>)
    } else {
    }
    %add3A_77 = arith.constant 1 : i32
    %add3A_78 = arith.addi %div3A_25, %add3A_77 : i32
    %jit3A = arith.constant 2 : i32
    %div3A_79 = arith.divsi %add3A_78, %jit3A : i32
    %sign3A = arith.constant 0 : i32
    %sign3A_80 = arith.cmpi sgt, %add3A_78, %sign3A : i32
    %sign3A_81 = arith.extui %sign3A_80 : i1 to i32
    %sign3A_82 = arith.constant 0 : i32
    %sign3A_83 = arith.cmpi slt, %add3A_78, %sign3A_82 : i32
    %sign3A_84 = arith.extui %sign3A_83 : i1 to i32
    %sign3A_85 = arith.subi %sign3A_81, %sign3A_84 : i32
    %sign3A_86 = arith.constant 0 : i32
    %sign3A_87 = arith.cmpi sgt, %jit3A, %sign3A_86 : i32
    %sign3A_88 = arith.extui %sign3A_87 : i1 to i32
    %sign3A_89 = arith.constant 0 : i32
    %sign3A_90 = arith.cmpi slt, %jit3A, %sign3A_89 : i32
    %sign3A_91 = arith.extui %sign3A_90 : i1 to i32
    %sign3A_92 = arith.subi %sign3A_88, %sign3A_91 : i32
    %ne3A = arith.cmpi ne, %sign3A_85, %sign3A_92 : i32
    %rem3A_93 = arith.remsi %add3A_78, %jit3A : i32
    %ne3A_94 = arith.constant 0 : i32
    %ne3A_95 = arith.cmpi ne, %rem3A_93, %ne3A_94 : i32
    %and3A = arith.andi %ne3A, %ne3A_95 : i1
    %sub3A_96 = arith.constant 1 : i32
    %sub3A_97 = arith.subi %div3A_79, %sub3A_96 : i32
    %select_n3A = arith.select %and3A, %sub3A_97, %div3A_79 : i32
    %while3A = arith.constant 0 : i32
    %while3A_98 = arith.constant -1 : i32
    %while3A_99 = arith.constant 0 : i32
    %while3A_100 = arith.constant 0 : i32
    %while3A_101 = arith.constant 0 : i32
    %while3A_102 = arith.subi %select_n3A, %while3A : i32
    %while3A_103 = arith.addi %while3A, %while3A_102 : i32
    %while3A_104 = arith.constant 1 : i32
    %while3A_105 = arith.divsi %while3A_102, %while3A_104 : i32
    %while3A_106 = arith.muli %while3A_105, %while3A_104 : i32
    %while3A_107 = arith.addi %while3A, %while3A_106 : i32
    %while3A_108 = arith.constant 1 : i32
    %while3A_109:4 = scf.for %while3A_121 = %while3A to %while3A_107 step %while3A_108 iter_args(%while3A_122 = %while3A_98, %while3A_123 = %while3A_99, %while3A_124 = %while3A_100, %while3A_125 = %while3A_101) -> (i32, i32, i32, i32)  : i32 {
      %mul3A_126 = arith.constant 2 : i32
      %mul3A_127 = arith.muli %mul3A_126, %while3A_121 : i32
      %add3A_128 = arith.constant 1 : i32
      %add3A_129 = arith.addi %mul3A_127, %add3A_128 : i32
      %add3A_130 = arith.constant 2 : i32
      %add3A_131 = arith.addi %mul3A_127, %add3A_130 : i32
      %dma_wait3A = arith.constant 0 : i32
      %dma_wait3A_132 = arith.constant 0 : i32
      %dma_wait3A_133 = tpu.memref_slice %arg2[%dma_wait3A, %dma_wait3A_132] : memref<2x1000000xf32, #tpu.memory_space<hbm>> -> memref<1x8192xf32, #tpu.memory_space<hbm>>
      %dma_wait3A_134 = tpu.memref_squeeze %dma_wait3A_133 : memref<1x8192xf32, #tpu.memory_space<hbm>> -> memref<8192xf32, #tpu.memory_space<hbm>>
      %dma_wait3A_135 = arith.constant 0 : i32
      %dma_wait3A_136 = tpu.memref_slice %arg2[%dma_wait3A, %dma_wait3A_135] : memref<2x1000000xf32, #tpu.memory_space<hbm>> -> memref<1x8192xf32, #tpu.memory_space<hbm>>
      %dma_wait3A_137 = tpu.memref_squeeze %dma_wait3A_136 : memref<1x8192xf32, #tpu.memory_space<hbm>> -> memref<8192xf32, #tpu.memory_space<hbm>>
      tpu.wait_dma2 semaphore(%arg16 : memref<!tpu.dma_semaphore, #tpu.memory_space<semaphore_mem>>) src(%dma_wait3A_137 : memref<8192xf32, #tpu.memory_space<hbm>>) dst(%arg12 : memref<8192xf32, #tpu.memory_space<vmem>>)
      %lt3A = arith.cmpi slt, %add3A_129, %div3A_25 : i32
      %convert_element_type3A_138 = arith.extui %lt3A : i1 to i32
      %cond3A_139 = arith.constant 0 : i32
      %cond3A_140 = arith.cmpi ne, %convert_element_type3A_138, %cond3A_139 : i32
      scf.if %cond3A_140 {
        %mul3A_179 = arith.constant 8192 : i32
        %mul3A_180 = arith.muli %add3A_129, %mul3A_179 : i32
        %add3A_181 = arith.addi %multiple_of3A_19, %mul3A_180 : i32
        %min3A_182 = arith.constant 991808 : i32
        %min3A_183 = arith.minsi %add3A_181, %min3A_182 : i32
        %multiple_of3A_184 = tpu.assume_multiple %min3A_183, 8 : i32
        "tpu.region"() ({
          %run_scoped3A = tpu.sem_alloc : memref<!tpu.dma_semaphore, #tpu.memory_space<semaphore_mem>>
          %dma_start3A_186 = tpu.memref_slice %arg3[%multiple_of3A_184] : memref<1000000xi32, #tpu.memory_space<hbm>> -> memref<8192xi32, #tpu.memory_space<hbm>>
          %dma_start3A_187 = tpu.memref_slice %arg3[%multiple_of3A_184] : memref<1000000xi32, #tpu.memory_space<hbm>> -> memref<8192xi32, #tpu.memory_space<hbm>>
          tpu.enqueue_dma source(%dma_start3A_187 : memref<8192xi32, #tpu.memory_space<hbm>>) target(%arg9 : memref<8192xi32, #tpu.memory_space<vmem>>) target_semaphore(%run_scoped3A : memref<!tpu.dma_semaphore, #tpu.memory_space<semaphore_mem>>)
          %dma_wait3A_188 = tpu.memref_slice %arg3[%multiple_of3A_184] : memref<1000000xi32, #tpu.memory_space<hbm>> -> memref<8192xi32, #tpu.memory_space<hbm>>
          %dma_wait3A_189 = tpu.memref_slice %arg3[%multiple_of3A_184] : memref<1000000xi32, #tpu.memory_space<hbm>> -> memref<8192xi32, #tpu.memory_space<hbm>>
          tpu.wait_dma2 semaphore(%run_scoped3A : memref<!tpu.dma_semaphore, #tpu.memory_space<semaphore_mem>>) src(%dma_wait3A_189 : memref<8192xi32, #tpu.memory_space<hbm>>) dst(%arg9 : memref<8192xi32, #tpu.memory_space<vmem>>)
          tpu.yield
        }) : () -> ()
        %dma_start3A = arith.constant 0 : i32
        %dma_start3A_185 = tpu.memref_slice %arg18[%dma_start3A] : memref<1000000xf32, #tpu.memory_space<vmem_shared>> -> memref<1000000xf32, #tpu.memory_space<vmem_shared>>
        tpu.enqueue_indirect_dma source(%dma_start3A_185 : memref<1000000xf32, #tpu.memory_space<vmem_shared>>) target(%arg13 : memref<8192xf32, #tpu.memory_space<vmem>>) offsets(%arg9 : memref<8192xi32, #tpu.memory_space<vmem>>) semaphore(%arg17 : memref<!tpu.dma_semaphore, #tpu.memory_space<semaphore_mem>>)
      } else {
      }
      %mul3A_141 = arith.constant 8192 : i32
      %mul3A_142 = arith.muli %mul3A_127, %mul3A_141 : i32
      %add3A_143 = arith.addi %multiple_of3A_19, %mul3A_142 : i32
      %min3A_144 = arith.constant 991808 : i32
      %min3A_145 = arith.minsi %add3A_143, %min3A_144 : i32
      %multiple_of3A_146 = tpu.assume_multiple %min3A_145, 8 : i32
      %max3A_147 = arith.maxsi %squeeze3A, %add3A_143 : i32
      %while3A_148 = arith.constant 16 : i32
      %while3A_149:2 = scf.while (%while3A_179 = %while3A_125, %while3A_180 = %while3A_148) : (i32, i32) -> (i32, i32) {
        %eq3A_181 = arith.constant 16 : i32
        %eq3A_182 = arith.cmpi eq, %while3A_180, %eq3A_181 : i32
        scf.condition(%eq3A_182) %while3A_179, %while3A_180 : i32, i32
      } do {
      ^bb0(%while3A_179: i32, %while3A_180: i32):
        %get3A_181 = arith.index_cast %while3A_179 : i32 to index
        %get3A_182 = tpu.vector_load %arg15[%get3A_181] {strides = array<i32>} : memref<6272xi32, #tpu.memory_space<vmem>>, vector<16xi32>,
        %sub3A_183 = vector.broadcast %multiple_of3A_146 : i32 to vector<16xi32>
        %sub3A_184 = arith.subi %get3A_182, %sub3A_183 : vector<16xi32>
        %ge3A = arith.constant 0 : i32
        %ge3A_185 = vector.broadcast %ge3A : i32 to vector<16xi32>
        %ge3A_186 = arith.cmpi sge, %sub3A_184, %ge3A_185 : vector<16xi32>
        %lt3A_187 = arith.constant 8192 : i32
        %lt3A_188 = vector.broadcast %lt3A_187 : i32 to vector<16xi32>
        %lt3A_189 = arith.cmpi slt, %sub3A_184, %lt3A_188 : vector<16xi32>
        %and3A_190 = arith.andi %ge3A_186, %lt3A_189 : vector<16xi1>
        %add3A_191 = vector.broadcast %while3A_179 : i32 to vector<16xi32>
        %add3A_192 = arith.addi %add3A_191, %iota3A : vector<16xi32>
        %le3A = arith.constant 6250 : i32
        %le3A_193 = vector.broadcast %le3A : i32 to vector<16xi32>
        %le3A_194 = arith.cmpi sle, %add3A_192, %le3A_193 : vector<16xi32>
        %and3A_195 = arith.andi %and3A_190, %le3A_194 : vector<16xi1>
        %add3A_196 = vector.broadcast %while3A_179 : i32 to vector<16xi32>
        %add3A_197 = arith.addi %add3A_196, %iota3A : vector<16xi32>
        %add3A_198 = arith.constant 1 : i32
        %add3A_199 = vector.broadcast %add3A_198 : i32 to vector<16xi32>
        %add3A_200 = arith.addi %add3A_197, %add3A_199 : vector<16xi32>
        %lt3A_201 = arith.constant 0 : i32
        %lt3A_202 = vector.broadcast %lt3A_201 : i32 to vector<16xi32>
        %lt3A_203 = arith.cmpi slt, %min3A_70, %lt3A_202 : vector<16xi32>
        %add3A_204 = arith.constant 16 : i32
        %add3A_205 = vector.broadcast %add3A_204 : i32 to vector<16xi32>
        %add3A_206 = arith.addi %min3A_70, %add3A_205 : vector<16xi32>
        %select_n3A_207 = arith.select %lt3A_203, %add3A_206, %min3A_70 : vector<16xi1>, vector<16xi32>
        %broadcast_in_dim3A_208 = vector.shape_cast %select_n3A_207 : vector<16xi32> to vector<16x1xi32>
        %gather3A = vector.shape_cast %broadcast_in_dim3A_208 : vector<16x1xi32> to vector<16xi32>
        %gather3A_209 = tpu.dynamic_gather %sub3A_184[%gather3A] in [0] : vector<16xi32>, vector<16xi32> -> vector<16xi32>
        %ne3A_210 = arith.cmpi ne, %sub3A_184, %gather3A_209 : vector<16xi32>
        %eq3A_211 = arith.constant 15 : i32
        %eq3A_212 = vector.broadcast %eq3A_211 : i32 to vector<16xi32>
        %eq3A_213 = arith.cmpi eq, %iota3A, %eq3A_212 : vector<16xi32>
        %or3A = arith.ori %ne3A_210, %eq3A_213 : vector<16xi1>
        %and3A_214 = arith.andi %or3A, %and3A_195 : vector<16xi1>
        %jit3A_215 = arith.constant 0 : i32
        %jit3A_216 = arith.constant 8191 : i32
        %max3A_217 = vector.broadcast %jit3A_215 : i32 to vector<16xi32>
        %max3A_218 = arith.maxsi %max3A_217, %sub3A_184 : vector<16xi32>
        %min3A_219 = vector.broadcast %jit3A_216 : i32 to vector<16xi32>
        %min3A_220 = arith.minsi %min3A_219, %max3A_218 : vector<16xi32>
        tpu.vector_store_idx %arg8[%min3A_220], %add3A_200 masked %and3A_214 : memref<8192xi32, #tpu.memory_space<vmem>>[vector<16xi32>], vector<16xi32>, vector<16xi1>
        %all_reduce_population_count3A = tpu.all_reduce %and3A_195 {dim = 0 : i64, kind = #tpu.reduction_kind<sum>} : vector<16xi1> -> vector<16xi32>
        %slice3A_221 = vector.extract_strided_slice %all_reduce_population_count3A {offsets = [0], sizes = [1], strides = [1]} : vector<16xi32> to vector<1xi32>
        %squeeze3A_222 = vector.extract %slice3A_221[0] : i32 from vector<1xi32>
        %add3A_223 = arith.addi %while3A_179, %squeeze3A_222 : i32
        scf.yield %add3A_223, %squeeze3A_222 : i32, i32
      }
      %scan3A_150 = arith.constant 0 : i32
      %scan3A_151 = arith.constant 128 : i32
      %scan3A_152 = arith.addi %scan3A_150, %scan3A_151 : i32
      %scan3A_153 = arith.constant 1 : i32
      %scan3A_154:3 = scf.for %scan3A_179 = %scan3A_150 to %scan3A_152 step %scan3A_153 iter_args(%scan3A_180 = %while3A_122, %scan3A_181 = %while3A_123, %scan3A_182 = %while3A_124) -> (i32, i32, i32)  : i32 {
        %mul3A_183 = arith.constant 64 : i32
        %mul3A_184 = arith.muli %scan3A_179, %mul3A_183 : i32
        %add3A_185 = arith.constant 0 : i32
        %add3A_186 = arith.addi %mul3A_184, %add3A_185 : i32
        %add3A_187 = arith.addi %multiple_of3A_146, %add3A_186 : i32
        %add3A_188 = vector.broadcast %add3A_187 : i32 to vector<16xi32>
        %add3A_189 = arith.addi %add3A_188, %iota3A : vector<16xi32>
        %get3A_190 = arith.index_cast %add3A_186 : i32 to index
        %get3A_191 = tpu.vector_load %arg12[%get3A_190] {strides = array<i32>} : memref<8192xf32, #tpu.memory_space<vmem>>, vector<16xf32>,
        %mul3A_192 = arith.constant 4.000000e+00 : f32
        %mul3A_193 = vector.broadcast %mul3A_192 : f32 to vector<16xf32>
        %mul3A_194 = arith.mulf %get3A_191, %mul3A_193 : vector<16xf32>
        %convert_element_type3A_195 = arith.fptosi %mul3A_194 : vector<16xf32> to vector<16xi32>
        %jit3A_196 = arith.constant 0 : i32
        %jit3A_197 = arith.constant 3 : i32
        %max3A_198 = vector.broadcast %jit3A_196 : i32 to vector<16xi32>
        %max3A_199 = arith.maxsi %max3A_198, %convert_element_type3A_195 : vector<16xi32>
        %min3A_200 = vector.broadcast %jit3A_197 : i32 to vector<16xi32>
        %min3A_201 = arith.minsi %min3A_200, %max3A_199 : vector<16xi32>
        %ge3A = vector.broadcast %max3A_147 : i32 to vector<16xi32>
        %ge3A_202 = arith.cmpi sge, %add3A_189, %ge3A : vector<16xi32>
        %lt3A_203 = vector.broadcast %squeeze3A_15 : i32 to vector<16xi32>
        %lt3A_204 = arith.cmpi slt, %add3A_189, %lt3A_203 : vector<16xi32>
        %and3A_205 = arith.andi %ge3A_202, %lt3A_204 : vector<16xi1>
        %shift_left3A = arith.shli %broadcast_in_dim3A_40, %min3A_201 : vector<16xi32>
        %select_n3A_206 = arith.select %and3A_205, %shift_left3A, %broadcast_in_dim3A_42 : vector<16xi1>, vector<16xi32>
        %get3A_207 = arith.index_cast %add3A_186 : i32 to index
        %get3A_208 = tpu.vector_load %arg8[%get3A_207] {strides = array<i32>} : memref<8192xi32, #tpu.memory_space<vmem>>, vector<16xi32>,
        %swap3A_209 = arith.index_cast %add3A_186 : i32 to index
        %swap3A_210 = tpu.vector_load %arg8[%swap3A_209] {strides = array<i32>} : memref<8192xi32, #tpu.memory_space<vmem>>, vector<16xi32>,
        tpu.vector_store %arg8[%swap3A_209], %broadcast_in_dim3A_42 {strides = array<i32>} : memref<8192xi32, #tpu.memory_space<vmem>>, vector<16xi32>,
        %broadcast_in_dim3A_211 = arith.constant true
        %broadcast_in_dim3A_212 = vector.broadcast %broadcast_in_dim3A_211 : i1 to vector<16xi1>
        %masked_cummax3A = arith.constant -2147483648 : i32
        %masked_cummax3A_213 = vector.broadcast %masked_cummax3A : i32 to vector<16xi32>
        %masked_cummax3A_214 = arith.xori %get3A_208, %masked_cummax3A_213 : vector<16xi32>
        %masked_cummax3A_215 = tpu.scan <max>, %masked_cummax3A_214 masked %broadcast_in_dim3A_212 : vector<16xi32>, vector<16xi1> -> vector<16xi32>
        %masked_cummax3A_216 = arith.xori %masked_cummax3A_215, %masked_cummax3A_213 : vector<16xi32>
        %mul3A_217 = arith.constant 64 : i32
        %mul3A_218 = arith.muli %scan3A_179, %mul3A_217 : i32
        %add3A_219 = arith.constant 16 : i32
        %add3A_220 = arith.addi %mul3A_218, %add3A_219 : i32
        %add3A_221 = arith.addi %multiple_of3A_146, %add3A_220 : i32
        %add3A_222 = vector.broadcast %add3A_221 : i32 to vector<16xi32>
        %add3A_223 = arith.addi %add3A_222, %iota3A : vector<16xi32>
        %get3A_224 = arith.index_cast %add3A_220 : i32 to index
        %get3A_225 = tpu.vector_load %arg12[%get3A_224] {strides = array<i32>} : memref<8192xf32, #tpu.memory_space<vmem>>, vector<16xf32>,
        %mul3A_226 = arith.constant 4.000000e+00 : f32
        %mul3A_227 = vector.broadcast %mul3A_226 : f32 to vector<16xf32>
        %mul3A_228 = arith.mulf %get3A_225, %mul3A_227 : vector<16xf32>
        %convert_element_type3A_229 = arith.fptosi %mul3A_228 : vector<16xf32> to vector<16xi32>
        %jit3A_230 = arith.constant 0 : i32
        %jit3A_231 = arith.constant 3 : i32
        %max3A_232 = vector.broadcast %jit3A_230 : i32 to vector<16xi32>
        %max3A_233 = arith.maxsi %max3A_232, %convert_element_type3A_229 : vector<16xi32>
        %min3A_234 = vector.broadcast %jit3A_231 : i32 to vector<16xi32>
        %min3A_235 = arith.minsi %min3A_234, %max3A_233 : vector<16xi32>
        %ge3A_236 = vector.broadcast %max3A_147 : i32 to vector<16xi32>
        %ge3A_237 = arith.cmpi sge, %add3A_223, %ge3A_236 : vector<16xi32>
        %lt3A_238 = vector.broadcast %squeeze3A_15 : i32 to vector<16xi32>
        %lt3A_239 = arith.cmpi slt, %add3A_223, %lt3A_238 : vector<16xi32>
        %and3A_240 = arith.andi %ge3A_237, %lt3A_239 : vector<16xi1>
        %shift_left3A_241 = arith.shli %broadcast_in_dim3A_40, %min3A_235 : vector<16xi32>
        %select_n3A_242 = arith.select %and3A_240, %shift_left3A_241, %broadcast_in_dim3A_42 : vector<16xi1>, vector<16xi32>
        %get3A_243 = arith.index_cast %add3A_220 : i32 to index
        %get3A_244 = tpu.vector_load %arg8[%get3A_243] {strides = array<i32>} : memref<8192xi32, #tpu.memory_space<vmem>>, vector<16xi32>,
        %swap3A_245 = arith.index_cast %add3A_220 : i32 to index
        %swap3A_246 = tpu.vector_load %arg8[%swap3A_245] {strides = array<i32>} : memref<8192xi32, #tpu.memory_space<vmem>>, vector<16xi32>,
        tpu.vector_store %arg8[%swap3A_245], %broadcast_in_dim3A_42 {strides = array<i32>} : memref<8192xi32, #tpu.memory_space<vmem>>, vector<16xi32>,
        %broadcast_in_dim3A_247 = arith.constant true
        %broadcast_in_dim3A_248 = vector.broadcast %broadcast_in_dim3A_247 : i1 to vector<16xi1>
        %masked_cummax3A_249 = arith.constant -2147483648 : i32
        %masked_cummax3A_250 = vector.broadcast %masked_cummax3A_249 : i32 to vector<16xi32>
        %masked_cummax3A_251 = arith.xori %get3A_244, %masked_cummax3A_250 : vector<16xi32>
        %masked_cummax3A_252 = tpu.scan <max>, %masked_cummax3A_251 masked %broadcast_in_dim3A_248 : vector<16xi32>, vector<16xi1> -> vector<16xi32>
        %masked_cummax3A_253 = arith.xori %masked_cummax3A_252, %masked_cummax3A_250 : vector<16xi32>
        %mul3A_254 = arith.constant 64 : i32
        %mul3A_255 = arith.muli %scan3A_179, %mul3A_254 : i32
        %add3A_256 = arith.constant 32 : i32
        %add3A_257 = arith.addi %mul3A_255, %add3A_256 : i32
        %add3A_258 = arith.addi %multiple_of3A_146, %add3A_257 : i32
        %add3A_259 = vector.broadcast %add3A_258 : i32 to vector<16xi32>
        %add3A_260 = arith.addi %add3A_259, %iota3A : vector<16xi32>
        %get3A_261 = arith.index_cast %add3A_257 : i32 to index
        %get3A_262 = tpu.vector_load %arg12[%get3A_261] {strides = array<i32>} : memref<8192xf32, #tpu.memory_space<vmem>>, vector<16xf32>,
        %mul3A_263 = arith.constant 4.000000e+00 : f32
        %mul3A_264 = vector.broadcast %mul3A_263 : f32 to vector<16xf32>
        %mul3A_265 = arith.mulf %get3A_262, %mul3A_264 : vector<16xf32>
        %convert_element_type3A_266 = arith.fptosi %mul3A_265 : vector<16xf32> to vector<16xi32>
        %jit3A_267 = arith.constant 0 : i32
        %jit3A_268 = arith.constant 3 : i32
        %max3A_269 = vector.broadcast %jit3A_267 : i32 to vector<16xi32>
        %max3A_270 = arith.maxsi %max3A_269, %convert_element_type3A_266 : vector<16xi32>
        %min3A_271 = vector.broadcast %jit3A_268 : i32 to vector<16xi32>
        %min3A_272 = arith.minsi %min3A_271, %max3A_270 : vector<16xi32>
        %ge3A_273 = vector.broadcast %max3A_147 : i32 to vector<16xi32>
        %ge3A_274 = arith.cmpi sge, %add3A_260, %ge3A_273 : vector<16xi32>
        %lt3A_275 = vector.broadcast %squeeze3A_15 : i32 to vector<16xi32>
        %lt3A_276 = arith.cmpi slt, %add3A_260, %lt3A_275 : vector<16xi32>
        %and3A_277 = arith.andi %ge3A_274, %lt3A_276 : vector<16xi1>
        %shift_left3A_278 = arith.shli %broadcast_in_dim3A_40, %min3A_272 : vector<16xi32>
        %select_n3A_279 = arith.select %and3A_277, %shift_left3A_278, %broadcast_in_dim3A_42 : vector<16xi1>, vector<16xi32>
        %get3A_280 = arith.index_cast %add3A_257 : i32 to index
        %get3A_281 = tpu.vector_load %arg8[%get3A_280] {strides = array<i32>} : memref<8192xi32, #tpu.memory_space<vmem>>, vector<16xi32>,
        %swap3A_282 = arith.index_cast %add3A_257 : i32 to index
        %swap3A_283 = tpu.vector_load %arg8[%swap3A_282] {strides = array<i32>} : memref<8192xi32, #tpu.memory_space<vmem>>, vector<16xi32>,
        tpu.vector_store %arg8[%swap3A_282], %broadcast_in_dim3A_42 {strides = array<i32>} : memref<8192xi32, #tpu.memory_space<vmem>>, vector<16xi32>,
        %broadcast_in_dim3A_284 = arith.constant true
        %broadcast_in_dim3A_285 = vector.broadcast %broadcast_in_dim3A_284 : i1 to vector<16xi1>
        %masked_cummax3A_286 = arith.constant -2147483648 : i32
        %masked_cummax3A_287 = vector.broadcast %masked_cummax3A_286 : i32 to vector<16xi32>
        %masked_cummax3A_288 = arith.xori %get3A_281, %masked_cummax3A_287 : vector<16xi32>
        %masked_cummax3A_289 = tpu.scan <max>, %masked_cummax3A_288 masked %broadcast_in_dim3A_285 : vector<16xi32>, vector<16xi1> -> vector<16xi32>
        %masked_cummax3A_290 = arith.xori %masked_cummax3A_289, %masked_cummax3A_287 : vector<16xi32>
        %mul3A_291 = arith.constant 64 : i32
        %mul3A_292 = arith.muli %scan3A_179, %mul3A_291 : i32
        %add3A_293 = arith.constant 48 : i32
        %add3A_294 = arith.addi %mul3A_292, %add3A_293 : i32
        %add3A_295 = arith.addi %multiple_of3A_146, %add3A_294 : i32
        %add3A_296 = vector.broadcast %add3A_295 : i32 to vector<16xi32>
        %add3A_297 = arith.addi %add3A_296, %iota3A : vector<16xi32>
        %get3A_298 = arith.index_cast %add3A_294 : i32 to index
        %get3A_299 = tpu.vector_load %arg12[%get3A_298] {strides = array<i32>} : memref<8192xf32, #tpu.memory_space<vmem>>, vector<16xf32>,
        %mul3A_300 = arith.constant 4.000000e+00 : f32
        %mul3A_301 = vector.broadcast %mul3A_300 : f32 to vector<16xf32>
        %mul3A_302 = arith.mulf %get3A_299, %mul3A_301 : vector<16xf32>
        %convert_element_type3A_303 = arith.fptosi %mul3A_302 : vector<16xf32> to vector<16xi32>
        %jit3A_304 = arith.constant 0 : i32
        %jit3A_305 = arith.constant 3 : i32
        %max3A_306 = vector.broadcast %jit3A_304 : i32 to vector<16xi32>
        %max3A_307 = arith.maxsi %max3A_306, %convert_element_type3A_303 : vector<16xi32>
        %min3A_308 = vector.broadcast %jit3A_305 : i32 to vector<16xi32>
        %min3A_309 = arith.minsi %min3A_308, %max3A_307 : vector<16xi32>
        %ge3A_310 = vector.broadcast %max3A_147 : i32 to vector<16xi32>
        %ge3A_311 = arith.cmpi sge, %add3A_297, %ge3A_310 : vector<16xi32>
        %lt3A_312 = vector.broadcast %squeeze3A_15 : i32 to vector<16xi32>
        %lt3A_313 = arith.cmpi slt, %add3A_297, %lt3A_312 : vector<16xi32>
        %and3A_314 = arith.andi %ge3A_311, %lt3A_313 : vector<16xi1>
        %shift_left3A_315 = arith.shli %broadcast_in_dim3A_40, %min3A_309 : vector<16xi32>
        %select_n3A_316 = arith.select %and3A_314, %shift_left3A_315, %broadcast_in_dim3A_42 : vector<16xi1>, vector<16xi32>
        %get3A_317 = arith.index_cast %add3A_294 : i32 to index
        %get3A_318 = tpu.vector_load %arg8[%get3A_317] {strides = array<i32>} : memref<8192xi32, #tpu.memory_space<vmem>>, vector<16xi32>,
        %swap3A_319 = arith.index_cast %add3A_294 : i32 to index
        %swap3A_320 = tpu.vector_load %arg8[%swap3A_319] {strides = array<i32>} : memref<8192xi32, #tpu.memory_space<vmem>>, vector<16xi32>,
        tpu.vector_store %arg8[%swap3A_319], %broadcast_in_dim3A_42 {strides = array<i32>} : memref<8192xi32, #tpu.memory_space<vmem>>, vector<16xi32>,
        %broadcast_in_dim3A_321 = arith.constant true
        %broadcast_in_dim3A_322 = vector.broadcast %broadcast_in_dim3A_321 : i1 to vector<16xi1>
        %masked_cummax3A_323 = arith.constant -2147483648 : i32
        %masked_cummax3A_324 = vector.broadcast %masked_cummax3A_323 : i32 to vector<16xi32>
        %masked_cummax3A_325 = arith.xori %get3A_318, %masked_cummax3A_324 : vector<16xi32>
        %masked_cummax3A_326 = tpu.scan <max>, %masked_cummax3A_325 masked %broadcast_in_dim3A_322 : vector<16xi32>, vector<16xi1> -> vector<16xi32>
        %masked_cummax3A_327 = arith.xori %masked_cummax3A_326, %masked_cummax3A_324 : vector<16xi32>
        %max3A_328 = vector.broadcast %scan3A_182 : i32 to vector<16xi32>
        %max3A_329 = arith.maxsi %masked_cummax3A_216, %max3A_328 : vector<16xi32>
        %sub3A_330 = arith.constant 1 : i32
        %sub3A_331 = vector.broadcast %sub3A_330 : i32 to vector<16xi32>
        %sub3A_332 = arith.subi %max3A_329, %sub3A_331 : vector<16xi32>
        %max3A_333 = arith.constant 0 : i32
        %max3A_334 = vector.broadcast %max3A_333 : i32 to vector<16xi32>
        %max3A_335 = arith.maxsi %sub3A_332, %max3A_334 : vector<16xi32>
        %slice3A_336 = vector.extract_strided_slice %max3A_329 {offsets = [15], sizes = [1], strides = [1]} : vector<16xi32> to vector<1xi32>
        %squeeze3A_337 = vector.extract %slice3A_336[0] : i32 from vector<1xi32>
        %max3A_338 = vector.broadcast %squeeze3A_337 : i32 to vector<16xi32>
        %max3A_339 = arith.maxsi %masked_cummax3A_253, %max3A_338 : vector<16xi32>
        %sub3A_340 = arith.constant 1 : i32
        %sub3A_341 = vector.broadcast %sub3A_340 : i32 to vector<16xi32>
        %sub3A_342 = arith.subi %max3A_339, %sub3A_341 : vector<16xi32>
        %max3A_343 = arith.constant 0 : i32
        %max3A_344 = vector.broadcast %max3A_343 : i32 to vector<16xi32>
        %max3A_345 = arith.maxsi %sub3A_342, %max3A_344 : vector<16xi32>
        %slice3A_346 = vector.extract_strided_slice %max3A_339 {offsets = [15], sizes = [1], strides = [1]} : vector<16xi32> to vector<1xi32>
        %squeeze3A_347 = vector.extract %slice3A_346[0] : i32 from vector<1xi32>
        %max3A_348 = vector.broadcast %squeeze3A_347 : i32 to vector<16xi32>
        %max3A_349 = arith.maxsi %masked_cummax3A_290, %max3A_348 : vector<16xi32>
        %sub3A_350 = arith.constant 1 : i32
        %sub3A_351 = vector.broadcast %sub3A_350 : i32 to vector<16xi32>
        %sub3A_352 = arith.subi %max3A_349, %sub3A_351 : vector<16xi32>
        %max3A_353 = arith.constant 0 : i32
        %max3A_354 = vector.broadcast %max3A_353 : i32 to vector<16xi32>
        %max3A_355 = arith.maxsi %sub3A_352, %max3A_354 : vector<16xi32>
        %slice3A_356 = vector.extract_strided_slice %max3A_349 {offsets = [15], sizes = [1], strides = [1]} : vector<16xi32> to vector<1xi32>
        %squeeze3A_357 = vector.extract %slice3A_356[0] : i32 from vector<1xi32>
        %max3A_358 = vector.broadcast %squeeze3A_357 : i32 to vector<16xi32>
        %max3A_359 = arith.maxsi %masked_cummax3A_327, %max3A_358 : vector<16xi32>
        %sub3A_360 = arith.constant 1 : i32
        %sub3A_361 = vector.broadcast %sub3A_360 : i32 to vector<16xi32>
        %sub3A_362 = arith.subi %max3A_359, %sub3A_361 : vector<16xi32>
        %max3A_363 = arith.constant 0 : i32
        %max3A_364 = vector.broadcast %max3A_363 : i32 to vector<16xi32>
        %max3A_365 = arith.maxsi %sub3A_362, %max3A_364 : vector<16xi32>
        %slice3A_366 = vector.extract_strided_slice %max3A_359 {offsets = [15], sizes = [1], strides = [1]} : vector<16xi32> to vector<1xi32>
        %squeeze3A_367 = vector.extract %slice3A_366[0] : i32 from vector<1xi32>
        %add3A_368 = arith.constant 1 : i32
        %add3A_369 = vector.broadcast %add3A_368 : i32 to vector<16xi32>
        %add3A_370 = arith.addi %max3A_335, %add3A_369 : vector<16xi32>
        %gather3A = tpu.vector_load_idx %arg15[%add3A_370] : memref<6272xi32, #tpu.memory_space<vmem>>[vector<16xi32>], vector<16xi32>,
        %sub3A_371 = arith.constant 1 : i32
        %sub3A_372 = vector.broadcast %sub3A_371 : i32 to vector<16xi32>
        %sub3A_373 = arith.subi %gather3A, %sub3A_372 : vector<16xi32>
        %eq3A_374 = arith.cmpi eq, %add3A_189, %sub3A_373 : vector<16xi32>
        %add3A_375 = arith.constant 1 : i32
        %add3A_376 = vector.broadcast %add3A_375 : i32 to vector<16xi32>
        %add3A_377 = arith.addi %max3A_345, %add3A_376 : vector<16xi32>
        %gather3A_378 = tpu.vector_load_idx %arg15[%add3A_377] : memref<6272xi32, #tpu.memory_space<vmem>>[vector<16xi32>], vector<16xi32>,
        %sub3A_379 = arith.constant 1 : i32
        %sub3A_380 = vector.broadcast %sub3A_379 : i32 to vector<16xi32>
        %sub3A_381 = arith.subi %gather3A_378, %sub3A_380 : vector<16xi32>
        %eq3A_382 = arith.cmpi eq, %add3A_223, %sub3A_381 : vector<16xi32>
        %add3A_383 = arith.constant 1 : i32
        %add3A_384 = vector.broadcast %add3A_383 : i32 to vector<16xi32>
        %add3A_385 = arith.addi %max3A_355, %add3A_384 : vector<16xi32>
        %gather3A_386 = tpu.vector_load_idx %arg15[%add3A_385] : memref<6272xi32, #tpu.memory_space<vmem>>[vector<16xi32>], vector<16xi32>,
        %sub3A_387 = arith.constant 1 : i32
        %sub3A_388 = vector.broadcast %sub3A_387 : i32 to vector<16xi32>
        %sub3A_389 = arith.subi %gather3A_386, %sub3A_388 : vector<16xi32>
        %eq3A_390 = arith.cmpi eq, %add3A_260, %sub3A_389 : vector<16xi32>
        %add3A_391 = arith.constant 1 : i32
        %add3A_392 = vector.broadcast %add3A_391 : i32 to vector<16xi32>
        %add3A_393 = arith.addi %max3A_365, %add3A_392 : vector<16xi32>
        %gather3A_394 = tpu.vector_load_idx %arg15[%add3A_393] : memref<6272xi32, #tpu.memory_space<vmem>>[vector<16xi32>], vector<16xi32>,
        %sub3A_395 = arith.constant 1 : i32
        %sub3A_396 = vector.broadcast %sub3A_395 : i32 to vector<16xi32>
        %sub3A_397 = arith.subi %gather3A_394, %sub3A_396 : vector<16xi32>
        %eq3A_398 = arith.cmpi eq, %add3A_297, %sub3A_397 : vector<16xi32>
        %eq3A_399 = vector.broadcast %scan3A_180 : i32 to vector<16xi32>
        %eq3A_400 = arith.cmpi eq, %max3A_335, %eq3A_399 : vector<16xi32>
        %jit3A_401 = arith.constant 0 : i32
        %broadcast_in_dim3A_402 = vector.broadcast %scan3A_181 : i32 to vector<16xi32>
        %broadcast_in_dim3A_403 = vector.broadcast %jit3A_401 : i32 to vector<16xi32>
        %select_n3A_404 = arith.select %eq3A_400, %broadcast_in_dim3A_402, %broadcast_in_dim3A_403 : vector<16xi1>, vector<16xi32>
        %or3A = arith.ori %select_n3A_206, %select_n3A_404 : vector<16xi32>
        %lt3A_405 = arith.constant 0 : i32
        %lt3A_406 = vector.broadcast %lt3A_405 : i32 to vector<16xi32>
        %lt3A_407 = arith.cmpi slt, %max3A_47, %lt3A_406 : vector<16xi32>
        %add3A_408 = arith.constant 16 : i32
        %add3A_409 = vector.broadcast %add3A_408 : i32 to vector<16xi32>
        %add3A_410 = arith.addi %max3A_47, %add3A_409 : vector<16xi32>
        %select_n3A_411 = arith.select %lt3A_407, %add3A_410, %max3A_47 : vector<16xi1>, vector<16xi32>
        %broadcast_in_dim3A_412 = vector.shape_cast %select_n3A_411 : vector<16xi32> to vector<16x1xi32>
        %gather3A_413 = vector.shape_cast %broadcast_in_dim3A_412 : vector<16x1xi32> to vector<16xi32>
        %gather3A_414 = tpu.dynamic_gather %max3A_335[%gather3A_413] in [0] : vector<16xi32>, vector<16xi32> -> vector<16xi32>
        %lt3A_415 = arith.constant 0 : i32
        %lt3A_416 = vector.broadcast %lt3A_415 : i32 to vector<16xi32>
        %lt3A_417 = arith.cmpi slt, %max3A_47, %lt3A_416 : vector<16xi32>
        %add3A_418 = arith.constant 16 : i32
        %add3A_419 = vector.broadcast %add3A_418 : i32 to vector<16xi32>
        %add3A_420 = arith.addi %max3A_47, %add3A_419 : vector<16xi32>
        %select_n3A_421 = arith.select %lt3A_417, %add3A_420, %max3A_47 : vector<16xi1>, vector<16xi32>
        %broadcast_in_dim3A_422 = vector.shape_cast %select_n3A_421 : vector<16xi32> to vector<16x1xi32>
        %gather3A_423 = vector.shape_cast %broadcast_in_dim3A_422 : vector<16x1xi32> to vector<16xi32>
        %gather3A_424 = tpu.dynamic_gather %or3A[%gather3A_423] in [0] : vector<16xi32>, vector<16xi32> -> vector<16xi32>
        %eq3A_425 = arith.cmpi eq, %gather3A_414, %max3A_335 : vector<16xi32>
        %jit3A_426 = arith.constant 0 : i32
        %broadcast_in_dim3A_427 = vector.broadcast %jit3A_426 : i32 to vector<16xi32>
        %select_n3A_428 = arith.select %eq3A_425, %gather3A_424, %broadcast_in_dim3A_427 : vector<16xi1>, vector<16xi32>
        %or3A_429 = arith.ori %or3A, %select_n3A_428 : vector<16xi32>
        %lt3A_430 = arith.constant 0 : i32
        %lt3A_431 = vector.broadcast %lt3A_430 : i32 to vector<16xi32>
        %lt3A_432 = arith.cmpi slt, %max3A_53, %lt3A_431 : vector<16xi32>
        %add3A_433 = arith.constant 16 : i32
        %add3A_434 = vector.broadcast %add3A_433 : i32 to vector<16xi32>
        %add3A_435 = arith.addi %max3A_53, %add3A_434 : vector<16xi32>
        %select_n3A_436 = arith.select %lt3A_432, %add3A_435, %max3A_53 : vector<16xi1>, vector<16xi32>
        %broadcast_in_dim3A_437 = vector.shape_cast %select_n3A_436 : vector<16xi32> to vector<16x1xi32>
        %gather3A_438 = vector.shape_cast %broadcast_in_dim3A_437 : vector<16x1xi32> to vector<16xi32>
        %gather3A_439 = tpu.dynamic_gather %max3A_335[%gather3A_438] in [0] : vector<16xi32>, vector<16xi32> -> vector<16xi32>
        %lt3A_440 = arith.constant 0 : i32
        %lt3A_441 = vector.broadcast %lt3A_440 : i32 to vector<16xi32>
        %lt3A_442 = arith.cmpi slt, %max3A_53, %lt3A_441 : vector<16xi32>
        %add3A_443 = arith.constant 16 : i32
        %add3A_444 = vector.broadcast %add3A_443 : i32 to vector<16xi32>
        %add3A_445 = arith.addi %max3A_53, %add3A_444 : vector<16xi32>
        %select_n3A_446 = arith.select %lt3A_442, %add3A_445, %max3A_53 : vector<16xi1>, vector<16xi32>
        %broadcast_in_dim3A_447 = vector.shape_cast %select_n3A_446 : vector<16xi32> to vector<16x1xi32>
        %gather3A_448 = vector.shape_cast %broadcast_in_dim3A_447 : vector<16x1xi32> to vector<16xi32>
        %gather3A_449 = tpu.dynamic_gather %or3A_429[%gather3A_448] in [0] : vector<16xi32>, vector<16xi32> -> vector<16xi32>
        %eq3A_450 = arith.cmpi eq, %gather3A_439, %max3A_335 : vector<16xi32>
        %jit3A_451 = arith.constant 0 : i32
        %broadcast_in_dim3A_452 = vector.broadcast %jit3A_451 : i32 to vector<16xi32>
        %select_n3A_453 = arith.select %eq3A_450, %gather3A_449, %broadcast_in_dim3A_452 : vector<16xi1>, vector<16xi32>
        %or3A_454 = arith.ori %or3A_429, %select_n3A_453 : vector<16xi32>
        %lt3A_455 = arith.constant 0 : i32
        %lt3A_456 = vector.broadcast %lt3A_455 : i32 to vector<16xi32>
        %lt3A_457 = arith.cmpi slt, %max3A_59, %lt3A_456 : vector<16xi32>
        %add3A_458 = arith.constant 16 : i32
        %add3A_459 = vector.broadcast %add3A_458 : i32 to vector<16xi32>
        %add3A_460 = arith.addi %max3A_59, %add3A_459 : vector<16xi32>
        %select_n3A_461 = arith.select %lt3A_457, %add3A_460, %max3A_59 : vector<16xi1>, vector<16xi32>
        %broadcast_in_dim3A_462 = vector.shape_cast %select_n3A_461 : vector<16xi32> to vector<16x1xi32>
        %gather3A_463 = vector.shape_cast %broadcast_in_dim3A_462 : vector<16x1xi32> to vector<16xi32>
        %gather3A_464 = tpu.dynamic_gather %max3A_335[%gather3A_463] in [0] : vector<16xi32>, vector<16xi32> -> vector<16xi32>
        %lt3A_465 = arith.constant 0 : i32
        %lt3A_466 = vector.broadcast %lt3A_465 : i32 to vector<16xi32>
        %lt3A_467 = arith.cmpi slt, %max3A_59, %lt3A_466 : vector<16xi32>
        %add3A_468 = arith.constant 16 : i32
        %add3A_469 = vector.broadcast %add3A_468 : i32 to vector<16xi32>
        %add3A_470 = arith.addi %max3A_59, %add3A_469 : vector<16xi32>
        %select_n3A_471 = arith.select %lt3A_467, %add3A_470, %max3A_59 : vector<16xi1>, vector<16xi32>
        %broadcast_in_dim3A_472 = vector.shape_cast %select_n3A_471 : vector<16xi32> to vector<16x1xi32>
        %gather3A_473 = vector.shape_cast %broadcast_in_dim3A_472 : vector<16x1xi32> to vector<16xi32>
        %gather3A_474 = tpu.dynamic_gather %or3A_454[%gather3A_473] in [0] : vector<16xi32>, vector<16xi32> -> vector<16xi32>
        %eq3A_475 = arith.cmpi eq, %gather3A_464, %max3A_335 : vector<16xi32>
        %jit3A_476 = arith.constant 0 : i32
        %broadcast_in_dim3A_477 = vector.broadcast %jit3A_476 : i32 to vector<16xi32>
        %select_n3A_478 = arith.select %eq3A_475, %gather3A_474, %broadcast_in_dim3A_477 : vector<16xi1>, vector<16xi32>
        %or3A_479 = arith.ori %or3A_454, %select_n3A_478 : vector<16xi32>
        %lt3A_480 = arith.constant 0 : i32
        %lt3A_481 = vector.broadcast %lt3A_480 : i32 to vector<16xi32>
        %lt3A_482 = arith.cmpi slt, %max3A_65, %lt3A_481 : vector<16xi32>
        %add3A_483 = arith.constant 16 : i32
        %add3A_484 = vector.broadcast %add3A_483 : i32 to vector<16xi32>
        %add3A_485 = arith.addi %max3A_65, %add3A_484 : vector<16xi32>
        %select_n3A_486 = arith.select %lt3A_482, %add3A_485, %max3A_65 : vector<16xi1>, vector<16xi32>
        %broadcast_in_dim3A_487 = vector.shape_cast %select_n3A_486 : vector<16xi32> to vector<16x1xi32>
        %gather3A_488 = vector.shape_cast %broadcast_in_dim3A_487 : vector<16x1xi32> to vector<16xi32>
        %gather3A_489 = tpu.dynamic_gather %max3A_335[%gather3A_488] in [0] : vector<16xi32>, vector<16xi32> -> vector<16xi32>
        %lt3A_490 = arith.constant 0 : i32
        %lt3A_491 = vector.broadcast %lt3A_490 : i32 to vector<16xi32>
        %lt3A_492 = arith.cmpi slt, %max3A_65, %lt3A_491 : vector<16xi32>
        %add3A_493 = arith.constant 16 : i32
        %add3A_494 = vector.broadcast %add3A_493 : i32 to vector<16xi32>
        %add3A_495 = arith.addi %max3A_65, %add3A_494 : vector<16xi32>
        %select_n3A_496 = arith.select %lt3A_492, %add3A_495, %max3A_65 : vector<16xi1>, vector<16xi32>
        %broadcast_in_dim3A_497 = vector.shape_cast %select_n3A_496 : vector<16xi32> to vector<16x1xi32>
        %gather3A_498 = vector.shape_cast %broadcast_in_dim3A_497 : vector<16x1xi32> to vector<16xi32>
        %gather3A_499 = tpu.dynamic_gather %or3A_479[%gather3A_498] in [0] : vector<16xi32>, vector<16xi32> -> vector<16xi32>
        %eq3A_500 = arith.cmpi eq, %gather3A_489, %max3A_335 : vector<16xi32>
        %jit3A_501 = arith.constant 0 : i32
        %broadcast_in_dim3A_502 = vector.broadcast %jit3A_501 : i32 to vector<16xi32>
        %select_n3A_503 = arith.select %eq3A_500, %gather3A_499, %broadcast_in_dim3A_502 : vector<16xi1>, vector<16xi32>
        %or3A_504 = arith.ori %or3A_479, %select_n3A_503 : vector<16xi32>
        %slice3A_505 = vector.extract_strided_slice %max3A_335 {offsets = [15], sizes = [1], strides = [1]} : vector<16xi32> to vector<1xi32>
        %squeeze3A_506 = vector.extract %slice3A_505[0] : i32 from vector<1xi32>
        %slice3A_507 = vector.extract_strided_slice %or3A_504 {offsets = [15], sizes = [1], strides = [1]} : vector<16xi32> to vector<1xi32>
        %squeeze3A_508 = vector.extract %slice3A_507[0] : i32 from vector<1xi32>
        %eq3A_509 = vector.broadcast %squeeze3A_506 : i32 to vector<16xi32>
        %eq3A_510 = arith.cmpi eq, %max3A_345, %eq3A_509 : vector<16xi32>
        %jit3A_511 = arith.constant 0 : i32
        %broadcast_in_dim3A_512 = vector.broadcast %squeeze3A_508 : i32 to vector<16xi32>
        %broadcast_in_dim3A_513 = vector.broadcast %jit3A_511 : i32 to vector<16xi32>
        %select_n3A_514 = arith.select %eq3A_510, %broadcast_in_dim3A_512, %broadcast_in_dim3A_513 : vector<16xi1>, vector<16xi32>
        %or3A_515 = arith.ori %select_n3A_242, %select_n3A_514 : vector<16xi32>
        %lt3A_516 = arith.constant 0 : i32
        %lt3A_517 = vector.broadcast %lt3A_516 : i32 to vector<16xi32>
        %lt3A_518 = arith.cmpi slt, %max3A_47, %lt3A_517 : vector<16xi32>
        %add3A_519 = arith.constant 16 : i32
        %add3A_520 = vector.broadcast %add3A_519 : i32 to vector<16xi32>
        %add3A_521 = arith.addi %max3A_47, %add3A_520 : vector<16xi32>
        %select_n3A_522 = arith.select %lt3A_518, %add3A_521, %max3A_47 : vector<16xi1>, vector<16xi32>
        %broadcast_in_dim3A_523 = vector.shape_cast %select_n3A_522 : vector<16xi32> to vector<16x1xi32>
        %gather3A_524 = vector.shape_cast %broadcast_in_dim3A_523 : vector<16x1xi32> to vector<16xi32>
        %gather3A_525 = tpu.dynamic_gather %max3A_345[%gather3A_524] in [0] : vector<16xi32>, vector<16xi32> -> vector<16xi32>
        %lt3A_526 = arith.constant 0 : i32
        %lt3A_527 = vector.broadcast %lt3A_526 : i32 to vector<16xi32>
        %lt3A_528 = arith.cmpi slt, %max3A_47, %lt3A_527 : vector<16xi32>
        %add3A_529 = arith.constant 16 : i32
        %add3A_530 = vector.broadcast %add3A_529 : i32 to vector<16xi32>
        %add3A_531 = arith.addi %max3A_47, %add3A_530 : vector<16xi32>
        %select_n3A_532 = arith.select %lt3A_528, %add3A_531, %max3A_47 : vector<16xi1>, vector<16xi32>
        %broadcast_in_dim3A_533 = vector.shape_cast %select_n3A_532 : vector<16xi32> to vector<16x1xi32>
        %gather3A_534 = vector.shape_cast %broadcast_in_dim3A_533 : vector<16x1xi32> to vector<16xi32>
        %gather3A_535 = tpu.dynamic_gather %or3A_515[%gather3A_534] in [0] : vector<16xi32>, vector<16xi32> -> vector<16xi32>
        %eq3A_536 = arith.cmpi eq, %gather3A_525, %max3A_345 : vector<16xi32>
        %jit3A_537 = arith.constant 0 : i32
        %broadcast_in_dim3A_538 = vector.broadcast %jit3A_537 : i32 to vector<16xi32>
        %select_n3A_539 = arith.select %eq3A_536, %gather3A_535, %broadcast_in_dim3A_538 : vector<16xi1>, vector<16xi32>
        %or3A_540 = arith.ori %or3A_515, %select_n3A_539 : vector<16xi32>
        %lt3A_541 = arith.constant 0 : i32
        %lt3A_542 = vector.broadcast %lt3A_541 : i32 to vector<16xi32>
        %lt3A_543 = arith.cmpi slt, %max3A_53, %lt3A_542 : vector<16xi32>
        %add3A_544 = arith.constant 16 : i32
        %add3A_545 = vector.broadcast %add3A_544 : i32 to vector<16xi32>
        %add3A_546 = arith.addi %max3A_53, %add3A_545 : vector<16xi32>
        %select_n3A_547 = arith.select %lt3A_543, %add3A_546, %max3A_53 : vector<16xi1>, vector<16xi32>
        %broadcast_in_dim3A_548 = vector.shape_cast %select_n3A_547 : vector<16xi32> to vector<16x1xi32>
        %gather3A_549 = vector.shape_cast %broadcast_in_dim3A_548 : vector<16x1xi32> to vector<16xi32>
        %gather3A_550 = tpu.dynamic_gather %max3A_345[%gather3A_549] in [0] : vector<16xi32>, vector<16xi32> -> vector<16xi32>
        %lt3A_551 = arith.constant 0 : i32
        %lt3A_552 = vector.broadcast %lt3A_551 : i32 to vector<16xi32>
        %lt3A_553 = arith.cmpi slt, %max3A_53, %lt3A_552 : vector<16xi32>
        %add3A_554 = arith.constant 16 : i32
        %add3A_555 = vector.broadcast %add3A_554 : i32 to vector<16xi32>
        %add3A_556 = arith.addi %max3A_53, %add3A_555 : vector<16xi32>
        %select_n3A_557 = arith.select %lt3A_553, %add3A_556, %max3A_53 : vector<16xi1>, vector<16xi32>
        %broadcast_in_dim3A_558 = vector.shape_cast %select_n3A_557 : vector<16xi32> to vector<16x1xi32>
        %gather3A_559 = vector.shape_cast %broadcast_in_dim3A_558 : vector<16x1xi32> to vector<16xi32>
        %gather3A_560 = tpu.dynamic_gather %or3A_540[%gather3A_559] in [0] : vector<16xi32>, vector<16xi32> -> vector<16xi32>
        %eq3A_561 = arith.cmpi eq, %gather3A_550, %max3A_345 : vector<16xi32>
        %jit3A_562 = arith.constant 0 : i32
        %broadcast_in_dim3A_563 = vector.broadcast %jit3A_562 : i32 to vector<16xi32>
        %select_n3A_564 = arith.select %eq3A_561, %gather3A_560, %broadcast_in_dim3A_563 : vector<16xi1>, vector<16xi32>
        %or3A_565 = arith.ori %or3A_540, %select_n3A_564 : vector<16xi32>
        %lt3A_566 = arith.constant 0 : i32
        %lt3A_567 = vector.broadcast %lt3A_566 : i32 to vector<16xi32>
        %lt3A_568 = arith.cmpi slt, %max3A_59, %lt3A_567 : vector<16xi32>
        %add3A_569 = arith.constant 16 : i32
        %add3A_570 = vector.broadcast %add3A_569 : i32 to vector<16xi32>
        %add3A_571 = arith.addi %max3A_59, %add3A_570 : vector<16xi32>
        %select_n3A_572 = arith.select %lt3A_568, %add3A_571, %max3A_59 : vector<16xi1>, vector<16xi32>
        %broadcast_in_dim3A_573 = vector.shape_cast %select_n3A_572 : vector<16xi32> to vector<16x1xi32>
        %gather3A_574 = vector.shape_cast %broadcast_in_dim3A_573 : vector<16x1xi32> to vector<16xi32>
        %gather3A_575 = tpu.dynamic_gather %max3A_345[%gather3A_574] in [0] : vector<16xi32>, vector<16xi32> -> vector<16xi32>
        %lt3A_576 = arith.constant 0 : i32
        %lt3A_577 = vector.broadcast %lt3A_576 : i32 to vector<16xi32>
        %lt3A_578 = arith.cmpi slt, %max3A_59, %lt3A_577 : vector<16xi32>
        %add3A_579 = arith.constant 16 : i32
        %add3A_580 = vector.broadcast %add3A_579 : i32 to vector<16xi32>
        %add3A_581 = arith.addi %max3A_59, %add3A_580 : vector<16xi32>
        %select_n3A_582 = arith.select %lt3A_578, %add3A_581, %max3A_59 : vector<16xi1>, vector<16xi32>
        %broadcast_in_dim3A_583 = vector.shape_cast %select_n3A_582 : vector<16xi32> to vector<16x1xi32>
        %gather3A_584 = vector.shape_cast %broadcast_in_dim3A_583 : vector<16x1xi32> to vector<16xi32>
        %gather3A_585 = tpu.dynamic_gather %or3A_565[%gather3A_584] in [0] : vector<16xi32>, vector<16xi32> -> vector<16xi32>
        %eq3A_586 = arith.cmpi eq, %gather3A_575, %max3A_345 : vector<16xi32>
        %jit3A_587 = arith.constant 0 : i32
        %broadcast_in_dim3A_588 = vector.broadcast %jit3A_587 : i32 to vector<16xi32>
        %select_n3A_589 = arith.select %eq3A_586, %gather3A_585, %broadcast_in_dim3A_588 : vector<16xi1>, vector<16xi32>
        %or3A_590 = arith.ori %or3A_565, %select_n3A_589 : vector<16xi32>
        %lt3A_591 = arith.constant 0 : i32
        %lt3A_592 = vector.broadcast %lt3A_591 : i32 to vector<16xi32>
        %lt3A_593 = arith.cmpi slt, %max3A_65, %lt3A_592 : vector<16xi32>
        %add3A_594 = arith.constant 16 : i32
        %add3A_595 = vector.broadcast %add3A_594 : i32 to vector<16xi32>
        %add3A_596 = arith.addi %max3A_65, %add3A_595 : vector<16xi32>
        %select_n3A_597 = arith.select %lt3A_593, %add3A_596, %max3A_65 : vector<16xi1>, vector<16xi32>
        %broadcast_in_dim3A_598 = vector.shape_cast %select_n3A_597 : vector<16xi32> to vector<16x1xi32>
        %gather3A_599 = vector.shape_cast %broadcast_in_dim3A_598 : vector<16x1xi32> to vector<16xi32>
        %gather3A_600 = tpu.dynamic_gather %max3A_345[%gather3A_599] in [0] : vector<16xi32>, vector<16xi32> -> vector<16xi32>
        %lt3A_601 = arith.constant 0 : i32
        %lt3A_602 = vector.broadcast %lt3A_601 : i32 to vector<16xi32>
        %lt3A_603 = arith.cmpi slt, %max3A_65, %lt3A_602 : vector<16xi32>
        %add3A_604 = arith.constant 16 : i32
        %add3A_605 = vector.broadcast %add3A_604 : i32 to vector<16xi32>
        %add3A_606 = arith.addi %max3A_65, %add3A_605 : vector<16xi32>
        %select_n3A_607 = arith.select %lt3A_603, %add3A_606, %max3A_65 : vector<16xi1>, vector<16xi32>
        %broadcast_in_dim3A_608 = vector.shape_cast %select_n3A_607 : vector<16xi32> to vector<16x1xi32>
        %gather3A_609 = vector.shape_cast %broadcast_in_dim3A_608 : vector<16x1xi32> to vector<16xi32>
        %gather3A_610 = tpu.dynamic_gather %or3A_590[%gather3A_609] in [0] : vector<16xi32>, vector<16xi32> -> vector<16xi32>
        %eq3A_611 = arith.cmpi eq, %gather3A_600, %max3A_345 : vector<16xi32>
        %jit3A_612 = arith.constant 0 : i32
        %broadcast_in_dim3A_613 = vector.broadcast %jit3A_612 : i32 to vector<16xi32>
        %select_n3A_614 = arith.select %eq3A_611, %gather3A_610, %broadcast_in_dim3A_613 : vector<16xi1>, vector<16xi32>
        %or3A_615 = arith.ori %or3A_590, %select_n3A_614 : vector<16xi32>
        %slice3A_616 = vector.extract_strided_slice %max3A_345 {offsets = [15], sizes = [1], strides = [1]} : vector<16xi32> to vector<1xi32>
        %squeeze3A_617 = vector.extract %slice3A_616[0] : i32 from vector<1xi32>
        %slice3A_618 = vector.extract_strided_slice %or3A_615 {offsets = [15], sizes = [1], strides = [1]} : vector<16xi32> to vector<1xi32>
        %squeeze3A_619 = vector.extract %slice3A_618[0] : i32 from vector<1xi32>
        %eq3A_620 = vector.broadcast %squeeze3A_617 : i32 to vector<16xi32>
        %eq3A_621 = arith.cmpi eq, %max3A_355, %eq3A_620 : vector<16xi32>
        %jit3A_622 = arith.constant 0 : i32
        %broadcast_in_dim3A_623 = vector.broadcast %squeeze3A_619 : i32 to vector<16xi32>
        %broadcast_in_dim3A_624 = vector.broadcast %jit3A_622 : i32 to vector<16xi32>
        %select_n3A_625 = arith.select %eq3A_621, %broadcast_in_dim3A_623, %broadcast_in_dim3A_624 : vector<16xi1>, vector<16xi32>
        %or3A_626 = arith.ori %select_n3A_279, %select_n3A_625 : vector<16xi32>
        %lt3A_627 = arith.constant 0 : i32
        %lt3A_628 = vector.broadcast %lt3A_627 : i32 to vector<16xi32>
        %lt3A_629 = arith.cmpi slt, %max3A_47, %lt3A_628 : vector<16xi32>
        %add3A_630 = arith.constant 16 : i32
        %add3A_631 = vector.broadcast %add3A_630 : i32 to vector<16xi32>
        %add3A_632 = arith.addi %max3A_47, %add3A_631 : vector<16xi32>
        %select_n3A_633 = arith.select %lt3A_629, %add3A_632, %max3A_47 : vector<16xi1>, vector<16xi32>
        %broadcast_in_dim3A_634 = vector.shape_cast %select_n3A_633 : vector<16xi32> to vector<16x1xi32>
        %gather3A_635 = vector.shape_cast %broadcast_in_dim3A_634 : vector<16x1xi32> to vector<16xi32>
        %gather3A_636 = tpu.dynamic_gather %max3A_355[%gather3A_635] in [0] : vector<16xi32>, vector<16xi32> -> vector<16xi32>
        %lt3A_637 = arith.constant 0 : i32
        %lt3A_638 = vector.broadcast %lt3A_637 : i32 to vector<16xi32>
        %lt3A_639 = arith.cmpi slt, %max3A_47, %lt3A_638 : vector<16xi32>
        %add3A_640 = arith.constant 16 : i32
        %add3A_641 = vector.broadcast %add3A_640 : i32 to vector<16xi32>
        %add3A_642 = arith.addi %max3A_47, %add3A_641 : vector<16xi32>
        %select_n3A_643 = arith.select %lt3A_639, %add3A_642, %max3A_47 : vector<16xi1>, vector<16xi32>
        %broadcast_in_dim3A_644 = vector.shape_cast %select_n3A_643 : vector<16xi32> to vector<16x1xi32>
        %gather3A_645 = vector.shape_cast %broadcast_in_dim3A_644 : vector<16x1xi32> to vector<16xi32>
        %gather3A_646 = tpu.dynamic_gather %or3A_626[%gather3A_645] in [0] : vector<16xi32>, vector<16xi32> -> vector<16xi32>
        %eq3A_647 = arith.cmpi eq, %gather3A_636, %max3A_355 : vector<16xi32>
        %jit3A_648 = arith.constant 0 : i32
        %broadcast_in_dim3A_649 = vector.broadcast %jit3A_648 : i32 to vector<16xi32>
        %select_n3A_650 = arith.select %eq3A_647, %gather3A_646, %broadcast_in_dim3A_649 : vector<16xi1>, vector<16xi32>
        %or3A_651 = arith.ori %or3A_626, %select_n3A_650 : vector<16xi32>
        %lt3A_652 = arith.constant 0 : i32
        %lt3A_653 = vector.broadcast %lt3A_652 : i32 to vector<16xi32>
        %lt3A_654 = arith.cmpi slt, %max3A_53, %lt3A_653 : vector<16xi32>
        %add3A_655 = arith.constant 16 : i32
        %add3A_656 = vector.broadcast %add3A_655 : i32 to vector<16xi32>
        %add3A_657 = arith.addi %max3A_53, %add3A_656 : vector<16xi32>
        %select_n3A_658 = arith.select %lt3A_654, %add3A_657, %max3A_53 : vector<16xi1>, vector<16xi32>
        %broadcast_in_dim3A_659 = vector.shape_cast %select_n3A_658 : vector<16xi32> to vector<16x1xi32>
        %gather3A_660 = vector.shape_cast %broadcast_in_dim3A_659 : vector<16x1xi32> to vector<16xi32>
        %gather3A_661 = tpu.dynamic_gather %max3A_355[%gather3A_660] in [0] : vector<16xi32>, vector<16xi32> -> vector<16xi32>
        %lt3A_662 = arith.constant 0 : i32
        %lt3A_663 = vector.broadcast %lt3A_662 : i32 to vector<16xi32>
        %lt3A_664 = arith.cmpi slt, %max3A_53, %lt3A_663 : vector<16xi32>
        %add3A_665 = arith.constant 16 : i32
        %add3A_666 = vector.broadcast %add3A_665 : i32 to vector<16xi32>
        %add3A_667 = arith.addi %max3A_53, %add3A_666 : vector<16xi32>
        %select_n3A_668 = arith.select %lt3A_664, %add3A_667, %max3A_53 : vector<16xi1>, vector<16xi32>
        %broadcast_in_dim3A_669 = vector.shape_cast %select_n3A_668 : vector<16xi32> to vector<16x1xi32>
        %gather3A_670 = vector.shape_cast %broadcast_in_dim3A_669 : vector<16x1xi32> to vector<16xi32>
        %gather3A_671 = tpu.dynamic_gather %or3A_651[%gather3A_670] in [0] : vector<16xi32>, vector<16xi32> -> vector<16xi32>
        %eq3A_672 = arith.cmpi eq, %gather3A_661, %max3A_355 : vector<16xi32>
        %jit3A_673 = arith.constant 0 : i32
        %broadcast_in_dim3A_674 = vector.broadcast %jit3A_673 : i32 to vector<16xi32>
        %select_n3A_675 = arith.select %eq3A_672, %gather3A_671, %broadcast_in_dim3A_674 : vector<16xi1>, vector<16xi32>
        %or3A_676 = arith.ori %or3A_651, %select_n3A_675 : vector<16xi32>
        %lt3A_677 = arith.constant 0 : i32
        %lt3A_678 = vector.broadcast %lt3A_677 : i32 to vector<16xi32>
        %lt3A_679 = arith.cmpi slt, %max3A_59, %lt3A_678 : vector<16xi32>
        %add3A_680 = arith.constant 16 : i32
        %add3A_681 = vector.broadcast %add3A_680 : i32 to vector<16xi32>
        %add3A_682 = arith.addi %max3A_59, %add3A_681 : vector<16xi32>
        %select_n3A_683 = arith.select %lt3A_679, %add3A_682, %max3A_59 : vector<16xi1>, vector<16xi32>
        %broadcast_in_dim3A_684 = vector.shape_cast %select_n3A_683 : vector<16xi32> to vector<16x1xi32>
        %gather3A_685 = vector.shape_cast %broadcast_in_dim3A_684 : vector<16x1xi32> to vector<16xi32>
        %gather3A_686 = tpu.dynamic_gather %max3A_355[%gather3A_685] in [0] : vector<16xi32>, vector<16xi32> -> vector<16xi32>
        %lt3A_687 = arith.constant 0 : i32
        %lt3A_688 = vector.broadcast %lt3A_687 : i32 to vector<16xi32>
        %lt3A_689 = arith.cmpi slt, %max3A_59, %lt3A_688 : vector<16xi32>
        %add3A_690 = arith.constant 16 : i32
        %add3A_691 = vector.broadcast %add3A_690 : i32 to vector<16xi32>
        %add3A_692 = arith.addi %max3A_59, %add3A_691 : vector<16xi32>
        %select_n3A_693 = arith.select %lt3A_689, %add3A_692, %max3A_59 : vector<16xi1>, vector<16xi32>
        %broadcast_in_dim3A_694 = vector.shape_cast %select_n3A_693 : vector<16xi32> to vector<16x1xi32>
        %gather3A_695 = vector.shape_cast %broadcast_in_dim3A_694 : vector<16x1xi32> to vector<16xi32>
        %gather3A_696 = tpu.dynamic_gather %or3A_676[%gather3A_695] in [0] : vector<16xi32>, vector<16xi32> -> vector<16xi32>
        %eq3A_697 = arith.cmpi eq, %gather3A_686, %max3A_355 : vector<16xi32>
        %jit3A_698 = arith.constant 0 : i32
        %broadcast_in_dim3A_699 = vector.broadcast %jit3A_698 : i32 to vector<16xi32>
        %select_n3A_700 = arith.select %eq3A_697, %gather3A_696, %broadcast_in_dim3A_699 : vector<16xi1>, vector<16xi32>
        %or3A_701 = arith.ori %or3A_676, %select_n3A_700 : vector<16xi32>
        %lt3A_702 = arith.constant 0 : i32
        %lt3A_703 = vector.broadcast %lt3A_702 : i32 to vector<16xi32>
        %lt3A_704 = arith.cmpi slt, %max3A_65, %lt3A_703 : vector<16xi32>
        %add3A_705 = arith.constant 16 : i32
        %add3A_706 = vector.broadcast %add3A_705 : i32 to vector<16xi32>
        %add3A_707 = arith.addi %max3A_65, %add3A_706 : vector<16xi32>
        %select_n3A_708 = arith.select %lt3A_704, %add3A_707, %max3A_65 : vector<16xi1>, vector<16xi32>
        %broadcast_in_dim3A_709 = vector.shape_cast %select_n3A_708 : vector<16xi32> to vector<16x1xi32>
        %gather3A_710 = vector.shape_cast %broadcast_in_dim3A_709 : vector<16x1xi32> to vector<16xi32>
        %gather3A_711 = tpu.dynamic_gather %max3A_355[%gather3A_710] in [0] : vector<16xi32>, vector<16xi32> -> vector<16xi32>
        %lt3A_712 = arith.constant 0 : i32
        %lt3A_713 = vector.broadcast %lt3A_712 : i32 to vector<16xi32>
        %lt3A_714 = arith.cmpi slt, %max3A_65, %lt3A_713 : vector<16xi32>
        %add3A_715 = arith.constant 16 : i32
        %add3A_716 = vector.broadcast %add3A_715 : i32 to vector<16xi32>
        %add3A_717 = arith.addi %max3A_65, %add3A_716 : vector<16xi32>
        %select_n3A_718 = arith.select %lt3A_714, %add3A_717, %max3A_65 : vector<16xi1>, vector<16xi32>
        %broadcast_in_dim3A_719 = vector.shape_cast %select_n3A_718 : vector<16xi32> to vector<16x1xi32>
        %gather3A_720 = vector.shape_cast %broadcast_in_dim3A_719 : vector<16x1xi32> to vector<16xi32>
        %gather3A_721 = tpu.dynamic_gather %or3A_701[%gather3A_720] in [0] : vector<16xi32>, vector<16xi32> -> vector<16xi32>
        %eq3A_722 = arith.cmpi eq, %gather3A_711, %max3A_355 : vector<16xi32>
        %jit3A_723 = arith.constant 0 : i32
        %broadcast_in_dim3A_724 = vector.broadcast %jit3A_723 : i32 to vector<16xi32>
        %select_n3A_725 = arith.select %eq3A_722, %gather3A_721, %broadcast_in_dim3A_724 : vector<16xi1>, vector<16xi32>
        %or3A_726 = arith.ori %or3A_701, %select_n3A_725 : vector<16xi32>
        %slice3A_727 = vector.extract_strided_slice %max3A_355 {offsets = [15], sizes = [1], strides = [1]} : vector<16xi32> to vector<1xi32>
        %squeeze3A_728 = vector.extract %slice3A_727[0] : i32 from vector<1xi32>
        %slice3A_729 = vector.extract_strided_slice %or3A_726 {offsets = [15], sizes = [1], strides = [1]} : vector<16xi32> to vector<1xi32>
        %squeeze3A_730 = vector.extract %slice3A_729[0] : i32 from vector<1xi32>
        %eq3A_731 = vector.broadcast %squeeze3A_728 : i32 to vector<16xi32>
        %eq3A_732 = arith.cmpi eq, %max3A_365, %eq3A_731 : vector<16xi32>
        %jit3A_733 = arith.constant 0 : i32
        %broadcast_in_dim3A_734 = vector.broadcast %squeeze3A_730 : i32 to vector<16xi32>
        %broadcast_in_dim3A_735 = vector.broadcast %jit3A_733 : i32 to vector<16xi32>
        %select_n3A_736 = arith.select %eq3A_732, %broadcast_in_dim3A_734, %broadcast_in_dim3A_735 : vector<16xi1>, vector<16xi32>
        %or3A_737 = arith.ori %select_n3A_316, %select_n3A_736 : vector<16xi32>
        %lt3A_738 = arith.constant 0 : i32
        %lt3A_739 = vector.broadcast %lt3A_738 : i32 to vector<16xi32>
        %lt3A_740 = arith.cmpi slt, %max3A_47, %lt3A_739 : vector<16xi32>
        %add3A_741 = arith.constant 16 : i32
        %add3A_742 = vector.broadcast %add3A_741 : i32 to vector<16xi32>
        %add3A_743 = arith.addi %max3A_47, %add3A_742 : vector<16xi32>
        %select_n3A_744 = arith.select %lt3A_740, %add3A_743, %max3A_47 : vector<16xi1>, vector<16xi32>
        %broadcast_in_dim3A_745 = vector.shape_cast %select_n3A_744 : vector<16xi32> to vector<16x1xi32>
        %gather3A_746 = vector.shape_cast %broadcast_in_dim3A_745 : vector<16x1xi32> to vector<16xi32>
        %gather3A_747 = tpu.dynamic_gather %max3A_365[%gather3A_746] in [0] : vector<16xi32>, vector<16xi32> -> vector<16xi32>
        %lt3A_748 = arith.constant 0 : i32
        %lt3A_749 = vector.broadcast %lt3A_748 : i32 to vector<16xi32>
        %lt3A_750 = arith.cmpi slt, %max3A_47, %lt3A_749 : vector<16xi32>
        %add3A_751 = arith.constant 16 : i32
        %add3A_752 = vector.broadcast %add3A_751 : i32 to vector<16xi32>
        %add3A_753 = arith.addi %max3A_47, %add3A_752 : vector<16xi32>
        %select_n3A_754 = arith.select %lt3A_750, %add3A_753, %max3A_47 : vector<16xi1>, vector<16xi32>
        %broadcast_in_dim3A_755 = vector.shape_cast %select_n3A_754 : vector<16xi32> to vector<16x1xi32>
        %gather3A_756 = vector.shape_cast %broadcast_in_dim3A_755 : vector<16x1xi32> to vector<16xi32>
        %gather3A_757 = tpu.dynamic_gather %or3A_737[%gather3A_756] in [0] : vector<16xi32>, vector<16xi32> -> vector<16xi32>
        %eq3A_758 = arith.cmpi eq, %gather3A_747, %max3A_365 : vector<16xi32>
        %jit3A_759 = arith.constant 0 : i32
        %broadcast_in_dim3A_760 = vector.broadcast %jit3A_759 : i32 to vector<16xi32>
        %select_n3A_761 = arith.select %eq3A_758, %gather3A_757, %broadcast_in_dim3A_760 : vector<16xi1>, vector<16xi32>
        %or3A_762 = arith.ori %or3A_737, %select_n3A_761 : vector<16xi32>
        %lt3A_763 = arith.constant 0 : i32
        %lt3A_764 = vector.broadcast %lt3A_763 : i32 to vector<16xi32>
        %lt3A_765 = arith.cmpi slt, %max3A_53, %lt3A_764 : vector<16xi32>
        %add3A_766 = arith.constant 16 : i32
        %add3A_767 = vector.broadcast %add3A_766 : i32 to vector<16xi32>
        %add3A_768 = arith.addi %max3A_53, %add3A_767 : vector<16xi32>
        %select_n3A_769 = arith.select %lt3A_765, %add3A_768, %max3A_53 : vector<16xi1>, vector<16xi32>
        %broadcast_in_dim3A_770 = vector.shape_cast %select_n3A_769 : vector<16xi32> to vector<16x1xi32>
        %gather3A_771 = vector.shape_cast %broadcast_in_dim3A_770 : vector<16x1xi32> to vector<16xi32>
        %gather3A_772 = tpu.dynamic_gather %max3A_365[%gather3A_771] in [0] : vector<16xi32>, vector<16xi32> -> vector<16xi32>
        %lt3A_773 = arith.constant 0 : i32
        %lt3A_774 = vector.broadcast %lt3A_773 : i32 to vector<16xi32>
        %lt3A_775 = arith.cmpi slt, %max3A_53, %lt3A_774 : vector<16xi32>
        %add3A_776 = arith.constant 16 : i32
        %add3A_777 = vector.broadcast %add3A_776 : i32 to vector<16xi32>
        %add3A_778 = arith.addi %max3A_53, %add3A_777 : vector<16xi32>
        %select_n3A_779 = arith.select %lt3A_775, %add3A_778, %max3A_53 : vector<16xi1>, vector<16xi32>
        %broadcast_in_dim3A_780 = vector.shape_cast %select_n3A_779 : vector<16xi32> to vector<16x1xi32>
        %gather3A_781 = vector.shape_cast %broadcast_in_dim3A_780 : vector<16x1xi32> to vector<16xi32>
        %gather3A_782 = tpu.dynamic_gather %or3A_762[%gather3A_781] in [0] : vector<16xi32>, vector<16xi32> -> vector<16xi32>
        %eq3A_783 = arith.cmpi eq, %gather3A_772, %max3A_365 : vector<16xi32>
        %jit3A_784 = arith.constant 0 : i32
        %broadcast_in_dim3A_785 = vector.broadcast %jit3A_784 : i32 to vector<16xi32>
        %select_n3A_786 = arith.select %eq3A_783, %gather3A_782, %broadcast_in_dim3A_785 : vector<16xi1>, vector<16xi32>
        %or3A_787 = arith.ori %or3A_762, %select_n3A_786 : vector<16xi32>
        %lt3A_788 = arith.constant 0 : i32
        %lt3A_789 = vector.broadcast %lt3A_788 : i32 to vector<16xi32>
        %lt3A_790 = arith.cmpi slt, %max3A_59, %lt3A_789 : vector<16xi32>
        %add3A_791 = arith.constant 16 : i32
        %add3A_792 = vector.broadcast %add3A_791 : i32 to vector<16xi32>
        %add3A_793 = arith.addi %max3A_59, %add3A_792 : vector<16xi32>
        %select_n3A_794 = arith.select %lt3A_790, %add3A_793, %max3A_59 : vector<16xi1>, vector<16xi32>
        %broadcast_in_dim3A_795 = vector.shape_cast %select_n3A_794 : vector<16xi32> to vector<16x1xi32>
        %gather3A_796 = vector.shape_cast %broadcast_in_dim3A_795 : vector<16x1xi32> to vector<16xi32>
        %gather3A_797 = tpu.dynamic_gather %max3A_365[%gather3A_796] in [0] : vector<16xi32>, vector<16xi32> -> vector<16xi32>
        %lt3A_798 = arith.constant 0 : i32
        %lt3A_799 = vector.broadcast %lt3A_798 : i32 to vector<16xi32>
        %lt3A_800 = arith.cmpi slt, %max3A_59, %lt3A_799 : vector<16xi32>
        %add3A_801 = arith.constant 16 : i32
        %add3A_802 = vector.broadcast %add3A_801 : i32 to vector<16xi32>
        %add3A_803 = arith.addi %max3A_59, %add3A_802 : vector<16xi32>
        %select_n3A_804 = arith.select %lt3A_800, %add3A_803, %max3A_59 : vector<16xi1>, vector<16xi32>
        %broadcast_in_dim3A_805 = vector.shape_cast %select_n3A_804 : vector<16xi32> to vector<16x1xi32>
        %gather3A_806 = vector.shape_cast %broadcast_in_dim3A_805 : vector<16x1xi32> to vector<16xi32>
        %gather3A_807 = tpu.dynamic_gather %or3A_787[%gather3A_806] in [0] : vector<16xi32>, vector<16xi32> -> vector<16xi32>
        %eq3A_808 = arith.cmpi eq, %gather3A_797, %max3A_365 : vector<16xi32>
        %jit3A_809 = arith.constant 0 : i32
        %broadcast_in_dim3A_810 = vector.broadcast %jit3A_809 : i32 to vector<16xi32>
        %select_n3A_811 = arith.select %eq3A_808, %gather3A_807, %broadcast_in_dim3A_810 : vector<16xi1>, vector<16xi32>
        %or3A_812 = arith.ori %or3A_787, %select_n3A_811 : vector<16xi32>
        %lt3A_813 = arith.constant 0 : i32
        %lt3A_814 = vector.broadcast %lt3A_813 : i32 to vector<16xi32>
        %lt3A_815 = arith.cmpi slt, %max3A_65, %lt3A_814 : vector<16xi32>
        %add3A_816 = arith.constant 16 : i32
        %add3A_817 = vector.broadcast %add3A_816 : i32 to vector<16xi32>
        %add3A_818 = arith.addi %max3A_65, %add3A_817 : vector<16xi32>
        %select_n3A_819 = arith.select %lt3A_815, %add3A_818, %max3A_65 : vector<16xi1>, vector<16xi32>
        %broadcast_in_dim3A_820 = vector.shape_cast %select_n3A_819 : vector<16xi32> to vector<16x1xi32>
        %gather3A_821 = vector.shape_cast %broadcast_in_dim3A_820 : vector<16x1xi32> to vector<16xi32>
        %gather3A_822 = tpu.dynamic_gather %max3A_365[%gather3A_821] in [0] : vector<16xi32>, vector<16xi32> -> vector<16xi32>
        %lt3A_823 = arith.constant 0 : i32
        %lt3A_824 = vector.broadcast %lt3A_823 : i32 to vector<16xi32>
        %lt3A_825 = arith.cmpi slt, %max3A_65, %lt3A_824 : vector<16xi32>
        %add3A_826 = arith.constant 16 : i32
        %add3A_827 = vector.broadcast %add3A_826 : i32 to vector<16xi32>
        %add3A_828 = arith.addi %max3A_65, %add3A_827 : vector<16xi32>
        %select_n3A_829 = arith.select %lt3A_825, %add3A_828, %max3A_65 : vector<16xi1>, vector<16xi32>
        %broadcast_in_dim3A_830 = vector.shape_cast %select_n3A_829 : vector<16xi32> to vector<16x1xi32>
        %gather3A_831 = vector.shape_cast %broadcast_in_dim3A_830 : vector<16x1xi32> to vector<16xi32>
        %gather3A_832 = tpu.dynamic_gather %or3A_812[%gather3A_831] in [0] : vector<16xi32>, vector<16xi32> -> vector<16xi32>
        %eq3A_833 = arith.cmpi eq, %gather3A_822, %max3A_365 : vector<16xi32>
        %jit3A_834 = arith.constant 0 : i32
        %broadcast_in_dim3A_835 = vector.broadcast %jit3A_834 : i32 to vector<16xi32>
        %select_n3A_836 = arith.select %eq3A_833, %gather3A_832, %broadcast_in_dim3A_835 : vector<16xi1>, vector<16xi32>
        %or3A_837 = arith.ori %or3A_812, %select_n3A_836 : vector<16xi32>
        %slice3A_838 = vector.extract_strided_slice %max3A_365 {offsets = [15], sizes = [1], strides = [1]} : vector<16xi32> to vector<1xi32>
        %squeeze3A_839 = vector.extract %slice3A_838[0] : i32 from vector<1xi32>
        %slice3A_840 = vector.extract_strided_slice %or3A_837 {offsets = [15], sizes = [1], strides = [1]} : vector<16xi32> to vector<1xi32>
        %squeeze3A_841 = vector.extract %slice3A_840[0] : i32 from vector<1xi32>
        tpu.vector_store_idx %arg10[%max3A_335], %or3A_504 masked %eq3A_374 : memref<6256xi32, #tpu.memory_space<vmem>>[vector<16xi32>], vector<16xi32>, vector<16xi1>
        tpu.vector_store_idx %arg10[%max3A_345], %or3A_615 masked %eq3A_382 : memref<6256xi32, #tpu.memory_space<vmem>>[vector<16xi32>], vector<16xi32>, vector<16xi1>
        tpu.vector_store_idx %arg10[%max3A_355], %or3A_726 masked %eq3A_390 : memref<6256xi32, #tpu.memory_space<vmem>>[vector<16xi32>], vector<16xi32>, vector<16xi1>
        tpu.vector_store_idx %arg10[%max3A_365], %or3A_837 masked %eq3A_398 : memref<6256xi32, #tpu.memory_space<vmem>>[vector<16xi32>], vector<16xi32>, vector<16xi1>
        scf.yield %squeeze3A_839, %squeeze3A_841, %squeeze3A_367 : i32, i32, i32
      }
      %scan3A_155 = arith.constant 128 : i32
      %lt3A_156 = arith.cmpi slt, %add3A_129, %div3A_25 : i32
      %convert_element_type3A_157 = arith.extui %lt3A_156 : i1 to i32
      %cond3A_158 = arith.constant 0 : i32
      %cond3A_159 = arith.cmpi ne, %convert_element_type3A_157, %cond3A_158 : i32
      scf.if %cond3A_159 {
        %dma_wait3A_179 = arith.constant 0 : i32
        %dma_wait3A_180 = arith.constant 0 : i32
        %dma_wait3A_181 = tpu.memref_slice %arg2[%dma_wait3A_179, %dma_wait3A_180] : memref<2x1000000xf32, #tpu.memory_space<hbm>> -> memref<1x8192xf32, #tpu.memory_space<hbm>>
        %dma_wait3A_182 = tpu.memref_squeeze %dma_wait3A_181 : memref<1x8192xf32, #tpu.memory_space<hbm>> -> memref<8192xf32, #tpu.memory_space<hbm>>
        %dma_wait3A_183 = arith.constant 0 : i32
        %dma_wait3A_184 = tpu.memref_slice %arg2[%dma_wait3A_179, %dma_wait3A_183] : memref<2x1000000xf32, #tpu.memory_space<hbm>> -> memref<1x8192xf32, #tpu.memory_space<hbm>>
        %dma_wait3A_185 = tpu.memref_squeeze %dma_wait3A_184 : memref<1x8192xf32, #tpu.memory_space<hbm>> -> memref<8192xf32, #tpu.memory_space<hbm>>
        tpu.wait_dma2 semaphore(%arg17 : memref<!tpu.dma_semaphore, #tpu.memory_space<semaphore_mem>>) src(%dma_wait3A_185 : memref<8192xf32, #tpu.memory_space<hbm>>) dst(%arg13 : memref<8192xf32, #tpu.memory_space<vmem>>)
      } else {
      }
      %lt3A_160 = arith.cmpi slt, %add3A_131, %div3A_25 : i32
      %convert_element_type3A_161 = arith.extui %lt3A_160 : i1 to i32
      %cond3A_162 = arith.constant 0 : i32
      %cond3A_163 = arith.cmpi ne, %convert_element_type3A_161, %cond3A_162 : i32
      scf.if %cond3A_163 {
        %mul3A_179 = arith.constant 8192 : i32
        %mul3A_180 = arith.muli %add3A_131, %mul3A_179 : i32
        %add3A_181 = arith.addi %multiple_of3A_19, %mul3A_180 : i32
        %min3A_182 = arith.constant 991808 : i32
        %min3A_183 = arith.minsi %add3A_181, %min3A_182 : i32
        %multiple_of3A_184 = tpu.assume_multiple %min3A_183, 8 : i32
        "tpu.region"() ({
          %run_scoped3A = tpu.sem_alloc : memref<!tpu.dma_semaphore, #tpu.memory_space<semaphore_mem>>
          %dma_start3A_186 = tpu.memref_slice %arg3[%multiple_of3A_184] : memref<1000000xi32, #tpu.memory_space<hbm>> -> memref<8192xi32, #tpu.memory_space<hbm>>
          %dma_start3A_187 = tpu.memref_slice %arg3[%multiple_of3A_184] : memref<1000000xi32, #tpu.memory_space<hbm>> -> memref<8192xi32, #tpu.memory_space<hbm>>
          tpu.enqueue_dma source(%dma_start3A_187 : memref<8192xi32, #tpu.memory_space<hbm>>) target(%arg9 : memref<8192xi32, #tpu.memory_space<vmem>>) target_semaphore(%run_scoped3A : memref<!tpu.dma_semaphore, #tpu.memory_space<semaphore_mem>>)
          %dma_wait3A_188 = tpu.memref_slice %arg3[%multiple_of3A_184] : memref<1000000xi32, #tpu.memory_space<hbm>> -> memref<8192xi32, #tpu.memory_space<hbm>>
          %dma_wait3A_189 = tpu.memref_slice %arg3[%multiple_of3A_184] : memref<1000000xi32, #tpu.memory_space<hbm>> -> memref<8192xi32, #tpu.memory_space<hbm>>
          tpu.wait_dma2 semaphore(%run_scoped3A : memref<!tpu.dma_semaphore, #tpu.memory_space<semaphore_mem>>) src(%dma_wait3A_189 : memref<8192xi32, #tpu.memory_space<hbm>>) dst(%arg9 : memref<8192xi32, #tpu.memory_space<vmem>>)
          tpu.yield
        }) : () -> ()
        %dma_start3A = arith.constant 0 : i32
        %dma_start3A_185 = tpu.memref_slice %arg18[%dma_start3A] : memref<1000000xf32, #tpu.memory_space<vmem_shared>> -> memref<1000000xf32, #tpu.memory_space<vmem_shared>>
        tpu.enqueue_indirect_dma source(%dma_start3A_185 : memref<1000000xf32, #tpu.memory_space<vmem_shared>>) target(%arg12 : memref<8192xf32, #tpu.memory_space<vmem>>) offsets(%arg9 : memref<8192xi32, #tpu.memory_space<vmem>>) semaphore(%arg16 : memref<!tpu.dma_semaphore, #tpu.memory_space<semaphore_mem>>)
      } else {
      }
      %mul3A_164 = arith.constant 8192 : i32
      %mul3A_165 = arith.muli %add3A_129, %mul3A_164 : i32
      %add3A_166 = arith.addi %multiple_of3A_19, %mul3A_165 : i32
      %min3A_167 = arith.constant 991808 : i32
      %min3A_168 = arith.minsi %add3A_166, %min3A_167 : i32
      %multiple_of3A_169 = tpu.assume_multiple %min3A_168, 8 : i32
      %max3A_170 = arith.maxsi %squeeze3A, %add3A_166 : i32
      %while3A_171 = arith.constant 16 : i32
      %while3A_172:2 = scf.while (%while3A_179 = %while3A_149#0, %while3A_180 = %while3A_171) : (i32, i32) -> (i32, i32) {
        %eq3A_181 = arith.constant 16 : i32
        %eq3A_182 = arith.cmpi eq, %while3A_180, %eq3A_181 : i32
        scf.condition(%eq3A_182) %while3A_179, %while3A_180 : i32, i32
      } do {
      ^bb0(%while3A_179: i32, %while3A_180: i32):
        %get3A_181 = arith.index_cast %while3A_179 : i32 to index
        %get3A_182 = tpu.vector_load %arg15[%get3A_181] {strides = array<i32>} : memref<6272xi32, #tpu.memory_space<vmem>>, vector<16xi32>,
        %sub3A_183 = vector.broadcast %multiple_of3A_169 : i32 to vector<16xi32>
        %sub3A_184 = arith.subi %get3A_182, %sub3A_183 : vector<16xi32>
        %ge3A = arith.constant 0 : i32
        %ge3A_185 = vector.broadcast %ge3A : i32 to vector<16xi32>
        %ge3A_186 = arith.cmpi sge, %sub3A_184, %ge3A_185 : vector<16xi32>
        %lt3A_187 = arith.constant 8192 : i32
        %lt3A_188 = vector.broadcast %lt3A_187 : i32 to vector<16xi32>
        %lt3A_189 = arith.cmpi slt, %sub3A_184, %lt3A_188 : vector<16xi32>
        %and3A_190 = arith.andi %ge3A_186, %lt3A_189 : vector<16xi1>
        %add3A_191 = vector.broadcast %while3A_179 : i32 to vector<16xi32>
        %add3A_192 = arith.addi %add3A_191, %iota3A : vector<16xi32>
        %le3A = arith.constant 6250 : i32
        %le3A_193 = vector.broadcast %le3A : i32 to vector<16xi32>
        %le3A_194 = arith.cmpi sle, %add3A_192, %le3A_193 : vector<16xi32>
        %and3A_195 = arith.andi %and3A_190, %le3A_194 : vector<16xi1>
        %add3A_196 = vector.broadcast %while3A_179 : i32 to vector<16xi32>
        %add3A_197 = arith.addi %add3A_196, %iota3A : vector<16xi32>
        %add3A_198 = arith.constant 1 : i32
        %add3A_199 = vector.broadcast %add3A_198 : i32 to vector<16xi32>
        %add3A_200 = arith.addi %add3A_197, %add3A_199 : vector<16xi32>
        %lt3A_201 = arith.constant 0 : i32
        %lt3A_202 = vector.broadcast %lt3A_201 : i32 to vector<16xi32>
        %lt3A_203 = arith.cmpi slt, %min3A_70, %lt3A_202 : vector<16xi32>
        %add3A_204 = arith.constant 16 : i32
        %add3A_205 = vector.broadcast %add3A_204 : i32 to vector<16xi32>
        %add3A_206 = arith.addi %min3A_70, %add3A_205 : vector<16xi32>
        %select_n3A_207 = arith.select %lt3A_203, %add3A_206, %min3A_70 : vector<16xi1>, vector<16xi32>
        %broadcast_in_dim3A_208 = vector.shape_cast %select_n3A_207 : vector<16xi32> to vector<16x1xi32>
        %gather3A = vector.shape_cast %broadcast_in_dim3A_208 : vector<16x1xi32> to vector<16xi32>
        %gather3A_209 = tpu.dynamic_gather %sub3A_184[%gather3A] in [0] : vector<16xi32>, vector<16xi32> -> vector<16xi32>
        %ne3A_210 = arith.cmpi ne, %sub3A_184, %gather3A_209 : vector<16xi32>
        %eq3A_211 = arith.constant 15 : i32
        %eq3A_212 = vector.broadcast %eq3A_211 : i32 to vector<16xi32>
        %eq3A_213 = arith.cmpi eq, %iota3A, %eq3A_212 : vector<16xi32>
        %or3A = arith.ori %ne3A_210, %eq3A_213 : vector<16xi1>
        %and3A_214 = arith.andi %or3A, %and3A_195 : vector<16xi1>
        %jit3A_215 = arith.constant 0 : i32
        %jit3A_216 = arith.constant 8191 : i32
        %max3A_217 = vector.broadcast %jit3A_215 : i32 to vector<16xi32>
        %max3A_218 = arith.maxsi %max3A_217, %sub3A_184 : vector<16xi32>
        %min3A_219 = vector.broadcast %jit3A_216 : i32 to vector<16xi32>
        %min3A_220 = arith.minsi %min3A_219, %max3A_218 : vector<16xi32>
        tpu.vector_store_idx %arg8[%min3A_220], %add3A_200 masked %and3A_214 : memref<8192xi32, #tpu.memory_space<vmem>>[vector<16xi32>], vector<16xi32>, vector<16xi1>
        %all_reduce_population_count3A = tpu.all_reduce %and3A_195 {dim = 0 : i64, kind = #tpu.reduction_kind<sum>} : vector<16xi1> -> vector<16xi32>
        %slice3A_221 = vector.extract_strided_slice %all_reduce_population_count3A {offsets = [0], sizes = [1], strides = [1]} : vector<16xi32> to vector<1xi32>
        %squeeze3A_222 = vector.extract %slice3A_221[0] : i32 from vector<1xi32>
        %add3A_223 = arith.addi %while3A_179, %squeeze3A_222 : i32
        scf.yield %add3A_223, %squeeze3A_222 : i32, i32
      }
      %scan3A_173 = arith.constant 0 : i32
      %scan3A_174 = arith.constant 128 : i32
      %scan3A_175 = arith.addi %scan3A_173, %scan3A_174 : i32
      %scan3A_176 = arith.constant 1 : i32
      %scan3A_177:3 = scf.for %scan3A_179 = %scan3A_173 to %scan3A_175 step %scan3A_176 iter_args(%scan3A_180 = %scan3A_154#0, %scan3A_181 = %scan3A_154#1, %scan3A_182 = %scan3A_154#2) -> (i32, i32, i32)  : i32 {
        %mul3A_183 = arith.constant 64 : i32
        %mul3A_184 = arith.muli %scan3A_179, %mul3A_183 : i32
        %add3A_185 = arith.constant 0 : i32
        %add3A_186 = arith.addi %mul3A_184, %add3A_185 : i32
        %add3A_187 = arith.addi %multiple_of3A_169, %add3A_186 : i32
        %add3A_188 = vector.broadcast %add3A_187 : i32 to vector<16xi32>
        %add3A_189 = arith.addi %add3A_188, %iota3A : vector<16xi32>
        %get3A_190 = arith.index_cast %add3A_186 : i32 to index
        %get3A_191 = tpu.vector_load %arg13[%get3A_190] {strides = array<i32>} : memref<8192xf32, #tpu.memory_space<vmem>>, vector<16xf32>,
        %mul3A_192 = arith.constant 4.000000e+00 : f32
        %mul3A_193 = vector.broadcast %mul3A_192 : f32 to vector<16xf32>
        %mul3A_194 = arith.mulf %get3A_191, %mul3A_193 : vector<16xf32>
        %convert_element_type3A_195 = arith.fptosi %mul3A_194 : vector<16xf32> to vector<16xi32>
        %jit3A_196 = arith.constant 0 : i32
        %jit3A_197 = arith.constant 3 : i32
        %max3A_198 = vector.broadcast %jit3A_196 : i32 to vector<16xi32>
        %max3A_199 = arith.maxsi %max3A_198, %convert_element_type3A_195 : vector<16xi32>
        %min3A_200 = vector.broadcast %jit3A_197 : i32 to vector<16xi32>
        %min3A_201 = arith.minsi %min3A_200, %max3A_199 : vector<16xi32>
        %ge3A = vector.broadcast %max3A_170 : i32 to vector<16xi32>
        %ge3A_202 = arith.cmpi sge, %add3A_189, %ge3A : vector<16xi32>
        %lt3A_203 = vector.broadcast %squeeze3A_15 : i32 to vector<16xi32>
        %lt3A_204 = arith.cmpi slt, %add3A_189, %lt3A_203 : vector<16xi32>
        %and3A_205 = arith.andi %ge3A_202, %lt3A_204 : vector<16xi1>
        %shift_left3A = arith.shli %broadcast_in_dim3A_40, %min3A_201 : vector<16xi32>
        %select_n3A_206 = arith.select %and3A_205, %shift_left3A, %broadcast_in_dim3A_42 : vector<16xi1>, vector<16xi32>
        %get3A_207 = arith.index_cast %add3A_186 : i32 to index
        %get3A_208 = tpu.vector_load %arg8[%get3A_207] {strides = array<i32>} : memref<8192xi32, #tpu.memory_space<vmem>>, vector<16xi32>,
        %swap3A_209 = arith.index_cast %add3A_186 : i32 to index
        %swap3A_210 = tpu.vector_load %arg8[%swap3A_209] {strides = array<i32>} : memref<8192xi32, #tpu.memory_space<vmem>>, vector<16xi32>,
        tpu.vector_store %arg8[%swap3A_209], %broadcast_in_dim3A_42 {strides = array<i32>} : memref<8192xi32, #tpu.memory_space<vmem>>, vector<16xi32>,
        %broadcast_in_dim3A_211 = arith.constant true
        %broadcast_in_dim3A_212 = vector.broadcast %broadcast_in_dim3A_211 : i1 to vector<16xi1>
        %masked_cummax3A = arith.constant -2147483648 : i32
        %masked_cummax3A_213 = vector.broadcast %masked_cummax3A : i32 to vector<16xi32>
        %masked_cummax3A_214 = arith.xori %get3A_208, %masked_cummax3A_213 : vector<16xi32>
        %masked_cummax3A_215 = tpu.scan <max>, %masked_cummax3A_214 masked %broadcast_in_dim3A_212 : vector<16xi32>, vector<16xi1> -> vector<16xi32>
        %masked_cummax3A_216 = arith.xori %masked_cummax3A_215, %masked_cummax3A_213 : vector<16xi32>
        %mul3A_217 = arith.constant 64 : i32
        %mul3A_218 = arith.muli %scan3A_179, %mul3A_217 : i32
        %add3A_219 = arith.constant 16 : i32
        %add3A_220 = arith.addi %mul3A_218, %add3A_219 : i32
        %add3A_221 = arith.addi %multiple_of3A_169, %add3A_220 : i32
        %add3A_222 = vector.broadcast %add3A_221 : i32 to vector<16xi32>
        %add3A_223 = arith.addi %add3A_222, %iota3A : vector<16xi32>
        %get3A_224 = arith.index_cast %add3A_220 : i32 to index
        %get3A_225 = tpu.vector_load %arg13[%get3A_224] {strides = array<i32>} : memref<8192xf32, #tpu.memory_space<vmem>>, vector<16xf32>,
        %mul3A_226 = arith.constant 4.000000e+00 : f32
        %mul3A_227 = vector.broadcast %mul3A_226 : f32 to vector<16xf32>
        %mul3A_228 = arith.mulf %get3A_225, %mul3A_227 : vector<16xf32>
        %convert_element_type3A_229 = arith.fptosi %mul3A_228 : vector<16xf32> to vector<16xi32>
        %jit3A_230 = arith.constant 0 : i32
        %jit3A_231 = arith.constant 3 : i32
        %max3A_232 = vector.broadcast %jit3A_230 : i32 to vector<16xi32>
        %max3A_233 = arith.maxsi %max3A_232, %convert_element_type3A_229 : vector<16xi32>
        %min3A_234 = vector.broadcast %jit3A_231 : i32 to vector<16xi32>
        %min3A_235 = arith.minsi %min3A_234, %max3A_233 : vector<16xi32>
        %ge3A_236 = vector.broadcast %max3A_170 : i32 to vector<16xi32>
        %ge3A_237 = arith.cmpi sge, %add3A_223, %ge3A_236 : vector<16xi32>
        %lt3A_238 = vector.broadcast %squeeze3A_15 : i32 to vector<16xi32>
        %lt3A_239 = arith.cmpi slt, %add3A_223, %lt3A_238 : vector<16xi32>
        %and3A_240 = arith.andi %ge3A_237, %lt3A_239 : vector<16xi1>
        %shift_left3A_241 = arith.shli %broadcast_in_dim3A_40, %min3A_235 : vector<16xi32>
        %select_n3A_242 = arith.select %and3A_240, %shift_left3A_241, %broadcast_in_dim3A_42 : vector<16xi1>, vector<16xi32>
        %get3A_243 = arith.index_cast %add3A_220 : i32 to index
        %get3A_244 = tpu.vector_load %arg8[%get3A_243] {strides = array<i32>} : memref<8192xi32, #tpu.memory_space<vmem>>, vector<16xi32>,
        %swap3A_245 = arith.index_cast %add3A_220 : i32 to index
        %swap3A_246 = tpu.vector_load %arg8[%swap3A_245] {strides = array<i32>} : memref<8192xi32, #tpu.memory_space<vmem>>, vector<16xi32>,
        tpu.vector_store %arg8[%swap3A_245], %broadcast_in_dim3A_42 {strides = array<i32>} : memref<8192xi32, #tpu.memory_space<vmem>>, vector<16xi32>,
        %broadcast_in_dim3A_247 = arith.constant true
        %broadcast_in_dim3A_248 = vector.broadcast %broadcast_in_dim3A_247 : i1 to vector<16xi1>
        %masked_cummax3A_249 = arith.constant -2147483648 : i32
        %masked_cummax3A_250 = vector.broadcast %masked_cummax3A_249 : i32 to vector<16xi32>
        %masked_cummax3A_251 = arith.xori %get3A_244, %masked_cummax3A_250 : vector<16xi32>
        %masked_cummax3A_252 = tpu.scan <max>, %masked_cummax3A_251 masked %broadcast_in_dim3A_248 : vector<16xi32>, vector<16xi1> -> vector<16xi32>
        %masked_cummax3A_253 = arith.xori %masked_cummax3A_252, %masked_cummax3A_250 : vector<16xi32>
        %mul3A_254 = arith.constant 64 : i32
        %mul3A_255 = arith.muli %scan3A_179, %mul3A_254 : i32
        %add3A_256 = arith.constant 32 : i32
        %add3A_257 = arith.addi %mul3A_255, %add3A_256 : i32
        %add3A_258 = arith.addi %multiple_of3A_169, %add3A_257 : i32
        %add3A_259 = vector.broadcast %add3A_258 : i32 to vector<16xi32>
        %add3A_260 = arith.addi %add3A_259, %iota3A : vector<16xi32>
        %get3A_261 = arith.index_cast %add3A_257 : i32 to index
        %get3A_262 = tpu.vector_load %arg13[%get3A_261] {strides = array<i32>} : memref<8192xf32, #tpu.memory_space<vmem>>, vector<16xf32>,
        %mul3A_263 = arith.constant 4.000000e+00 : f32
        %mul3A_264 = vector.broadcast %mul3A_263 : f32 to vector<16xf32>
        %mul3A_265 = arith.mulf %get3A_262, %mul3A_264 : vector<16xf32>
        %convert_element_type3A_266 = arith.fptosi %mul3A_265 : vector<16xf32> to vector<16xi32>
        %jit3A_267 = arith.constant 0 : i32
        %jit3A_268 = arith.constant 3 : i32
        %max3A_269 = vector.broadcast %jit3A_267 : i32 to vector<16xi32>
        %max3A_270 = arith.maxsi %max3A_269, %convert_element_type3A_266 : vector<16xi32>
        %min3A_271 = vector.broadcast %jit3A_268 : i32 to vector<16xi32>
        %min3A_272 = arith.minsi %min3A_271, %max3A_270 : vector<16xi32>
        %ge3A_273 = vector.broadcast %max3A_170 : i32 to vector<16xi32>
        %ge3A_274 = arith.cmpi sge, %add3A_260, %ge3A_273 : vector<16xi32>
        %lt3A_275 = vector.broadcast %squeeze3A_15 : i32 to vector<16xi32>
        %lt3A_276 = arith.cmpi slt, %add3A_260, %lt3A_275 : vector<16xi32>
        %and3A_277 = arith.andi %ge3A_274, %lt3A_276 : vector<16xi1>
        %shift_left3A_278 = arith.shli %broadcast_in_dim3A_40, %min3A_272 : vector<16xi32>
        %select_n3A_279 = arith.select %and3A_277, %shift_left3A_278, %broadcast_in_dim3A_42 : vector<16xi1>, vector<16xi32>
        %get3A_280 = arith.index_cast %add3A_257 : i32 to index
        %get3A_281 = tpu.vector_load %arg8[%get3A_280] {strides = array<i32>} : memref<8192xi32, #tpu.memory_space<vmem>>, vector<16xi32>,
        %swap3A_282 = arith.index_cast %add3A_257 : i32 to index
        %swap3A_283 = tpu.vector_load %arg8[%swap3A_282] {strides = array<i32>} : memref<8192xi32, #tpu.memory_space<vmem>>, vector<16xi32>,
        tpu.vector_store %arg8[%swap3A_282], %broadcast_in_dim3A_42 {strides = array<i32>} : memref<8192xi32, #tpu.memory_space<vmem>>, vector<16xi32>,
        %broadcast_in_dim3A_284 = arith.constant true
        %broadcast_in_dim3A_285 = vector.broadcast %broadcast_in_dim3A_284 : i1 to vector<16xi1>
        %masked_cummax3A_286 = arith.constant -2147483648 : i32
        %masked_cummax3A_287 = vector.broadcast %masked_cummax3A_286 : i32 to vector<16xi32>
        %masked_cummax3A_288 = arith.xori %get3A_281, %masked_cummax3A_287 : vector<16xi32>
        %masked_cummax3A_289 = tpu.scan <max>, %masked_cummax3A_288 masked %broadcast_in_dim3A_285 : vector<16xi32>, vector<16xi1> -> vector<16xi32>
        %masked_cummax3A_290 = arith.xori %masked_cummax3A_289, %masked_cummax3A_287 : vector<16xi32>
        %mul3A_291 = arith.constant 64 : i32
        %mul3A_292 = arith.muli %scan3A_179, %mul3A_291 : i32
        %add3A_293 = arith.constant 48 : i32
        %add3A_294 = arith.addi %mul3A_292, %add3A_293 : i32
        %add3A_295 = arith.addi %multiple_of3A_169, %add3A_294 : i32
        %add3A_296 = vector.broadcast %add3A_295 : i32 to vector<16xi32>
        %add3A_297 = arith.addi %add3A_296, %iota3A : vector<16xi32>
        %get3A_298 = arith.index_cast %add3A_294 : i32 to index
        %get3A_299 = tpu.vector_load %arg13[%get3A_298] {strides = array<i32>} : memref<8192xf32, #tpu.memory_space<vmem>>, vector<16xf32>,
        %mul3A_300 = arith.constant 4.000000e+00 : f32
        %mul3A_301 = vector.broadcast %mul3A_300 : f32 to vector<16xf32>
        %mul3A_302 = arith.mulf %get3A_299, %mul3A_301 : vector<16xf32>
        %convert_element_type3A_303 = arith.fptosi %mul3A_302 : vector<16xf32> to vector<16xi32>
        %jit3A_304 = arith.constant 0 : i32
        %jit3A_305 = arith.constant 3 : i32
        %max3A_306 = vector.broadcast %jit3A_304 : i32 to vector<16xi32>
        %max3A_307 = arith.maxsi %max3A_306, %convert_element_type3A_303 : vector<16xi32>
        %min3A_308 = vector.broadcast %jit3A_305 : i32 to vector<16xi32>
        %min3A_309 = arith.minsi %min3A_308, %max3A_307 : vector<16xi32>
        %ge3A_310 = vector.broadcast %max3A_170 : i32 to vector<16xi32>
        %ge3A_311 = arith.cmpi sge, %add3A_297, %ge3A_310 : vector<16xi32>
        %lt3A_312 = vector.broadcast %squeeze3A_15 : i32 to vector<16xi32>
        %lt3A_313 = arith.cmpi slt, %add3A_297, %lt3A_312 : vector<16xi32>
        %and3A_314 = arith.andi %ge3A_311, %lt3A_313 : vector<16xi1>
        %shift_left3A_315 = arith.shli %broadcast_in_dim3A_40, %min3A_309 : vector<16xi32>
        %select_n3A_316 = arith.select %and3A_314, %shift_left3A_315, %broadcast_in_dim3A_42 : vector<16xi1>, vector<16xi32>
        %get3A_317 = arith.index_cast %add3A_294 : i32 to index
        %get3A_318 = tpu.vector_load %arg8[%get3A_317] {strides = array<i32>} : memref<8192xi32, #tpu.memory_space<vmem>>, vector<16xi32>,
        %swap3A_319 = arith.index_cast %add3A_294 : i32 to index
        %swap3A_320 = tpu.vector_load %arg8[%swap3A_319] {strides = array<i32>} : memref<8192xi32, #tpu.memory_space<vmem>>, vector<16xi32>,
        tpu.vector_store %arg8[%swap3A_319], %broadcast_in_dim3A_42 {strides = array<i32>} : memref<8192xi32, #tpu.memory_space<vmem>>, vector<16xi32>,
        %broadcast_in_dim3A_321 = arith.constant true
        %broadcast_in_dim3A_322 = vector.broadcast %broadcast_in_dim3A_321 : i1 to vector<16xi1>
        %masked_cummax3A_323 = arith.constant -2147483648 : i32
        %masked_cummax3A_324 = vector.broadcast %masked_cummax3A_323 : i32 to vector<16xi32>
        %masked_cummax3A_325 = arith.xori %get3A_318, %masked_cummax3A_324 : vector<16xi32>
        %masked_cummax3A_326 = tpu.scan <max>, %masked_cummax3A_325 masked %broadcast_in_dim3A_322 : vector<16xi32>, vector<16xi1> -> vector<16xi32>
        %masked_cummax3A_327 = arith.xori %masked_cummax3A_326, %masked_cummax3A_324 : vector<16xi32>
        %max3A_328 = vector.broadcast %scan3A_182 : i32 to vector<16xi32>
        %max3A_329 = arith.maxsi %masked_cummax3A_216, %max3A_328 : vector<16xi32>
        %sub3A_330 = arith.constant 1 : i32
        %sub3A_331 = vector.broadcast %sub3A_330 : i32 to vector<16xi32>
        %sub3A_332 = arith.subi %max3A_329, %sub3A_331 : vector<16xi32>
        %max3A_333 = arith.constant 0 : i32
        %max3A_334 = vector.broadcast %max3A_333 : i32 to vector<16xi32>
        %max3A_335 = arith.maxsi %sub3A_332, %max3A_334 : vector<16xi32>
        %slice3A_336 = vector.extract_strided_slice %max3A_329 {offsets = [15], sizes = [1], strides = [1]} : vector<16xi32> to vector<1xi32>
        %squeeze3A_337 = vector.extract %slice3A_336[0] : i32 from vector<1xi32>
        %max3A_338 = vector.broadcast %squeeze3A_337 : i32 to vector<16xi32>
        %max3A_339 = arith.maxsi %masked_cummax3A_253, %max3A_338 : vector<16xi32>
        %sub3A_340 = arith.constant 1 : i32
        %sub3A_341 = vector.broadcast %sub3A_340 : i32 to vector<16xi32>
        %sub3A_342 = arith.subi %max3A_339, %sub3A_341 : vector<16xi32>
        %max3A_343 = arith.constant 0 : i32
        %max3A_344 = vector.broadcast %max3A_343 : i32 to vector<16xi32>
        %max3A_345 = arith.maxsi %sub3A_342, %max3A_344 : vector<16xi32>
        %slice3A_346 = vector.extract_strided_slice %max3A_339 {offsets = [15], sizes = [1], strides = [1]} : vector<16xi32> to vector<1xi32>
        %squeeze3A_347 = vector.extract %slice3A_346[0] : i32 from vector<1xi32>
        %max3A_348 = vector.broadcast %squeeze3A_347 : i32 to vector<16xi32>
        %max3A_349 = arith.maxsi %masked_cummax3A_290, %max3A_348 : vector<16xi32>
        %sub3A_350 = arith.constant 1 : i32
        %sub3A_351 = vector.broadcast %sub3A_350 : i32 to vector<16xi32>
        %sub3A_352 = arith.subi %max3A_349, %sub3A_351 : vector<16xi32>
        %max3A_353 = arith.constant 0 : i32
        %max3A_354 = vector.broadcast %max3A_353 : i32 to vector<16xi32>
        %max3A_355 = arith.maxsi %sub3A_352, %max3A_354 : vector<16xi32>
        %slice3A_356 = vector.extract_strided_slice %max3A_349 {offsets = [15], sizes = [1], strides = [1]} : vector<16xi32> to vector<1xi32>
        %squeeze3A_357 = vector.extract %slice3A_356[0] : i32 from vector<1xi32>
        %max3A_358 = vector.broadcast %squeeze3A_357 : i32 to vector<16xi32>
        %max3A_359 = arith.maxsi %masked_cummax3A_327, %max3A_358 : vector<16xi32>
        %sub3A_360 = arith.constant 1 : i32
        %sub3A_361 = vector.broadcast %sub3A_360 : i32 to vector<16xi32>
        %sub3A_362 = arith.subi %max3A_359, %sub3A_361 : vector<16xi32>
        %max3A_363 = arith.constant 0 : i32
        %max3A_364 = vector.broadcast %max3A_363 : i32 to vector<16xi32>
        %max3A_365 = arith.maxsi %sub3A_362, %max3A_364 : vector<16xi32>
        %slice3A_366 = vector.extract_strided_slice %max3A_359 {offsets = [15], sizes = [1], strides = [1]} : vector<16xi32> to vector<1xi32>
        %squeeze3A_367 = vector.extract %slice3A_366[0] : i32 from vector<1xi32>
        %add3A_368 = arith.constant 1 : i32
        %add3A_369 = vector.broadcast %add3A_368 : i32 to vector<16xi32>
        %add3A_370 = arith.addi %max3A_335, %add3A_369 : vector<16xi32>
        %gather3A = tpu.vector_load_idx %arg15[%add3A_370] : memref<6272xi32, #tpu.memory_space<vmem>>[vector<16xi32>], vector<16xi32>,
        %sub3A_371 = arith.constant 1 : i32
        %sub3A_372 = vector.broadcast %sub3A_371 : i32 to vector<16xi32>
        %sub3A_373 = arith.subi %gather3A, %sub3A_372 : vector<16xi32>
        %eq3A_374 = arith.cmpi eq, %add3A_189, %sub3A_373 : vector<16xi32>
        %add3A_375 = arith.constant 1 : i32
        %add3A_376 = vector.broadcast %add3A_375 : i32 to vector<16xi32>
        %add3A_377 = arith.addi %max3A_345, %add3A_376 : vector<16xi32>
        %gather3A_378 = tpu.vector_load_idx %arg15[%add3A_377] : memref<6272xi32, #tpu.memory_space<vmem>>[vector<16xi32>], vector<16xi32>,
        %sub3A_379 = arith.constant 1 : i32
        %sub3A_380 = vector.broadcast %sub3A_379 : i32 to vector<16xi32>
        %sub3A_381 = arith.subi %gather3A_378, %sub3A_380 : vector<16xi32>
        %eq3A_382 = arith.cmpi eq, %add3A_223, %sub3A_381 : vector<16xi32>
        %add3A_383 = arith.constant 1 : i32
        %add3A_384 = vector.broadcast %add3A_383 : i32 to vector<16xi32>
        %add3A_385 = arith.addi %max3A_355, %add3A_384 : vector<16xi32>
        %gather3A_386 = tpu.vector_load_idx %arg15[%add3A_385] : memref<6272xi32, #tpu.memory_space<vmem>>[vector<16xi32>], vector<16xi32>,
        %sub3A_387 = arith.constant 1 : i32
        %sub3A_388 = vector.broadcast %sub3A_387 : i32 to vector<16xi32>
        %sub3A_389 = arith.subi %gather3A_386, %sub3A_388 : vector<16xi32>
        %eq3A_390 = arith.cmpi eq, %add3A_260, %sub3A_389 : vector<16xi32>
        %add3A_391 = arith.constant 1 : i32
        %add3A_392 = vector.broadcast %add3A_391 : i32 to vector<16xi32>
        %add3A_393 = arith.addi %max3A_365, %add3A_392 : vector<16xi32>
        %gather3A_394 = tpu.vector_load_idx %arg15[%add3A_393] : memref<6272xi32, #tpu.memory_space<vmem>>[vector<16xi32>], vector<16xi32>,
        %sub3A_395 = arith.constant 1 : i32
        %sub3A_396 = vector.broadcast %sub3A_395 : i32 to vector<16xi32>
        %sub3A_397 = arith.subi %gather3A_394, %sub3A_396 : vector<16xi32>
        %eq3A_398 = arith.cmpi eq, %add3A_297, %sub3A_397 : vector<16xi32>
        %eq3A_399 = vector.broadcast %scan3A_180 : i32 to vector<16xi32>
        %eq3A_400 = arith.cmpi eq, %max3A_335, %eq3A_399 : vector<16xi32>
        %jit3A_401 = arith.constant 0 : i32
        %broadcast_in_dim3A_402 = vector.broadcast %scan3A_181 : i32 to vector<16xi32>
        %broadcast_in_dim3A_403 = vector.broadcast %jit3A_401 : i32 to vector<16xi32>
        %select_n3A_404 = arith.select %eq3A_400, %broadcast_in_dim3A_402, %broadcast_in_dim3A_403 : vector<16xi1>, vector<16xi32>
        %or3A = arith.ori %select_n3A_206, %select_n3A_404 : vector<16xi32>
        %lt3A_405 = arith.constant 0 : i32
        %lt3A_406 = vector.broadcast %lt3A_405 : i32 to vector<16xi32>
        %lt3A_407 = arith.cmpi slt, %max3A_47, %lt3A_406 : vector<16xi32>
        %add3A_408 = arith.constant 16 : i32
        %add3A_409 = vector.broadcast %add3A_408 : i32 to vector<16xi32>
        %add3A_410 = arith.addi %max3A_47, %add3A_409 : vector<16xi32>
        %select_n3A_411 = arith.select %lt3A_407, %add3A_410, %max3A_47 : vector<16xi1>, vector<16xi32>
        %broadcast_in_dim3A_412 = vector.shape_cast %select_n3A_411 : vector<16xi32> to vector<16x1xi32>
        %gather3A_413 = vector.shape_cast %broadcast_in_dim3A_412 : vector<16x1xi32> to vector<16xi32>
        %gather3A_414 = tpu.dynamic_gather %max3A_335[%gather3A_413] in [0] : vector<16xi32>, vector<16xi32> -> vector<16xi32>
        %lt3A_415 = arith.constant 0 : i32
        %lt3A_416 = vector.broadcast %lt3A_415 : i32 to vector<16xi32>
        %lt3A_417 = arith.cmpi slt, %max3A_47, %lt3A_416 : vector<16xi32>
        %add3A_418 = arith.constant 16 : i32
        %add3A_419 = vector.broadcast %add3A_418 : i32 to vector<16xi32>
        %add3A_420 = arith.addi %max3A_47, %add3A_419 : vector<16xi32>
        %select_n3A_421 = arith.select %lt3A_417, %add3A_420, %max3A_47 : vector<16xi1>, vector<16xi32>
        %broadcast_in_dim3A_422 = vector.shape_cast %select_n3A_421 : vector<16xi32> to vector<16x1xi32>
        %gather3A_423 = vector.shape_cast %broadcast_in_dim3A_422 : vector<16x1xi32> to vector<16xi32>
        %gather3A_424 = tpu.dynamic_gather %or3A[%gather3A_423] in [0] : vector<16xi32>, vector<16xi32> -> vector<16xi32>
        %eq3A_425 = arith.cmpi eq, %gather3A_414, %max3A_335 : vector<16xi32>
        %jit3A_426 = arith.constant 0 : i32
        %broadcast_in_dim3A_427 = vector.broadcast %jit3A_426 : i32 to vector<16xi32>
        %select_n3A_428 = arith.select %eq3A_425, %gather3A_424, %broadcast_in_dim3A_427 : vector<16xi1>, vector<16xi32>
        %or3A_429 = arith.ori %or3A, %select_n3A_428 : vector<16xi32>
        %lt3A_430 = arith.constant 0 : i32
        %lt3A_431 = vector.broadcast %lt3A_430 : i32 to vector<16xi32>
        %lt3A_432 = arith.cmpi slt, %max3A_53, %lt3A_431 : vector<16xi32>
        %add3A_433 = arith.constant 16 : i32
        %add3A_434 = vector.broadcast %add3A_433 : i32 to vector<16xi32>
        %add3A_435 = arith.addi %max3A_53, %add3A_434 : vector<16xi32>
        %select_n3A_436 = arith.select %lt3A_432, %add3A_435, %max3A_53 : vector<16xi1>, vector<16xi32>
        %broadcast_in_dim3A_437 = vector.shape_cast %select_n3A_436 : vector<16xi32> to vector<16x1xi32>
        %gather3A_438 = vector.shape_cast %broadcast_in_dim3A_437 : vector<16x1xi32> to vector<16xi32>
        %gather3A_439 = tpu.dynamic_gather %max3A_335[%gather3A_438] in [0] : vector<16xi32>, vector<16xi32> -> vector<16xi32>
        %lt3A_440 = arith.constant 0 : i32
        %lt3A_441 = vector.broadcast %lt3A_440 : i32 to vector<16xi32>
        %lt3A_442 = arith.cmpi slt, %max3A_53, %lt3A_441 : vector<16xi32>
        %add3A_443 = arith.constant 16 : i32
        %add3A_444 = vector.broadcast %add3A_443 : i32 to vector<16xi32>
        %add3A_445 = arith.addi %max3A_53, %add3A_444 : vector<16xi32>
        %select_n3A_446 = arith.select %lt3A_442, %add3A_445, %max3A_53 : vector<16xi1>, vector<16xi32>
        %broadcast_in_dim3A_447 = vector.shape_cast %select_n3A_446 : vector<16xi32> to vector<16x1xi32>
        %gather3A_448 = vector.shape_cast %broadcast_in_dim3A_447 : vector<16x1xi32> to vector<16xi32>
        %gather3A_449 = tpu.dynamic_gather %or3A_429[%gather3A_448] in [0] : vector<16xi32>, vector<16xi32> -> vector<16xi32>
        %eq3A_450 = arith.cmpi eq, %gather3A_439, %max3A_335 : vector<16xi32>
        %jit3A_451 = arith.constant 0 : i32
        %broadcast_in_dim3A_452 = vector.broadcast %jit3A_451 : i32 to vector<16xi32>
        %select_n3A_453 = arith.select %eq3A_450, %gather3A_449, %broadcast_in_dim3A_452 : vector<16xi1>, vector<16xi32>
        %or3A_454 = arith.ori %or3A_429, %select_n3A_453 : vector<16xi32>
        %lt3A_455 = arith.constant 0 : i32
        %lt3A_456 = vector.broadcast %lt3A_455 : i32 to vector<16xi32>
        %lt3A_457 = arith.cmpi slt, %max3A_59, %lt3A_456 : vector<16xi32>
        %add3A_458 = arith.constant 16 : i32
        %add3A_459 = vector.broadcast %add3A_458 : i32 to vector<16xi32>
        %add3A_460 = arith.addi %max3A_59, %add3A_459 : vector<16xi32>
        %select_n3A_461 = arith.select %lt3A_457, %add3A_460, %max3A_59 : vector<16xi1>, vector<16xi32>
        %broadcast_in_dim3A_462 = vector.shape_cast %select_n3A_461 : vector<16xi32> to vector<16x1xi32>
        %gather3A_463 = vector.shape_cast %broadcast_in_dim3A_462 : vector<16x1xi32> to vector<16xi32>
        %gather3A_464 = tpu.dynamic_gather %max3A_335[%gather3A_463] in [0] : vector<16xi32>, vector<16xi32> -> vector<16xi32>
        %lt3A_465 = arith.constant 0 : i32
        %lt3A_466 = vector.broadcast %lt3A_465 : i32 to vector<16xi32>
        %lt3A_467 = arith.cmpi slt, %max3A_59, %lt3A_466 : vector<16xi32>
        %add3A_468 = arith.constant 16 : i32
        %add3A_469 = vector.broadcast %add3A_468 : i32 to vector<16xi32>
        %add3A_470 = arith.addi %max3A_59, %add3A_469 : vector<16xi32>
        %select_n3A_471 = arith.select %lt3A_467, %add3A_470, %max3A_59 : vector<16xi1>, vector<16xi32>
        %broadcast_in_dim3A_472 = vector.shape_cast %select_n3A_471 : vector<16xi32> to vector<16x1xi32>
        %gather3A_473 = vector.shape_cast %broadcast_in_dim3A_472 : vector<16x1xi32> to vector<16xi32>
        %gather3A_474 = tpu.dynamic_gather %or3A_454[%gather3A_473] in [0] : vector<16xi32>, vector<16xi32> -> vector<16xi32>
        %eq3A_475 = arith.cmpi eq, %gather3A_464, %max3A_335 : vector<16xi32>
        %jit3A_476 = arith.constant 0 : i32
        %broadcast_in_dim3A_477 = vector.broadcast %jit3A_476 : i32 to vector<16xi32>
        %select_n3A_478 = arith.select %eq3A_475, %gather3A_474, %broadcast_in_dim3A_477 : vector<16xi1>, vector<16xi32>
        %or3A_479 = arith.ori %or3A_454, %select_n3A_478 : vector<16xi32>
        %lt3A_480 = arith.constant 0 : i32
        %lt3A_481 = vector.broadcast %lt3A_480 : i32 to vector<16xi32>
        %lt3A_482 = arith.cmpi slt, %max3A_65, %lt3A_481 : vector<16xi32>
        %add3A_483 = arith.constant 16 : i32
        %add3A_484 = vector.broadcast %add3A_483 : i32 to vector<16xi32>
        %add3A_485 = arith.addi %max3A_65, %add3A_484 : vector<16xi32>
        %select_n3A_486 = arith.select %lt3A_482, %add3A_485, %max3A_65 : vector<16xi1>, vector<16xi32>
        %broadcast_in_dim3A_487 = vector.shape_cast %select_n3A_486 : vector<16xi32> to vector<16x1xi32>
        %gather3A_488 = vector.shape_cast %broadcast_in_dim3A_487 : vector<16x1xi32> to vector<16xi32>
        %gather3A_489 = tpu.dynamic_gather %max3A_335[%gather3A_488] in [0] : vector<16xi32>, vector<16xi32> -> vector<16xi32>
        %lt3A_490 = arith.constant 0 : i32
        %lt3A_491 = vector.broadcast %lt3A_490 : i32 to vector<16xi32>
        %lt3A_492 = arith.cmpi slt, %max3A_65, %lt3A_491 : vector<16xi32>
        %add3A_493 = arith.constant 16 : i32
        %add3A_494 = vector.broadcast %add3A_493 : i32 to vector<16xi32>
        %add3A_495 = arith.addi %max3A_65, %add3A_494 : vector<16xi32>
        %select_n3A_496 = arith.select %lt3A_492, %add3A_495, %max3A_65 : vector<16xi1>, vector<16xi32>
        %broadcast_in_dim3A_497 = vector.shape_cast %select_n3A_496 : vector<16xi32> to vector<16x1xi32>
        %gather3A_498 = vector.shape_cast %broadcast_in_dim3A_497 : vector<16x1xi32> to vector<16xi32>
        %gather3A_499 = tpu.dynamic_gather %or3A_479[%gather3A_498] in [0] : vector<16xi32>, vector<16xi32> -> vector<16xi32>
        %eq3A_500 = arith.cmpi eq, %gather3A_489, %max3A_335 : vector<16xi32>
        %jit3A_501 = arith.constant 0 : i32
        %broadcast_in_dim3A_502 = vector.broadcast %jit3A_501 : i32 to vector<16xi32>
        %select_n3A_503 = arith.select %eq3A_500, %gather3A_499, %broadcast_in_dim3A_502 : vector<16xi1>, vector<16xi32>
        %or3A_504 = arith.ori %or3A_479, %select_n3A_503 : vector<16xi32>
        %slice3A_505 = vector.extract_strided_slice %max3A_335 {offsets = [15], sizes = [1], strides = [1]} : vector<16xi32> to vector<1xi32>
        %squeeze3A_506 = vector.extract %slice3A_505[0] : i32 from vector<1xi32>
        %slice3A_507 = vector.extract_strided_slice %or3A_504 {offsets = [15], sizes = [1], strides = [1]} : vector<16xi32> to vector<1xi32>
        %squeeze3A_508 = vector.extract %slice3A_507[0] : i32 from vector<1xi32>
        %eq3A_509 = vector.broadcast %squeeze3A_506 : i32 to vector<16xi32>
        %eq3A_510 = arith.cmpi eq, %max3A_345, %eq3A_509 : vector<16xi32>
        %jit3A_511 = arith.constant 0 : i32
        %broadcast_in_dim3A_512 = vector.broadcast %squeeze3A_508 : i32 to vector<16xi32>
        %broadcast_in_dim3A_513 = vector.broadcast %jit3A_511 : i32 to vector<16xi32>
        %select_n3A_514 = arith.select %eq3A_510, %broadcast_in_dim3A_512, %broadcast_in_dim3A_513 : vector<16xi1>, vector<16xi32>
        %or3A_515 = arith.ori %select_n3A_242, %select_n3A_514 : vector<16xi32>
        %lt3A_516 = arith.constant 0 : i32
        %lt3A_517 = vector.broadcast %lt3A_516 : i32 to vector<16xi32>
        %lt3A_518 = arith.cmpi slt, %max3A_47, %lt3A_517 : vector<16xi32>
        %add3A_519 = arith.constant 16 : i32
        %add3A_520 = vector.broadcast %add3A_519 : i32 to vector<16xi32>
        %add3A_521 = arith.addi %max3A_47, %add3A_520 : vector<16xi32>
        %select_n3A_522 = arith.select %lt3A_518, %add3A_521, %max3A_47 : vector<16xi1>, vector<16xi32>
        %broadcast_in_dim3A_523 = vector.shape_cast %select_n3A_522 : vector<16xi32> to vector<16x1xi32>
        %gather3A_524 = vector.shape_cast %broadcast_in_dim3A_523 : vector<16x1xi32> to vector<16xi32>
        %gather3A_525 = tpu.dynamic_gather %max3A_345[%gather3A_524] in [0] : vector<16xi32>, vector<16xi32> -> vector<16xi32>
        %lt3A_526 = arith.constant 0 : i32
        %lt3A_527 = vector.broadcast %lt3A_526 : i32 to vector<16xi32>
        %lt3A_528 = arith.cmpi slt, %max3A_47, %lt3A_527 : vector<16xi32>
        %add3A_529 = arith.constant 16 : i32
        %add3A_530 = vector.broadcast %add3A_529 : i32 to vector<16xi32>
        %add3A_531 = arith.addi %max3A_47, %add3A_530 : vector<16xi32>
        %select_n3A_532 = arith.select %lt3A_528, %add3A_531, %max3A_47 : vector<16xi1>, vector<16xi32>
        %broadcast_in_dim3A_533 = vector.shape_cast %select_n3A_532 : vector<16xi32> to vector<16x1xi32>
        %gather3A_534 = vector.shape_cast %broadcast_in_dim3A_533 : vector<16x1xi32> to vector<16xi32>
        %gather3A_535 = tpu.dynamic_gather %or3A_515[%gather3A_534] in [0] : vector<16xi32>, vector<16xi32> -> vector<16xi32>
        %eq3A_536 = arith.cmpi eq, %gather3A_525, %max3A_345 : vector<16xi32>
        %jit3A_537 = arith.constant 0 : i32
        %broadcast_in_dim3A_538 = vector.broadcast %jit3A_537 : i32 to vector<16xi32>
        %select_n3A_539 = arith.select %eq3A_536, %gather3A_535, %broadcast_in_dim3A_538 : vector<16xi1>, vector<16xi32>
        %or3A_540 = arith.ori %or3A_515, %select_n3A_539 : vector<16xi32>
        %lt3A_541 = arith.constant 0 : i32
        %lt3A_542 = vector.broadcast %lt3A_541 : i32 to vector<16xi32>
        %lt3A_543 = arith.cmpi slt, %max3A_53, %lt3A_542 : vector<16xi32>
        %add3A_544 = arith.constant 16 : i32
        %add3A_545 = vector.broadcast %add3A_544 : i32 to vector<16xi32>
        %add3A_546 = arith.addi %max3A_53, %add3A_545 : vector<16xi32>
        %select_n3A_547 = arith.select %lt3A_543, %add3A_546, %max3A_53 : vector<16xi1>, vector<16xi32>
        %broadcast_in_dim3A_548 = vector.shape_cast %select_n3A_547 : vector<16xi32> to vector<16x1xi32>
        %gather3A_549 = vector.shape_cast %broadcast_in_dim3A_548 : vector<16x1xi32> to vector<16xi32>
        %gather3A_550 = tpu.dynamic_gather %max3A_345[%gather3A_549] in [0] : vector<16xi32>, vector<16xi32> -> vector<16xi32>
        %lt3A_551 = arith.constant 0 : i32
        %lt3A_552 = vector.broadcast %lt3A_551 : i32 to vector<16xi32>
        %lt3A_553 = arith.cmpi slt, %max3A_53, %lt3A_552 : vector<16xi32>
        %add3A_554 = arith.constant 16 : i32
        %add3A_555 = vector.broadcast %add3A_554 : i32 to vector<16xi32>
        %add3A_556 = arith.addi %max3A_53, %add3A_555 : vector<16xi32>
        %select_n3A_557 = arith.select %lt3A_553, %add3A_556, %max3A_53 : vector<16xi1>, vector<16xi32>
        %broadcast_in_dim3A_558 = vector.shape_cast %select_n3A_557 : vector<16xi32> to vector<16x1xi32>
        %gather3A_559 = vector.shape_cast %broadcast_in_dim3A_558 : vector<16x1xi32> to vector<16xi32>
        %gather3A_560 = tpu.dynamic_gather %or3A_540[%gather3A_559] in [0] : vector<16xi32>, vector<16xi32> -> vector<16xi32>
        %eq3A_561 = arith.cmpi eq, %gather3A_550, %max3A_345 : vector<16xi32>
        %jit3A_562 = arith.constant 0 : i32
        %broadcast_in_dim3A_563 = vector.broadcast %jit3A_562 : i32 to vector<16xi32>
        %select_n3A_564 = arith.select %eq3A_561, %gather3A_560, %broadcast_in_dim3A_563 : vector<16xi1>, vector<16xi32>
        %or3A_565 = arith.ori %or3A_540, %select_n3A_564 : vector<16xi32>
        %lt3A_566 = arith.constant 0 : i32
        %lt3A_567 = vector.broadcast %lt3A_566 : i32 to vector<16xi32>
        %lt3A_568 = arith.cmpi slt, %max3A_59, %lt3A_567 : vector<16xi32>
        %add3A_569 = arith.constant 16 : i32
        %add3A_570 = vector.broadcast %add3A_569 : i32 to vector<16xi32>
        %add3A_571 = arith.addi %max3A_59, %add3A_570 : vector<16xi32>
        %select_n3A_572 = arith.select %lt3A_568, %add3A_571, %max3A_59 : vector<16xi1>, vector<16xi32>
        %broadcast_in_dim3A_573 = vector.shape_cast %select_n3A_572 : vector<16xi32> to vector<16x1xi32>
        %gather3A_574 = vector.shape_cast %broadcast_in_dim3A_573 : vector<16x1xi32> to vector<16xi32>
        %gather3A_575 = tpu.dynamic_gather %max3A_345[%gather3A_574] in [0] : vector<16xi32>, vector<16xi32> -> vector<16xi32>
        %lt3A_576 = arith.constant 0 : i32
        %lt3A_577 = vector.broadcast %lt3A_576 : i32 to vector<16xi32>
        %lt3A_578 = arith.cmpi slt, %max3A_59, %lt3A_577 : vector<16xi32>
        %add3A_579 = arith.constant 16 : i32
        %add3A_580 = vector.broadcast %add3A_579 : i32 to vector<16xi32>
        %add3A_581 = arith.addi %max3A_59, %add3A_580 : vector<16xi32>
        %select_n3A_582 = arith.select %lt3A_578, %add3A_581, %max3A_59 : vector<16xi1>, vector<16xi32>
        %broadcast_in_dim3A_583 = vector.shape_cast %select_n3A_582 : vector<16xi32> to vector<16x1xi32>
        %gather3A_584 = vector.shape_cast %broadcast_in_dim3A_583 : vector<16x1xi32> to vector<16xi32>
        %gather3A_585 = tpu.dynamic_gather %or3A_565[%gather3A_584] in [0] : vector<16xi32>, vector<16xi32> -> vector<16xi32>
        %eq3A_586 = arith.cmpi eq, %gather3A_575, %max3A_345 : vector<16xi32>
        %jit3A_587 = arith.constant 0 : i32
        %broadcast_in_dim3A_588 = vector.broadcast %jit3A_587 : i32 to vector<16xi32>
        %select_n3A_589 = arith.select %eq3A_586, %gather3A_585, %broadcast_in_dim3A_588 : vector<16xi1>, vector<16xi32>
        %or3A_590 = arith.ori %or3A_565, %select_n3A_589 : vector<16xi32>
        %lt3A_591 = arith.constant 0 : i32
        %lt3A_592 = vector.broadcast %lt3A_591 : i32 to vector<16xi32>
        %lt3A_593 = arith.cmpi slt, %max3A_65, %lt3A_592 : vector<16xi32>
        %add3A_594 = arith.constant 16 : i32
        %add3A_595 = vector.broadcast %add3A_594 : i32 to vector<16xi32>
        %add3A_596 = arith.addi %max3A_65, %add3A_595 : vector<16xi32>
        %select_n3A_597 = arith.select %lt3A_593, %add3A_596, %max3A_65 : vector<16xi1>, vector<16xi32>
        %broadcast_in_dim3A_598 = vector.shape_cast %select_n3A_597 : vector<16xi32> to vector<16x1xi32>
        %gather3A_599 = vector.shape_cast %broadcast_in_dim3A_598 : vector<16x1xi32> to vector<16xi32>
        %gather3A_600 = tpu.dynamic_gather %max3A_345[%gather3A_599] in [0] : vector<16xi32>, vector<16xi32> -> vector<16xi32>
        %lt3A_601 = arith.constant 0 : i32
        %lt3A_602 = vector.broadcast %lt3A_601 : i32 to vector<16xi32>
        %lt3A_603 = arith.cmpi slt, %max3A_65, %lt3A_602 : vector<16xi32>
        %add3A_604 = arith.constant 16 : i32
        %add3A_605 = vector.broadcast %add3A_604 : i32 to vector<16xi32>
        %add3A_606 = arith.addi %max3A_65, %add3A_605 : vector<16xi32>
        %select_n3A_607 = arith.select %lt3A_603, %add3A_606, %max3A_65 : vector<16xi1>, vector<16xi32>
        %broadcast_in_dim3A_608 = vector.shape_cast %select_n3A_607 : vector<16xi32> to vector<16x1xi32>
        %gather3A_609 = vector.shape_cast %broadcast_in_dim3A_608 : vector<16x1xi32> to vector<16xi32>
        %gather3A_610 = tpu.dynamic_gather %or3A_590[%gather3A_609] in [0] : vector<16xi32>, vector<16xi32> -> vector<16xi32>
        %eq3A_611 = arith.cmpi eq, %gather3A_600, %max3A_345 : vector<16xi32>
        %jit3A_612 = arith.constant 0 : i32
        %broadcast_in_dim3A_613 = vector.broadcast %jit3A_612 : i32 to vector<16xi32>
        %select_n3A_614 = arith.select %eq3A_611, %gather3A_610, %broadcast_in_dim3A_613 : vector<16xi1>, vector<16xi32>
        %or3A_615 = arith.ori %or3A_590, %select_n3A_614 : vector<16xi32>
        %slice3A_616 = vector.extract_strided_slice %max3A_345 {offsets = [15], sizes = [1], strides = [1]} : vector<16xi32> to vector<1xi32>
        %squeeze3A_617 = vector.extract %slice3A_616[0] : i32 from vector<1xi32>
        %slice3A_618 = vector.extract_strided_slice %or3A_615 {offsets = [15], sizes = [1], strides = [1]} : vector<16xi32> to vector<1xi32>
        %squeeze3A_619 = vector.extract %slice3A_618[0] : i32 from vector<1xi32>
        %eq3A_620 = vector.broadcast %squeeze3A_617 : i32 to vector<16xi32>
        %eq3A_621 = arith.cmpi eq, %max3A_355, %eq3A_620 : vector<16xi32>
        %jit3A_622 = arith.constant 0 : i32
        %broadcast_in_dim3A_623 = vector.broadcast %squeeze3A_619 : i32 to vector<16xi32>
        %broadcast_in_dim3A_624 = vector.broadcast %jit3A_622 : i32 to vector<16xi32>
        %select_n3A_625 = arith.select %eq3A_621, %broadcast_in_dim3A_623, %broadcast_in_dim3A_624 : vector<16xi1>, vector<16xi32>
        %or3A_626 = arith.ori %select_n3A_279, %select_n3A_625 : vector<16xi32>
        %lt3A_627 = arith.constant 0 : i32
        %lt3A_628 = vector.broadcast %lt3A_627 : i32 to vector<16xi32>
        %lt3A_629 = arith.cmpi slt, %max3A_47, %lt3A_628 : vector<16xi32>
        %add3A_630 = arith.constant 16 : i32
        %add3A_631 = vector.broadcast %add3A_630 : i32 to vector<16xi32>
        %add3A_632 = arith.addi %max3A_47, %add3A_631 : vector<16xi32>
        %select_n3A_633 = arith.select %lt3A_629, %add3A_632, %max3A_47 : vector<16xi1>, vector<16xi32>
        %broadcast_in_dim3A_634 = vector.shape_cast %select_n3A_633 : vector<16xi32> to vector<16x1xi32>
        %gather3A_635 = vector.shape_cast %broadcast_in_dim3A_634 : vector<16x1xi32> to vector<16xi32>
        %gather3A_636 = tpu.dynamic_gather %max3A_355[%gather3A_635] in [0] : vector<16xi32>, vector<16xi32> -> vector<16xi32>
        %lt3A_637 = arith.constant 0 : i32
        %lt3A_638 = vector.broadcast %lt3A_637 : i32 to vector<16xi32>
        %lt3A_639 = arith.cmpi slt, %max3A_47, %lt3A_638 : vector<16xi32>
        %add3A_640 = arith.constant 16 : i32
        %add3A_641 = vector.broadcast %add3A_640 : i32 to vector<16xi32>
        %add3A_642 = arith.addi %max3A_47, %add3A_641 : vector<16xi32>
        %select_n3A_643 = arith.select %lt3A_639, %add3A_642, %max3A_47 : vector<16xi1>, vector<16xi32>
        %broadcast_in_dim3A_644 = vector.shape_cast %select_n3A_643 : vector<16xi32> to vector<16x1xi32>
        %gather3A_645 = vector.shape_cast %broadcast_in_dim3A_644 : vector<16x1xi32> to vector<16xi32>
        %gather3A_646 = tpu.dynamic_gather %or3A_626[%gather3A_645] in [0] : vector<16xi32>, vector<16xi32> -> vector<16xi32>
        %eq3A_647 = arith.cmpi eq, %gather3A_636, %max3A_355 : vector<16xi32>
        %jit3A_648 = arith.constant 0 : i32
        %broadcast_in_dim3A_649 = vector.broadcast %jit3A_648 : i32 to vector<16xi32>
        %select_n3A_650 = arith.select %eq3A_647, %gather3A_646, %broadcast_in_dim3A_649 : vector<16xi1>, vector<16xi32>
        %or3A_651 = arith.ori %or3A_626, %select_n3A_650 : vector<16xi32>
        %lt3A_652 = arith.constant 0 : i32
        %lt3A_653 = vector.broadcast %lt3A_652 : i32 to vector<16xi32>
        %lt3A_654 = arith.cmpi slt, %max3A_53, %lt3A_653 : vector<16xi32>
        %add3A_655 = arith.constant 16 : i32
        %add3A_656 = vector.broadcast %add3A_655 : i32 to vector<16xi32>
        %add3A_657 = arith.addi %max3A_53, %add3A_656 : vector<16xi32>
        %select_n3A_658 = arith.select %lt3A_654, %add3A_657, %max3A_53 : vector<16xi1>, vector<16xi32>
        %broadcast_in_dim3A_659 = vector.shape_cast %select_n3A_658 : vector<16xi32> to vector<16x1xi32>
        %gather3A_660 = vector.shape_cast %broadcast_in_dim3A_659 : vector<16x1xi32> to vector<16xi32>
        %gather3A_661 = tpu.dynamic_gather %max3A_355[%gather3A_660] in [0] : vector<16xi32>, vector<16xi32> -> vector<16xi32>
        %lt3A_662 = arith.constant 0 : i32
        %lt3A_663 = vector.broadcast %lt3A_662 : i32 to vector<16xi32>
        %lt3A_664 = arith.cmpi slt, %max3A_53, %lt3A_663 : vector<16xi32>
        %add3A_665 = arith.constant 16 : i32
        %add3A_666 = vector.broadcast %add3A_665 : i32 to vector<16xi32>
        %add3A_667 = arith.addi %max3A_53, %add3A_666 : vector<16xi32>
        %select_n3A_668 = arith.select %lt3A_664, %add3A_667, %max3A_53 : vector<16xi1>, vector<16xi32>
        %broadcast_in_dim3A_669 = vector.shape_cast %select_n3A_668 : vector<16xi32> to vector<16x1xi32>
        %gather3A_670 = vector.shape_cast %broadcast_in_dim3A_669 : vector<16x1xi32> to vector<16xi32>
        %gather3A_671 = tpu.dynamic_gather %or3A_651[%gather3A_670] in [0] : vector<16xi32>, vector<16xi32> -> vector<16xi32>
        %eq3A_672 = arith.cmpi eq, %gather3A_661, %max3A_355 : vector<16xi32>
        %jit3A_673 = arith.constant 0 : i32
        %broadcast_in_dim3A_674 = vector.broadcast %jit3A_673 : i32 to vector<16xi32>
        %select_n3A_675 = arith.select %eq3A_672, %gather3A_671, %broadcast_in_dim3A_674 : vector<16xi1>, vector<16xi32>
        %or3A_676 = arith.ori %or3A_651, %select_n3A_675 : vector<16xi32>
        %lt3A_677 = arith.constant 0 : i32
        %lt3A_678 = vector.broadcast %lt3A_677 : i32 to vector<16xi32>
        %lt3A_679 = arith.cmpi slt, %max3A_59, %lt3A_678 : vector<16xi32>
        %add3A_680 = arith.constant 16 : i32
        %add3A_681 = vector.broadcast %add3A_680 : i32 to vector<16xi32>
        %add3A_682 = arith.addi %max3A_59, %add3A_681 : vector<16xi32>
        %select_n3A_683 = arith.select %lt3A_679, %add3A_682, %max3A_59 : vector<16xi1>, vector<16xi32>
        %broadcast_in_dim3A_684 = vector.shape_cast %select_n3A_683 : vector<16xi32> to vector<16x1xi32>
        %gather3A_685 = vector.shape_cast %broadcast_in_dim3A_684 : vector<16x1xi32> to vector<16xi32>
        %gather3A_686 = tpu.dynamic_gather %max3A_355[%gather3A_685] in [0] : vector<16xi32>, vector<16xi32> -> vector<16xi32>
        %lt3A_687 = arith.constant 0 : i32
        %lt3A_688 = vector.broadcast %lt3A_687 : i32 to vector<16xi32>
        %lt3A_689 = arith.cmpi slt, %max3A_59, %lt3A_688 : vector<16xi32>
        %add3A_690 = arith.constant 16 : i32
        %add3A_691 = vector.broadcast %add3A_690 : i32 to vector<16xi32>
        %add3A_692 = arith.addi %max3A_59, %add3A_691 : vector<16xi32>
        %select_n3A_693 = arith.select %lt3A_689, %add3A_692, %max3A_59 : vector<16xi1>, vector<16xi32>
        %broadcast_in_dim3A_694 = vector.shape_cast %select_n3A_693 : vector<16xi32> to vector<16x1xi32>
        %gather3A_695 = vector.shape_cast %broadcast_in_dim3A_694 : vector<16x1xi32> to vector<16xi32>
        %gather3A_696 = tpu.dynamic_gather %or3A_676[%gather3A_695] in [0] : vector<16xi32>, vector<16xi32> -> vector<16xi32>
        %eq3A_697 = arith.cmpi eq, %gather3A_686, %max3A_355 : vector<16xi32>
        %jit3A_698 = arith.constant 0 : i32
        %broadcast_in_dim3A_699 = vector.broadcast %jit3A_698 : i32 to vector<16xi32>
        %select_n3A_700 = arith.select %eq3A_697, %gather3A_696, %broadcast_in_dim3A_699 : vector<16xi1>, vector<16xi32>
        %or3A_701 = arith.ori %or3A_676, %select_n3A_700 : vector<16xi32>
        %lt3A_702 = arith.constant 0 : i32
        %lt3A_703 = vector.broadcast %lt3A_702 : i32 to vector<16xi32>
        %lt3A_704 = arith.cmpi slt, %max3A_65, %lt3A_703 : vector<16xi32>
        %add3A_705 = arith.constant 16 : i32
        %add3A_706 = vector.broadcast %add3A_705 : i32 to vector<16xi32>
        %add3A_707 = arith.addi %max3A_65, %add3A_706 : vector<16xi32>
        %select_n3A_708 = arith.select %lt3A_704, %add3A_707, %max3A_65 : vector<16xi1>, vector<16xi32>
        %broadcast_in_dim3A_709 = vector.shape_cast %select_n3A_708 : vector<16xi32> to vector<16x1xi32>
        %gather3A_710 = vector.shape_cast %broadcast_in_dim3A_709 : vector<16x1xi32> to vector<16xi32>
        %gather3A_711 = tpu.dynamic_gather %max3A_355[%gather3A_710] in [0] : vector<16xi32>, vector<16xi32> -> vector<16xi32>
        %lt3A_712 = arith.constant 0 : i32
        %lt3A_713 = vector.broadcast %lt3A_712 : i32 to vector<16xi32>
        %lt3A_714 = arith.cmpi slt, %max3A_65, %lt3A_713 : vector<16xi32>
        %add3A_715 = arith.constant 16 : i32
        %add3A_716 = vector.broadcast %add3A_715 : i32 to vector<16xi32>
        %add3A_717 = arith.addi %max3A_65, %add3A_716 : vector<16xi32>
        %select_n3A_718 = arith.select %lt3A_714, %add3A_717, %max3A_65 : vector<16xi1>, vector<16xi32>
        %broadcast_in_dim3A_719 = vector.shape_cast %select_n3A_718 : vector<16xi32> to vector<16x1xi32>
        %gather3A_720 = vector.shape_cast %broadcast_in_dim3A_719 : vector<16x1xi32> to vector<16xi32>
        %gather3A_721 = tpu.dynamic_gather %or3A_701[%gather3A_720] in [0] : vector<16xi32>, vector<16xi32> -> vector<16xi32>
        %eq3A_722 = arith.cmpi eq, %gather3A_711, %max3A_355 : vector<16xi32>
        %jit3A_723 = arith.constant 0 : i32
        %broadcast_in_dim3A_724 = vector.broadcast %jit3A_723 : i32 to vector<16xi32>
        %select_n3A_725 = arith.select %eq3A_722, %gather3A_721, %broadcast_in_dim3A_724 : vector<16xi1>, vector<16xi32>
        %or3A_726 = arith.ori %or3A_701, %select_n3A_725 : vector<16xi32>
        %slice3A_727 = vector.extract_strided_slice %max3A_355 {offsets = [15], sizes = [1], strides = [1]} : vector<16xi32> to vector<1xi32>
        %squeeze3A_728 = vector.extract %slice3A_727[0] : i32 from vector<1xi32>
        %slice3A_729 = vector.extract_strided_slice %or3A_726 {offsets = [15], sizes = [1], strides = [1]} : vector<16xi32> to vector<1xi32>
        %squeeze3A_730 = vector.extract %slice3A_729[0] : i32 from vector<1xi32>
        %eq3A_731 = vector.broadcast %squeeze3A_728 : i32 to vector<16xi32>
        %eq3A_732 = arith.cmpi eq, %max3A_365, %eq3A_731 : vector<16xi32>
        %jit3A_733 = arith.constant 0 : i32
        %broadcast_in_dim3A_734 = vector.broadcast %squeeze3A_730 : i32 to vector<16xi32>
        %broadcast_in_dim3A_735 = vector.broadcast %jit3A_733 : i32 to vector<16xi32>
        %select_n3A_736 = arith.select %eq3A_732, %broadcast_in_dim3A_734, %broadcast_in_dim3A_735 : vector<16xi1>, vector<16xi32>
        %or3A_737 = arith.ori %select_n3A_316, %select_n3A_736 : vector<16xi32>
        %lt3A_738 = arith.constant 0 : i32
        %lt3A_739 = vector.broadcast %lt3A_738 : i32 to vector<16xi32>
        %lt3A_740 = arith.cmpi slt, %max3A_47, %lt3A_739 : vector<16xi32>
        %add3A_741 = arith.constant 16 : i32
        %add3A_742 = vector.broadcast %add3A_741 : i32 to vector<16xi32>
        %add3A_743 = arith.addi %max3A_47, %add3A_742 : vector<16xi32>
        %select_n3A_744 = arith.select %lt3A_740, %add3A_743, %max3A_47 : vector<16xi1>, vector<16xi32>
        %broadcast_in_dim3A_745 = vector.shape_cast %select_n3A_744 : vector<16xi32> to vector<16x1xi32>
        %gather3A_746 = vector.shape_cast %broadcast_in_dim3A_745 : vector<16x1xi32> to vector<16xi32>
        %gather3A_747 = tpu.dynamic_gather %max3A_365[%gather3A_746] in [0] : vector<16xi32>, vector<16xi32> -> vector<16xi32>
        %lt3A_748 = arith.constant 0 : i32
        %lt3A_749 = vector.broadcast %lt3A_748 : i32 to vector<16xi32>
        %lt3A_750 = arith.cmpi slt, %max3A_47, %lt3A_749 : vector<16xi32>
        %add3A_751 = arith.constant 16 : i32
        %add3A_752 = vector.broadcast %add3A_751 : i32 to vector<16xi32>
        %add3A_753 = arith.addi %max3A_47, %add3A_752 : vector<16xi32>
        %select_n3A_754 = arith.select %lt3A_750, %add3A_753, %max3A_47 : vector<16xi1>, vector<16xi32>
        %broadcast_in_dim3A_755 = vector.shape_cast %select_n3A_754 : vector<16xi32> to vector<16x1xi32>
        %gather3A_756 = vector.shape_cast %broadcast_in_dim3A_755 : vector<16x1xi32> to vector<16xi32>
        %gather3A_757 = tpu.dynamic_gather %or3A_737[%gather3A_756] in [0] : vector<16xi32>, vector<16xi32> -> vector<16xi32>
        %eq3A_758 = arith.cmpi eq, %gather3A_747, %max3A_365 : vector<16xi32>
        %jit3A_759 = arith.constant 0 : i32
        %broadcast_in_dim3A_760 = vector.broadcast %jit3A_759 : i32 to vector<16xi32>
        %select_n3A_761 = arith.select %eq3A_758, %gather3A_757, %broadcast_in_dim3A_760 : vector<16xi1>, vector<16xi32>
        %or3A_762 = arith.ori %or3A_737, %select_n3A_761 : vector<16xi32>
        %lt3A_763 = arith.constant 0 : i32
        %lt3A_764 = vector.broadcast %lt3A_763 : i32 to vector<16xi32>
        %lt3A_765 = arith.cmpi slt, %max3A_53, %lt3A_764 : vector<16xi32>
        %add3A_766 = arith.constant 16 : i32
        %add3A_767 = vector.broadcast %add3A_766 : i32 to vector<16xi32>
        %add3A_768 = arith.addi %max3A_53, %add3A_767 : vector<16xi32>
        %select_n3A_769 = arith.select %lt3A_765, %add3A_768, %max3A_53 : vector<16xi1>, vector<16xi32>
        %broadcast_in_dim3A_770 = vector.shape_cast %select_n3A_769 : vector<16xi32> to vector<16x1xi32>
        %gather3A_771 = vector.shape_cast %broadcast_in_dim3A_770 : vector<16x1xi32> to vector<16xi32>
        %gather3A_772 = tpu.dynamic_gather %max3A_365[%gather3A_771] in [0] : vector<16xi32>, vector<16xi32> -> vector<16xi32>
        %lt3A_773 = arith.constant 0 : i32
        %lt3A_774 = vector.broadcast %lt3A_773 : i32 to vector<16xi32>
        %lt3A_775 = arith.cmpi slt, %max3A_53, %lt3A_774 : vector<16xi32>
        %add3A_776 = arith.constant 16 : i32
        %add3A_777 = vector.broadcast %add3A_776 : i32 to vector<16xi32>
        %add3A_778 = arith.addi %max3A_53, %add3A_777 : vector<16xi32>
        %select_n3A_779 = arith.select %lt3A_775, %add3A_778, %max3A_53 : vector<16xi1>, vector<16xi32>
        %broadcast_in_dim3A_780 = vector.shape_cast %select_n3A_779 : vector<16xi32> to vector<16x1xi32>
        %gather3A_781 = vector.shape_cast %broadcast_in_dim3A_780 : vector<16x1xi32> to vector<16xi32>
        %gather3A_782 = tpu.dynamic_gather %or3A_762[%gather3A_781] in [0] : vector<16xi32>, vector<16xi32> -> vector<16xi32>
        %eq3A_783 = arith.cmpi eq, %gather3A_772, %max3A_365 : vector<16xi32>
        %jit3A_784 = arith.constant 0 : i32
        %broadcast_in_dim3A_785 = vector.broadcast %jit3A_784 : i32 to vector<16xi32>
        %select_n3A_786 = arith.select %eq3A_783, %gather3A_782, %broadcast_in_dim3A_785 : vector<16xi1>, vector<16xi32>
        %or3A_787 = arith.ori %or3A_762, %select_n3A_786 : vector<16xi32>
        %lt3A_788 = arith.constant 0 : i32
        %lt3A_789 = vector.broadcast %lt3A_788 : i32 to vector<16xi32>
        %lt3A_790 = arith.cmpi slt, %max3A_59, %lt3A_789 : vector<16xi32>
        %add3A_791 = arith.constant 16 : i32
        %add3A_792 = vector.broadcast %add3A_791 : i32 to vector<16xi32>
        %add3A_793 = arith.addi %max3A_59, %add3A_792 : vector<16xi32>
        %select_n3A_794 = arith.select %lt3A_790, %add3A_793, %max3A_59 : vector<16xi1>, vector<16xi32>
        %broadcast_in_dim3A_795 = vector.shape_cast %select_n3A_794 : vector<16xi32> to vector<16x1xi32>
        %gather3A_796 = vector.shape_cast %broadcast_in_dim3A_795 : vector<16x1xi32> to vector<16xi32>
        %gather3A_797 = tpu.dynamic_gather %max3A_365[%gather3A_796] in [0] : vector<16xi32>, vector<16xi32> -> vector<16xi32>
        %lt3A_798 = arith.constant 0 : i32
        %lt3A_799 = vector.broadcast %lt3A_798 : i32 to vector<16xi32>
        %lt3A_800 = arith.cmpi slt, %max3A_59, %lt3A_799 : vector<16xi32>
        %add3A_801 = arith.constant 16 : i32
        %add3A_802 = vector.broadcast %add3A_801 : i32 to vector<16xi32>
        %add3A_803 = arith.addi %max3A_59, %add3A_802 : vector<16xi32>
        %select_n3A_804 = arith.select %lt3A_800, %add3A_803, %max3A_59 : vector<16xi1>, vector<16xi32>
        %broadcast_in_dim3A_805 = vector.shape_cast %select_n3A_804 : vector<16xi32> to vector<16x1xi32>
        %gather3A_806 = vector.shape_cast %broadcast_in_dim3A_805 : vector<16x1xi32> to vector<16xi32>
        %gather3A_807 = tpu.dynamic_gather %or3A_787[%gather3A_806] in [0] : vector<16xi32>, vector<16xi32> -> vector<16xi32>
        %eq3A_808 = arith.cmpi eq, %gather3A_797, %max3A_365 : vector<16xi32>
        %jit3A_809 = arith.constant 0 : i32
        %broadcast_in_dim3A_810 = vector.broadcast %jit3A_809 : i32 to vector<16xi32>
        %select_n3A_811 = arith.select %eq3A_808, %gather3A_807, %broadcast_in_dim3A_810 : vector<16xi1>, vector<16xi32>
        %or3A_812 = arith.ori %or3A_787, %select_n3A_811 : vector<16xi32>
        %lt3A_813 = arith.constant 0 : i32
        %lt3A_814 = vector.broadcast %lt3A_813 : i32 to vector<16xi32>
        %lt3A_815 = arith.cmpi slt, %max3A_65, %lt3A_814 : vector<16xi32>
        %add3A_816 = arith.constant 16 : i32
        %add3A_817 = vector.broadcast %add3A_816 : i32 to vector<16xi32>
        %add3A_818 = arith.addi %max3A_65, %add3A_817 : vector<16xi32>
        %select_n3A_819 = arith.select %lt3A_815, %add3A_818, %max3A_65 : vector<16xi1>, vector<16xi32>
        %broadcast_in_dim3A_820 = vector.shape_cast %select_n3A_819 : vector<16xi32> to vector<16x1xi32>
        %gather3A_821 = vector.shape_cast %broadcast_in_dim3A_820 : vector<16x1xi32> to vector<16xi32>
        %gather3A_822 = tpu.dynamic_gather %max3A_365[%gather3A_821] in [0] : vector<16xi32>, vector<16xi32> -> vector<16xi32>
        %lt3A_823 = arith.constant 0 : i32
        %lt3A_824 = vector.broadcast %lt3A_823 : i32 to vector<16xi32>
        %lt3A_825 = arith.cmpi slt, %max3A_65, %lt3A_824 : vector<16xi32>
        %add3A_826 = arith.constant 16 : i32
        %add3A_827 = vector.broadcast %add3A_826 : i32 to vector<16xi32>
        %add3A_828 = arith.addi %max3A_65, %add3A_827 : vector<16xi32>
        %select_n3A_829 = arith.select %lt3A_825, %add3A_828, %max3A_65 : vector<16xi1>, vector<16xi32>
        %broadcast_in_dim3A_830 = vector.shape_cast %select_n3A_829 : vector<16xi32> to vector<16x1xi32>
        %gather3A_831 = vector.shape_cast %broadcast_in_dim3A_830 : vector<16x1xi32> to vector<16xi32>
        %gather3A_832 = tpu.dynamic_gather %or3A_812[%gather3A_831] in [0] : vector<16xi32>, vector<16xi32> -> vector<16xi32>
        %eq3A_833 = arith.cmpi eq, %gather3A_822, %max3A_365 : vector<16xi32>
        %jit3A_834 = arith.constant 0 : i32
        %broadcast_in_dim3A_835 = vector.broadcast %jit3A_834 : i32 to vector<16xi32>
        %select_n3A_836 = arith.select %eq3A_833, %gather3A_832, %broadcast_in_dim3A_835 : vector<16xi1>, vector<16xi32>
        %or3A_837 = arith.ori %or3A_812, %select_n3A_836 : vector<16xi32>
        %slice3A_838 = vector.extract_strided_slice %max3A_365 {offsets = [15], sizes = [1], strides = [1]} : vector<16xi32> to vector<1xi32>
        %squeeze3A_839 = vector.extract %slice3A_838[0] : i32 from vector<1xi32>
        %slice3A_840 = vector.extract_strided_slice %or3A_837 {offsets = [15], sizes = [1], strides = [1]} : vector<16xi32> to vector<1xi32>
        %squeeze3A_841 = vector.extract %slice3A_840[0] : i32 from vector<1xi32>
        tpu.vector_store_idx %arg10[%max3A_335], %or3A_504 masked %eq3A_374 : memref<6256xi32, #tpu.memory_space<vmem>>[vector<16xi32>], vector<16xi32>, vector<16xi1>
        tpu.vector_store_idx %arg10[%max3A_345], %or3A_615 masked %eq3A_382 : memref<6256xi32, #tpu.memory_space<vmem>>[vector<16xi32>], vector<16xi32>, vector<16xi1>
        tpu.vector_store_idx %arg10[%max3A_355], %or3A_726 masked %eq3A_390 : memref<6256xi32, #tpu.memory_space<vmem>>[vector<16xi32>], vector<16xi32>, vector<16xi1>
        tpu.vector_store_idx %arg10[%max3A_365], %or3A_837 masked %eq3A_398 : memref<6256xi32, #tpu.memory_space<vmem>>[vector<16xi32>], vector<16xi32>, vector<16xi1>
        scf.yield %squeeze3A_839, %squeeze3A_841, %squeeze3A_367 : i32, i32, i32
      }
      %scan3A_178 = arith.constant 128 : i32
      scf.yield %scan3A_177#0, %scan3A_177#1, %scan3A_177#2, %while3A_172#0 : i32, i32, i32, i32
    }
    %while3A_110 = arith.constant 1 : i32
    %while3A_111:4 = scf.for %while3A_121 = %while3A_107 to %while3A_103 step %while3A_110 iter_args(%while3A_122 = %while3A_109#0, %while3A_123 = %while3A_109#1, %while3A_124 = %while3A_109#2, %while3A_125 = %while3A_109#3) -> (i32, i32, i32, i32)  : i32 {
      %mul3A_126 = arith.constant 2 : i32
      %mul3A_127 = arith.muli %mul3A_126, %while3A_121 : i32
      %add3A_128 = arith.constant 1 : i32
      %add3A_129 = arith.addi %mul3A_127, %add3A_128 : i32
      %add3A_130 = arith.constant 2 : i32
      %add3A_131 = arith.addi %mul3A_127, %add3A_130 : i32
      %dma_wait3A = arith.constant 0 : i32
      %dma_wait3A_132 = arith.constant 0 : i32
      %dma_wait3A_133 = tpu.memref_slice %arg2[%dma_wait3A, %dma_wait3A_132] : memref<2x1000000xf32, #tpu.memory_space<hbm>> -> memref<1x8192xf32, #tpu.memory_space<hbm>>
      %dma_wait3A_134 = tpu.memref_squeeze %dma_wait3A_133 : memref<1x8192xf32, #tpu.memory_space<hbm>> -> memref<8192xf32, #tpu.memory_space<hbm>>
      %dma_wait3A_135 = arith.constant 0 : i32
      %dma_wait3A_136 = tpu.memref_slice %arg2[%dma_wait3A, %dma_wait3A_135] : memref<2x1000000xf32, #tpu.memory_space<hbm>> -> memref<1x8192xf32, #tpu.memory_space<hbm>>
      %dma_wait3A_137 = tpu.memref_squeeze %dma_wait3A_136 : memref<1x8192xf32, #tpu.memory_space<hbm>> -> memref<8192xf32, #tpu.memory_space<hbm>>
      tpu.wait_dma2 semaphore(%arg16 : memref<!tpu.dma_semaphore, #tpu.memory_space<semaphore_mem>>) src(%dma_wait3A_137 : memref<8192xf32, #tpu.memory_space<hbm>>) dst(%arg12 : memref<8192xf32, #tpu.memory_space<vmem>>)
      %lt3A = arith.cmpi slt, %add3A_129, %div3A_25 : i32
      %convert_element_type3A_138 = arith.extui %lt3A : i1 to i32
      %cond3A_139 = arith.constant 0 : i32
      %cond3A_140 = arith.cmpi ne, %convert_element_type3A_138, %cond3A_139 : i32
      scf.if %cond3A_140 {
        %mul3A_179 = arith.constant 8192 : i32
        %mul3A_180 = arith.muli %add3A_129, %mul3A_179 : i32
        %add3A_181 = arith.addi %multiple_of3A_19, %mul3A_180 : i32
        %min3A_182 = arith.constant 991808 : i32
        %min3A_183 = arith.minsi %add3A_181, %min3A_182 : i32
        %multiple_of3A_184 = tpu.assume_multiple %min3A_183, 8 : i32
        "tpu.region"() ({
          %run_scoped3A = tpu.sem_alloc : memref<!tpu.dma_semaphore, #tpu.memory_space<semaphore_mem>>
          %dma_start3A_186 = tpu.memref_slice %arg3[%multiple_of3A_184] : memref<1000000xi32, #tpu.memory_space<hbm>> -> memref<8192xi32, #tpu.memory_space<hbm>>
          %dma_start3A_187 = tpu.memref_slice %arg3[%multiple_of3A_184] : memref<1000000xi32, #tpu.memory_space<hbm>> -> memref<8192xi32, #tpu.memory_space<hbm>>
          tpu.enqueue_dma source(%dma_start3A_187 : memref<8192xi32, #tpu.memory_space<hbm>>) target(%arg9 : memref<8192xi32, #tpu.memory_space<vmem>>) target_semaphore(%run_scoped3A : memref<!tpu.dma_semaphore, #tpu.memory_space<semaphore_mem>>)
          %dma_wait3A_188 = tpu.memref_slice %arg3[%multiple_of3A_184] : memref<1000000xi32, #tpu.memory_space<hbm>> -> memref<8192xi32, #tpu.memory_space<hbm>>
          %dma_wait3A_189 = tpu.memref_slice %arg3[%multiple_of3A_184] : memref<1000000xi32, #tpu.memory_space<hbm>> -> memref<8192xi32, #tpu.memory_space<hbm>>
          tpu.wait_dma2 semaphore(%run_scoped3A : memref<!tpu.dma_semaphore, #tpu.memory_space<semaphore_mem>>) src(%dma_wait3A_189 : memref<8192xi32, #tpu.memory_space<hbm>>) dst(%arg9 : memref<8192xi32, #tpu.memory_space<vmem>>)
          tpu.yield
        }) : () -> ()
        %dma_start3A = arith.constant 0 : i32
        %dma_start3A_185 = tpu.memref_slice %arg18[%dma_start3A] : memref<1000000xf32, #tpu.memory_space<vmem_shared>> -> memref<1000000xf32, #tpu.memory_space<vmem_shared>>
        tpu.enqueue_indirect_dma source(%dma_start3A_185 : memref<1000000xf32, #tpu.memory_space<vmem_shared>>) target(%arg13 : memref<8192xf32, #tpu.memory_space<vmem>>) offsets(%arg9 : memref<8192xi32, #tpu.memory_space<vmem>>) semaphore(%arg17 : memref<!tpu.dma_semaphore, #tpu.memory_space<semaphore_mem>>)
      } else {
      }
      %mul3A_141 = arith.constant 8192 : i32
      %mul3A_142 = arith.muli %mul3A_127, %mul3A_141 : i32
      %add3A_143 = arith.addi %multiple_of3A_19, %mul3A_142 : i32
      %min3A_144 = arith.constant 991808 : i32
      %min3A_145 = arith.minsi %add3A_143, %min3A_144 : i32
      %multiple_of3A_146 = tpu.assume_multiple %min3A_145, 8 : i32
      %max3A_147 = arith.maxsi %squeeze3A, %add3A_143 : i32
      %while3A_148 = arith.constant 16 : i32
      %while3A_149:2 = scf.while (%while3A_179 = %while3A_125, %while3A_180 = %while3A_148) : (i32, i32) -> (i32, i32) {
        %eq3A_181 = arith.constant 16 : i32
        %eq3A_182 = arith.cmpi eq, %while3A_180, %eq3A_181 : i32
        scf.condition(%eq3A_182) %while3A_179, %while3A_180 : i32, i32
      } do {
      ^bb0(%while3A_179: i32, %while3A_180: i32):
        %get3A_181 = arith.index_cast %while3A_179 : i32 to index
        %get3A_182 = tpu.vector_load %arg15[%get3A_181] {strides = array<i32>} : memref<6272xi32, #tpu.memory_space<vmem>>, vector<16xi32>,
        %sub3A_183 = vector.broadcast %multiple_of3A_146 : i32 to vector<16xi32>
        %sub3A_184 = arith.subi %get3A_182, %sub3A_183 : vector<16xi32>
        %ge3A = arith.constant 0 : i32
        %ge3A_185 = vector.broadcast %ge3A : i32 to vector<16xi32>
        %ge3A_186 = arith.cmpi sge, %sub3A_184, %ge3A_185 : vector<16xi32>
        %lt3A_187 = arith.constant 8192 : i32
        %lt3A_188 = vector.broadcast %lt3A_187 : i32 to vector<16xi32>
        %lt3A_189 = arith.cmpi slt, %sub3A_184, %lt3A_188 : vector<16xi32>
        %and3A_190 = arith.andi %ge3A_186, %lt3A_189 : vector<16xi1>
        %add3A_191 = vector.broadcast %while3A_179 : i32 to vector<16xi32>
        %add3A_192 = arith.addi %add3A_191, %iota3A : vector<16xi32>
        %le3A = arith.constant 6250 : i32
        %le3A_193 = vector.broadcast %le3A : i32 to vector<16xi32>
        %le3A_194 = arith.cmpi sle, %add3A_192, %le3A_193 : vector<16xi32>
        %and3A_195 = arith.andi %and3A_190, %le3A_194 : vector<16xi1>
        %add3A_196 = vector.broadcast %while3A_179 : i32 to vector<16xi32>
        %add3A_197 = arith.addi %add3A_196, %iota3A : vector<16xi32>
        %add3A_198 = arith.constant 1 : i32
        %add3A_199 = vector.broadcast %add3A_198 : i32 to vector<16xi32>
        %add3A_200 = arith.addi %add3A_197, %add3A_199 : vector<16xi32>
        %lt3A_201 = arith.constant 0 : i32
        %lt3A_202 = vector.broadcast %lt3A_201 : i32 to vector<16xi32>
        %lt3A_203 = arith.cmpi slt, %min3A_70, %lt3A_202 : vector<16xi32>
        %add3A_204 = arith.constant 16 : i32
        %add3A_205 = vector.broadcast %add3A_204 : i32 to vector<16xi32>
        %add3A_206 = arith.addi %min3A_70, %add3A_205 : vector<16xi32>
        %select_n3A_207 = arith.select %lt3A_203, %add3A_206, %min3A_70 : vector<16xi1>, vector<16xi32>
        %broadcast_in_dim3A_208 = vector.shape_cast %select_n3A_207 : vector<16xi32> to vector<16x1xi32>
        %gather3A = vector.shape_cast %broadcast_in_dim3A_208 : vector<16x1xi32> to vector<16xi32>
        %gather3A_209 = tpu.dynamic_gather %sub3A_184[%gather3A] in [0] : vector<16xi32>, vector<16xi32> -> vector<16xi32>
        %ne3A_210 = arith.cmpi ne, %sub3A_184, %gather3A_209 : vector<16xi32>
        %eq3A_211 = arith.constant 15 : i32
        %eq3A_212 = vector.broadcast %eq3A_211 : i32 to vector<16xi32>
        %eq3A_213 = arith.cmpi eq, %iota3A, %eq3A_212 : vector<16xi32>
        %or3A = arith.ori %ne3A_210, %eq3A_213 : vector<16xi1>
        %and3A_214 = arith.andi %or3A, %and3A_195 : vector<16xi1>
        %jit3A_215 = arith.constant 0 : i32
        %jit3A_216 = arith.constant 8191 : i32
        %max3A_217 = vector.broadcast %jit3A_215 : i32 to vector<16xi32>
        %max3A_218 = arith.maxsi %max3A_217, %sub3A_184 : vector<16xi32>
        %min3A_219 = vector.broadcast %jit3A_216 : i32 to vector<16xi32>
        %min3A_220 = arith.minsi %min3A_219, %max3A_218 : vector<16xi32>
        tpu.vector_store_idx %arg8[%min3A_220], %add3A_200 masked %and3A_214 : memref<8192xi32, #tpu.memory_space<vmem>>[vector<16xi32>], vector<16xi32>, vector<16xi1>
        %all_reduce_population_count3A = tpu.all_reduce %and3A_195 {dim = 0 : i64, kind = #tpu.reduction_kind<sum>} : vector<16xi1> -> vector<16xi32>
        %slice3A_221 = vector.extract_strided_slice %all_reduce_population_count3A {offsets = [0], sizes = [1], strides = [1]} : vector<16xi32> to vector<1xi32>
        %squeeze3A_222 = vector.extract %slice3A_221[0] : i32 from vector<1xi32>
        %add3A_223 = arith.addi %while3A_179, %squeeze3A_222 : i32
        scf.yield %add3A_223, %squeeze3A_222 : i32, i32
      }
      %scan3A_150 = arith.constant 0 : i32
      %scan3A_151 = arith.constant 128 : i32
      %scan3A_152 = arith.addi %scan3A_150, %scan3A_151 : i32
      %scan3A_153 = arith.constant 1 : i32
      %scan3A_154:3 = scf.for %scan3A_179 = %scan3A_150 to %scan3A_152 step %scan3A_153 iter_args(%scan3A_180 = %while3A_122, %scan3A_181 = %while3A_123, %scan3A_182 = %while3A_124) -> (i32, i32, i32)  : i32 {
        %mul3A_183 = arith.constant 64 : i32
        %mul3A_184 = arith.muli %scan3A_179, %mul3A_183 : i32
        %add3A_185 = arith.constant 0 : i32
        %add3A_186 = arith.addi %mul3A_184, %add3A_185 : i32
        %add3A_187 = arith.addi %multiple_of3A_146, %add3A_186 : i32
        %add3A_188 = vector.broadcast %add3A_187 : i32 to vector<16xi32>
        %add3A_189 = arith.addi %add3A_188, %iota3A : vector<16xi32>
        %get3A_190 = arith.index_cast %add3A_186 : i32 to index
        %get3A_191 = tpu.vector_load %arg12[%get3A_190] {strides = array<i32>} : memref<8192xf32, #tpu.memory_space<vmem>>, vector<16xf32>,
        %mul3A_192 = arith.constant 4.000000e+00 : f32
        %mul3A_193 = vector.broadcast %mul3A_192 : f32 to vector<16xf32>
        %mul3A_194 = arith.mulf %get3A_191, %mul3A_193 : vector<16xf32>
        %convert_element_type3A_195 = arith.fptosi %mul3A_194 : vector<16xf32> to vector<16xi32>
        %jit3A_196 = arith.constant 0 : i32
        %jit3A_197 = arith.constant 3 : i32
        %max3A_198 = vector.broadcast %jit3A_196 : i32 to vector<16xi32>
        %max3A_199 = arith.maxsi %max3A_198, %convert_element_type3A_195 : vector<16xi32>
        %min3A_200 = vector.broadcast %jit3A_197 : i32 to vector<16xi32>
        %min3A_201 = arith.minsi %min3A_200, %max3A_199 : vector<16xi32>
        %ge3A = vector.broadcast %max3A_147 : i32 to vector<16xi32>
        %ge3A_202 = arith.cmpi sge, %add3A_189, %ge3A : vector<16xi32>
        %lt3A_203 = vector.broadcast %squeeze3A_15 : i32 to vector<16xi32>
        %lt3A_204 = arith.cmpi slt, %add3A_189, %lt3A_203 : vector<16xi32>
        %and3A_205 = arith.andi %ge3A_202, %lt3A_204 : vector<16xi1>
        %shift_left3A = arith.shli %broadcast_in_dim3A_40, %min3A_201 : vector<16xi32>
        %select_n3A_206 = arith.select %and3A_205, %shift_left3A, %broadcast_in_dim3A_42 : vector<16xi1>, vector<16xi32>
        %get3A_207 = arith.index_cast %add3A_186 : i32 to index
        %get3A_208 = tpu.vector_load %arg8[%get3A_207] {strides = array<i32>} : memref<8192xi32, #tpu.memory_space<vmem>>, vector<16xi32>,
        %swap3A_209 = arith.index_cast %add3A_186 : i32 to index
        %swap3A_210 = tpu.vector_load %arg8[%swap3A_209] {strides = array<i32>} : memref<8192xi32, #tpu.memory_space<vmem>>, vector<16xi32>,
        tpu.vector_store %arg8[%swap3A_209], %broadcast_in_dim3A_42 {strides = array<i32>} : memref<8192xi32, #tpu.memory_space<vmem>>, vector<16xi32>,
        %broadcast_in_dim3A_211 = arith.constant true
        %broadcast_in_dim3A_212 = vector.broadcast %broadcast_in_dim3A_211 : i1 to vector<16xi1>
        %masked_cummax3A = arith.constant -2147483648 : i32
        %masked_cummax3A_213 = vector.broadcast %masked_cummax3A : i32 to vector<16xi32>
        %masked_cummax3A_214 = arith.xori %get3A_208, %masked_cummax3A_213 : vector<16xi32>
        %masked_cummax3A_215 = tpu.scan <max>, %masked_cummax3A_214 masked %broadcast_in_dim3A_212 : vector<16xi32>, vector<16xi1> -> vector<16xi32>
        %masked_cummax3A_216 = arith.xori %masked_cummax3A_215, %masked_cummax3A_213 : vector<16xi32>
        %mul3A_217 = arith.constant 64 : i32
        %mul3A_218 = arith.muli %scan3A_179, %mul3A_217 : i32
        %add3A_219 = arith.constant 16 : i32
        %add3A_220 = arith.addi %mul3A_218, %add3A_219 : i32
        %add3A_221 = arith.addi %multiple_of3A_146, %add3A_220 : i32
        %add3A_222 = vector.broadcast %add3A_221 : i32 to vector<16xi32>
        %add3A_223 = arith.addi %add3A_222, %iota3A : vector<16xi32>
        %get3A_224 = arith.index_cast %add3A_220 : i32 to index
        %get3A_225 = tpu.vector_load %arg12[%get3A_224] {strides = array<i32>} : memref<8192xf32, #tpu.memory_space<vmem>>, vector<16xf32>,
        %mul3A_226 = arith.constant 4.000000e+00 : f32
        %mul3A_227 = vector.broadcast %mul3A_226 : f32 to vector<16xf32>
        %mul3A_228 = arith.mulf %get3A_225, %mul3A_227 : vector<16xf32>
        %convert_element_type3A_229 = arith.fptosi %mul3A_228 : vector<16xf32> to vector<16xi32>
        %jit3A_230 = arith.constant 0 : i32
        %jit3A_231 = arith.constant 3 : i32
        %max3A_232 = vector.broadcast %jit3A_230 : i32 to vector<16xi32>
        %max3A_233 = arith.maxsi %max3A_232, %convert_element_type3A_229 : vector<16xi32>
        %min3A_234 = vector.broadcast %jit3A_231 : i32 to vector<16xi32>
        %min3A_235 = arith.minsi %min3A_234, %max3A_233 : vector<16xi32>
        %ge3A_236 = vector.broadcast %max3A_147 : i32 to vector<16xi32>
        %ge3A_237 = arith.cmpi sge, %add3A_223, %ge3A_236 : vector<16xi32>
        %lt3A_238 = vector.broadcast %squeeze3A_15 : i32 to vector<16xi32>
        %lt3A_239 = arith.cmpi slt, %add3A_223, %lt3A_238 : vector<16xi32>
        %and3A_240 = arith.andi %ge3A_237, %lt3A_239 : vector<16xi1>
        %shift_left3A_241 = arith.shli %broadcast_in_dim3A_40, %min3A_235 : vector<16xi32>
        %select_n3A_242 = arith.select %and3A_240, %shift_left3A_241, %broadcast_in_dim3A_42 : vector<16xi1>, vector<16xi32>
        %get3A_243 = arith.index_cast %add3A_220 : i32 to index
        %get3A_244 = tpu.vector_load %arg8[%get3A_243] {strides = array<i32>} : memref<8192xi32, #tpu.memory_space<vmem>>, vector<16xi32>,
        %swap3A_245 = arith.index_cast %add3A_220 : i32 to index
        %swap3A_246 = tpu.vector_load %arg8[%swap3A_245] {strides = array<i32>} : memref<8192xi32, #tpu.memory_space<vmem>>, vector<16xi32>,
        tpu.vector_store %arg8[%swap3A_245], %broadcast_in_dim3A_42 {strides = array<i32>} : memref<8192xi32, #tpu.memory_space<vmem>>, vector<16xi32>,
        %broadcast_in_dim3A_247 = arith.constant true
        %broadcast_in_dim3A_248 = vector.broadcast %broadcast_in_dim3A_247 : i1 to vector<16xi1>
        %masked_cummax3A_249 = arith.constant -2147483648 : i32
        %masked_cummax3A_250 = vector.broadcast %masked_cummax3A_249 : i32 to vector<16xi32>
        %masked_cummax3A_251 = arith.xori %get3A_244, %masked_cummax3A_250 : vector<16xi32>
        %masked_cummax3A_252 = tpu.scan <max>, %masked_cummax3A_251 masked %broadcast_in_dim3A_248 : vector<16xi32>, vector<16xi1> -> vector<16xi32>
        %masked_cummax3A_253 = arith.xori %masked_cummax3A_252, %masked_cummax3A_250 : vector<16xi32>
        %mul3A_254 = arith.constant 64 : i32
        %mul3A_255 = arith.muli %scan3A_179, %mul3A_254 : i32
        %add3A_256 = arith.constant 32 : i32
        %add3A_257 = arith.addi %mul3A_255, %add3A_256 : i32
        %add3A_258 = arith.addi %multiple_of3A_146, %add3A_257 : i32
        %add3A_259 = vector.broadcast %add3A_258 : i32 to vector<16xi32>
        %add3A_260 = arith.addi %add3A_259, %iota3A : vector<16xi32>
        %get3A_261 = arith.index_cast %add3A_257 : i32 to index
        %get3A_262 = tpu.vector_load %arg12[%get3A_261] {strides = array<i32>} : memref<8192xf32, #tpu.memory_space<vmem>>, vector<16xf32>,
        %mul3A_263 = arith.constant 4.000000e+00 : f32
        %mul3A_264 = vector.broadcast %mul3A_263 : f32 to vector<16xf32>
        %mul3A_265 = arith.mulf %get3A_262, %mul3A_264 : vector<16xf32>
        %convert_element_type3A_266 = arith.fptosi %mul3A_265 : vector<16xf32> to vector<16xi32>
        %jit3A_267 = arith.constant 0 : i32
        %jit3A_268 = arith.constant 3 : i32
        %max3A_269 = vector.broadcast %jit3A_267 : i32 to vector<16xi32>
        %max3A_270 = arith.maxsi %max3A_269, %convert_element_type3A_266 : vector<16xi32>
        %min3A_271 = vector.broadcast %jit3A_268 : i32 to vector<16xi32>
        %min3A_272 = arith.minsi %min3A_271, %max3A_270 : vector<16xi32>
        %ge3A_273 = vector.broadcast %max3A_147 : i32 to vector<16xi32>
        %ge3A_274 = arith.cmpi sge, %add3A_260, %ge3A_273 : vector<16xi32>
        %lt3A_275 = vector.broadcast %squeeze3A_15 : i32 to vector<16xi32>
        %lt3A_276 = arith.cmpi slt, %add3A_260, %lt3A_275 : vector<16xi32>
        %and3A_277 = arith.andi %ge3A_274, %lt3A_276 : vector<16xi1>
        %shift_left3A_278 = arith.shli %broadcast_in_dim3A_40, %min3A_272 : vector<16xi32>
        %select_n3A_279 = arith.select %and3A_277, %shift_left3A_278, %broadcast_in_dim3A_42 : vector<16xi1>, vector<16xi32>
        %get3A_280 = arith.index_cast %add3A_257 : i32 to index
        %get3A_281 = tpu.vector_load %arg8[%get3A_280] {strides = array<i32>} : memref<8192xi32, #tpu.memory_space<vmem>>, vector<16xi32>,
        %swap3A_282 = arith.index_cast %add3A_257 : i32 to index
        %swap3A_283 = tpu.vector_load %arg8[%swap3A_282] {strides = array<i32>} : memref<8192xi32, #tpu.memory_space<vmem>>, vector<16xi32>,
        tpu.vector_store %arg8[%swap3A_282], %broadcast_in_dim3A_42 {strides = array<i32>} : memref<8192xi32, #tpu.memory_space<vmem>>, vector<16xi32>,
        %broadcast_in_dim3A_284 = arith.constant true
        %broadcast_in_dim3A_285 = vector.broadcast %broadcast_in_dim3A_284 : i1 to vector<16xi1>
        %masked_cummax3A_286 = arith.constant -2147483648 : i32
        %masked_cummax3A_287 = vector.broadcast %masked_cummax3A_286 : i32 to vector<16xi32>
        %masked_cummax3A_288 = arith.xori %get3A_281, %masked_cummax3A_287 : vector<16xi32>
        %masked_cummax3A_289 = tpu.scan <max>, %masked_cummax3A_288 masked %broadcast_in_dim3A_285 : vector<16xi32>, vector<16xi1> -> vector<16xi32>
        %masked_cummax3A_290 = arith.xori %masked_cummax3A_289, %masked_cummax3A_287 : vector<16xi32>
        %mul3A_291 = arith.constant 64 : i32
        %mul3A_292 = arith.muli %scan3A_179, %mul3A_291 : i32
        %add3A_293 = arith.constant 48 : i32
        %add3A_294 = arith.addi %mul3A_292, %add3A_293 : i32
        %add3A_295 = arith.addi %multiple_of3A_146, %add3A_294 : i32
        %add3A_296 = vector.broadcast %add3A_295 : i32 to vector<16xi32>
        %add3A_297 = arith.addi %add3A_296, %iota3A : vector<16xi32>
        %get3A_298 = arith.index_cast %add3A_294 : i32 to index
        %get3A_299 = tpu.vector_load %arg12[%get3A_298] {strides = array<i32>} : memref<8192xf32, #tpu.memory_space<vmem>>, vector<16xf32>,
        %mul3A_300 = arith.constant 4.000000e+00 : f32
        %mul3A_301 = vector.broadcast %mul3A_300 : f32 to vector<16xf32>
        %mul3A_302 = arith.mulf %get3A_299, %mul3A_301 : vector<16xf32>
        %convert_element_type3A_303 = arith.fptosi %mul3A_302 : vector<16xf32> to vector<16xi32>
        %jit3A_304 = arith.constant 0 : i32
        %jit3A_305 = arith.constant 3 : i32
        %max3A_306 = vector.broadcast %jit3A_304 : i32 to vector<16xi32>
        %max3A_307 = arith.maxsi %max3A_306, %convert_element_type3A_303 : vector<16xi32>
        %min3A_308 = vector.broadcast %jit3A_305 : i32 to vector<16xi32>
        %min3A_309 = arith.minsi %min3A_308, %max3A_307 : vector<16xi32>
        %ge3A_310 = vector.broadcast %max3A_147 : i32 to vector<16xi32>
        %ge3A_311 = arith.cmpi sge, %add3A_297, %ge3A_310 : vector<16xi32>
        %lt3A_312 = vector.broadcast %squeeze3A_15 : i32 to vector<16xi32>
        %lt3A_313 = arith.cmpi slt, %add3A_297, %lt3A_312 : vector<16xi32>
        %and3A_314 = arith.andi %ge3A_311, %lt3A_313 : vector<16xi1>
        %shift_left3A_315 = arith.shli %broadcast_in_dim3A_40, %min3A_309 : vector<16xi32>
        %select_n3A_316 = arith.select %and3A_314, %shift_left3A_315, %broadcast_in_dim3A_42 : vector<16xi1>, vector<16xi32>
        %get3A_317 = arith.index_cast %add3A_294 : i32 to index
        %get3A_318 = tpu.vector_load %arg8[%get3A_317] {strides = array<i32>} : memref<8192xi32, #tpu.memory_space<vmem>>, vector<16xi32>,
        %swap3A_319 = arith.index_cast %add3A_294 : i32 to index
        %swap3A_320 = tpu.vector_load %arg8[%swap3A_319] {strides = array<i32>} : memref<8192xi32, #tpu.memory_space<vmem>>, vector<16xi32>,
        tpu.vector_store %arg8[%swap3A_319], %broadcast_in_dim3A_42 {strides = array<i32>} : memref<8192xi32, #tpu.memory_space<vmem>>, vector<16xi32>,
        %broadcast_in_dim3A_321 = arith.constant true
        %broadcast_in_dim3A_322 = vector.broadcast %broadcast_in_dim3A_321 : i1 to vector<16xi1>
        %masked_cummax3A_323 = arith.constant -2147483648 : i32
        %masked_cummax3A_324 = vector.broadcast %masked_cummax3A_323 : i32 to vector<16xi32>
        %masked_cummax3A_325 = arith.xori %get3A_318, %masked_cummax3A_324 : vector<16xi32>
        %masked_cummax3A_326 = tpu.scan <max>, %masked_cummax3A_325 masked %broadcast_in_dim3A_322 : vector<16xi32>, vector<16xi1> -> vector<16xi32>
        %masked_cummax3A_327 = arith.xori %masked_cummax3A_326, %masked_cummax3A_324 : vector<16xi32>
        %max3A_328 = vector.broadcast %scan3A_182 : i32 to vector<16xi32>
        %max3A_329 = arith.maxsi %masked_cummax3A_216, %max3A_328 : vector<16xi32>
        %sub3A_330 = arith.constant 1 : i32
        %sub3A_331 = vector.broadcast %sub3A_330 : i32 to vector<16xi32>
        %sub3A_332 = arith.subi %max3A_329, %sub3A_331 : vector<16xi32>
        %max3A_333 = arith.constant 0 : i32
        %max3A_334 = vector.broadcast %max3A_333 : i32 to vector<16xi32>
        %max3A_335 = arith.maxsi %sub3A_332, %max3A_334 : vector<16xi32>
        %slice3A_336 = vector.extract_strided_slice %max3A_329 {offsets = [15], sizes = [1], strides = [1]} : vector<16xi32> to vector<1xi32>
        %squeeze3A_337 = vector.extract %slice3A_336[0] : i32 from vector<1xi32>
        %max3A_338 = vector.broadcast %squeeze3A_337 : i32 to vector<16xi32>
        %max3A_339 = arith.maxsi %masked_cummax3A_253, %max3A_338 : vector<16xi32>
        %sub3A_340 = arith.constant 1 : i32
        %sub3A_341 = vector.broadcast %sub3A_340 : i32 to vector<16xi32>
        %sub3A_342 = arith.subi %max3A_339, %sub3A_341 : vector<16xi32>
        %max3A_343 = arith.constant 0 : i32
        %max3A_344 = vector.broadcast %max3A_343 : i32 to vector<16xi32>
        %max3A_345 = arith.maxsi %sub3A_342, %max3A_344 : vector<16xi32>
        %slice3A_346 = vector.extract_strided_slice %max3A_339 {offsets = [15], sizes = [1], strides = [1]} : vector<16xi32> to vector<1xi32>
        %squeeze3A_347 = vector.extract %slice3A_346[0] : i32 from vector<1xi32>
        %max3A_348 = vector.broadcast %squeeze3A_347 : i32 to vector<16xi32>
        %max3A_349 = arith.maxsi %masked_cummax3A_290, %max3A_348 : vector<16xi32>
        %sub3A_350 = arith.constant 1 : i32
        %sub3A_351 = vector.broadcast %sub3A_350 : i32 to vector<16xi32>
        %sub3A_352 = arith.subi %max3A_349, %sub3A_351 : vector<16xi32>
        %max3A_353 = arith.constant 0 : i32
        %max3A_354 = vector.broadcast %max3A_353 : i32 to vector<16xi32>
        %max3A_355 = arith.maxsi %sub3A_352, %max3A_354 : vector<16xi32>
        %slice3A_356 = vector.extract_strided_slice %max3A_349 {offsets = [15], sizes = [1], strides = [1]} : vector<16xi32> to vector<1xi32>
        %squeeze3A_357 = vector.extract %slice3A_356[0] : i32 from vector<1xi32>
        %max3A_358 = vector.broadcast %squeeze3A_357 : i32 to vector<16xi32>
        %max3A_359 = arith.maxsi %masked_cummax3A_327, %max3A_358 : vector<16xi32>
        %sub3A_360 = arith.constant 1 : i32
        %sub3A_361 = vector.broadcast %sub3A_360 : i32 to vector<16xi32>
        %sub3A_362 = arith.subi %max3A_359, %sub3A_361 : vector<16xi32>
        %max3A_363 = arith.constant 0 : i32
        %max3A_364 = vector.broadcast %max3A_363 : i32 to vector<16xi32>
        %max3A_365 = arith.maxsi %sub3A_362, %max3A_364 : vector<16xi32>
        %slice3A_366 = vector.extract_strided_slice %max3A_359 {offsets = [15], sizes = [1], strides = [1]} : vector<16xi32> to vector<1xi32>
        %squeeze3A_367 = vector.extract %slice3A_366[0] : i32 from vector<1xi32>
        %add3A_368 = arith.constant 1 : i32
        %add3A_369 = vector.broadcast %add3A_368 : i32 to vector<16xi32>
        %add3A_370 = arith.addi %max3A_335, %add3A_369 : vector<16xi32>
        %gather3A = tpu.vector_load_idx %arg15[%add3A_370] : memref<6272xi32, #tpu.memory_space<vmem>>[vector<16xi32>], vector<16xi32>,
        %sub3A_371 = arith.constant 1 : i32
        %sub3A_372 = vector.broadcast %sub3A_371 : i32 to vector<16xi32>
        %sub3A_373 = arith.subi %gather3A, %sub3A_372 : vector<16xi32>
        %eq3A_374 = arith.cmpi eq, %add3A_189, %sub3A_373 : vector<16xi32>
        %add3A_375 = arith.constant 1 : i32
        %add3A_376 = vector.broadcast %add3A_375 : i32 to vector<16xi32>
        %add3A_377 = arith.addi %max3A_345, %add3A_376 : vector<16xi32>
        %gather3A_378 = tpu.vector_load_idx %arg15[%add3A_377] : memref<6272xi32, #tpu.memory_space<vmem>>[vector<16xi32>], vector<16xi32>,
        %sub3A_379 = arith.constant 1 : i32
        %sub3A_380 = vector.broadcast %sub3A_379 : i32 to vector<16xi32>
        %sub3A_381 = arith.subi %gather3A_378, %sub3A_380 : vector<16xi32>
        %eq3A_382 = arith.cmpi eq, %add3A_223, %sub3A_381 : vector<16xi32>
        %add3A_383 = arith.constant 1 : i32
        %add3A_384 = vector.broadcast %add3A_383 : i32 to vector<16xi32>
        %add3A_385 = arith.addi %max3A_355, %add3A_384 : vector<16xi32>
        %gather3A_386 = tpu.vector_load_idx %arg15[%add3A_385] : memref<6272xi32, #tpu.memory_space<vmem>>[vector<16xi32>], vector<16xi32>,
        %sub3A_387 = arith.constant 1 : i32
        %sub3A_388 = vector.broadcast %sub3A_387 : i32 to vector<16xi32>
        %sub3A_389 = arith.subi %gather3A_386, %sub3A_388 : vector<16xi32>
        %eq3A_390 = arith.cmpi eq, %add3A_260, %sub3A_389 : vector<16xi32>
        %add3A_391 = arith.constant 1 : i32
        %add3A_392 = vector.broadcast %add3A_391 : i32 to vector<16xi32>
        %add3A_393 = arith.addi %max3A_365, %add3A_392 : vector<16xi32>
        %gather3A_394 = tpu.vector_load_idx %arg15[%add3A_393] : memref<6272xi32, #tpu.memory_space<vmem>>[vector<16xi32>], vector<16xi32>,
        %sub3A_395 = arith.constant 1 : i32
        %sub3A_396 = vector.broadcast %sub3A_395 : i32 to vector<16xi32>
        %sub3A_397 = arith.subi %gather3A_394, %sub3A_396 : vector<16xi32>
        %eq3A_398 = arith.cmpi eq, %add3A_297, %sub3A_397 : vector<16xi32>
        %eq3A_399 = vector.broadcast %scan3A_180 : i32 to vector<16xi32>
        %eq3A_400 = arith.cmpi eq, %max3A_335, %eq3A_399 : vector<16xi32>
        %jit3A_401 = arith.constant 0 : i32
        %broadcast_in_dim3A_402 = vector.broadcast %scan3A_181 : i32 to vector<16xi32>
        %broadcast_in_dim3A_403 = vector.broadcast %jit3A_401 : i32 to vector<16xi32>
        %select_n3A_404 = arith.select %eq3A_400, %broadcast_in_dim3A_402, %broadcast_in_dim3A_403 : vector<16xi1>, vector<16xi32>
        %or3A = arith.ori %select_n3A_206, %select_n3A_404 : vector<16xi32>
        %lt3A_405 = arith.constant 0 : i32
        %lt3A_406 = vector.broadcast %lt3A_405 : i32 to vector<16xi32>
        %lt3A_407 = arith.cmpi slt, %max3A_47, %lt3A_406 : vector<16xi32>
        %add3A_408 = arith.constant 16 : i32
        %add3A_409 = vector.broadcast %add3A_408 : i32 to vector<16xi32>
        %add3A_410 = arith.addi %max3A_47, %add3A_409 : vector<16xi32>
        %select_n3A_411 = arith.select %lt3A_407, %add3A_410, %max3A_47 : vector<16xi1>, vector<16xi32>
        %broadcast_in_dim3A_412 = vector.shape_cast %select_n3A_411 : vector<16xi32> to vector<16x1xi32>
        %gather3A_413 = vector.shape_cast %broadcast_in_dim3A_412 : vector<16x1xi32> to vector<16xi32>
        %gather3A_414 = tpu.dynamic_gather %max3A_335[%gather3A_413] in [0] : vector<16xi32>, vector<16xi32> -> vector<16xi32>
        %lt3A_415 = arith.constant 0 : i32
        %lt3A_416 = vector.broadcast %lt3A_415 : i32 to vector<16xi32>
        %lt3A_417 = arith.cmpi slt, %max3A_47, %lt3A_416 : vector<16xi32>
        %add3A_418 = arith.constant 16 : i32
        %add3A_419 = vector.broadcast %add3A_418 : i32 to vector<16xi32>
        %add3A_420 = arith.addi %max3A_47, %add3A_419 : vector<16xi32>
        %select_n3A_421 = arith.select %lt3A_417, %add3A_420, %max3A_47 : vector<16xi1>, vector<16xi32>
        %broadcast_in_dim3A_422 = vector.shape_cast %select_n3A_421 : vector<16xi32> to vector<16x1xi32>
        %gather3A_423 = vector.shape_cast %broadcast_in_dim3A_422 : vector<16x1xi32> to vector<16xi32>
        %gather3A_424 = tpu.dynamic_gather %or3A[%gather3A_423] in [0] : vector<16xi32>, vector<16xi32> -> vector<16xi32>
        %eq3A_425 = arith.cmpi eq, %gather3A_414, %max3A_335 : vector<16xi32>
        %jit3A_426 = arith.constant 0 : i32
        %broadcast_in_dim3A_427 = vector.broadcast %jit3A_426 : i32 to vector<16xi32>
        %select_n3A_428 = arith.select %eq3A_425, %gather3A_424, %broadcast_in_dim3A_427 : vector<16xi1>, vector<16xi32>
        %or3A_429 = arith.ori %or3A, %select_n3A_428 : vector<16xi32>
        %lt3A_430 = arith.constant 0 : i32
        %lt3A_431 = vector.broadcast %lt3A_430 : i32 to vector<16xi32>
        %lt3A_432 = arith.cmpi slt, %max3A_53, %lt3A_431 : vector<16xi32>
        %add3A_433 = arith.constant 16 : i32
        %add3A_434 = vector.broadcast %add3A_433 : i32 to vector<16xi32>
        %add3A_435 = arith.addi %max3A_53, %add3A_434 : vector<16xi32>
        %select_n3A_436 = arith.select %lt3A_432, %add3A_435, %max3A_53 : vector<16xi1>, vector<16xi32>
        %broadcast_in_dim3A_437 = vector.shape_cast %select_n3A_436 : vector<16xi32> to vector<16x1xi32>
        %gather3A_438 = vector.shape_cast %broadcast_in_dim3A_437 : vector<16x1xi32> to vector<16xi32>
        %gather3A_439 = tpu.dynamic_gather %max3A_335[%gather3A_438] in [0] : vector<16xi32>, vector<16xi32> -> vector<16xi32>
        %lt3A_440 = arith.constant 0 : i32
        %lt3A_441 = vector.broadcast %lt3A_440 : i32 to vector<16xi32>
        %lt3A_442 = arith.cmpi slt, %max3A_53, %lt3A_441 : vector<16xi32>
        %add3A_443 = arith.constant 16 : i32
        %add3A_444 = vector.broadcast %add3A_443 : i32 to vector<16xi32>
        %add3A_445 = arith.addi %max3A_53, %add3A_444 : vector<16xi32>
        %select_n3A_446 = arith.select %lt3A_442, %add3A_445, %max3A_53 : vector<16xi1>, vector<16xi32>
        %broadcast_in_dim3A_447 = vector.shape_cast %select_n3A_446 : vector<16xi32> to vector<16x1xi32>
        %gather3A_448 = vector.shape_cast %broadcast_in_dim3A_447 : vector<16x1xi32> to vector<16xi32>
        %gather3A_449 = tpu.dynamic_gather %or3A_429[%gather3A_448] in [0] : vector<16xi32>, vector<16xi32> -> vector<16xi32>
        %eq3A_450 = arith.cmpi eq, %gather3A_439, %max3A_335 : vector<16xi32>
        %jit3A_451 = arith.constant 0 : i32
        %broadcast_in_dim3A_452 = vector.broadcast %jit3A_451 : i32 to vector<16xi32>
        %select_n3A_453 = arith.select %eq3A_450, %gather3A_449, %broadcast_in_dim3A_452 : vector<16xi1>, vector<16xi32>
        %or3A_454 = arith.ori %or3A_429, %select_n3A_453 : vector<16xi32>
        %lt3A_455 = arith.constant 0 : i32
        %lt3A_456 = vector.broadcast %lt3A_455 : i32 to vector<16xi32>
        %lt3A_457 = arith.cmpi slt, %max3A_59, %lt3A_456 : vector<16xi32>
        %add3A_458 = arith.constant 16 : i32
        %add3A_459 = vector.broadcast %add3A_458 : i32 to vector<16xi32>
        %add3A_460 = arith.addi %max3A_59, %add3A_459 : vector<16xi32>
        %select_n3A_461 = arith.select %lt3A_457, %add3A_460, %max3A_59 : vector<16xi1>, vector<16xi32>
        %broadcast_in_dim3A_462 = vector.shape_cast %select_n3A_461 : vector<16xi32> to vector<16x1xi32>
        %gather3A_463 = vector.shape_cast %broadcast_in_dim3A_462 : vector<16x1xi32> to vector<16xi32>
        %gather3A_464 = tpu.dynamic_gather %max3A_335[%gather3A_463] in [0] : vector<16xi32>, vector<16xi32> -> vector<16xi32>
        %lt3A_465 = arith.constant 0 : i32
        %lt3A_466 = vector.broadcast %lt3A_465 : i32 to vector<16xi32>
        %lt3A_467 = arith.cmpi slt, %max3A_59, %lt3A_466 : vector<16xi32>
        %add3A_468 = arith.constant 16 : i32
        %add3A_469 = vector.broadcast %add3A_468 : i32 to vector<16xi32>
        %add3A_470 = arith.addi %max3A_59, %add3A_469 : vector<16xi32>
        %select_n3A_471 = arith.select %lt3A_467, %add3A_470, %max3A_59 : vector<16xi1>, vector<16xi32>
        %broadcast_in_dim3A_472 = vector.shape_cast %select_n3A_471 : vector<16xi32> to vector<16x1xi32>
        %gather3A_473 = vector.shape_cast %broadcast_in_dim3A_472 : vector<16x1xi32> to vector<16xi32>
        %gather3A_474 = tpu.dynamic_gather %or3A_454[%gather3A_473] in [0] : vector<16xi32>, vector<16xi32> -> vector<16xi32>
        %eq3A_475 = arith.cmpi eq, %gather3A_464, %max3A_335 : vector<16xi32>
        %jit3A_476 = arith.constant 0 : i32
        %broadcast_in_dim3A_477 = vector.broadcast %jit3A_476 : i32 to vector<16xi32>
        %select_n3A_478 = arith.select %eq3A_475, %gather3A_474, %broadcast_in_dim3A_477 : vector<16xi1>, vector<16xi32>
        %or3A_479 = arith.ori %or3A_454, %select_n3A_478 : vector<16xi32>
        %lt3A_480 = arith.constant 0 : i32
        %lt3A_481 = vector.broadcast %lt3A_480 : i32 to vector<16xi32>
        %lt3A_482 = arith.cmpi slt, %max3A_65, %lt3A_481 : vector<16xi32>
        %add3A_483 = arith.constant 16 : i32
        %add3A_484 = vector.broadcast %add3A_483 : i32 to vector<16xi32>
        %add3A_485 = arith.addi %max3A_65, %add3A_484 : vector<16xi32>
        %select_n3A_486 = arith.select %lt3A_482, %add3A_485, %max3A_65 : vector<16xi1>, vector<16xi32>
        %broadcast_in_dim3A_487 = vector.shape_cast %select_n3A_486 : vector<16xi32> to vector<16x1xi32>
        %gather3A_488 = vector.shape_cast %broadcast_in_dim3A_487 : vector<16x1xi32> to vector<16xi32>
        %gather3A_489 = tpu.dynamic_gather %max3A_335[%gather3A_488] in [0] : vector<16xi32>, vector<16xi32> -> vector<16xi32>
        %lt3A_490 = arith.constant 0 : i32
        %lt3A_491 = vector.broadcast %lt3A_490 : i32 to vector<16xi32>
        %lt3A_492 = arith.cmpi slt, %max3A_65, %lt3A_491 : vector<16xi32>
        %add3A_493 = arith.constant 16 : i32
        %add3A_494 = vector.broadcast %add3A_493 : i32 to vector<16xi32>
        %add3A_495 = arith.addi %max3A_65, %add3A_494 : vector<16xi32>
        %select_n3A_496 = arith.select %lt3A_492, %add3A_495, %max3A_65 : vector<16xi1>, vector<16xi32>
        %broadcast_in_dim3A_497 = vector.shape_cast %select_n3A_496 : vector<16xi32> to vector<16x1xi32>
        %gather3A_498 = vector.shape_cast %broadcast_in_dim3A_497 : vector<16x1xi32> to vector<16xi32>
        %gather3A_499 = tpu.dynamic_gather %or3A_479[%gather3A_498] in [0] : vector<16xi32>, vector<16xi32> -> vector<16xi32>
        %eq3A_500 = arith.cmpi eq, %gather3A_489, %max3A_335 : vector<16xi32>
        %jit3A_501 = arith.constant 0 : i32
        %broadcast_in_dim3A_502 = vector.broadcast %jit3A_501 : i32 to vector<16xi32>
        %select_n3A_503 = arith.select %eq3A_500, %gather3A_499, %broadcast_in_dim3A_502 : vector<16xi1>, vector<16xi32>
        %or3A_504 = arith.ori %or3A_479, %select_n3A_503 : vector<16xi32>
        %slice3A_505 = vector.extract_strided_slice %max3A_335 {offsets = [15], sizes = [1], strides = [1]} : vector<16xi32> to vector<1xi32>
        %squeeze3A_506 = vector.extract %slice3A_505[0] : i32 from vector<1xi32>
        %slice3A_507 = vector.extract_strided_slice %or3A_504 {offsets = [15], sizes = [1], strides = [1]} : vector<16xi32> to vector<1xi32>
        %squeeze3A_508 = vector.extract %slice3A_507[0] : i32 from vector<1xi32>
        %eq3A_509 = vector.broadcast %squeeze3A_506 : i32 to vector<16xi32>
        %eq3A_510 = arith.cmpi eq, %max3A_345, %eq3A_509 : vector<16xi32>
        %jit3A_511 = arith.constant 0 : i32
        %broadcast_in_dim3A_512 = vector.broadcast %squeeze3A_508 : i32 to vector<16xi32>
        %broadcast_in_dim3A_513 = vector.broadcast %jit3A_511 : i32 to vector<16xi32>
        %select_n3A_514 = arith.select %eq3A_510, %broadcast_in_dim3A_512, %broadcast_in_dim3A_513 : vector<16xi1>, vector<16xi32>
        %or3A_515 = arith.ori %select_n3A_242, %select_n3A_514 : vector<16xi32>
        %lt3A_516 = arith.constant 0 : i32
        %lt3A_517 = vector.broadcast %lt3A_516 : i32 to vector<16xi32>
        %lt3A_518 = arith.cmpi slt, %max3A_47, %lt3A_517 : vector<16xi32>
        %add3A_519 = arith.constant 16 : i32
        %add3A_520 = vector.broadcast %add3A_519 : i32 to vector<16xi32>
        %add3A_521 = arith.addi %max3A_47, %add3A_520 : vector<16xi32>
        %select_n3A_522 = arith.select %lt3A_518, %add3A_521, %max3A_47 : vector<16xi1>, vector<16xi32>
        %broadcast_in_dim3A_523 = vector.shape_cast %select_n3A_522 : vector<16xi32> to vector<16x1xi32>
        %gather3A_524 = vector.shape_cast %broadcast_in_dim3A_523 : vector<16x1xi32> to vector<16xi32>
        %gather3A_525 = tpu.dynamic_gather %max3A_345[%gather3A_524] in [0] : vector<16xi32>, vector<16xi32> -> vector<16xi32>
        %lt3A_526 = arith.constant 0 : i32
        %lt3A_527 = vector.broadcast %lt3A_526 : i32 to vector<16xi32>
        %lt3A_528 = arith.cmpi slt, %max3A_47, %lt3A_527 : vector<16xi32>
        %add3A_529 = arith.constant 16 : i32
        %add3A_530 = vector.broadcast %add3A_529 : i32 to vector<16xi32>
        %add3A_531 = arith.addi %max3A_47, %add3A_530 : vector<16xi32>
        %select_n3A_532 = arith.select %lt3A_528, %add3A_531, %max3A_47 : vector<16xi1>, vector<16xi32>
        %broadcast_in_dim3A_533 = vector.shape_cast %select_n3A_532 : vector<16xi32> to vector<16x1xi32>
        %gather3A_534 = vector.shape_cast %broadcast_in_dim3A_533 : vector<16x1xi32> to vector<16xi32>
        %gather3A_535 = tpu.dynamic_gather %or3A_515[%gather3A_534] in [0] : vector<16xi32>, vector<16xi32> -> vector<16xi32>
        %eq3A_536 = arith.cmpi eq, %gather3A_525, %max3A_345 : vector<16xi32>
        %jit3A_537 = arith.constant 0 : i32
        %broadcast_in_dim3A_538 = vector.broadcast %jit3A_537 : i32 to vector<16xi32>
        %select_n3A_539 = arith.select %eq3A_536, %gather3A_535, %broadcast_in_dim3A_538 : vector<16xi1>, vector<16xi32>
        %or3A_540 = arith.ori %or3A_515, %select_n3A_539 : vector<16xi32>
        %lt3A_541 = arith.constant 0 : i32
        %lt3A_542 = vector.broadcast %lt3A_541 : i32 to vector<16xi32>
        %lt3A_543 = arith.cmpi slt, %max3A_53, %lt3A_542 : vector<16xi32>
        %add3A_544 = arith.constant 16 : i32
        %add3A_545 = vector.broadcast %add3A_544 : i32 to vector<16xi32>
        %add3A_546 = arith.addi %max3A_53, %add3A_545 : vector<16xi32>
        %select_n3A_547 = arith.select %lt3A_543, %add3A_546, %max3A_53 : vector<16xi1>, vector<16xi32>
        %broadcast_in_dim3A_548 = vector.shape_cast %select_n3A_547 : vector<16xi32> to vector<16x1xi32>
        %gather3A_549 = vector.shape_cast %broadcast_in_dim3A_548 : vector<16x1xi32> to vector<16xi32>
        %gather3A_550 = tpu.dynamic_gather %max3A_345[%gather3A_549] in [0] : vector<16xi32>, vector<16xi32> -> vector<16xi32>
        %lt3A_551 = arith.constant 0 : i32
        %lt3A_552 = vector.broadcast %lt3A_551 : i32 to vector<16xi32>
        %lt3A_553 = arith.cmpi slt, %max3A_53, %lt3A_552 : vector<16xi32>
        %add3A_554 = arith.constant 16 : i32
        %add3A_555 = vector.broadcast %add3A_554 : i32 to vector<16xi32>
        %add3A_556 = arith.addi %max3A_53, %add3A_555 : vector<16xi32>
        %select_n3A_557 = arith.select %lt3A_553, %add3A_556, %max3A_53 : vector<16xi1>, vector<16xi32>
        %broadcast_in_dim3A_558 = vector.shape_cast %select_n3A_557 : vector<16xi32> to vector<16x1xi32>
        %gather3A_559 = vector.shape_cast %broadcast_in_dim3A_558 : vector<16x1xi32> to vector<16xi32>
        %gather3A_560 = tpu.dynamic_gather %or3A_540[%gather3A_559] in [0] : vector<16xi32>, vector<16xi32> -> vector<16xi32>
        %eq3A_561 = arith.cmpi eq, %gather3A_550, %max3A_345 : vector<16xi32>
        %jit3A_562 = arith.constant 0 : i32
        %broadcast_in_dim3A_563 = vector.broadcast %jit3A_562 : i32 to vector<16xi32>
        %select_n3A_564 = arith.select %eq3A_561, %gather3A_560, %broadcast_in_dim3A_563 : vector<16xi1>, vector<16xi32>
        %or3A_565 = arith.ori %or3A_540, %select_n3A_564 : vector<16xi32>
        %lt3A_566 = arith.constant 0 : i32
        %lt3A_567 = vector.broadcast %lt3A_566 : i32 to vector<16xi32>
        %lt3A_568 = arith.cmpi slt, %max3A_59, %lt3A_567 : vector<16xi32>
        %add3A_569 = arith.constant 16 : i32
        %add3A_570 = vector.broadcast %add3A_569 : i32 to vector<16xi32>
        %add3A_571 = arith.addi %max3A_59, %add3A_570 : vector<16xi32>
        %select_n3A_572 = arith.select %lt3A_568, %add3A_571, %max3A_59 : vector<16xi1>, vector<16xi32>
        %broadcast_in_dim3A_573 = vector.shape_cast %select_n3A_572 : vector<16xi32> to vector<16x1xi32>
        %gather3A_574 = vector.shape_cast %broadcast_in_dim3A_573 : vector<16x1xi32> to vector<16xi32>
        %gather3A_575 = tpu.dynamic_gather %max3A_345[%gather3A_574] in [0] : vector<16xi32>, vector<16xi32> -> vector<16xi32>
        %lt3A_576 = arith.constant 0 : i32
        %lt3A_577 = vector.broadcast %lt3A_576 : i32 to vector<16xi32>
        %lt3A_578 = arith.cmpi slt, %max3A_59, %lt3A_577 : vector<16xi32>
        %add3A_579 = arith.constant 16 : i32
        %add3A_580 = vector.broadcast %add3A_579 : i32 to vector<16xi32>
        %add3A_581 = arith.addi %max3A_59, %add3A_580 : vector<16xi32>
        %select_n3A_582 = arith.select %lt3A_578, %add3A_581, %max3A_59 : vector<16xi1>, vector<16xi32>
        %broadcast_in_dim3A_583 = vector.shape_cast %select_n3A_582 : vector<16xi32> to vector<16x1xi32>
        %gather3A_584 = vector.shape_cast %broadcast_in_dim3A_583 : vector<16x1xi32> to vector<16xi32>
        %gather3A_585 = tpu.dynamic_gather %or3A_565[%gather3A_584] in [0] : vector<16xi32>, vector<16xi32> -> vector<16xi32>
        %eq3A_586 = arith.cmpi eq, %gather3A_575, %max3A_345 : vector<16xi32>
        %jit3A_587 = arith.constant 0 : i32
        %broadcast_in_dim3A_588 = vector.broadcast %jit3A_587 : i32 to vector<16xi32>
        %select_n3A_589 = arith.select %eq3A_586, %gather3A_585, %broadcast_in_dim3A_588 : vector<16xi1>, vector<16xi32>
        %or3A_590 = arith.ori %or3A_565, %select_n3A_589 : vector<16xi32>
        %lt3A_591 = arith.constant 0 : i32
        %lt3A_592 = vector.broadcast %lt3A_591 : i32 to vector<16xi32>
        %lt3A_593 = arith.cmpi slt, %max3A_65, %lt3A_592 : vector<16xi32>
        %add3A_594 = arith.constant 16 : i32
        %add3A_595 = vector.broadcast %add3A_594 : i32 to vector<16xi32>
        %add3A_596 = arith.addi %max3A_65, %add3A_595 : vector<16xi32>
        %select_n3A_597 = arith.select %lt3A_593, %add3A_596, %max3A_65 : vector<16xi1>, vector<16xi32>
        %broadcast_in_dim3A_598 = vector.shape_cast %select_n3A_597 : vector<16xi32> to vector<16x1xi32>
        %gather3A_599 = vector.shape_cast %broadcast_in_dim3A_598 : vector<16x1xi32> to vector<16xi32>
        %gather3A_600 = tpu.dynamic_gather %max3A_345[%gather3A_599] in [0] : vector<16xi32>, vector<16xi32> -> vector<16xi32>
        %lt3A_601 = arith.constant 0 : i32
        %lt3A_602 = vector.broadcast %lt3A_601 : i32 to vector<16xi32>
        %lt3A_603 = arith.cmpi slt, %max3A_65, %lt3A_602 : vector<16xi32>
        %add3A_604 = arith.constant 16 : i32
        %add3A_605 = vector.broadcast %add3A_604 : i32 to vector<16xi32>
        %add3A_606 = arith.addi %max3A_65, %add3A_605 : vector<16xi32>
        %select_n3A_607 = arith.select %lt3A_603, %add3A_606, %max3A_65 : vector<16xi1>, vector<16xi32>
        %broadcast_in_dim3A_608 = vector.shape_cast %select_n3A_607 : vector<16xi32> to vector<16x1xi32>
        %gather3A_609 = vector.shape_cast %broadcast_in_dim3A_608 : vector<16x1xi32> to vector<16xi32>
        %gather3A_610 = tpu.dynamic_gather %or3A_590[%gather3A_609] in [0] : vector<16xi32>, vector<16xi32> -> vector<16xi32>
        %eq3A_611 = arith.cmpi eq, %gather3A_600, %max3A_345 : vector<16xi32>
        %jit3A_612 = arith.constant 0 : i32
        %broadcast_in_dim3A_613 = vector.broadcast %jit3A_612 : i32 to vector<16xi32>
        %select_n3A_614 = arith.select %eq3A_611, %gather3A_610, %broadcast_in_dim3A_613 : vector<16xi1>, vector<16xi32>
        %or3A_615 = arith.ori %or3A_590, %select_n3A_614 : vector<16xi32>
        %slice3A_616 = vector.extract_strided_slice %max3A_345 {offsets = [15], sizes = [1], strides = [1]} : vector<16xi32> to vector<1xi32>
        %squeeze3A_617 = vector.extract %slice3A_616[0] : i32 from vector<1xi32>
        %slice3A_618 = vector.extract_strided_slice %or3A_615 {offsets = [15], sizes = [1], strides = [1]} : vector<16xi32> to vector<1xi32>
        %squeeze3A_619 = vector.extract %slice3A_618[0] : i32 from vector<1xi32>
        %eq3A_620 = vector.broadcast %squeeze3A_617 : i32 to vector<16xi32>
        %eq3A_621 = arith.cmpi eq, %max3A_355, %eq3A_620 : vector<16xi32>
        %jit3A_622 = arith.constant 0 : i32
        %broadcast_in_dim3A_623 = vector.broadcast %squeeze3A_619 : i32 to vector<16xi32>
        %broadcast_in_dim3A_624 = vector.broadcast %jit3A_622 : i32 to vector<16xi32>
        %select_n3A_625 = arith.select %eq3A_621, %broadcast_in_dim3A_623, %broadcast_in_dim3A_624 : vector<16xi1>, vector<16xi32>
        %or3A_626 = arith.ori %select_n3A_279, %select_n3A_625 : vector<16xi32>
        %lt3A_627 = arith.constant 0 : i32
        %lt3A_628 = vector.broadcast %lt3A_627 : i32 to vector<16xi32>
        %lt3A_629 = arith.cmpi slt, %max3A_47, %lt3A_628 : vector<16xi32>
        %add3A_630 = arith.constant 16 : i32
        %add3A_631 = vector.broadcast %add3A_630 : i32 to vector<16xi32>
        %add3A_632 = arith.addi %max3A_47, %add3A_631 : vector<16xi32>
        %select_n3A_633 = arith.select %lt3A_629, %add3A_632, %max3A_47 : vector<16xi1>, vector<16xi32>
        %broadcast_in_dim3A_634 = vector.shape_cast %select_n3A_633 : vector<16xi32> to vector<16x1xi32>
        %gather3A_635 = vector.shape_cast %broadcast_in_dim3A_634 : vector<16x1xi32> to vector<16xi32>
        %gather3A_636 = tpu.dynamic_gather %max3A_355[%gather3A_635] in [0] : vector<16xi32>, vector<16xi32> -> vector<16xi32>
        %lt3A_637 = arith.constant 0 : i32
        %lt3A_638 = vector.broadcast %lt3A_637 : i32 to vector<16xi32>
        %lt3A_639 = arith.cmpi slt, %max3A_47, %lt3A_638 : vector<16xi32>
        %add3A_640 = arith.constant 16 : i32
        %add3A_641 = vector.broadcast %add3A_640 : i32 to vector<16xi32>
        %add3A_642 = arith.addi %max3A_47, %add3A_641 : vector<16xi32>
        %select_n3A_643 = arith.select %lt3A_639, %add3A_642, %max3A_47 : vector<16xi1>, vector<16xi32>
        %broadcast_in_dim3A_644 = vector.shape_cast %select_n3A_643 : vector<16xi32> to vector<16x1xi32>
        %gather3A_645 = vector.shape_cast %broadcast_in_dim3A_644 : vector<16x1xi32> to vector<16xi32>
        %gather3A_646 = tpu.dynamic_gather %or3A_626[%gather3A_645] in [0] : vector<16xi32>, vector<16xi32> -> vector<16xi32>
        %eq3A_647 = arith.cmpi eq, %gather3A_636, %max3A_355 : vector<16xi32>
        %jit3A_648 = arith.constant 0 : i32
        %broadcast_in_dim3A_649 = vector.broadcast %jit3A_648 : i32 to vector<16xi32>
        %select_n3A_650 = arith.select %eq3A_647, %gather3A_646, %broadcast_in_dim3A_649 : vector<16xi1>, vector<16xi32>
        %or3A_651 = arith.ori %or3A_626, %select_n3A_650 : vector<16xi32>
        %lt3A_652 = arith.constant 0 : i32
        %lt3A_653 = vector.broadcast %lt3A_652 : i32 to vector<16xi32>
        %lt3A_654 = arith.cmpi slt, %max3A_53, %lt3A_653 : vector<16xi32>
        %add3A_655 = arith.constant 16 : i32
        %add3A_656 = vector.broadcast %add3A_655 : i32 to vector<16xi32>
        %add3A_657 = arith.addi %max3A_53, %add3A_656 : vector<16xi32>
        %select_n3A_658 = arith.select %lt3A_654, %add3A_657, %max3A_53 : vector<16xi1>, vector<16xi32>
        %broadcast_in_dim3A_659 = vector.shape_cast %select_n3A_658 : vector<16xi32> to vector<16x1xi32>
        %gather3A_660 = vector.shape_cast %broadcast_in_dim3A_659 : vector<16x1xi32> to vector<16xi32>
        %gather3A_661 = tpu.dynamic_gather %max3A_355[%gather3A_660] in [0] : vector<16xi32>, vector<16xi32> -> vector<16xi32>
        %lt3A_662 = arith.constant 0 : i32
        %lt3A_663 = vector.broadcast %lt3A_662 : i32 to vector<16xi32>
        %lt3A_664 = arith.cmpi slt, %max3A_53, %lt3A_663 : vector<16xi32>
        %add3A_665 = arith.constant 16 : i32
        %add3A_666 = vector.broadcast %add3A_665 : i32 to vector<16xi32>
        %add3A_667 = arith.addi %max3A_53, %add3A_666 : vector<16xi32>
        %select_n3A_668 = arith.select %lt3A_664, %add3A_667, %max3A_53 : vector<16xi1>, vector<16xi32>
        %broadcast_in_dim3A_669 = vector.shape_cast %select_n3A_668 : vector<16xi32> to vector<16x1xi32>
        %gather3A_670 = vector.shape_cast %broadcast_in_dim3A_669 : vector<16x1xi32> to vector<16xi32>
        %gather3A_671 = tpu.dynamic_gather %or3A_651[%gather3A_670] in [0] : vector<16xi32>, vector<16xi32> -> vector<16xi32>
        %eq3A_672 = arith.cmpi eq, %gather3A_661, %max3A_355 : vector<16xi32>
        %jit3A_673 = arith.constant 0 : i32
        %broadcast_in_dim3A_674 = vector.broadcast %jit3A_673 : i32 to vector<16xi32>
        %select_n3A_675 = arith.select %eq3A_672, %gather3A_671, %broadcast_in_dim3A_674 : vector<16xi1>, vector<16xi32>
        %or3A_676 = arith.ori %or3A_651, %select_n3A_675 : vector<16xi32>
        %lt3A_677 = arith.constant 0 : i32
        %lt3A_678 = vector.broadcast %lt3A_677 : i32 to vector<16xi32>
        %lt3A_679 = arith.cmpi slt, %max3A_59, %lt3A_678 : vector<16xi32>
        %add3A_680 = arith.constant 16 : i32
        %add3A_681 = vector.broadcast %add3A_680 : i32 to vector<16xi32>
        %add3A_682 = arith.addi %max3A_59, %add3A_681 : vector<16xi32>
        %select_n3A_683 = arith.select %lt3A_679, %add3A_682, %max3A_59 : vector<16xi1>, vector<16xi32>
        %broadcast_in_dim3A_684 = vector.shape_cast %select_n3A_683 : vector<16xi32> to vector<16x1xi32>
        %gather3A_685 = vector.shape_cast %broadcast_in_dim3A_684 : vector<16x1xi32> to vector<16xi32>
        %gather3A_686 = tpu.dynamic_gather %max3A_355[%gather3A_685] in [0] : vector<16xi32>, vector<16xi32> -> vector<16xi32>
        %lt3A_687 = arith.constant 0 : i32
        %lt3A_688 = vector.broadcast %lt3A_687 : i32 to vector<16xi32>
        %lt3A_689 = arith.cmpi slt, %max3A_59, %lt3A_688 : vector<16xi32>
        %add3A_690 = arith.constant 16 : i32
        %add3A_691 = vector.broadcast %add3A_690 : i32 to vector<16xi32>
        %add3A_692 = arith.addi %max3A_59, %add3A_691 : vector<16xi32>
        %select_n3A_693 = arith.select %lt3A_689, %add3A_692, %max3A_59 : vector<16xi1>, vector<16xi32>
        %broadcast_in_dim3A_694 = vector.shape_cast %select_n3A_693 : vector<16xi32> to vector<16x1xi32>
        %gather3A_695 = vector.shape_cast %broadcast_in_dim3A_694 : vector<16x1xi32> to vector<16xi32>
        %gather3A_696 = tpu.dynamic_gather %or3A_676[%gather3A_695] in [0] : vector<16xi32>, vector<16xi32> -> vector<16xi32>
        %eq3A_697 = arith.cmpi eq, %gather3A_686, %max3A_355 : vector<16xi32>
        %jit3A_698 = arith.constant 0 : i32
        %broadcast_in_dim3A_699 = vector.broadcast %jit3A_698 : i32 to vector<16xi32>
        %select_n3A_700 = arith.select %eq3A_697, %gather3A_696, %broadcast_in_dim3A_699 : vector<16xi1>, vector<16xi32>
        %or3A_701 = arith.ori %or3A_676, %select_n3A_700 : vector<16xi32>
        %lt3A_702 = arith.constant 0 : i32
        %lt3A_703 = vector.broadcast %lt3A_702 : i32 to vector<16xi32>
        %lt3A_704 = arith.cmpi slt, %max3A_65, %lt3A_703 : vector<16xi32>
        %add3A_705 = arith.constant 16 : i32
        %add3A_706 = vector.broadcast %add3A_705 : i32 to vector<16xi32>
        %add3A_707 = arith.addi %max3A_65, %add3A_706 : vector<16xi32>
        %select_n3A_708 = arith.select %lt3A_704, %add3A_707, %max3A_65 : vector<16xi1>, vector<16xi32>
        %broadcast_in_dim3A_709 = vector.shape_cast %select_n3A_708 : vector<16xi32> to vector<16x1xi32>
        %gather3A_710 = vector.shape_cast %broadcast_in_dim3A_709 : vector<16x1xi32> to vector<16xi32>
        %gather3A_711 = tpu.dynamic_gather %max3A_355[%gather3A_710] in [0] : vector<16xi32>, vector<16xi32> -> vector<16xi32>
        %lt3A_712 = arith.constant 0 : i32
        %lt3A_713 = vector.broadcast %lt3A_712 : i32 to vector<16xi32>
        %lt3A_714 = arith.cmpi slt, %max3A_65, %lt3A_713 : vector<16xi32>
        %add3A_715 = arith.constant 16 : i32
        %add3A_716 = vector.broadcast %add3A_715 : i32 to vector<16xi32>
        %add3A_717 = arith.addi %max3A_65, %add3A_716 : vector<16xi32>
        %select_n3A_718 = arith.select %lt3A_714, %add3A_717, %max3A_65 : vector<16xi1>, vector<16xi32>
        %broadcast_in_dim3A_719 = vector.shape_cast %select_n3A_718 : vector<16xi32> to vector<16x1xi32>
        %gather3A_720 = vector.shape_cast %broadcast_in_dim3A_719 : vector<16x1xi32> to vector<16xi32>
        %gather3A_721 = tpu.dynamic_gather %or3A_701[%gather3A_720] in [0] : vector<16xi32>, vector<16xi32> -> vector<16xi32>
        %eq3A_722 = arith.cmpi eq, %gather3A_711, %max3A_355 : vector<16xi32>
        %jit3A_723 = arith.constant 0 : i32
        %broadcast_in_dim3A_724 = vector.broadcast %jit3A_723 : i32 to vector<16xi32>
        %select_n3A_725 = arith.select %eq3A_722, %gather3A_721, %broadcast_in_dim3A_724 : vector<16xi1>, vector<16xi32>
        %or3A_726 = arith.ori %or3A_701, %select_n3A_725 : vector<16xi32>
        %slice3A_727 = vector.extract_strided_slice %max3A_355 {offsets = [15], sizes = [1], strides = [1]} : vector<16xi32> to vector<1xi32>
        %squeeze3A_728 = vector.extract %slice3A_727[0] : i32 from vector<1xi32>
        %slice3A_729 = vector.extract_strided_slice %or3A_726 {offsets = [15], sizes = [1], strides = [1]} : vector<16xi32> to vector<1xi32>
        %squeeze3A_730 = vector.extract %slice3A_729[0] : i32 from vector<1xi32>
        %eq3A_731 = vector.broadcast %squeeze3A_728 : i32 to vector<16xi32>
        %eq3A_732 = arith.cmpi eq, %max3A_365, %eq3A_731 : vector<16xi32>
        %jit3A_733 = arith.constant 0 : i32
        %broadcast_in_dim3A_734 = vector.broadcast %squeeze3A_730 : i32 to vector<16xi32>
        %broadcast_in_dim3A_735 = vector.broadcast %jit3A_733 : i32 to vector<16xi32>
        %select_n3A_736 = arith.select %eq3A_732, %broadcast_in_dim3A_734, %broadcast_in_dim3A_735 : vector<16xi1>, vector<16xi32>
        %or3A_737 = arith.ori %select_n3A_316, %select_n3A_736 : vector<16xi32>
        %lt3A_738 = arith.constant 0 : i32
        %lt3A_739 = vector.broadcast %lt3A_738 : i32 to vector<16xi32>
        %lt3A_740 = arith.cmpi slt, %max3A_47, %lt3A_739 : vector<16xi32>
        %add3A_741 = arith.constant 16 : i32
        %add3A_742 = vector.broadcast %add3A_741 : i32 to vector<16xi32>
        %add3A_743 = arith.addi %max3A_47, %add3A_742 : vector<16xi32>
        %select_n3A_744 = arith.select %lt3A_740, %add3A_743, %max3A_47 : vector<16xi1>, vector<16xi32>
        %broadcast_in_dim3A_745 = vector.shape_cast %select_n3A_744 : vector<16xi32> to vector<16x1xi32>
        %gather3A_746 = vector.shape_cast %broadcast_in_dim3A_745 : vector<16x1xi32> to vector<16xi32>
        %gather3A_747 = tpu.dynamic_gather %max3A_365[%gather3A_746] in [0] : vector<16xi32>, vector<16xi32> -> vector<16xi32>
        %lt3A_748 = arith.constant 0 : i32
        %lt3A_749 = vector.broadcast %lt3A_748 : i32 to vector<16xi32>
        %lt3A_750 = arith.cmpi slt, %max3A_47, %lt3A_749 : vector<16xi32>
        %add3A_751 = arith.constant 16 : i32
        %add3A_752 = vector.broadcast %add3A_751 : i32 to vector<16xi32>
        %add3A_753 = arith.addi %max3A_47, %add3A_752 : vector<16xi32>
        %select_n3A_754 = arith.select %lt3A_750, %add3A_753, %max3A_47 : vector<16xi1>, vector<16xi32>
        %broadcast_in_dim3A_755 = vector.shape_cast %select_n3A_754 : vector<16xi32> to vector<16x1xi32>
        %gather3A_756 = vector.shape_cast %broadcast_in_dim3A_755 : vector<16x1xi32> to vector<16xi32>
        %gather3A_757 = tpu.dynamic_gather %or3A_737[%gather3A_756] in [0] : vector<16xi32>, vector<16xi32> -> vector<16xi32>
        %eq3A_758 = arith.cmpi eq, %gather3A_747, %max3A_365 : vector<16xi32>
        %jit3A_759 = arith.constant 0 : i32
        %broadcast_in_dim3A_760 = vector.broadcast %jit3A_759 : i32 to vector<16xi32>
        %select_n3A_761 = arith.select %eq3A_758, %gather3A_757, %broadcast_in_dim3A_760 : vector<16xi1>, vector<16xi32>
        %or3A_762 = arith.ori %or3A_737, %select_n3A_761 : vector<16xi32>
        %lt3A_763 = arith.constant 0 : i32
        %lt3A_764 = vector.broadcast %lt3A_763 : i32 to vector<16xi32>
        %lt3A_765 = arith.cmpi slt, %max3A_53, %lt3A_764 : vector<16xi32>
        %add3A_766 = arith.constant 16 : i32
        %add3A_767 = vector.broadcast %add3A_766 : i32 to vector<16xi32>
        %add3A_768 = arith.addi %max3A_53, %add3A_767 : vector<16xi32>
        %select_n3A_769 = arith.select %lt3A_765, %add3A_768, %max3A_53 : vector<16xi1>, vector<16xi32>
        %broadcast_in_dim3A_770 = vector.shape_cast %select_n3A_769 : vector<16xi32> to vector<16x1xi32>
        %gather3A_771 = vector.shape_cast %broadcast_in_dim3A_770 : vector<16x1xi32> to vector<16xi32>
        %gather3A_772 = tpu.dynamic_gather %max3A_365[%gather3A_771] in [0] : vector<16xi32>, vector<16xi32> -> vector<16xi32>
        %lt3A_773 = arith.constant 0 : i32
        %lt3A_774 = vector.broadcast %lt3A_773 : i32 to vector<16xi32>
        %lt3A_775 = arith.cmpi slt, %max3A_53, %lt3A_774 : vector<16xi32>
        %add3A_776 = arith.constant 16 : i32
        %add3A_777 = vector.broadcast %add3A_776 : i32 to vector<16xi32>
        %add3A_778 = arith.addi %max3A_53, %add3A_777 : vector<16xi32>
        %select_n3A_779 = arith.select %lt3A_775, %add3A_778, %max3A_53 : vector<16xi1>, vector<16xi32>
        %broadcast_in_dim3A_780 = vector.shape_cast %select_n3A_779 : vector<16xi32> to vector<16x1xi32>
        %gather3A_781 = vector.shape_cast %broadcast_in_dim3A_780 : vector<16x1xi32> to vector<16xi32>
        %gather3A_782 = tpu.dynamic_gather %or3A_762[%gather3A_781] in [0] : vector<16xi32>, vector<16xi32> -> vector<16xi32>
        %eq3A_783 = arith.cmpi eq, %gather3A_772, %max3A_365 : vector<16xi32>
        %jit3A_784 = arith.constant 0 : i32
        %broadcast_in_dim3A_785 = vector.broadcast %jit3A_784 : i32 to vector<16xi32>
        %select_n3A_786 = arith.select %eq3A_783, %gather3A_782, %broadcast_in_dim3A_785 : vector<16xi1>, vector<16xi32>
        %or3A_787 = arith.ori %or3A_762, %select_n3A_786 : vector<16xi32>
        %lt3A_788 = arith.constant 0 : i32
        %lt3A_789 = vector.broadcast %lt3A_788 : i32 to vector<16xi32>
        %lt3A_790 = arith.cmpi slt, %max3A_59, %lt3A_789 : vector<16xi32>
        %add3A_791 = arith.constant 16 : i32
        %add3A_792 = vector.broadcast %add3A_791 : i32 to vector<16xi32>
        %add3A_793 = arith.addi %max3A_59, %add3A_792 : vector<16xi32>
        %select_n3A_794 = arith.select %lt3A_790, %add3A_793, %max3A_59 : vector<16xi1>, vector<16xi32>
        %broadcast_in_dim3A_795 = vector.shape_cast %select_n3A_794 : vector<16xi32> to vector<16x1xi32>
        %gather3A_796 = vector.shape_cast %broadcast_in_dim3A_795 : vector<16x1xi32> to vector<16xi32>
        %gather3A_797 = tpu.dynamic_gather %max3A_365[%gather3A_796] in [0] : vector<16xi32>, vector<16xi32> -> vector<16xi32>
        %lt3A_798 = arith.constant 0 : i32
        %lt3A_799 = vector.broadcast %lt3A_798 : i32 to vector<16xi32>
        %lt3A_800 = arith.cmpi slt, %max3A_59, %lt3A_799 : vector<16xi32>
        %add3A_801 = arith.constant 16 : i32
        %add3A_802 = vector.broadcast %add3A_801 : i32 to vector<16xi32>
        %add3A_803 = arith.addi %max3A_59, %add3A_802 : vector<16xi32>
        %select_n3A_804 = arith.select %lt3A_800, %add3A_803, %max3A_59 : vector<16xi1>, vector<16xi32>
        %broadcast_in_dim3A_805 = vector.shape_cast %select_n3A_804 : vector<16xi32> to vector<16x1xi32>
        %gather3A_806 = vector.shape_cast %broadcast_in_dim3A_805 : vector<16x1xi32> to vector<16xi32>
        %gather3A_807 = tpu.dynamic_gather %or3A_787[%gather3A_806] in [0] : vector<16xi32>, vector<16xi32> -> vector<16xi32>
        %eq3A_808 = arith.cmpi eq, %gather3A_797, %max3A_365 : vector<16xi32>
        %jit3A_809 = arith.constant 0 : i32
        %broadcast_in_dim3A_810 = vector.broadcast %jit3A_809 : i32 to vector<16xi32>
        %select_n3A_811 = arith.select %eq3A_808, %gather3A_807, %broadcast_in_dim3A_810 : vector<16xi1>, vector<16xi32>
        %or3A_812 = arith.ori %or3A_787, %select_n3A_811 : vector<16xi32>
        %lt3A_813 = arith.constant 0 : i32
        %lt3A_814 = vector.broadcast %lt3A_813 : i32 to vector<16xi32>
        %lt3A_815 = arith.cmpi slt, %max3A_65, %lt3A_814 : vector<16xi32>
        %add3A_816 = arith.constant 16 : i32
        %add3A_817 = vector.broadcast %add3A_816 : i32 to vector<16xi32>
        %add3A_818 = arith.addi %max3A_65, %add3A_817 : vector<16xi32>
        %select_n3A_819 = arith.select %lt3A_815, %add3A_818, %max3A_65 : vector<16xi1>, vector<16xi32>
        %broadcast_in_dim3A_820 = vector.shape_cast %select_n3A_819 : vector<16xi32> to vector<16x1xi32>
        %gather3A_821 = vector.shape_cast %broadcast_in_dim3A_820 : vector<16x1xi32> to vector<16xi32>
        %gather3A_822 = tpu.dynamic_gather %max3A_365[%gather3A_821] in [0] : vector<16xi32>, vector<16xi32> -> vector<16xi32>
        %lt3A_823 = arith.constant 0 : i32
        %lt3A_824 = vector.broadcast %lt3A_823 : i32 to vector<16xi32>
        %lt3A_825 = arith.cmpi slt, %max3A_65, %lt3A_824 : vector<16xi32>
        %add3A_826 = arith.constant 16 : i32
        %add3A_827 = vector.broadcast %add3A_826 : i32 to vector<16xi32>
        %add3A_828 = arith.addi %max3A_65, %add3A_827 : vector<16xi32>
        %select_n3A_829 = arith.select %lt3A_825, %add3A_828, %max3A_65 : vector<16xi1>, vector<16xi32>
        %broadcast_in_dim3A_830 = vector.shape_cast %select_n3A_829 : vector<16xi32> to vector<16x1xi32>
        %gather3A_831 = vector.shape_cast %broadcast_in_dim3A_830 : vector<16x1xi32> to vector<16xi32>
        %gather3A_832 = tpu.dynamic_gather %or3A_812[%gather3A_831] in [0] : vector<16xi32>, vector<16xi32> -> vector<16xi32>
        %eq3A_833 = arith.cmpi eq, %gather3A_822, %max3A_365 : vector<16xi32>
        %jit3A_834 = arith.constant 0 : i32
        %broadcast_in_dim3A_835 = vector.broadcast %jit3A_834 : i32 to vector<16xi32>
        %select_n3A_836 = arith.select %eq3A_833, %gather3A_832, %broadcast_in_dim3A_835 : vector<16xi1>, vector<16xi32>
        %or3A_837 = arith.ori %or3A_812, %select_n3A_836 : vector<16xi32>
        %slice3A_838 = vector.extract_strided_slice %max3A_365 {offsets = [15], sizes = [1], strides = [1]} : vector<16xi32> to vector<1xi32>
        %squeeze3A_839 = vector.extract %slice3A_838[0] : i32 from vector<1xi32>
        %slice3A_840 = vector.extract_strided_slice %or3A_837 {offsets = [15], sizes = [1], strides = [1]} : vector<16xi32> to vector<1xi32>
        %squeeze3A_841 = vector.extract %slice3A_840[0] : i32 from vector<1xi32>
        tpu.vector_store_idx %arg10[%max3A_335], %or3A_504 masked %eq3A_374 : memref<6256xi32, #tpu.memory_space<vmem>>[vector<16xi32>], vector<16xi32>, vector<16xi1>
        tpu.vector_store_idx %arg10[%max3A_345], %or3A_615 masked %eq3A_382 : memref<6256xi32, #tpu.memory_space<vmem>>[vector<16xi32>], vector<16xi32>, vector<16xi1>
        tpu.vector_store_idx %arg10[%max3A_355], %or3A_726 masked %eq3A_390 : memref<6256xi32, #tpu.memory_space<vmem>>[vector<16xi32>], vector<16xi32>, vector<16xi1>
        tpu.vector_store_idx %arg10[%max3A_365], %or3A_837 masked %eq3A_398 : memref<6256xi32, #tpu.memory_space<vmem>>[vector<16xi32>], vector<16xi32>, vector<16xi1>
        scf.yield %squeeze3A_839, %squeeze3A_841, %squeeze3A_367 : i32, i32, i32
      }
      %scan3A_155 = arith.constant 128 : i32
      %lt3A_156 = arith.cmpi slt, %add3A_129, %div3A_25 : i32
      %convert_element_type3A_157 = arith.extui %lt3A_156 : i1 to i32
      %cond3A_158 = arith.constant 0 : i32
      %cond3A_159 = arith.cmpi ne, %convert_element_type3A_157, %cond3A_158 : i32
      scf.if %cond3A_159 {
        %dma_wait3A_179 = arith.constant 0 : i32
        %dma_wait3A_180 = arith.constant 0 : i32
        %dma_wait3A_181 = tpu.memref_slice %arg2[%dma_wait3A_179, %dma_wait3A_180] : memref<2x1000000xf32, #tpu.memory_space<hbm>> -> memref<1x8192xf32, #tpu.memory_space<hbm>>
        %dma_wait3A_182 = tpu.memref_squeeze %dma_wait3A_181 : memref<1x8192xf32, #tpu.memory_space<hbm>> -> memref<8192xf32, #tpu.memory_space<hbm>>
        %dma_wait3A_183 = arith.constant 0 : i32
        %dma_wait3A_184 = tpu.memref_slice %arg2[%dma_wait3A_179, %dma_wait3A_183] : memref<2x1000000xf32, #tpu.memory_space<hbm>> -> memref<1x8192xf32, #tpu.memory_space<hbm>>
        %dma_wait3A_185 = tpu.memref_squeeze %dma_wait3A_184 : memref<1x8192xf32, #tpu.memory_space<hbm>> -> memref<8192xf32, #tpu.memory_space<hbm>>
        tpu.wait_dma2 semaphore(%arg17 : memref<!tpu.dma_semaphore, #tpu.memory_space<semaphore_mem>>) src(%dma_wait3A_185 : memref<8192xf32, #tpu.memory_space<hbm>>) dst(%arg13 : memref<8192xf32, #tpu.memory_space<vmem>>)
      } else {
      }
      %lt3A_160 = arith.cmpi slt, %add3A_131, %div3A_25 : i32
      %convert_element_type3A_161 = arith.extui %lt3A_160 : i1 to i32
      %cond3A_162 = arith.constant 0 : i32
      %cond3A_163 = arith.cmpi ne, %convert_element_type3A_161, %cond3A_162 : i32
      scf.if %cond3A_163 {
        %mul3A_179 = arith.constant 8192 : i32
        %mul3A_180 = arith.muli %add3A_131, %mul3A_179 : i32
        %add3A_181 = arith.addi %multiple_of3A_19, %mul3A_180 : i32
        %min3A_182 = arith.constant 991808 : i32
        %min3A_183 = arith.minsi %add3A_181, %min3A_182 : i32
        %multiple_of3A_184 = tpu.assume_multiple %min3A_183, 8 : i32
        "tpu.region"() ({
          %run_scoped3A = tpu.sem_alloc : memref<!tpu.dma_semaphore, #tpu.memory_space<semaphore_mem>>
          %dma_start3A_186 = tpu.memref_slice %arg3[%multiple_of3A_184] : memref<1000000xi32, #tpu.memory_space<hbm>> -> memref<8192xi32, #tpu.memory_space<hbm>>
          %dma_start3A_187 = tpu.memref_slice %arg3[%multiple_of3A_184] : memref<1000000xi32, #tpu.memory_space<hbm>> -> memref<8192xi32, #tpu.memory_space<hbm>>
          tpu.enqueue_dma source(%dma_start3A_187 : memref<8192xi32, #tpu.memory_space<hbm>>) target(%arg9 : memref<8192xi32, #tpu.memory_space<vmem>>) target_semaphore(%run_scoped3A : memref<!tpu.dma_semaphore, #tpu.memory_space<semaphore_mem>>)
          %dma_wait3A_188 = tpu.memref_slice %arg3[%multiple_of3A_184] : memref<1000000xi32, #tpu.memory_space<hbm>> -> memref<8192xi32, #tpu.memory_space<hbm>>
          %dma_wait3A_189 = tpu.memref_slice %arg3[%multiple_of3A_184] : memref<1000000xi32, #tpu.memory_space<hbm>> -> memref<8192xi32, #tpu.memory_space<hbm>>
          tpu.wait_dma2 semaphore(%run_scoped3A : memref<!tpu.dma_semaphore, #tpu.memory_space<semaphore_mem>>) src(%dma_wait3A_189 : memref<8192xi32, #tpu.memory_space<hbm>>) dst(%arg9 : memref<8192xi32, #tpu.memory_space<vmem>>)
          tpu.yield
        }) : () -> ()
        %dma_start3A = arith.constant 0 : i32
        %dma_start3A_185 = tpu.memref_slice %arg18[%dma_start3A] : memref<1000000xf32, #tpu.memory_space<vmem_shared>> -> memref<1000000xf32, #tpu.memory_space<vmem_shared>>
        tpu.enqueue_indirect_dma source(%dma_start3A_185 : memref<1000000xf32, #tpu.memory_space<vmem_shared>>) target(%arg12 : memref<8192xf32, #tpu.memory_space<vmem>>) offsets(%arg9 : memref<8192xi32, #tpu.memory_space<vmem>>) semaphore(%arg16 : memref<!tpu.dma_semaphore, #tpu.memory_space<semaphore_mem>>)
      } else {
      }
      %mul3A_164 = arith.constant 8192 : i32
      %mul3A_165 = arith.muli %add3A_129, %mul3A_164 : i32
      %add3A_166 = arith.addi %multiple_of3A_19, %mul3A_165 : i32
      %min3A_167 = arith.constant 991808 : i32
      %min3A_168 = arith.minsi %add3A_166, %min3A_167 : i32
      %multiple_of3A_169 = tpu.assume_multiple %min3A_168, 8 : i32
      %max3A_170 = arith.maxsi %squeeze3A, %add3A_166 : i32
      %while3A_171 = arith.constant 16 : i32
      %while3A_172:2 = scf.while (%while3A_179 = %while3A_149#0, %while3A_180 = %while3A_171) : (i32, i32) -> (i32, i32) {
        %eq3A_181 = arith.constant 16 : i32
        %eq3A_182 = arith.cmpi eq, %while3A_180, %eq3A_181 : i32
        scf.condition(%eq3A_182) %while3A_179, %while3A_180 : i32, i32
      } do {
      ^bb0(%while3A_179: i32, %while3A_180: i32):
        %get3A_181 = arith.index_cast %while3A_179 : i32 to index
        %get3A_182 = tpu.vector_load %arg15[%get3A_181] {strides = array<i32>} : memref<6272xi32, #tpu.memory_space<vmem>>, vector<16xi32>,
        %sub3A_183 = vector.broadcast %multiple_of3A_169 : i32 to vector<16xi32>
        %sub3A_184 = arith.subi %get3A_182, %sub3A_183 : vector<16xi32>
        %ge3A = arith.constant 0 : i32
        %ge3A_185 = vector.broadcast %ge3A : i32 to vector<16xi32>
        %ge3A_186 = arith.cmpi sge, %sub3A_184, %ge3A_185 : vector<16xi32>
        %lt3A_187 = arith.constant 8192 : i32
        %lt3A_188 = vector.broadcast %lt3A_187 : i32 to vector<16xi32>
        %lt3A_189 = arith.cmpi slt, %sub3A_184, %lt3A_188 : vector<16xi32>
        %and3A_190 = arith.andi %ge3A_186, %lt3A_189 : vector<16xi1>
        %add3A_191 = vector.broadcast %while3A_179 : i32 to vector<16xi32>
        %add3A_192 = arith.addi %add3A_191, %iota3A : vector<16xi32>
        %le3A = arith.constant 6250 : i32
        %le3A_193 = vector.broadcast %le3A : i32 to vector<16xi32>
        %le3A_194 = arith.cmpi sle, %add3A_192, %le3A_193 : vector<16xi32>
        %and3A_195 = arith.andi %and3A_190, %le3A_194 : vector<16xi1>
        %add3A_196 = vector.broadcast %while3A_179 : i32 to vector<16xi32>
        %add3A_197 = arith.addi %add3A_196, %iota3A : vector<16xi32>
        %add3A_198 = arith.constant 1 : i32
        %add3A_199 = vector.broadcast %add3A_198 : i32 to vector<16xi32>
        %add3A_200 = arith.addi %add3A_197, %add3A_199 : vector<16xi32>
        %lt3A_201 = arith.constant 0 : i32
        %lt3A_202 = vector.broadcast %lt3A_201 : i32 to vector<16xi32>
        %lt3A_203 = arith.cmpi slt, %min3A_70, %lt3A_202 : vector<16xi32>
        %add3A_204 = arith.constant 16 : i32
        %add3A_205 = vector.broadcast %add3A_204 : i32 to vector<16xi32>
        %add3A_206 = arith.addi %min3A_70, %add3A_205 : vector<16xi32>
        %select_n3A_207 = arith.select %lt3A_203, %add3A_206, %min3A_70 : vector<16xi1>, vector<16xi32>
        %broadcast_in_dim3A_208 = vector.shape_cast %select_n3A_207 : vector<16xi32> to vector<16x1xi32>
        %gather3A = vector.shape_cast %broadcast_in_dim3A_208 : vector<16x1xi32> to vector<16xi32>
        %gather3A_209 = tpu.dynamic_gather %sub3A_184[%gather3A] in [0] : vector<16xi32>, vector<16xi32> -> vector<16xi32>
        %ne3A_210 = arith.cmpi ne, %sub3A_184, %gather3A_209 : vector<16xi32>
        %eq3A_211 = arith.constant 15 : i32
        %eq3A_212 = vector.broadcast %eq3A_211 : i32 to vector<16xi32>
        %eq3A_213 = arith.cmpi eq, %iota3A, %eq3A_212 : vector<16xi32>
        %or3A = arith.ori %ne3A_210, %eq3A_213 : vector<16xi1>
        %and3A_214 = arith.andi %or3A, %and3A_195 : vector<16xi1>
        %jit3A_215 = arith.constant 0 : i32
        %jit3A_216 = arith.constant 8191 : i32
        %max3A_217 = vector.broadcast %jit3A_215 : i32 to vector<16xi32>
        %max3A_218 = arith.maxsi %max3A_217, %sub3A_184 : vector<16xi32>
        %min3A_219 = vector.broadcast %jit3A_216 : i32 to vector<16xi32>
        %min3A_220 = arith.minsi %min3A_219, %max3A_218 : vector<16xi32>
        tpu.vector_store_idx %arg8[%min3A_220], %add3A_200 masked %and3A_214 : memref<8192xi32, #tpu.memory_space<vmem>>[vector<16xi32>], vector<16xi32>, vector<16xi1>
        %all_reduce_population_count3A = tpu.all_reduce %and3A_195 {dim = 0 : i64, kind = #tpu.reduction_kind<sum>} : vector<16xi1> -> vector<16xi32>
        %slice3A_221 = vector.extract_strided_slice %all_reduce_population_count3A {offsets = [0], sizes = [1], strides = [1]} : vector<16xi32> to vector<1xi32>
        %squeeze3A_222 = vector.extract %slice3A_221[0] : i32 from vector<1xi32>
        %add3A_223 = arith.addi %while3A_179, %squeeze3A_222 : i32
        scf.yield %add3A_223, %squeeze3A_222 : i32, i32
      }
      %scan3A_173 = arith.constant 0 : i32
      %scan3A_174 = arith.constant 128 : i32
      %scan3A_175 = arith.addi %scan3A_173, %scan3A_174 : i32
      %scan3A_176 = arith.constant 1 : i32
      %scan3A_177:3 = scf.for %scan3A_179 = %scan3A_173 to %scan3A_175 step %scan3A_176 iter_args(%scan3A_180 = %scan3A_154#0, %scan3A_181 = %scan3A_154#1, %scan3A_182 = %scan3A_154#2) -> (i32, i32, i32)  : i32 {
        %mul3A_183 = arith.constant 64 : i32
        %mul3A_184 = arith.muli %scan3A_179, %mul3A_183 : i32
        %add3A_185 = arith.constant 0 : i32
        %add3A_186 = arith.addi %mul3A_184, %add3A_185 : i32
        %add3A_187 = arith.addi %multiple_of3A_169, %add3A_186 : i32
        %add3A_188 = vector.broadcast %add3A_187 : i32 to vector<16xi32>
        %add3A_189 = arith.addi %add3A_188, %iota3A : vector<16xi32>
        %get3A_190 = arith.index_cast %add3A_186 : i32 to index
        %get3A_191 = tpu.vector_load %arg13[%get3A_190] {strides = array<i32>} : memref<8192xf32, #tpu.memory_space<vmem>>, vector<16xf32>,
        %mul3A_192 = arith.constant 4.000000e+00 : f32
        %mul3A_193 = vector.broadcast %mul3A_192 : f32 to vector<16xf32>
        %mul3A_194 = arith.mulf %get3A_191, %mul3A_193 : vector<16xf32>
        %convert_element_type3A_195 = arith.fptosi %mul3A_194 : vector<16xf32> to vector<16xi32>
        %jit3A_196 = arith.constant 0 : i32
        %jit3A_197 = arith.constant 3 : i32
        %max3A_198 = vector.broadcast %jit3A_196 : i32 to vector<16xi32>
        %max3A_199 = arith.maxsi %max3A_198, %convert_element_type3A_195 : vector<16xi32>
        %min3A_200 = vector.broadcast %jit3A_197 : i32 to vector<16xi32>
        %min3A_201 = arith.minsi %min3A_200, %max3A_199 : vector<16xi32>
        %ge3A = vector.broadcast %max3A_170 : i32 to vector<16xi32>
        %ge3A_202 = arith.cmpi sge, %add3A_189, %ge3A : vector<16xi32>
        %lt3A_203 = vector.broadcast %squeeze3A_15 : i32 to vector<16xi32>
        %lt3A_204 = arith.cmpi slt, %add3A_189, %lt3A_203 : vector<16xi32>
        %and3A_205 = arith.andi %ge3A_202, %lt3A_204 : vector<16xi1>
        %shift_left3A = arith.shli %broadcast_in_dim3A_40, %min3A_201 : vector<16xi32>
        %select_n3A_206 = arith.select %and3A_205, %shift_left3A, %broadcast_in_dim3A_42 : vector<16xi1>, vector<16xi32>
        %get3A_207 = arith.index_cast %add3A_186 : i32 to index
        %get3A_208 = tpu.vector_load %arg8[%get3A_207] {strides = array<i32>} : memref<8192xi32, #tpu.memory_space<vmem>>, vector<16xi32>,
        %swap3A_209 = arith.index_cast %add3A_186 : i32 to index
        %swap3A_210 = tpu.vector_load %arg8[%swap3A_209] {strides = array<i32>} : memref<8192xi32, #tpu.memory_space<vmem>>, vector<16xi32>,
        tpu.vector_store %arg8[%swap3A_209], %broadcast_in_dim3A_42 {strides = array<i32>} : memref<8192xi32, #tpu.memory_space<vmem>>, vector<16xi32>,
        %broadcast_in_dim3A_211 = arith.constant true
        %broadcast_in_dim3A_212 = vector.broadcast %broadcast_in_dim3A_211 : i1 to vector<16xi1>
        %masked_cummax3A = arith.constant -2147483648 : i32
        %masked_cummax3A_213 = vector.broadcast %masked_cummax3A : i32 to vector<16xi32>
        %masked_cummax3A_214 = arith.xori %get3A_208, %masked_cummax3A_213 : vector<16xi32>
        %masked_cummax3A_215 = tpu.scan <max>, %masked_cummax3A_214 masked %broadcast_in_dim3A_212 : vector<16xi32>, vector<16xi1> -> vector<16xi32>
        %masked_cummax3A_216 = arith.xori %masked_cummax3A_215, %masked_cummax3A_213 : vector<16xi32>
        %mul3A_217 = arith.constant 64 : i32
        %mul3A_218 = arith.muli %scan3A_179, %mul3A_217 : i32
        %add3A_219 = arith.constant 16 : i32
        %add3A_220 = arith.addi %mul3A_218, %add3A_219 : i32
        %add3A_221 = arith.addi %multiple_of3A_169, %add3A_220 : i32
        %add3A_222 = vector.broadcast %add3A_221 : i32 to vector<16xi32>
        %add3A_223 = arith.addi %add3A_222, %iota3A : vector<16xi32>
        %get3A_224 = arith.index_cast %add3A_220 : i32 to index
        %get3A_225 = tpu.vector_load %arg13[%get3A_224] {strides = array<i32>} : memref<8192xf32, #tpu.memory_space<vmem>>, vector<16xf32>,
        %mul3A_226 = arith.constant 4.000000e+00 : f32
        %mul3A_227 = vector.broadcast %mul3A_226 : f32 to vector<16xf32>
        %mul3A_228 = arith.mulf %get3A_225, %mul3A_227 : vector<16xf32>
        %convert_element_type3A_229 = arith.fptosi %mul3A_228 : vector<16xf32> to vector<16xi32>
        %jit3A_230 = arith.constant 0 : i32
        %jit3A_231 = arith.constant 3 : i32
        %max3A_232 = vector.broadcast %jit3A_230 : i32 to vector<16xi32>
        %max3A_233 = arith.maxsi %max3A_232, %convert_element_type3A_229 : vector<16xi32>
        %min3A_234 = vector.broadcast %jit3A_231 : i32 to vector<16xi32>
        %min3A_235 = arith.minsi %min3A_234, %max3A_233 : vector<16xi32>
        %ge3A_236 = vector.broadcast %max3A_170 : i32 to vector<16xi32>
        %ge3A_237 = arith.cmpi sge, %add3A_223, %ge3A_236 : vector<16xi32>
        %lt3A_238 = vector.broadcast %squeeze3A_15 : i32 to vector<16xi32>
        %lt3A_239 = arith.cmpi slt, %add3A_223, %lt3A_238 : vector<16xi32>
        %and3A_240 = arith.andi %ge3A_237, %lt3A_239 : vector<16xi1>
        %shift_left3A_241 = arith.shli %broadcast_in_dim3A_40, %min3A_235 : vector<16xi32>
        %select_n3A_242 = arith.select %and3A_240, %shift_left3A_241, %broadcast_in_dim3A_42 : vector<16xi1>, vector<16xi32>
        %get3A_243 = arith.index_cast %add3A_220 : i32 to index
        %get3A_244 = tpu.vector_load %arg8[%get3A_243] {strides = array<i32>} : memref<8192xi32, #tpu.memory_space<vmem>>, vector<16xi32>,
        %swap3A_245 = arith.index_cast %add3A_220 : i32 to index
        %swap3A_246 = tpu.vector_load %arg8[%swap3A_245] {strides = array<i32>} : memref<8192xi32, #tpu.memory_space<vmem>>, vector<16xi32>,
        tpu.vector_store %arg8[%swap3A_245], %broadcast_in_dim3A_42 {strides = array<i32>} : memref<8192xi32, #tpu.memory_space<vmem>>, vector<16xi32>,
        %broadcast_in_dim3A_247 = arith.constant true
        %broadcast_in_dim3A_248 = vector.broadcast %broadcast_in_dim3A_247 : i1 to vector<16xi1>
        %masked_cummax3A_249 = arith.constant -2147483648 : i32
        %masked_cummax3A_250 = vector.broadcast %masked_cummax3A_249 : i32 to vector<16xi32>
        %masked_cummax3A_251 = arith.xori %get3A_244, %masked_cummax3A_250 : vector<16xi32>
        %masked_cummax3A_252 = tpu.scan <max>, %masked_cummax3A_251 masked %broadcast_in_dim3A_248 : vector<16xi32>, vector<16xi1> -> vector<16xi32>
        %masked_cummax3A_253 = arith.xori %masked_cummax3A_252, %masked_cummax3A_250 : vector<16xi32>
        %mul3A_254 = arith.constant 64 : i32
        %mul3A_255 = arith.muli %scan3A_179, %mul3A_254 : i32
        %add3A_256 = arith.constant 32 : i32
        %add3A_257 = arith.addi %mul3A_255, %add3A_256 : i32
        %add3A_258 = arith.addi %multiple_of3A_169, %add3A_257 : i32
        %add3A_259 = vector.broadcast %add3A_258 : i32 to vector<16xi32>
        %add3A_260 = arith.addi %add3A_259, %iota3A : vector<16xi32>
        %get3A_261 = arith.index_cast %add3A_257 : i32 to index
        %get3A_262 = tpu.vector_load %arg13[%get3A_261] {strides = array<i32>} : memref<8192xf32, #tpu.memory_space<vmem>>, vector<16xf32>,
        %mul3A_263 = arith.constant 4.000000e+00 : f32
        %mul3A_264 = vector.broadcast %mul3A_263 : f32 to vector<16xf32>
        %mul3A_265 = arith.mulf %get3A_262, %mul3A_264 : vector<16xf32>
        %convert_element_type3A_266 = arith.fptosi %mul3A_265 : vector<16xf32> to vector<16xi32>
        %jit3A_267 = arith.constant 0 : i32
        %jit3A_268 = arith.constant 3 : i32
        %max3A_269 = vector.broadcast %jit3A_267 : i32 to vector<16xi32>
        %max3A_270 = arith.maxsi %max3A_269, %convert_element_type3A_266 : vector<16xi32>
        %min3A_271 = vector.broadcast %jit3A_268 : i32 to vector<16xi32>
        %min3A_272 = arith.minsi %min3A_271, %max3A_270 : vector<16xi32>
        %ge3A_273 = vector.broadcast %max3A_170 : i32 to vector<16xi32>
        %ge3A_274 = arith.cmpi sge, %add3A_260, %ge3A_273 : vector<16xi32>
        %lt3A_275 = vector.broadcast %squeeze3A_15 : i32 to vector<16xi32>
        %lt3A_276 = arith.cmpi slt, %add3A_260, %lt3A_275 : vector<16xi32>
        %and3A_277 = arith.andi %ge3A_274, %lt3A_276 : vector<16xi1>
        %shift_left3A_278 = arith.shli %broadcast_in_dim3A_40, %min3A_272 : vector<16xi32>
        %select_n3A_279 = arith.select %and3A_277, %shift_left3A_278, %broadcast_in_dim3A_42 : vector<16xi1>, vector<16xi32>
        %get3A_280 = arith.index_cast %add3A_257 : i32 to index
        %get3A_281 = tpu.vector_load %arg8[%get3A_280] {strides = array<i32>} : memref<8192xi32, #tpu.memory_space<vmem>>, vector<16xi32>,
        %swap3A_282 = arith.index_cast %add3A_257 : i32 to index
        %swap3A_283 = tpu.vector_load %arg8[%swap3A_282] {strides = array<i32>} : memref<8192xi32, #tpu.memory_space<vmem>>, vector<16xi32>,
        tpu.vector_store %arg8[%swap3A_282], %broadcast_in_dim3A_42 {strides = array<i32>} : memref<8192xi32, #tpu.memory_space<vmem>>, vector<16xi32>,
        %broadcast_in_dim3A_284 = arith.constant true
        %broadcast_in_dim3A_285 = vector.broadcast %broadcast_in_dim3A_284 : i1 to vector<16xi1>
        %masked_cummax3A_286 = arith.constant -2147483648 : i32
        %masked_cummax3A_287 = vector.broadcast %masked_cummax3A_286 : i32 to vector<16xi32>
        %masked_cummax3A_288 = arith.xori %get3A_281, %masked_cummax3A_287 : vector<16xi32>
        %masked_cummax3A_289 = tpu.scan <max>, %masked_cummax3A_288 masked %broadcast_in_dim3A_285 : vector<16xi32>, vector<16xi1> -> vector<16xi32>
        %masked_cummax3A_290 = arith.xori %masked_cummax3A_289, %masked_cummax3A_287 : vector<16xi32>
        %mul3A_291 = arith.constant 64 : i32
        %mul3A_292 = arith.muli %scan3A_179, %mul3A_291 : i32
        %add3A_293 = arith.constant 48 : i32
        %add3A_294 = arith.addi %mul3A_292, %add3A_293 : i32
        %add3A_295 = arith.addi %multiple_of3A_169, %add3A_294 : i32
        %add3A_296 = vector.broadcast %add3A_295 : i32 to vector<16xi32>
        %add3A_297 = arith.addi %add3A_296, %iota3A : vector<16xi32>
        %get3A_298 = arith.index_cast %add3A_294 : i32 to index
        %get3A_299 = tpu.vector_load %arg13[%get3A_298] {strides = array<i32>} : memref<8192xf32, #tpu.memory_space<vmem>>, vector<16xf32>,
        %mul3A_300 = arith.constant 4.000000e+00 : f32
        %mul3A_301 = vector.broadcast %mul3A_300 : f32 to vector<16xf32>
        %mul3A_302 = arith.mulf %get3A_299, %mul3A_301 : vector<16xf32>
        %convert_element_type3A_303 = arith.fptosi %mul3A_302 : vector<16xf32> to vector<16xi32>
        %jit3A_304 = arith.constant 0 : i32
        %jit3A_305 = arith.constant 3 : i32
        %max3A_306 = vector.broadcast %jit3A_304 : i32 to vector<16xi32>
        %max3A_307 = arith.maxsi %max3A_306, %convert_element_type3A_303 : vector<16xi32>
        %min3A_308 = vector.broadcast %jit3A_305 : i32 to vector<16xi32>
        %min3A_309 = arith.minsi %min3A_308, %max3A_307 : vector<16xi32>
        %ge3A_310 = vector.broadcast %max3A_170 : i32 to vector<16xi32>
        %ge3A_311 = arith.cmpi sge, %add3A_297, %ge3A_310 : vector<16xi32>
        %lt3A_312 = vector.broadcast %squeeze3A_15 : i32 to vector<16xi32>
        %lt3A_313 = arith.cmpi slt, %add3A_297, %lt3A_312 : vector<16xi32>
        %and3A_314 = arith.andi %ge3A_311, %lt3A_313 : vector<16xi1>
        %shift_left3A_315 = arith.shli %broadcast_in_dim3A_40, %min3A_309 : vector<16xi32>
        %select_n3A_316 = arith.select %and3A_314, %shift_left3A_315, %broadcast_in_dim3A_42 : vector<16xi1>, vector<16xi32>
        %get3A_317 = arith.index_cast %add3A_294 : i32 to index
        %get3A_318 = tpu.vector_load %arg8[%get3A_317] {strides = array<i32>} : memref<8192xi32, #tpu.memory_space<vmem>>, vector<16xi32>,
        %swap3A_319 = arith.index_cast %add3A_294 : i32 to index
        %swap3A_320 = tpu.vector_load %arg8[%swap3A_319] {strides = array<i32>} : memref<8192xi32, #tpu.memory_space<vmem>>, vector<16xi32>,
        tpu.vector_store %arg8[%swap3A_319], %broadcast_in_dim3A_42 {strides = array<i32>} : memref<8192xi32, #tpu.memory_space<vmem>>, vector<16xi32>,
        %broadcast_in_dim3A_321 = arith.constant true
        %broadcast_in_dim3A_322 = vector.broadcast %broadcast_in_dim3A_321 : i1 to vector<16xi1>
        %masked_cummax3A_323 = arith.constant -2147483648 : i32
        %masked_cummax3A_324 = vector.broadcast %masked_cummax3A_323 : i32 to vector<16xi32>
        %masked_cummax3A_325 = arith.xori %get3A_318, %masked_cummax3A_324 : vector<16xi32>
        %masked_cummax3A_326 = tpu.scan <max>, %masked_cummax3A_325 masked %broadcast_in_dim3A_322 : vector<16xi32>, vector<16xi1> -> vector<16xi32>
        %masked_cummax3A_327 = arith.xori %masked_cummax3A_326, %masked_cummax3A_324 : vector<16xi32>
        %max3A_328 = vector.broadcast %scan3A_182 : i32 to vector<16xi32>
        %max3A_329 = arith.maxsi %masked_cummax3A_216, %max3A_328 : vector<16xi32>
        %sub3A_330 = arith.constant 1 : i32
        %sub3A_331 = vector.broadcast %sub3A_330 : i32 to vector<16xi32>
        %sub3A_332 = arith.subi %max3A_329, %sub3A_331 : vector<16xi32>
        %max3A_333 = arith.constant 0 : i32
        %max3A_334 = vector.broadcast %max3A_333 : i32 to vector<16xi32>
        %max3A_335 = arith.maxsi %sub3A_332, %max3A_334 : vector<16xi32>
        %slice3A_336 = vector.extract_strided_slice %max3A_329 {offsets = [15], sizes = [1], strides = [1]} : vector<16xi32> to vector<1xi32>
        %squeeze3A_337 = vector.extract %slice3A_336[0] : i32 from vector<1xi32>
        %max3A_338 = vector.broadcast %squeeze3A_337 : i32 to vector<16xi32>
        %max3A_339 = arith.maxsi %masked_cummax3A_253, %max3A_338 : vector<16xi32>
        %sub3A_340 = arith.constant 1 : i32
        %sub3A_341 = vector.broadcast %sub3A_340 : i32 to vector<16xi32>
        %sub3A_342 = arith.subi %max3A_339, %sub3A_341 : vector<16xi32>
        %max3A_343 = arith.constant 0 : i32
        %max3A_344 = vector.broadcast %max3A_343 : i32 to vector<16xi32>
        %max3A_345 = arith.maxsi %sub3A_342, %max3A_344 : vector<16xi32>
        %slice3A_346 = vector.extract_strided_slice %max3A_339 {offsets = [15], sizes = [1], strides = [1]} : vector<16xi32> to vector<1xi32>
        %squeeze3A_347 = vector.extract %slice3A_346[0] : i32 from vector<1xi32>
        %max3A_348 = vector.broadcast %squeeze3A_347 : i32 to vector<16xi32>
        %max3A_349 = arith.maxsi %masked_cummax3A_290, %max3A_348 : vector<16xi32>
        %sub3A_350 = arith.constant 1 : i32
        %sub3A_351 = vector.broadcast %sub3A_350 : i32 to vector<16xi32>
        %sub3A_352 = arith.subi %max3A_349, %sub3A_351 : vector<16xi32>
        %max3A_353 = arith.constant 0 : i32
        %max3A_354 = vector.broadcast %max3A_353 : i32 to vector<16xi32>
        %max3A_355 = arith.maxsi %sub3A_352, %max3A_354 : vector<16xi32>
        %slice3A_356 = vector.extract_strided_slice %max3A_349 {offsets = [15], sizes = [1], strides = [1]} : vector<16xi32> to vector<1xi32>
        %squeeze3A_357 = vector.extract %slice3A_356[0] : i32 from vector<1xi32>
        %max3A_358 = vector.broadcast %squeeze3A_357 : i32 to vector<16xi32>
        %max3A_359 = arith.maxsi %masked_cummax3A_327, %max3A_358 : vector<16xi32>
        %sub3A_360 = arith.constant 1 : i32
        %sub3A_361 = vector.broadcast %sub3A_360 : i32 to vector<16xi32>
        %sub3A_362 = arith.subi %max3A_359, %sub3A_361 : vector<16xi32>
        %max3A_363 = arith.constant 0 : i32
        %max3A_364 = vector.broadcast %max3A_363 : i32 to vector<16xi32>
        %max3A_365 = arith.maxsi %sub3A_362, %max3A_364 : vector<16xi32>
        %slice3A_366 = vector.extract_strided_slice %max3A_359 {offsets = [15], sizes = [1], strides = [1]} : vector<16xi32> to vector<1xi32>
        %squeeze3A_367 = vector.extract %slice3A_366[0] : i32 from vector<1xi32>
        %add3A_368 = arith.constant 1 : i32
        %add3A_369 = vector.broadcast %add3A_368 : i32 to vector<16xi32>
        %add3A_370 = arith.addi %max3A_335, %add3A_369 : vector<16xi32>
        %gather3A = tpu.vector_load_idx %arg15[%add3A_370] : memref<6272xi32, #tpu.memory_space<vmem>>[vector<16xi32>], vector<16xi32>,
        %sub3A_371 = arith.constant 1 : i32
        %sub3A_372 = vector.broadcast %sub3A_371 : i32 to vector<16xi32>
        %sub3A_373 = arith.subi %gather3A, %sub3A_372 : vector<16xi32>
        %eq3A_374 = arith.cmpi eq, %add3A_189, %sub3A_373 : vector<16xi32>
        %add3A_375 = arith.constant 1 : i32
        %add3A_376 = vector.broadcast %add3A_375 : i32 to vector<16xi32>
        %add3A_377 = arith.addi %max3A_345, %add3A_376 : vector<16xi32>
        %gather3A_378 = tpu.vector_load_idx %arg15[%add3A_377] : memref<6272xi32, #tpu.memory_space<vmem>>[vector<16xi32>], vector<16xi32>,
        %sub3A_379 = arith.constant 1 : i32
        %sub3A_380 = vector.broadcast %sub3A_379 : i32 to vector<16xi32>
        %sub3A_381 = arith.subi %gather3A_378, %sub3A_380 : vector<16xi32>
        %eq3A_382 = arith.cmpi eq, %add3A_223, %sub3A_381 : vector<16xi32>
        %add3A_383 = arith.constant 1 : i32
        %add3A_384 = vector.broadcast %add3A_383 : i32 to vector<16xi32>
        %add3A_385 = arith.addi %max3A_355, %add3A_384 : vector<16xi32>
        %gather3A_386 = tpu.vector_load_idx %arg15[%add3A_385] : memref<6272xi32, #tpu.memory_space<vmem>>[vector<16xi32>], vector<16xi32>,
        %sub3A_387 = arith.constant 1 : i32
        %sub3A_388 = vector.broadcast %sub3A_387 : i32 to vector<16xi32>
        %sub3A_389 = arith.subi %gather3A_386, %sub3A_388 : vector<16xi32>
        %eq3A_390 = arith.cmpi eq, %add3A_260, %sub3A_389 : vector<16xi32>
        %add3A_391 = arith.constant 1 : i32
        %add3A_392 = vector.broadcast %add3A_391 : i32 to vector<16xi32>
        %add3A_393 = arith.addi %max3A_365, %add3A_392 : vector<16xi32>
        %gather3A_394 = tpu.vector_load_idx %arg15[%add3A_393] : memref<6272xi32, #tpu.memory_space<vmem>>[vector<16xi32>], vector<16xi32>,
        %sub3A_395 = arith.constant 1 : i32
        %sub3A_396 = vector.broadcast %sub3A_395 : i32 to vector<16xi32>
        %sub3A_397 = arith.subi %gather3A_394, %sub3A_396 : vector<16xi32>
        %eq3A_398 = arith.cmpi eq, %add3A_297, %sub3A_397 : vector<16xi32>
        %eq3A_399 = vector.broadcast %scan3A_180 : i32 to vector<16xi32>
        %eq3A_400 = arith.cmpi eq, %max3A_335, %eq3A_399 : vector<16xi32>
        %jit3A_401 = arith.constant 0 : i32
        %broadcast_in_dim3A_402 = vector.broadcast %scan3A_181 : i32 to vector<16xi32>
        %broadcast_in_dim3A_403 = vector.broadcast %jit3A_401 : i32 to vector<16xi32>
        %select_n3A_404 = arith.select %eq3A_400, %broadcast_in_dim3A_402, %broadcast_in_dim3A_403 : vector<16xi1>, vector<16xi32>
        %or3A = arith.ori %select_n3A_206, %select_n3A_404 : vector<16xi32>
        %lt3A_405 = arith.constant 0 : i32
        %lt3A_406 = vector.broadcast %lt3A_405 : i32 to vector<16xi32>
        %lt3A_407 = arith.cmpi slt, %max3A_47, %lt3A_406 : vector<16xi32>
        %add3A_408 = arith.constant 16 : i32
        %add3A_409 = vector.broadcast %add3A_408 : i32 to vector<16xi32>
        %add3A_410 = arith.addi %max3A_47, %add3A_409 : vector<16xi32>
        %select_n3A_411 = arith.select %lt3A_407, %add3A_410, %max3A_47 : vector<16xi1>, vector<16xi32>
        %broadcast_in_dim3A_412 = vector.shape_cast %select_n3A_411 : vector<16xi32> to vector<16x1xi32>
        %gather3A_413 = vector.shape_cast %broadcast_in_dim3A_412 : vector<16x1xi32> to vector<16xi32>
        %gather3A_414 = tpu.dynamic_gather %max3A_335[%gather3A_413] in [0] : vector<16xi32>, vector<16xi32> -> vector<16xi32>
        %lt3A_415 = arith.constant 0 : i32
        %lt3A_416 = vector.broadcast %lt3A_415 : i32 to vector<16xi32>
        %lt3A_417 = arith.cmpi slt, %max3A_47, %lt3A_416 : vector<16xi32>
        %add3A_418 = arith.constant 16 : i32
        %add3A_419 = vector.broadcast %add3A_418 : i32 to vector<16xi32>
        %add3A_420 = arith.addi %max3A_47, %add3A_419 : vector<16xi32>
        %select_n3A_421 = arith.select %lt3A_417, %add3A_420, %max3A_47 : vector<16xi1>, vector<16xi32>
        %broadcast_in_dim3A_422 = vector.shape_cast %select_n3A_421 : vector<16xi32> to vector<16x1xi32>
        %gather3A_423 = vector.shape_cast %broadcast_in_dim3A_422 : vector<16x1xi32> to vector<16xi32>
        %gather3A_424 = tpu.dynamic_gather %or3A[%gather3A_423] in [0] : vector<16xi32>, vector<16xi32> -> vector<16xi32>
        %eq3A_425 = arith.cmpi eq, %gather3A_414, %max3A_335 : vector<16xi32>
        %jit3A_426 = arith.constant 0 : i32
        %broadcast_in_dim3A_427 = vector.broadcast %jit3A_426 : i32 to vector<16xi32>
        %select_n3A_428 = arith.select %eq3A_425, %gather3A_424, %broadcast_in_dim3A_427 : vector<16xi1>, vector<16xi32>
        %or3A_429 = arith.ori %or3A, %select_n3A_428 : vector<16xi32>
        %lt3A_430 = arith.constant 0 : i32
        %lt3A_431 = vector.broadcast %lt3A_430 : i32 to vector<16xi32>
        %lt3A_432 = arith.cmpi slt, %max3A_53, %lt3A_431 : vector<16xi32>
        %add3A_433 = arith.constant 16 : i32
        %add3A_434 = vector.broadcast %add3A_433 : i32 to vector<16xi32>
        %add3A_435 = arith.addi %max3A_53, %add3A_434 : vector<16xi32>
        %select_n3A_436 = arith.select %lt3A_432, %add3A_435, %max3A_53 : vector<16xi1>, vector<16xi32>
        %broadcast_in_dim3A_437 = vector.shape_cast %select_n3A_436 : vector<16xi32> to vector<16x1xi32>
        %gather3A_438 = vector.shape_cast %broadcast_in_dim3A_437 : vector<16x1xi32> to vector<16xi32>
        %gather3A_439 = tpu.dynamic_gather %max3A_335[%gather3A_438] in [0] : vector<16xi32>, vector<16xi32> -> vector<16xi32>
        %lt3A_440 = arith.constant 0 : i32
        %lt3A_441 = vector.broadcast %lt3A_440 : i32 to vector<16xi32>
        %lt3A_442 = arith.cmpi slt, %max3A_53, %lt3A_441 : vector<16xi32>
        %add3A_443 = arith.constant 16 : i32
        %add3A_444 = vector.broadcast %add3A_443 : i32 to vector<16xi32>
        %add3A_445 = arith.addi %max3A_53, %add3A_444 : vector<16xi32>
        %select_n3A_446 = arith.select %lt3A_442, %add3A_445, %max3A_53 : vector<16xi1>, vector<16xi32>
        %broadcast_in_dim3A_447 = vector.shape_cast %select_n3A_446 : vector<16xi32> to vector<16x1xi32>
        %gather3A_448 = vector.shape_cast %broadcast_in_dim3A_447 : vector<16x1xi32> to vector<16xi32>
        %gather3A_449 = tpu.dynamic_gather %or3A_429[%gather3A_448] in [0] : vector<16xi32>, vector<16xi32> -> vector<16xi32>
        %eq3A_450 = arith.cmpi eq, %gather3A_439, %max3A_335 : vector<16xi32>
        %jit3A_451 = arith.constant 0 : i32
        %broadcast_in_dim3A_452 = vector.broadcast %jit3A_451 : i32 to vector<16xi32>
        %select_n3A_453 = arith.select %eq3A_450, %gather3A_449, %broadcast_in_dim3A_452 : vector<16xi1>, vector<16xi32>
        %or3A_454 = arith.ori %or3A_429, %select_n3A_453 : vector<16xi32>
        %lt3A_455 = arith.constant 0 : i32
        %lt3A_456 = vector.broadcast %lt3A_455 : i32 to vector<16xi32>
        %lt3A_457 = arith.cmpi slt, %max3A_59, %lt3A_456 : vector<16xi32>
        %add3A_458 = arith.constant 16 : i32
        %add3A_459 = vector.broadcast %add3A_458 : i32 to vector<16xi32>
        %add3A_460 = arith.addi %max3A_59, %add3A_459 : vector<16xi32>
        %select_n3A_461 = arith.select %lt3A_457, %add3A_460, %max3A_59 : vector<16xi1>, vector<16xi32>
        %broadcast_in_dim3A_462 = vector.shape_cast %select_n3A_461 : vector<16xi32> to vector<16x1xi32>
        %gather3A_463 = vector.shape_cast %broadcast_in_dim3A_462 : vector<16x1xi32> to vector<16xi32>
        %gather3A_464 = tpu.dynamic_gather %max3A_335[%gather3A_463] in [0] : vector<16xi32>, vector<16xi32> -> vector<16xi32>
        %lt3A_465 = arith.constant 0 : i32
        %lt3A_466 = vector.broadcast %lt3A_465 : i32 to vector<16xi32>
        %lt3A_467 = arith.cmpi slt, %max3A_59, %lt3A_466 : vector<16xi32>
        %add3A_468 = arith.constant 16 : i32
        %add3A_469 = vector.broadcast %add3A_468 : i32 to vector<16xi32>
        %add3A_470 = arith.addi %max3A_59, %add3A_469 : vector<16xi32>
        %select_n3A_471 = arith.select %lt3A_467, %add3A_470, %max3A_59 : vector<16xi1>, vector<16xi32>
        %broadcast_in_dim3A_472 = vector.shape_cast %select_n3A_471 : vector<16xi32> to vector<16x1xi32>
        %gather3A_473 = vector.shape_cast %broadcast_in_dim3A_472 : vector<16x1xi32> to vector<16xi32>
        %gather3A_474 = tpu.dynamic_gather %or3A_454[%gather3A_473] in [0] : vector<16xi32>, vector<16xi32> -> vector<16xi32>
        %eq3A_475 = arith.cmpi eq, %gather3A_464, %max3A_335 : vector<16xi32>
        %jit3A_476 = arith.constant 0 : i32
        %broadcast_in_dim3A_477 = vector.broadcast %jit3A_476 : i32 to vector<16xi32>
        %select_n3A_478 = arith.select %eq3A_475, %gather3A_474, %broadcast_in_dim3A_477 : vector<16xi1>, vector<16xi32>
        %or3A_479 = arith.ori %or3A_454, %select_n3A_478 : vector<16xi32>
        %lt3A_480 = arith.constant 0 : i32
        %lt3A_481 = vector.broadcast %lt3A_480 : i32 to vector<16xi32>
        %lt3A_482 = arith.cmpi slt, %max3A_65, %lt3A_481 : vector<16xi32>
        %add3A_483 = arith.constant 16 : i32
        %add3A_484 = vector.broadcast %add3A_483 : i32 to vector<16xi32>
        %add3A_485 = arith.addi %max3A_65, %add3A_484 : vector<16xi32>
        %select_n3A_486 = arith.select %lt3A_482, %add3A_485, %max3A_65 : vector<16xi1>, vector<16xi32>
        %broadcast_in_dim3A_487 = vector.shape_cast %select_n3A_486 : vector<16xi32> to vector<16x1xi32>
        %gather3A_488 = vector.shape_cast %broadcast_in_dim3A_487 : vector<16x1xi32> to vector<16xi32>
        %gather3A_489 = tpu.dynamic_gather %max3A_335[%gather3A_488] in [0] : vector<16xi32>, vector<16xi32> -> vector<16xi32>
        %lt3A_490 = arith.constant 0 : i32
        %lt3A_491 = vector.broadcast %lt3A_490 : i32 to vector<16xi32>
        %lt3A_492 = arith.cmpi slt, %max3A_65, %lt3A_491 : vector<16xi32>
        %add3A_493 = arith.constant 16 : i32
        %add3A_494 = vector.broadcast %add3A_493 : i32 to vector<16xi32>
        %add3A_495 = arith.addi %max3A_65, %add3A_494 : vector<16xi32>
        %select_n3A_496 = arith.select %lt3A_492, %add3A_495, %max3A_65 : vector<16xi1>, vector<16xi32>
        %broadcast_in_dim3A_497 = vector.shape_cast %select_n3A_496 : vector<16xi32> to vector<16x1xi32>
        %gather3A_498 = vector.shape_cast %broadcast_in_dim3A_497 : vector<16x1xi32> to vector<16xi32>
        %gather3A_499 = tpu.dynamic_gather %or3A_479[%gather3A_498] in [0] : vector<16xi32>, vector<16xi32> -> vector<16xi32>
        %eq3A_500 = arith.cmpi eq, %gather3A_489, %max3A_335 : vector<16xi32>
        %jit3A_501 = arith.constant 0 : i32
        %broadcast_in_dim3A_502 = vector.broadcast %jit3A_501 : i32 to vector<16xi32>
        %select_n3A_503 = arith.select %eq3A_500, %gather3A_499, %broadcast_in_dim3A_502 : vector<16xi1>, vector<16xi32>
        %or3A_504 = arith.ori %or3A_479, %select_n3A_503 : vector<16xi32>
        %slice3A_505 = vector.extract_strided_slice %max3A_335 {offsets = [15], sizes = [1], strides = [1]} : vector<16xi32> to vector<1xi32>
        %squeeze3A_506 = vector.extract %slice3A_505[0] : i32 from vector<1xi32>
        %slice3A_507 = vector.extract_strided_slice %or3A_504 {offsets = [15], sizes = [1], strides = [1]} : vector<16xi32> to vector<1xi32>
        %squeeze3A_508 = vector.extract %slice3A_507[0] : i32 from vector<1xi32>
        %eq3A_509 = vector.broadcast %squeeze3A_506 : i32 to vector<16xi32>
        %eq3A_510 = arith.cmpi eq, %max3A_345, %eq3A_509 : vector<16xi32>
        %jit3A_511 = arith.constant 0 : i32
        %broadcast_in_dim3A_512 = vector.broadcast %squeeze3A_508 : i32 to vector<16xi32>
        %broadcast_in_dim3A_513 = vector.broadcast %jit3A_511 : i32 to vector<16xi32>
        %select_n3A_514 = arith.select %eq3A_510, %broadcast_in_dim3A_512, %broadcast_in_dim3A_513 : vector<16xi1>, vector<16xi32>
        %or3A_515 = arith.ori %select_n3A_242, %select_n3A_514 : vector<16xi32>
        %lt3A_516 = arith.constant 0 : i32
        %lt3A_517 = vector.broadcast %lt3A_516 : i32 to vector<16xi32>
        %lt3A_518 = arith.cmpi slt, %max3A_47, %lt3A_517 : vector<16xi32>
        %add3A_519 = arith.constant 16 : i32
        %add3A_520 = vector.broadcast %add3A_519 : i32 to vector<16xi32>
        %add3A_521 = arith.addi %max3A_47, %add3A_520 : vector<16xi32>
        %select_n3A_522 = arith.select %lt3A_518, %add3A_521, %max3A_47 : vector<16xi1>, vector<16xi32>
        %broadcast_in_dim3A_523 = vector.shape_cast %select_n3A_522 : vector<16xi32> to vector<16x1xi32>
        %gather3A_524 = vector.shape_cast %broadcast_in_dim3A_523 : vector<16x1xi32> to vector<16xi32>
        %gather3A_525 = tpu.dynamic_gather %max3A_345[%gather3A_524] in [0] : vector<16xi32>, vector<16xi32> -> vector<16xi32>
        %lt3A_526 = arith.constant 0 : i32
        %lt3A_527 = vector.broadcast %lt3A_526 : i32 to vector<16xi32>
        %lt3A_528 = arith.cmpi slt, %max3A_47, %lt3A_527 : vector<16xi32>
        %add3A_529 = arith.constant 16 : i32
        %add3A_530 = vector.broadcast %add3A_529 : i32 to vector<16xi32>
        %add3A_531 = arith.addi %max3A_47, %add3A_530 : vector<16xi32>
        %select_n3A_532 = arith.select %lt3A_528, %add3A_531, %max3A_47 : vector<16xi1>, vector<16xi32>
        %broadcast_in_dim3A_533 = vector.shape_cast %select_n3A_532 : vector<16xi32> to vector<16x1xi32>
        %gather3A_534 = vector.shape_cast %broadcast_in_dim3A_533 : vector<16x1xi32> to vector<16xi32>
        %gather3A_535 = tpu.dynamic_gather %or3A_515[%gather3A_534] in [0] : vector<16xi32>, vector<16xi32> -> vector<16xi32>
        %eq3A_536 = arith.cmpi eq, %gather3A_525, %max3A_345 : vector<16xi32>
        %jit3A_537 = arith.constant 0 : i32
        %broadcast_in_dim3A_538 = vector.broadcast %jit3A_537 : i32 to vector<16xi32>
        %select_n3A_539 = arith.select %eq3A_536, %gather3A_535, %broadcast_in_dim3A_538 : vector<16xi1>, vector<16xi32>
        %or3A_540 = arith.ori %or3A_515, %select_n3A_539 : vector<16xi32>
        %lt3A_541 = arith.constant 0 : i32
        %lt3A_542 = vector.broadcast %lt3A_541 : i32 to vector<16xi32>
        %lt3A_543 = arith.cmpi slt, %max3A_53, %lt3A_542 : vector<16xi32>
        %add3A_544 = arith.constant 16 : i32
        %add3A_545 = vector.broadcast %add3A_544 : i32 to vector<16xi32>
        %add3A_546 = arith.addi %max3A_53, %add3A_545 : vector<16xi32>
        %select_n3A_547 = arith.select %lt3A_543, %add3A_546, %max3A_53 : vector<16xi1>, vector<16xi32>
        %broadcast_in_dim3A_548 = vector.shape_cast %select_n3A_547 : vector<16xi32> to vector<16x1xi32>
        %gather3A_549 = vector.shape_cast %broadcast_in_dim3A_548 : vector<16x1xi32> to vector<16xi32>
        %gather3A_550 = tpu.dynamic_gather %max3A_345[%gather3A_549] in [0] : vector<16xi32>, vector<16xi32> -> vector<16xi32>
        %lt3A_551 = arith.constant 0 : i32
        %lt3A_552 = vector.broadcast %lt3A_551 : i32 to vector<16xi32>
        %lt3A_553 = arith.cmpi slt, %max3A_53, %lt3A_552 : vector<16xi32>
        %add3A_554 = arith.constant 16 : i32
        %add3A_555 = vector.broadcast %add3A_554 : i32 to vector<16xi32>
        %add3A_556 = arith.addi %max3A_53, %add3A_555 : vector<16xi32>
        %select_n3A_557 = arith.select %lt3A_553, %add3A_556, %max3A_53 : vector<16xi1>, vector<16xi32>
        %broadcast_in_dim3A_558 = vector.shape_cast %select_n3A_557 : vector<16xi32> to vector<16x1xi32>
        %gather3A_559 = vector.shape_cast %broadcast_in_dim3A_558 : vector<16x1xi32> to vector<16xi32>
        %gather3A_560 = tpu.dynamic_gather %or3A_540[%gather3A_559] in [0] : vector<16xi32>, vector<16xi32> -> vector<16xi32>
        %eq3A_561 = arith.cmpi eq, %gather3A_550, %max3A_345 : vector<16xi32>
        %jit3A_562 = arith.constant 0 : i32
        %broadcast_in_dim3A_563 = vector.broadcast %jit3A_562 : i32 to vector<16xi32>
        %select_n3A_564 = arith.select %eq3A_561, %gather3A_560, %broadcast_in_dim3A_563 : vector<16xi1>, vector<16xi32>
        %or3A_565 = arith.ori %or3A_540, %select_n3A_564 : vector<16xi32>
        %lt3A_566 = arith.constant 0 : i32
        %lt3A_567 = vector.broadcast %lt3A_566 : i32 to vector<16xi32>
        %lt3A_568 = arith.cmpi slt, %max3A_59, %lt3A_567 : vector<16xi32>
        %add3A_569 = arith.constant 16 : i32
        %add3A_570 = vector.broadcast %add3A_569 : i32 to vector<16xi32>
        %add3A_571 = arith.addi %max3A_59, %add3A_570 : vector<16xi32>
        %select_n3A_572 = arith.select %lt3A_568, %add3A_571, %max3A_59 : vector<16xi1>, vector<16xi32>
        %broadcast_in_dim3A_573 = vector.shape_cast %select_n3A_572 : vector<16xi32> to vector<16x1xi32>
        %gather3A_574 = vector.shape_cast %broadcast_in_dim3A_573 : vector<16x1xi32> to vector<16xi32>
        %gather3A_575 = tpu.dynamic_gather %max3A_345[%gather3A_574] in [0] : vector<16xi32>, vector<16xi32> -> vector<16xi32>
        %lt3A_576 = arith.constant 0 : i32
        %lt3A_577 = vector.broadcast %lt3A_576 : i32 to vector<16xi32>
        %lt3A_578 = arith.cmpi slt, %max3A_59, %lt3A_577 : vector<16xi32>
        %add3A_579 = arith.constant 16 : i32
        %add3A_580 = vector.broadcast %add3A_579 : i32 to vector<16xi32>
        %add3A_581 = arith.addi %max3A_59, %add3A_580 : vector<16xi32>
        %select_n3A_582 = arith.select %lt3A_578, %add3A_581, %max3A_59 : vector<16xi1>, vector<16xi32>
        %broadcast_in_dim3A_583 = vector.shape_cast %select_n3A_582 : vector<16xi32> to vector<16x1xi32>
        %gather3A_584 = vector.shape_cast %broadcast_in_dim3A_583 : vector<16x1xi32> to vector<16xi32>
        %gather3A_585 = tpu.dynamic_gather %or3A_565[%gather3A_584] in [0] : vector<16xi32>, vector<16xi32> -> vector<16xi32>
        %eq3A_586 = arith.cmpi eq, %gather3A_575, %max3A_345 : vector<16xi32>
        %jit3A_587 = arith.constant 0 : i32
        %broadcast_in_dim3A_588 = vector.broadcast %jit3A_587 : i32 to vector<16xi32>
        %select_n3A_589 = arith.select %eq3A_586, %gather3A_585, %broadcast_in_dim3A_588 : vector<16xi1>, vector<16xi32>
        %or3A_590 = arith.ori %or3A_565, %select_n3A_589 : vector<16xi32>
        %lt3A_591 = arith.constant 0 : i32
        %lt3A_592 = vector.broadcast %lt3A_591 : i32 to vector<16xi32>
        %lt3A_593 = arith.cmpi slt, %max3A_65, %lt3A_592 : vector<16xi32>
        %add3A_594 = arith.constant 16 : i32
        %add3A_595 = vector.broadcast %add3A_594 : i32 to vector<16xi32>
        %add3A_596 = arith.addi %max3A_65, %add3A_595 : vector<16xi32>
        %select_n3A_597 = arith.select %lt3A_593, %add3A_596, %max3A_65 : vector<16xi1>, vector<16xi32>
        %broadcast_in_dim3A_598 = vector.shape_cast %select_n3A_597 : vector<16xi32> to vector<16x1xi32>
        %gather3A_599 = vector.shape_cast %broadcast_in_dim3A_598 : vector<16x1xi32> to vector<16xi32>
        %gather3A_600 = tpu.dynamic_gather %max3A_345[%gather3A_599] in [0] : vector<16xi32>, vector<16xi32> -> vector<16xi32>
        %lt3A_601 = arith.constant 0 : i32
        %lt3A_602 = vector.broadcast %lt3A_601 : i32 to vector<16xi32>
        %lt3A_603 = arith.cmpi slt, %max3A_65, %lt3A_602 : vector<16xi32>
        %add3A_604 = arith.constant 16 : i32
        %add3A_605 = vector.broadcast %add3A_604 : i32 to vector<16xi32>
        %add3A_606 = arith.addi %max3A_65, %add3A_605 : vector<16xi32>
        %select_n3A_607 = arith.select %lt3A_603, %add3A_606, %max3A_65 : vector<16xi1>, vector<16xi32>
        %broadcast_in_dim3A_608 = vector.shape_cast %select_n3A_607 : vector<16xi32> to vector<16x1xi32>
        %gather3A_609 = vector.shape_cast %broadcast_in_dim3A_608 : vector<16x1xi32> to vector<16xi32>
        %gather3A_610 = tpu.dynamic_gather %or3A_590[%gather3A_609] in [0] : vector<16xi32>, vector<16xi32> -> vector<16xi32>
        %eq3A_611 = arith.cmpi eq, %gather3A_600, %max3A_345 : vector<16xi32>
        %jit3A_612 = arith.constant 0 : i32
        %broadcast_in_dim3A_613 = vector.broadcast %jit3A_612 : i32 to vector<16xi32>
        %select_n3A_614 = arith.select %eq3A_611, %gather3A_610, %broadcast_in_dim3A_613 : vector<16xi1>, vector<16xi32>
        %or3A_615 = arith.ori %or3A_590, %select_n3A_614 : vector<16xi32>
        %slice3A_616 = vector.extract_strided_slice %max3A_345 {offsets = [15], sizes = [1], strides = [1]} : vector<16xi32> to vector<1xi32>
        %squeeze3A_617 = vector.extract %slice3A_616[0] : i32 from vector<1xi32>
        %slice3A_618 = vector.extract_strided_slice %or3A_615 {offsets = [15], sizes = [1], strides = [1]} : vector<16xi32> to vector<1xi32>
        %squeeze3A_619 = vector.extract %slice3A_618[0] : i32 from vector<1xi32>
        %eq3A_620 = vector.broadcast %squeeze3A_617 : i32 to vector<16xi32>
        %eq3A_621 = arith.cmpi eq, %max3A_355, %eq3A_620 : vector<16xi32>
        %jit3A_622 = arith.constant 0 : i32
        %broadcast_in_dim3A_623 = vector.broadcast %squeeze3A_619 : i32 to vector<16xi32>
        %broadcast_in_dim3A_624 = vector.broadcast %jit3A_622 : i32 to vector<16xi32>
        %select_n3A_625 = arith.select %eq3A_621, %broadcast_in_dim3A_623, %broadcast_in_dim3A_624 : vector<16xi1>, vector<16xi32>
        %or3A_626 = arith.ori %select_n3A_279, %select_n3A_625 : vector<16xi32>
        %lt3A_627 = arith.constant 0 : i32
        %lt3A_628 = vector.broadcast %lt3A_627 : i32 to vector<16xi32>
        %lt3A_629 = arith.cmpi slt, %max3A_47, %lt3A_628 : vector<16xi32>
        %add3A_630 = arith.constant 16 : i32
        %add3A_631 = vector.broadcast %add3A_630 : i32 to vector<16xi32>
        %add3A_632 = arith.addi %max3A_47, %add3A_631 : vector<16xi32>
        %select_n3A_633 = arith.select %lt3A_629, %add3A_632, %max3A_47 : vector<16xi1>, vector<16xi32>
        %broadcast_in_dim3A_634 = vector.shape_cast %select_n3A_633 : vector<16xi32> to vector<16x1xi32>
        %gather3A_635 = vector.shape_cast %broadcast_in_dim3A_634 : vector<16x1xi32> to vector<16xi32>
        %gather3A_636 = tpu.dynamic_gather %max3A_355[%gather3A_635] in [0] : vector<16xi32>, vector<16xi32> -> vector<16xi32>
        %lt3A_637 = arith.constant 0 : i32
        %lt3A_638 = vector.broadcast %lt3A_637 : i32 to vector<16xi32>
        %lt3A_639 = arith.cmpi slt, %max3A_47, %lt3A_638 : vector<16xi32>
        %add3A_640 = arith.constant 16 : i32
        %add3A_641 = vector.broadcast %add3A_640 : i32 to vector<16xi32>
        %add3A_642 = arith.addi %max3A_47, %add3A_641 : vector<16xi32>
        %select_n3A_643 = arith.select %lt3A_639, %add3A_642, %max3A_47 : vector<16xi1>, vector<16xi32>
        %broadcast_in_dim3A_644 = vector.shape_cast %select_n3A_643 : vector<16xi32> to vector<16x1xi32>
        %gather3A_645 = vector.shape_cast %broadcast_in_dim3A_644 : vector<16x1xi32> to vector<16xi32>
        %gather3A_646 = tpu.dynamic_gather %or3A_626[%gather3A_645] in [0] : vector<16xi32>, vector<16xi32> -> vector<16xi32>
        %eq3A_647 = arith.cmpi eq, %gather3A_636, %max3A_355 : vector<16xi32>
        %jit3A_648 = arith.constant 0 : i32
        %broadcast_in_dim3A_649 = vector.broadcast %jit3A_648 : i32 to vector<16xi32>
        %select_n3A_650 = arith.select %eq3A_647, %gather3A_646, %broadcast_in_dim3A_649 : vector<16xi1>, vector<16xi32>
        %or3A_651 = arith.ori %or3A_626, %select_n3A_650 : vector<16xi32>
        %lt3A_652 = arith.constant 0 : i32
        %lt3A_653 = vector.broadcast %lt3A_652 : i32 to vector<16xi32>
        %lt3A_654 = arith.cmpi slt, %max3A_53, %lt3A_653 : vector<16xi32>
        %add3A_655 = arith.constant 16 : i32
        %add3A_656 = vector.broadcast %add3A_655 : i32 to vector<16xi32>
        %add3A_657 = arith.addi %max3A_53, %add3A_656 : vector<16xi32>
        %select_n3A_658 = arith.select %lt3A_654, %add3A_657, %max3A_53 : vector<16xi1>, vector<16xi32>
        %broadcast_in_dim3A_659 = vector.shape_cast %select_n3A_658 : vector<16xi32> to vector<16x1xi32>
        %gather3A_660 = vector.shape_cast %broadcast_in_dim3A_659 : vector<16x1xi32> to vector<16xi32>
        %gather3A_661 = tpu.dynamic_gather %max3A_355[%gather3A_660] in [0] : vector<16xi32>, vector<16xi32> -> vector<16xi32>
        %lt3A_662 = arith.constant 0 : i32
        %lt3A_663 = vector.broadcast %lt3A_662 : i32 to vector<16xi32>
        %lt3A_664 = arith.cmpi slt, %max3A_53, %lt3A_663 : vector<16xi32>
        %add3A_665 = arith.constant 16 : i32
        %add3A_666 = vector.broadcast %add3A_665 : i32 to vector<16xi32>
        %add3A_667 = arith.addi %max3A_53, %add3A_666 : vector<16xi32>
        %select_n3A_668 = arith.select %lt3A_664, %add3A_667, %max3A_53 : vector<16xi1>, vector<16xi32>
        %broadcast_in_dim3A_669 = vector.shape_cast %select_n3A_668 : vector<16xi32> to vector<16x1xi32>
        %gather3A_670 = vector.shape_cast %broadcast_in_dim3A_669 : vector<16x1xi32> to vector<16xi32>
        %gather3A_671 = tpu.dynamic_gather %or3A_651[%gather3A_670] in [0] : vector<16xi32>, vector<16xi32> -> vector<16xi32>
        %eq3A_672 = arith.cmpi eq, %gather3A_661, %max3A_355 : vector<16xi32>
        %jit3A_673 = arith.constant 0 : i32
        %broadcast_in_dim3A_674 = vector.broadcast %jit3A_673 : i32 to vector<16xi32>
        %select_n3A_675 = arith.select %eq3A_672, %gather3A_671, %broadcast_in_dim3A_674 : vector<16xi1>, vector<16xi32>
        %or3A_676 = arith.ori %or3A_651, %select_n3A_675 : vector<16xi32>
        %lt3A_677 = arith.constant 0 : i32
        %lt3A_678 = vector.broadcast %lt3A_677 : i32 to vector<16xi32>
        %lt3A_679 = arith.cmpi slt, %max3A_59, %lt3A_678 : vector<16xi32>
        %add3A_680 = arith.constant 16 : i32
        %add3A_681 = vector.broadcast %add3A_680 : i32 to vector<16xi32>
        %add3A_682 = arith.addi %max3A_59, %add3A_681 : vector<16xi32>
        %select_n3A_683 = arith.select %lt3A_679, %add3A_682, %max3A_59 : vector<16xi1>, vector<16xi32>
        %broadcast_in_dim3A_684 = vector.shape_cast %select_n3A_683 : vector<16xi32> to vector<16x1xi32>
        %gather3A_685 = vector.shape_cast %broadcast_in_dim3A_684 : vector<16x1xi32> to vector<16xi32>
        %gather3A_686 = tpu.dynamic_gather %max3A_355[%gather3A_685] in [0] : vector<16xi32>, vector<16xi32> -> vector<16xi32>
        %lt3A_687 = arith.constant 0 : i32
        %lt3A_688 = vector.broadcast %lt3A_687 : i32 to vector<16xi32>
        %lt3A_689 = arith.cmpi slt, %max3A_59, %lt3A_688 : vector<16xi32>
        %add3A_690 = arith.constant 16 : i32
        %add3A_691 = vector.broadcast %add3A_690 : i32 to vector<16xi32>
        %add3A_692 = arith.addi %max3A_59, %add3A_691 : vector<16xi32>
        %select_n3A_693 = arith.select %lt3A_689, %add3A_692, %max3A_59 : vector<16xi1>, vector<16xi32>
        %broadcast_in_dim3A_694 = vector.shape_cast %select_n3A_693 : vector<16xi32> to vector<16x1xi32>
        %gather3A_695 = vector.shape_cast %broadcast_in_dim3A_694 : vector<16x1xi32> to vector<16xi32>
        %gather3A_696 = tpu.dynamic_gather %or3A_676[%gather3A_695] in [0] : vector<16xi32>, vector<16xi32> -> vector<16xi32>
        %eq3A_697 = arith.cmpi eq, %gather3A_686, %max3A_355 : vector<16xi32>
        %jit3A_698 = arith.constant 0 : i32
        %broadcast_in_dim3A_699 = vector.broadcast %jit3A_698 : i32 to vector<16xi32>
        %select_n3A_700 = arith.select %eq3A_697, %gather3A_696, %broadcast_in_dim3A_699 : vector<16xi1>, vector<16xi32>
        %or3A_701 = arith.ori %or3A_676, %select_n3A_700 : vector<16xi32>
        %lt3A_702 = arith.constant 0 : i32
        %lt3A_703 = vector.broadcast %lt3A_702 : i32 to vector<16xi32>
        %lt3A_704 = arith.cmpi slt, %max3A_65, %lt3A_703 : vector<16xi32>
        %add3A_705 = arith.constant 16 : i32
        %add3A_706 = vector.broadcast %add3A_705 : i32 to vector<16xi32>
        %add3A_707 = arith.addi %max3A_65, %add3A_706 : vector<16xi32>
        %select_n3A_708 = arith.select %lt3A_704, %add3A_707, %max3A_65 : vector<16xi1>, vector<16xi32>
        %broadcast_in_dim3A_709 = vector.shape_cast %select_n3A_708 : vector<16xi32> to vector<16x1xi32>
        %gather3A_710 = vector.shape_cast %broadcast_in_dim3A_709 : vector<16x1xi32> to vector<16xi32>
        %gather3A_711 = tpu.dynamic_gather %max3A_355[%gather3A_710] in [0] : vector<16xi32>, vector<16xi32> -> vector<16xi32>
        %lt3A_712 = arith.constant 0 : i32
        %lt3A_713 = vector.broadcast %lt3A_712 : i32 to vector<16xi32>
        %lt3A_714 = arith.cmpi slt, %max3A_65, %lt3A_713 : vector<16xi32>
        %add3A_715 = arith.constant 16 : i32
        %add3A_716 = vector.broadcast %add3A_715 : i32 to vector<16xi32>
        %add3A_717 = arith.addi %max3A_65, %add3A_716 : vector<16xi32>
        %select_n3A_718 = arith.select %lt3A_714, %add3A_717, %max3A_65 : vector<16xi1>, vector<16xi32>
        %broadcast_in_dim3A_719 = vector.shape_cast %select_n3A_718 : vector<16xi32> to vector<16x1xi32>
        %gather3A_720 = vector.shape_cast %broadcast_in_dim3A_719 : vector<16x1xi32> to vector<16xi32>
        %gather3A_721 = tpu.dynamic_gather %or3A_701[%gather3A_720] in [0] : vector<16xi32>, vector<16xi32> -> vector<16xi32>
        %eq3A_722 = arith.cmpi eq, %gather3A_711, %max3A_355 : vector<16xi32>
        %jit3A_723 = arith.constant 0 : i32
        %broadcast_in_dim3A_724 = vector.broadcast %jit3A_723 : i32 to vector<16xi32>
        %select_n3A_725 = arith.select %eq3A_722, %gather3A_721, %broadcast_in_dim3A_724 : vector<16xi1>, vector<16xi32>
        %or3A_726 = arith.ori %or3A_701, %select_n3A_725 : vector<16xi32>
        %slice3A_727 = vector.extract_strided_slice %max3A_355 {offsets = [15], sizes = [1], strides = [1]} : vector<16xi32> to vector<1xi32>
        %squeeze3A_728 = vector.extract %slice3A_727[0] : i32 from vector<1xi32>
        %slice3A_729 = vector.extract_strided_slice %or3A_726 {offsets = [15], sizes = [1], strides = [1]} : vector<16xi32> to vector<1xi32>
        %squeeze3A_730 = vector.extract %slice3A_729[0] : i32 from vector<1xi32>
        %eq3A_731 = vector.broadcast %squeeze3A_728 : i32 to vector<16xi32>
        %eq3A_732 = arith.cmpi eq, %max3A_365, %eq3A_731 : vector<16xi32>
        %jit3A_733 = arith.constant 0 : i32
        %broadcast_in_dim3A_734 = vector.broadcast %squeeze3A_730 : i32 to vector<16xi32>
        %broadcast_in_dim3A_735 = vector.broadcast %jit3A_733 : i32 to vector<16xi32>
        %select_n3A_736 = arith.select %eq3A_732, %broadcast_in_dim3A_734, %broadcast_in_dim3A_735 : vector<16xi1>, vector<16xi32>
        %or3A_737 = arith.ori %select_n3A_316, %select_n3A_736 : vector<16xi32>
        %lt3A_738 = arith.constant 0 : i32
        %lt3A_739 = vector.broadcast %lt3A_738 : i32 to vector<16xi32>
        %lt3A_740 = arith.cmpi slt, %max3A_47, %lt3A_739 : vector<16xi32>
        %add3A_741 = arith.constant 16 : i32
        %add3A_742 = vector.broadcast %add3A_741 : i32 to vector<16xi32>
        %add3A_743 = arith.addi %max3A_47, %add3A_742 : vector<16xi32>
        %select_n3A_744 = arith.select %lt3A_740, %add3A_743, %max3A_47 : vector<16xi1>, vector<16xi32>
        %broadcast_in_dim3A_745 = vector.shape_cast %select_n3A_744 : vector<16xi32> to vector<16x1xi32>
        %gather3A_746 = vector.shape_cast %broadcast_in_dim3A_745 : vector<16x1xi32> to vector<16xi32>
        %gather3A_747 = tpu.dynamic_gather %max3A_365[%gather3A_746] in [0] : vector<16xi32>, vector<16xi32> -> vector<16xi32>
        %lt3A_748 = arith.constant 0 : i32
        %lt3A_749 = vector.broadcast %lt3A_748 : i32 to vector<16xi32>
        %lt3A_750 = arith.cmpi slt, %max3A_47, %lt3A_749 : vector<16xi32>
        %add3A_751 = arith.constant 16 : i32
        %add3A_752 = vector.broadcast %add3A_751 : i32 to vector<16xi32>
        %add3A_753 = arith.addi %max3A_47, %add3A_752 : vector<16xi32>
        %select_n3A_754 = arith.select %lt3A_750, %add3A_753, %max3A_47 : vector<16xi1>, vector<16xi32>
        %broadcast_in_dim3A_755 = vector.shape_cast %select_n3A_754 : vector<16xi32> to vector<16x1xi32>
        %gather3A_756 = vector.shape_cast %broadcast_in_dim3A_755 : vector<16x1xi32> to vector<16xi32>
        %gather3A_757 = tpu.dynamic_gather %or3A_737[%gather3A_756] in [0] : vector<16xi32>, vector<16xi32> -> vector<16xi32>
        %eq3A_758 = arith.cmpi eq, %gather3A_747, %max3A_365 : vector<16xi32>
        %jit3A_759 = arith.constant 0 : i32
        %broadcast_in_dim3A_760 = vector.broadcast %jit3A_759 : i32 to vector<16xi32>
        %select_n3A_761 = arith.select %eq3A_758, %gather3A_757, %broadcast_in_dim3A_760 : vector<16xi1>, vector<16xi32>
        %or3A_762 = arith.ori %or3A_737, %select_n3A_761 : vector<16xi32>
        %lt3A_763 = arith.constant 0 : i32
        %lt3A_764 = vector.broadcast %lt3A_763 : i32 to vector<16xi32>
        %lt3A_765 = arith.cmpi slt, %max3A_53, %lt3A_764 : vector<16xi32>
        %add3A_766 = arith.constant 16 : i32
        %add3A_767 = vector.broadcast %add3A_766 : i32 to vector<16xi32>
        %add3A_768 = arith.addi %max3A_53, %add3A_767 : vector<16xi32>
        %select_n3A_769 = arith.select %lt3A_765, %add3A_768, %max3A_53 : vector<16xi1>, vector<16xi32>
        %broadcast_in_dim3A_770 = vector.shape_cast %select_n3A_769 : vector<16xi32> to vector<16x1xi32>
        %gather3A_771 = vector.shape_cast %broadcast_in_dim3A_770 : vector<16x1xi32> to vector<16xi32>
        %gather3A_772 = tpu.dynamic_gather %max3A_365[%gather3A_771] in [0] : vector<16xi32>, vector<16xi32> -> vector<16xi32>
        %lt3A_773 = arith.constant 0 : i32
        %lt3A_774 = vector.broadcast %lt3A_773 : i32 to vector<16xi32>
        %lt3A_775 = arith.cmpi slt, %max3A_53, %lt3A_774 : vector<16xi32>
        %add3A_776 = arith.constant 16 : i32
        %add3A_777 = vector.broadcast %add3A_776 : i32 to vector<16xi32>
        %add3A_778 = arith.addi %max3A_53, %add3A_777 : vector<16xi32>
        %select_n3A_779 = arith.select %lt3A_775, %add3A_778, %max3A_53 : vector<16xi1>, vector<16xi32>
        %broadcast_in_dim3A_780 = vector.shape_cast %select_n3A_779 : vector<16xi32> to vector<16x1xi32>
        %gather3A_781 = vector.shape_cast %broadcast_in_dim3A_780 : vector<16x1xi32> to vector<16xi32>
        %gather3A_782 = tpu.dynamic_gather %or3A_762[%gather3A_781] in [0] : vector<16xi32>, vector<16xi32> -> vector<16xi32>
        %eq3A_783 = arith.cmpi eq, %gather3A_772, %max3A_365 : vector<16xi32>
        %jit3A_784 = arith.constant 0 : i32
        %broadcast_in_dim3A_785 = vector.broadcast %jit3A_784 : i32 to vector<16xi32>
        %select_n3A_786 = arith.select %eq3A_783, %gather3A_782, %broadcast_in_dim3A_785 : vector<16xi1>, vector<16xi32>
        %or3A_787 = arith.ori %or3A_762, %select_n3A_786 : vector<16xi32>
        %lt3A_788 = arith.constant 0 : i32
        %lt3A_789 = vector.broadcast %lt3A_788 : i32 to vector<16xi32>
        %lt3A_790 = arith.cmpi slt, %max3A_59, %lt3A_789 : vector<16xi32>
        %add3A_791 = arith.constant 16 : i32
        %add3A_792 = vector.broadcast %add3A_791 : i32 to vector<16xi32>
        %add3A_793 = arith.addi %max3A_59, %add3A_792 : vector<16xi32>
        %select_n3A_794 = arith.select %lt3A_790, %add3A_793, %max3A_59 : vector<16xi1>, vector<16xi32>
        %broadcast_in_dim3A_795 = vector.shape_cast %select_n3A_794 : vector<16xi32> to vector<16x1xi32>
        %gather3A_796 = vector.shape_cast %broadcast_in_dim3A_795 : vector<16x1xi32> to vector<16xi32>
        %gather3A_797 = tpu.dynamic_gather %max3A_365[%gather3A_796] in [0] : vector<16xi32>, vector<16xi32> -> vector<16xi32>
        %lt3A_798 = arith.constant 0 : i32
        %lt3A_799 = vector.broadcast %lt3A_798 : i32 to vector<16xi32>
        %lt3A_800 = arith.cmpi slt, %max3A_59, %lt3A_799 : vector<16xi32>
        %add3A_801 = arith.constant 16 : i32
        %add3A_802 = vector.broadcast %add3A_801 : i32 to vector<16xi32>
        %add3A_803 = arith.addi %max3A_59, %add3A_802 : vector<16xi32>
        %select_n3A_804 = arith.select %lt3A_800, %add3A_803, %max3A_59 : vector<16xi1>, vector<16xi32>
        %broadcast_in_dim3A_805 = vector.shape_cast %select_n3A_804 : vector<16xi32> to vector<16x1xi32>
        %gather3A_806 = vector.shape_cast %broadcast_in_dim3A_805 : vector<16x1xi32> to vector<16xi32>
        %gather3A_807 = tpu.dynamic_gather %or3A_787[%gather3A_806] in [0] : vector<16xi32>, vector<16xi32> -> vector<16xi32>
        %eq3A_808 = arith.cmpi eq, %gather3A_797, %max3A_365 : vector<16xi32>
        %jit3A_809 = arith.constant 0 : i32
        %broadcast_in_dim3A_810 = vector.broadcast %jit3A_809 : i32 to vector<16xi32>
        %select_n3A_811 = arith.select %eq3A_808, %gather3A_807, %broadcast_in_dim3A_810 : vector<16xi1>, vector<16xi32>
        %or3A_812 = arith.ori %or3A_787, %select_n3A_811 : vector<16xi32>
        %lt3A_813 = arith.constant 0 : i32
        %lt3A_814 = vector.broadcast %lt3A_813 : i32 to vector<16xi32>
        %lt3A_815 = arith.cmpi slt, %max3A_65, %lt3A_814 : vector<16xi32>
        %add3A_816 = arith.constant 16 : i32
        %add3A_817 = vector.broadcast %add3A_816 : i32 to vector<16xi32>
        %add3A_818 = arith.addi %max3A_65, %add3A_817 : vector<16xi32>
        %select_n3A_819 = arith.select %lt3A_815, %add3A_818, %max3A_65 : vector<16xi1>, vector<16xi32>
        %broadcast_in_dim3A_820 = vector.shape_cast %select_n3A_819 : vector<16xi32> to vector<16x1xi32>
        %gather3A_821 = vector.shape_cast %broadcast_in_dim3A_820 : vector<16x1xi32> to vector<16xi32>
        %gather3A_822 = tpu.dynamic_gather %max3A_365[%gather3A_821] in [0] : vector<16xi32>, vector<16xi32> -> vector<16xi32>
        %lt3A_823 = arith.constant 0 : i32
        %lt3A_824 = vector.broadcast %lt3A_823 : i32 to vector<16xi32>
        %lt3A_825 = arith.cmpi slt, %max3A_65, %lt3A_824 : vector<16xi32>
        %add3A_826 = arith.constant 16 : i32
        %add3A_827 = vector.broadcast %add3A_826 : i32 to vector<16xi32>
        %add3A_828 = arith.addi %max3A_65, %add3A_827 : vector<16xi32>
        %select_n3A_829 = arith.select %lt3A_825, %add3A_828, %max3A_65 : vector<16xi1>, vector<16xi32>
        %broadcast_in_dim3A_830 = vector.shape_cast %select_n3A_829 : vector<16xi32> to vector<16x1xi32>
        %gather3A_831 = vector.shape_cast %broadcast_in_dim3A_830 : vector<16x1xi32> to vector<16xi32>
        %gather3A_832 = tpu.dynamic_gather %or3A_812[%gather3A_831] in [0] : vector<16xi32>, vector<16xi32> -> vector<16xi32>
        %eq3A_833 = arith.cmpi eq, %gather3A_822, %max3A_365 : vector<16xi32>
        %jit3A_834 = arith.constant 0 : i32
        %broadcast_in_dim3A_835 = vector.broadcast %jit3A_834 : i32 to vector<16xi32>
        %select_n3A_836 = arith.select %eq3A_833, %gather3A_832, %broadcast_in_dim3A_835 : vector<16xi1>, vector<16xi32>
        %or3A_837 = arith.ori %or3A_812, %select_n3A_836 : vector<16xi32>
        %slice3A_838 = vector.extract_strided_slice %max3A_365 {offsets = [15], sizes = [1], strides = [1]} : vector<16xi32> to vector<1xi32>
        %squeeze3A_839 = vector.extract %slice3A_838[0] : i32 from vector<1xi32>
        %slice3A_840 = vector.extract_strided_slice %or3A_837 {offsets = [15], sizes = [1], strides = [1]} : vector<16xi32> to vector<1xi32>
        %squeeze3A_841 = vector.extract %slice3A_840[0] : i32 from vector<1xi32>
        tpu.vector_store_idx %arg10[%max3A_335], %or3A_504 masked %eq3A_374 : memref<6256xi32, #tpu.memory_space<vmem>>[vector<16xi32>], vector<16xi32>, vector<16xi1>
        tpu.vector_store_idx %arg10[%max3A_345], %or3A_615 masked %eq3A_382 : memref<6256xi32, #tpu.memory_space<vmem>>[vector<16xi32>], vector<16xi32>, vector<16xi1>
        tpu.vector_store_idx %arg10[%max3A_355], %or3A_726 masked %eq3A_390 : memref<6256xi32, #tpu.memory_space<vmem>>[vector<16xi32>], vector<16xi32>, vector<16xi1>
        tpu.vector_store_idx %arg10[%max3A_365], %or3A_837 masked %eq3A_398 : memref<6256xi32, #tpu.memory_space<vmem>>[vector<16xi32>], vector<16xi32>, vector<16xi1>
        scf.yield %squeeze3A_839, %squeeze3A_841, %squeeze3A_367 : i32, i32, i32
      }
      %scan3A_178 = arith.constant 128 : i32
      scf.yield %scan3A_177#0, %scan3A_177#1, %scan3A_177#2, %while3A_172#0 : i32, i32, i32, i32
    }
    %broadcast_in_dim3A_112 = arith.constant 0.000000e+00 : f32
    %broadcast_in_dim3A_113 = vector.broadcast %broadcast_in_dim3A_112 : f32 to vector<16xf32>
    %scan3A_114 = arith.constant 0 : i32
    %scan3A_115 = arith.constant 391 : i32
    %scan3A_116 = arith.addi %scan3A_114, %scan3A_115 : i32
    %scan3A_117 = arith.constant 1 : i32
    %scan3A_118 = scf.for %scan3A_121 = %scan3A_114 to %scan3A_116 step %scan3A_117 iter_args(%scan3A_122 = %broadcast_in_dim3A_113) -> (vector<16xf32>)  : i32 {
      %mul3A_123 = arith.constant 16 : i32
      %mul3A_124 = arith.muli %scan3A_121, %mul3A_123 : i32
      %get3A_125 = arith.index_cast %mul3A_124 : i32 to index
      %get3A_126 = tpu.vector_load %arg10[%get3A_125] {strides = array<i32>} : memref<6256xi32, #tpu.memory_space<vmem>>, vector<16xi32>,
      %gather3A = tpu.vector_load_idx %arg19[%get3A_126] : memref<16xi32, #tpu.memory_space<vmem>>[vector<16xi32>], vector<16xi32>,
      %convert_element_type3A_127 = arith.sitofp %gather3A : vector<16xi32> to vector<16xf32>
      %mul3A_128 = arith.constant 16 : i32
      %mul3A_129 = arith.muli %scan3A_121, %mul3A_128 : i32
      %get3A_130 = arith.index_cast %mul3A_129 : i32 to index
      %get3A_131 = tpu.vector_load %arg21[%get3A_130] {strides = array<i32>} : memref<6272xf32, #tpu.memory_space<vmem>>, vector<16xf32>,
      %mul3A_132 = arith.constant 16 : i32
      %mul3A_133 = arith.muli %scan3A_121, %mul3A_132 : i32
      %add3A_134 = vector.broadcast %mul3A_133 : i32 to vector<16xi32>
      %add3A_135 = arith.addi %add3A_134, %iota3A : vector<16xi32>
      %lt3A = arith.constant 6250 : i32
      %lt3A_136 = vector.broadcast %lt3A : i32 to vector<16xi32>
      %lt3A_137 = arith.cmpi slt, %add3A_135, %lt3A_136 : vector<16xi32>
      %mul3A_138 = arith.mulf %get3A_131, %convert_element_type3A_127 : vector<16xf32>
      %jit3A_139 = arith.constant 0.000000e+00 : f32
      %broadcast_in_dim3A_140 = vector.broadcast %jit3A_139 : f32 to vector<16xf32>
      %select_n3A_141 = arith.select %lt3A_137, %mul3A_138, %broadcast_in_dim3A_140 : vector<16xi1>, vector<16xf32>
      %add3A_142 = arith.addf %scan3A_122, %select_n3A_141 : vector<16xf32>
      scf.yield %add3A_142 : vector<16xf32>
    }
    %scan3A_119 = arith.constant 391 : i32
    %swap3A = arith.constant 0 : index
    %swap3A_120 = tpu.vector_load %arg11[%swap3A] {strides = array<i32>} : memref<16xf32, #tpu.memory_space<vmem>>, vector<16xf32>,
    tpu.vector_store %arg11[%swap3A], %scan3A_118 {strides = array<i32>} : memref<16xf32, #tpu.memory_space<vmem>>, vector<16xf32>,
    "tpu.region"() ({
      %run_scoped3A = tpu.sem_alloc : memref<!tpu.dma_semaphore, #tpu.memory_space<semaphore_mem>>
      %dma_start3A = arith.constant 0 : i32
      %dma_start3A_121 = tpu.memref_slice %arg7[%add3A, %dma_start3A] : memref<32x16xf32, #tpu.memory_space<hbm>> -> memref<1x16xf32, #tpu.memory_space<hbm>>
      %dma_start3A_122 = tpu.memref_squeeze %dma_start3A_121 : memref<1x16xf32, #tpu.memory_space<hbm>> -> memref<16xf32, #tpu.memory_space<hbm>>
      %dma_start3A_123 = arith.constant 0 : i32
      %dma_start3A_124 = tpu.memref_slice %arg7[%add3A, %dma_start3A_123] : memref<32x16xf32, #tpu.memory_space<hbm>> -> memref<1x16xf32, #tpu.memory_space<hbm>>
      %dma_start3A_125 = tpu.memref_squeeze %dma_start3A_124 : memref<1x16xf32, #tpu.memory_space<hbm>> -> memref<16xf32, #tpu.memory_space<hbm>>
      tpu.enqueue_dma source(%arg11 : memref<16xf32, #tpu.memory_space<vmem>>) target(%dma_start3A_125 : memref<16xf32, #tpu.memory_space<hbm>>) target_semaphore(%run_scoped3A : memref<!tpu.dma_semaphore, #tpu.memory_space<semaphore_mem>>)
      %dma_wait3A = arith.constant 0 : i32
      %dma_wait3A_126 = tpu.memref_slice %arg7[%add3A, %dma_wait3A] : memref<32x16xf32, #tpu.memory_space<hbm>> -> memref<1x16xf32, #tpu.memory_space<hbm>>
      %dma_wait3A_127 = tpu.memref_squeeze %dma_wait3A_126 : memref<1x16xf32, #tpu.memory_space<hbm>> -> memref<16xf32, #tpu.memory_space<hbm>>
      %dma_wait3A_128 = arith.constant 0 : i32
      %dma_wait3A_129 = tpu.memref_slice %arg7[%add3A, %dma_wait3A_128] : memref<32x16xf32, #tpu.memory_space<hbm>> -> memref<1x16xf32, #tpu.memory_space<hbm>>
      %dma_wait3A_130 = tpu.memref_squeeze %dma_wait3A_129 : memref<1x16xf32, #tpu.memory_space<hbm>> -> memref<16xf32, #tpu.memory_space<hbm>>
      tpu.wait_dma2 semaphore(%run_scoped3A : memref<!tpu.dma_semaphore, #tpu.memory_space<semaphore_mem>>) src(%arg11 : memref<16xf32, #tpu.memory_space<vmem>>) dst(%dma_wait3A_130 : memref<16xf32, #tpu.memory_space<hbm>>)
      tpu.yield
    }) : () -> ()
    return
  }
}

</mosaic_0001>

<sc_bundles>
// kernel: kernel.3.cloned.1.call-start
scs
__scs_entry_jumppad:
0x0: {  	(pc) =	sbr.rel $0x88, $3  }
0x1: {  	(tag) =	ssettag $0x0;
	lr =	simm.s32 $0x1  }
0x2: {  	[smem:$0x3F9B] =	sst lr;
	_ =	strace $0xD0000000  }
0x3: {  	_ = 	snop  }
0x4: {  	_ = 	snop  }
0x5: {  	_ = 	snop  }
0x6: {  	_ = 	snop  }
0x7: {  	_ = 	snop  }
__scs_overlays_trampoline_lowered:
0x8: {  	[smem:$0x3FAA] =	sst s0  }
0x9: {  	[smem:$0x3FAB] =	sst s1  }
0xa: {  	[smem:$0x3FAC] =	sst s2  }
0xb: {  	[smem:$0x3FAD] =	sst s3  }
0xc: {  	[smem:$0x3FAE] =	sst s4  }
0xd: {  	[smem:$0x3FAF] =	sst s5  }
0xe: {  	[smem:$0x3FB0] =	sst s6  }
0xf: {  	[smem:$0x3FB1] =	sst s7  }
0x10: {  	[smem:$0x3FB2] =	sst s8  }
0x11: {  	[smem:$0x3FB3] =	sst s9;
	s0 =	simm.s32 @!p0 $0x0  }
0x12: {  	s1 =	sld [smem:$0x3F99];
	s0 =	simm.s32 @p0 $0x1  }
0x13: {  	[smem:$0x3FB4] =	sst s0;
	s0 =	simm.s32 @!p1 $0x0  }
0x14: {  	s2 =	sld [smem:$0x3F98];
	s0 =	simm.s32 @p1 $0x1  }
0x15: {  	[smem:$0x3FB5] =	sst s0;
	s0 =	simm.s32 @!p2 $0x0  }
0x16: {  	s3 =	sld [smem:$0x3FDB];
	s0 =	simm.s32 @p2 $0x1  }
0x17: {  	s4 =	simm.s32 $0x1BF5;
	[smem:$0x3FB7] =	sst s0  }
0x18: {  	s0 =	sld [smem:$0x3F9A];
	_ =	swait.ge [sflag:s4], $0x0  }
0x19: {  	s7 =	sld [smem:$0x3F9B]  }
0x1a: {  	s8 =	sadd.s32 $0xFFFFE003, lr  }
0x1b: {  	s9 =	sadd.s32 $0xFFFFFEF7, lr;
	s5 =	simm.s32 $0xFFFFFFFF;
	p2 =	slt.u32 s8, $0xFFFFF086  }
0x1c: {  	p1 =	slt.u32 s9, $0xF7A;
	s5 =	simm.s32 @!p2 $0x0  }
0x1d: {  	s5 =	simm.s32 @p1 $0x1;
	p0 =	seq.s32 s7, s2  }
0x1e: {  	s7 =	smul.u32 @!p0 $0xF7A, s2;
	p2 =	seq.s32 @!p0 s5, $0x0  }
0x1f: {  	s9 =	smul.u32 $0xF7A, s1;
	s8 =	simm.s32 @!p0 $0x1BF5;
	p2 =	por !p2, p0  }
0x20: {  	[sflag:s8] =	ssyncset.s32 @!p0 $0xFFFFF086;
	s6 =	sadd.s32 @!p0 s3, s7;
	s7 =	simm.s32 @!p0 $0x108  }
0x21: {  	s3 =	sadd.s32 s3, s9;
	s6 =	sadd.s32 @!p0 $0x88, s6;
	s7 =	simm.s32 @p2 $0x1082  }
0x22: {  	[simem:s7], [sflag:s8] =	dma.local @!p0 [hbm:s6], $0xF7A  }
0x23: {  	s9 =	sor.u32 $0xD0000000, s2;
	s6 =	simm.s32 $0x108;
	_ =	swait.ge @!p0 [sflag:s8], $0x0  }
0x24: {  	s3 =	sadd.s32 $0x88, s3;
	s6 =	simm.s32 @!p1 $0x1082;
	[sflag:s4] =	ssyncset.s32 $0xFFFFF086  }
0x25: {  	[simem:s6], [sflag:s4] =	dma.local [hbm:s3], $0xF7A  }
0x26: {  	[smem:$0x3F9B] =	sst s1;
	(tag) =	ssettag s2;
	_ =	strace s9  }
0x27: {  	s1 =	sld [smem:$0x3FAB]  }
0x28: {  	s2 =	sld [smem:$0x3FAC]  }
0x29: {  	s4 =	sld [smem:$0x3FAE]  }
0x2a: {  	p0 =	seq.s32 s5, $0x0;
	s5 =	sld [smem:$0x3FAF]  }
0x2b: {  	s6 =	sld [smem:$0x3FB0]  }
0x2c: {  	s7 =	sld [smem:$0x3FB1]  }
0x2d: {  	s3 =	simm.s32 $0x108;
	s8 =	sld [smem:$0x3FB2]  }
0x2e: {  	s3 =	simm.s32 @!p0 $0x1082;
	s9 =	sld [smem:$0x3FB3]  }
0x2f: {  	lr =	sadd.s32 s0, s3;
	s0 =	sld [smem:$0x3FAA]  }
0x30: {  	s3 =	sld [smem:$0x3FAD]  }
0x31: {  	[smem:$0x3FB6] =	sst s10  }
0x32: {  	s10 =	sld [smem:$0x3FB4];
	_ =	sdelay $0x3  }
0x33: {  	p0 =	seq.s32 s10, $0x1;
	s10 =	sld [smem:$0x3FB6];
	_ =	sdelay $0x3  }
0x34: {  	[smem:$0x3FB6] =	sst s10  }
0x35: {  	s10 =	sld [smem:$0x3FB5];
	_ =	sdelay $0x3  }
0x36: {  	p1 =	seq.s32 s10, $0x1;
	s10 =	sld [smem:$0x3FB6];
	_ =	sdelay $0x3  }
0x37: {  	[smem:$0x3FB6] =	sst s10  }
0x38: {  	s10 =	sld [smem:$0x3FB7]  }
0x39: {  	_ = 	snop;
	(pc) =	sbr.ind lr, $3  }
0x3a: {  	_ = 	snop  }
0x3b: {  	_ = 	snop  }
0x3c: {  	p2 =	seq.s32 s10, $0x1;
	s10 =	sld [smem:$0x3FB6]  }
0x3d: {  	_ =	shalt  }
0x3e: {  	_ =	shalt  }
0x3f: {  	_ =	shalt  }
0x40: {  	_ =	shalt  }
0x41: {  	_ =	shalt  }
0x42: {  	_ =	shalt  }
0x43: {  	_ =	shalt  }
0x44: {  	_ =	shalt  }
0x45: {  	_ =	shalt  }
0x46: {  	_ =	shalt  }
0x47: {  	_ =	shalt  }
0x48: {  	_ =	shalt  }
0x49: {  	_ =	shalt  }
0x4a: {  	_ =	shalt  }
0x4b: {  	_ =	shalt  }
0x4c: {  	_ =	shalt  }
0x4d: {  	_ =	shalt  }
0x4e: {  	_ =	shalt  }
0x4f: {  	_ =	shalt  }
0x50: {  	_ =	shalt  }
0x51: {  	_ =	shalt  }
0x52: {  	_ =	shalt  }
0x53: {  	_ =	shalt  }
0x54: {  	_ =	shalt  }
0x55: {  	_ =	shalt  }
0x56: {  	_ =	shalt  }
0x57: {  	_ =	shalt  }
0x58: {  	_ =	shalt  }
0x59: {  	_ =	shalt  }
0x5a: {  	_ =	shalt  }
0x5b: {  	_ =	shalt  }
0x5c: {  	_ =	shalt  }
0x5d: {  	_ =	shalt  }
0x5e: {  	_ =	shalt  }
0x5f: {  	_ =	shalt  }
0x60: {  	_ =	shalt  }
0x61: {  	_ =	shalt  }
0x62: {  	_ =	shalt  }
0x63: {  	_ =	shalt  }
0x64: {  	_ =	shalt  }
0x65: {  	_ =	shalt  }
0x66: {  	_ =	shalt  }
0x67: {  	_ =	shalt  }
0x68: {  	_ =	shalt  }
0x69: {  	_ =	shalt  }
0x6a: {  	_ =	shalt  }
0x6b: {  	_ =	shalt  }
0x6c: {  	_ =	shalt  }
0x6d: {  	_ =	shalt  }
0x6e: {  	_ =	shalt  }
0x6f: {  	_ =	shalt  }
0x70: {  	_ =	shalt  }
0x71: {  	_ =	shalt  }
0x72: {  	_ =	shalt  }
0x73: {  	_ =	shalt  }
0x74: {  	_ =	shalt  }
0x75: {  	_ =	shalt  }
0x76: {  	_ =	shalt  }
0x77: {  	_ =	shalt  }
0x78: {  	_ =	shalt  }
0x79: {  	_ =	shalt  }
0x7a: {  	_ =	shalt  }
0x7b: {  	_ =	shalt  }
0x7c: {  	_ =	shalt  }
0x7d: {  	_ =	shalt  }
0x7e: {  	_ =	shalt  }
0x7f: {  	_ =	shalt  }
0x80: {  	_ =	shalt  }
0x81: {  	_ =	shalt  }
0x82: {  	_ =	shalt  }
0x83: {  	_ =	shalt  }
0x84: {  	_ =	shalt  }
0x85: {  	_ =	shalt  }
0x86: {  	_ =	shalt  }
0x87: {  	_ =	shalt  }
.Lfunc_end0:
.L_simem_size_0:
called_computation_lowered:
.L_overlay_start_0:
0x88: {  	s2 =	sld [smem:$0x3FD9]  }
0x89: {  	s3 =	sld [smem:$0x3FFE];
	_ =	sdelay $0x1  }
0x8a: {  	s1 =	srdreg.scid  }
0x8b: {  	s0 =	sand.u32 $0x1, s1  }
0x8c: {  	s17 =	sshll.u32 s0, $0xA;
	s2 =	sadd.s32 s3, s2  }
0x8d: {  	s2 =	sadd.s32 s2, s17  }
0x8e: {  	[smem:$0x3FC2] =	sst s2  }
0x8f: {  	_ = 	snop  }
0x90: {  	s2 =	sld [smem:$0x3FC8]  }
0x91: {  	s18 =	sld [smem:$0x3FC4];
	(tm) =	ssettm $0x1  }
0x92: {  	s4 =	sld [smem:$0x3FFB];
	_ =	sdelay $0x3  }
0x93: {  	_ =	strace s4  }
0x94: {  	s4 =	sld [smem:$0x3FFC];
	_ =	sdelay $0x3  }
0x95: {  	_ =	strace s4  }
0x96: {  	s4 =	sld [smem:$0x3FFD];
	_ =	sdelay $0x3  }
0x97: {  	_ =	strace s4  }
0x98: {  	_ =	strace $0x8FFFFFFF  }
0x99: {  	s19 =	sld [smem:$0x3FDB];
	_ =	sdelay $0x1  }
0x9a: {  	s5 =	simm.s32 $_scs_section_size  }
0x9b: {  	s6 =	simm.s32 $_size__tile_overlayer_lowered;
	s7 =	simm.s32 $_tile_overlayer_lowered  }
0x9c: {  	s22 =	simm.s32 $0x1BFF;
	s21 =	sshll.u32 s7, $0x1;
	s4 =	sadd.s32 s5, s19  }
0x9d: {  	s8 =	simm.s32 $0x0;
	s20 =	sshll.u32 s6, $0x1;
	s6 =	sadd.s32 s21, s4  }
0x9e: {  	[timem:s8], [sflag:s22] =	dma.local [hbm:s6], s20  }
0x9f: {  	_ =	swait.ge [sflag:s22], s20  }
0xa0: {  	s5 =	ssub.s32 $0x0, s20;
	[sflag:s22] =	ssyncset.done $0x0  }
0xa1: {  	[sflag:s22] =	ssyncadd.s32 s5;
	_ =	sdelay $0x1  }
0xa2: {  	s23 =	simm.s32 $0x1B8B  }
0xa3: {  	_ =	swait.ge [sflag:s23], $0x1  }
0xa4: {  	[sflag:s23] =	ssyncset.done $0x0  }
0xa5: {  	s25 =	simm.s32 $0x1B8E;
	s24 =	sld [smem:$0x3FFE];
	[sflag:s23] =	ssyncadd.s32 $0xFFFFFFFF  }
0xa6: {  	s26 =	simm.s32 $execute0_lowered;
	[smem:$0x3FD2] =	sst s25  }
0xa7: {  	s6 =	sshll.u32 s26, $0x1;
	_ =	strace $0x80000046;
	[dreg:$0x1] =	wrdreg $0xFFFFFFFF  }
0xa8: {  	s28 =	simm.s32 $_size_execute0_lowered;
	s4 =	sadd.s32 s4, s6;
	[dreg:$0x0] =	wrdreg $0x0  }
0xa9: {  	s6 =	sshll.u32 s28, $0x1;
	[dreg:$0x2] =	wrdreg s4  }
0xaa: {  	[dreg:$0x3] =	wrdreg s6  }
0xab: {  	[dreg:$0x4] =	wrdreg $0xC0  }
0xac: {  	_ =	task [dreg:s8], $0x5FFFF  }
0xad: {  	[dreg:$0x1] =	wrdreg $0xFFFFFFFF  }
0xae: {  	[dreg:$0x0] =	wrdreg $0x60  }
0xaf: {  	[dreg:$0x2] =	wrdreg s24  }
0xb0: {  	[dreg:$0x3] =	wrdreg s2  }
0xb1: {  	[dreg:$0x4] =	wrdreg s18  }
0xb2: {  	[dreg:$0x5] =	wrdreg $0xCA800  }
0xb3: {  	[dreg:$0x6] =	wrdreg $0x9  }
0xb4: {  	_ =	task.clear_ibuf [dreg:s8], $0x7FFFF;
	_ =	strace $0x90000046  }
0xb5: {  	s29 =	simm.s32 $0x9;
	_ =	strace $0x80000048  }
0xb6: {  	_ =	swait.ge [sflag:s29], $0x1  }
0xb7: {  	[sflag:s29] =	ssyncadd.s32 $0xFFFFFFFF  }
0xb8: {  	_ =	strace $0x90000048  }
0xb9: {  	_ =	sfence  }
0xba: {  	s30 =	sld [smem:$0x0];
	_ =	sdelay $0x2  }
0xbb: {  	s31 =	sshll.u32 s1, $0xD;
	s1 =	sshrl.u32 s1, $0x2  }
0xbc: {  	s3 =	sand.u32 $0x4000, s31;
	s1 =	sadd.s32 s1, s30  }
0xbd: {  	s0 =	sor.u32 s3, s0;
	s1 =	sshll.u32 s1, $0x11  }
0xbe: {  	s0 =	sor.u32 s1, s0  }
0xbf: {  	s0 =	sadd.s32 $0x8F2B, s0  }
0xc0: {  	[sflag:s0] =	ssyncadd.remote.s32 $0x1  }
0xc1: {  	_ =	sfence.sel $0xFFFF  }
0xc2: {  	[dreg:$0x0] =	wrdreg $0xFFFFFFFF;
	(pc) =	sbr.abs _section_cstart, $3  }
0xc3: {  	[dreg:$0x1] =	wrdreg $0xFFFFFFFF  }
0xc4: {  	_ =	task.clear_ibuf [dreg:s8], $0x2FFFF;
	_ =	strace $0x9FFFFFFF  }
0xc5: {  	(tm) =	ssettm $0x7FFFFFFF  }
tec
execute0_lowered:
.L_overlay_start_1:
0x0: {  	(tag) =	ssettag $0x1  }
0x1: {  	v0 =	vimm.s32 $0xFFEDCBA9  }
0x2: {  	v1 =	vimm.s32 $0x87654321;
	v5 =	vimm.s32 $0xEDCBA987;
	v6 =	vimm.s32 $0x65432100  }
0x3: {  	s2 =	rddreg [dreg:$0x0];
	s3 =	srdreg.scid;
	vm0 =	vcmask $0x3F3C;
	v8 =	vimm.s32 $0xDCBA9876;
	v9 =	vimm.s32 $0x54321000  }
0x4: {  	s1 =	stileid.u32;
	s0 =	rddreg [dreg:$0x1];
	s4 =	simm.s32 $0x0;
	v10 =	vimm.s32 $0xE40000;
	v11 =	vimm.s32 $0xBA987654;
	v12 =	vimm.s32 $0x32100000  }
0x5: {  	s11 =	simm.s32 $0x3;
	vm1 =	vcmask $0x3F30;
	s5 =	sand.u32 $0x1, s3;
	s3 =	rddreg [dreg:$0x3];
	v7 =	vunpack.c.l.s4.s8 v5;
	v8 =	vunpack.c.l.s4.s8 v8  }
0x6: {  	s15 =	simm.s32 $0x1;
	v2 =	vunpack.c.l.s4.s8 v0;
	s25 =	sshll.u32 s1, $0x1;
	v6 =	vunpack.c.l.s4.s8 v6;
	[smem:$0x7FF] =	sst s4;
	v9 =	vunpack.c.l.s4.s8 v9  }
0x7: {  	v10 =	vunpack.c.l.s2.s4 v10;
	s6 =	sor.u32 s5, s25;
	s8 =	ssub.s32 $0x2, s5;
	s5 =	smul.u32 $0x186A, s5;
	v7 =	vunpack.c.0.s8.s32 v7;
	v8 =	vunpack.c.0.s8.s32 v8  }
0x8: {  	s10 =	sshll.u32 s1, $0x2;
	v11 =	vunpack.c.l.s4.s8 v11;
	p0 =	sne.s32 s1, $0x0;
	s7 =	smul.u32 $0x186A, s6;
	v6 =	vunpack.c.0.s8.s32 v6;
	v9 =	vunpack.c.0.s8.s32 v9  }
0x9: {  	v12 =	vunpack.c.l.s4.s8 v12;
	_ =	strace $0x80000047;
	s1 =	sshrl.u32 @!p0 s3, $0x3;
	s6 =	sshll.u32 s6, $0x4;
	v7 =	vand.u32 $0xF, v7;
	v8 =	vand.u32 $0xF, v8  }
0xa: {  	s6 =	sadd.s32 s6, s2;
	s5 =	ssub.s32 s5, s10;
	s7 =	sshrl.u32 s7, $0x3;
	v6 =	vcombine.low v6, v7;
	v7 =	vcombine.low v9, v8;
	v9 =	vunpack.c.0.s8.s32 v11  }
0xb: {  	v1 =	vunpack.c.l.s4.s8 v1;
	v0 =	vlaneseq.u32;
	s28 =	sand.u32 $0x6, s5;
	s7 =	sadd.s32 s7, s2;
	s2 =	sadd.s32 $0x610, s2;
	v11 =	vunpack.c.0.s8.s32 v12  }
0xc: {  	v5 =	vmul.u32 $0xFFFFFFFF, v0;
	s9 =	sshrl.u32 s8, $0x1;
	v10 =	vunpack.c.l.s4.s8 v10;
	[dreg:$0x7] =	wrdreg s2;
	s2 =	sor.u32 $0x9900, s28;
	v9 =	vand.u32 $0xF, v9  }
0xd: {  	v3 =	vunpack.c.0.s8.s32 v2;
	[dreg:$0xa] =	wrdreg s1;
	s8 =	ssub.s32 s8, s9;
	s29 =	sadd.s32 $0x4A000, s6;
	v9 =	vcombine.low v11, v9;
	v11 =	vmov s2  }
0xe: {  	s16 =	simm.s32 $0xB200;
	v4 =	vunpack.c.0.s8.s32 v1;
	s30 =	smax.u32 s8, $0x1;
	v10 =	vunpack.c.0.s8.s32 v10;
	[dreg:$0x8] =	wrdreg s29;
	v12 =	vimm.s32 $0x7060504  }
0xf: {  	s17 =	simm.s32 $0x4000;
	v1 =	vimm.s32 $0x0;
	v2 =	vadd.s32 $0x1, v0;
	[dreg:$0x9] =	wrdreg s30;
	s26 =	sadd.s32 $0x43A00, s7;
	v12 =	vunpack.c.0.s8.s32 v12  }
0x10: {  	v3 =	vcombine.low v4, v3;
	v4 =	vimm.s32 $0x1;
	s31 =	sor.u32 $0x1BF28, s28;
	s7 =	sadd.s32 $0x3D800, s7;
	v10 =	vand.u32 $0x3, v10;
	[dreg:$0x5] =	wrdreg s26  }
0x11: {  	s19 =	simm.s32 $0x0;
	s10 =	simm.s32 $0x1BEA8;
	v8 =	vadd.s32 $0xFFFFFFFF, v5;
	[dreg:$0x6] =	wrdreg s7;
	v10 =	vsel vm1, v12, v10;
	v12 =	vmov s31  }
.LBB2_1:
0x12: {  	s1 =	rddreg [dreg:$0x2]  }
0x13: {  	[tilespmem:s10], [sflag:$0x3] =	stream.linear.gather [hbm4b:s1+s4], $0x80, $0x38;
	[tilespmem:$0x1F0A8] =	vst v63  }
0x14: {  	_ =	swait.ge [sflag:s11], $0x80  }
0x15: {  	[sflag:s11] =	ssyncset.done $0x0  }
0x16: {  	s2 =	simm.s32 $0x9900;
	s29 =	rddreg [dreg:$0x5];
	[sflag:s11] =	ssyncadd.s32 $0xFFFFFF80  }
0x17: {  	[tilespmem:s2], [sflag:$0x3] =	stream.linear.gather [hbm4b:s29+s4], $0x1890, $0x38;
	[tilespmem:$0x1F0A8] =	vst v63  }
0x18: {  	_ =	swait.ge [sflag:s11], $0x1890  }
0x19: {  	[sflag:s11] =	ssyncset.done $0x0  }
0x1a: {  	s31 =	simm.s32 $0x1BF28;
	s30 =	rddreg [dreg:$0x6];
	[sflag:s11] =	ssyncadd.s32 $0xFFFFE770  }
0x1b: {  	[tilespmem:s31], [sflag:$0x3] =	stream.linear.gather [hbm4b:s30+s4], $0x1870, $0x38;
	[tilespmem:$0x1F0A8] =	vst v63  }
0x1c: {  	_ =	swait.ge [sflag:s11], $0x1870  }
0x1d: {  	[sflag:s11] =	ssyncset.done $0x0  }
0x1e: {  	s1 =	simm.s32 $0x0;
	s2 =	simm.s32 $0x40;
	[sflag:s11] =	ssyncadd.s32 $0xFFFFE790  }
.LBB2_2:
0x1f: {  	p1 =	sne.s32 s2, $0x61C0;
	v13 =	vld.idx.msk [tilespmem:v11+s1+$0x0 ss:$0x1], $0xffff;
	_ =	sdelay $0x5  }
0x20: {  	[tilespmem:s1+$0xB200] =	vst v13  }
0x21: {  	v13 =	vld.idx.msk [tilespmem:v12+s1+$0x0 ss:$0x1], $0xffff;
	_ =	sdelay $0x1  }
.Ltmp0:
0x22: {  	(pc) =	sbr.rel @p1 .LBB2_2-.Ltmp0, $2  }
0x23: {  	_ =	sdelay $0x2  }
0x24: {  	[tilespmem:s1+$0x1D828] =	vst v13;
	s1 =	sshra.s32 s2, $0x2;
	s2 =	sadd.s32 $0x40, s2  }
0x25: {  	_ =	sdelay $0x3  }
0x26: {  	v13 =	vld.idx.msk [tilespmem:v11+s1+$0x0 ss:$0x1], $0xffff;
	_ =	sdelay $0x4  }
0x27: {  	[tilespmem:s1+$0xB200] =	vst v13  }
0x28: {  	v13 =	vld.idx.msk [tilespmem:v12+s1+$0x0 ss:$0x1], $0xffff;
	_ =	sdelay $0x4  }
0x29: {  	[tilespmem:s1+$0x1D828] =	vst v13  }
0x2a: {  	v13 =	vld [tilespmem:$0xB200];
	_ =	sdelay $0x4  }
0x2b: {  	(v2sf) =	vpush v13, $0x0;
	_ =	sdelay $0xe  }
0x2c: {  	s20 =	spop (v2sf)  }
0x2d: {  	s31 =	sshra.s32 s20, $0x1F  }
0x2e: {  	s1 =	sshrl.u32 s31, $0x1D  }
0x2f: {  	s1 =	sadd.s32 s1, s20  }
0x30: {  	s2 =	sand.u32 $0xFFFFFFF8, s1  }
0x31: {  	s5 =	simm.s32 $0x40;
	s6 =	simm.s32 $0x0;
	v13 =	vld [tilespmem:$0xCA60];
	s1 =	ssub.s32 s20, s2  }
.LBB2_4:
0x32: {  	p1 =	sne.s32 s5, $0x6180;
	[tilespmem:s6+$0x4000] =	vst v1;
	s6 =	smov.u32 s5;
	s5 =	sadd.s32 $0x40, s5  }
.Ltmp1:
0x33: {  	(pc) =	sbr.rel @p1 .LBB2_4-.Ltmp1, $2  }
0x34: {  	_ =	sdelay $0x2  }
0x35: {  	s6 =	sshra.s32 s6, $0x2  }
0x36: {  	[tilespmem:s6+$0x4000] =	vst v1;
	s5 =	simm.s32 $0x40;
	s6 =	simm.s32 $0x0  }
.LBB2_6:
0x37: {  	p1 =	sne.s32 s5, $0x7FC0;
	[tilespmem:s6+$0x0] =	vst v1;
	s6 =	smov.u32 s5;
	s5 =	sadd.s32 $0x40, s5  }
.Ltmp2:
0x38: {  	(pc) =	sbr.rel @p1 .LBB2_6-.Ltmp2, $2  }
0x39: {  	_ =	sdelay $0x2  }
0x3a: {  	s6 =	sshra.s32 s6, $0x2  }
0x3b: {  	(v2sf) =	vpush v13, $0xA;
	_ =	sdelay $0xd  }
0x3c: {  	s7 =	simm.s32 @!p0 $0x1;
	[tilespmem:s6+$0x0] =	vst v1;
	s6 =	simm.s32 @!p0 $0x10  }
0x3d: {  	s8 =	simm.s32 @!p0 $0x20;
	s12 =	rddreg [dreg:$0x7];
	s5 =	spop (v2sf)  }
0x3e: {  	s9 =	simm.s32 @!p0 $0x1C03;
	s13 =	rddreg [dreg:$0xa];
	s5 =	ssub.s32 s5, s2  }
0x3f: {  	[spmem:s13@s6], [sflag:s9] =	dma.strided @!p0 [hbm:s12@s8], $0x1E850, s7, $0x10   }
0x40: {  	s5 =	sadd.s32 $0x1FFF, s5  }
0x41: {  	p1 =	slt.s32 s5, $0x2000  }
0x42: {  	s6 =	simm.s32 @!p0 $0x3;
	p2 =	slt.s32 @!p1 s2, $0xF2240  }
0x43: {  	s7 =	smov.u32 s2;
	_ =	swait.ge @!p0 [sflag:s6], $0x1E850;
	p2 =	por !p2, p1  }
0x44: {  	[sflag:s6] =	ssyncset.done @!p0 $0x0;
	s28 =	sshra.s32 s5, $0x1F;
	s7 =	simm.s32 @p2 $0xF2240  }
0x45: {  	[sflag:s6] =	ssyncadd.s32 @!p0 $0xFFFE17B0;
	s8 =	simm.s32 @!p1 $0x2000;
	s6 =	sshrl.u32 @!p1 s7, $0x3  }
0x46: {  	[bflag:$0x0] =	sbarrier.arrive $0xFFFF;
	s7 =	simm.s32 @!p1 $0x0;
	s6 =	sadd.s32 @!p1 s0, s6  }
0x47: {  	[tilespmem:s8], [sflag:$0x3] =	stream.linear.gather @!p1 [hbm4b:s6+s7], $0x2000, $0x38;
	[tilespmem:$0x1F0A8] =	vst v63  }
0x48: {  	s7 =	simm.s32 @!p1 $0x3;
	s6 =	sshrl.u32 s28, $0x13  }
0x49: {  	_ =	swait.ge @!p1 [sflag:s7], $0x2000;
	s6 =	sadd.s32 s6, s5  }
0x4a: {  	[sflag:s7] =	ssyncset.done @!p1 $0x0;
	s22 =	sshra.s32 s6, $0xD  }
0x4b: {  	s6 =	simm.s32 @!p1 $0x5900;
	[sflag:s7] =	ssyncadd.s32 @!p1 $0xFFFFE000;
	s29 =	sadd.s32 $0x1, s22  }
0x4c: {  	[tilespmem:s6], [sflag:$0x1] =	stream.indirect.gather @!p1 [spmem:s3], $0x1, s8, s8, $0xb8;
	[tilespmem:$0x1F0A8] =	vst v63  }
0x4d: {  	s30 =	sand.u32 $0x1, s29  }
0x4e: {  	p5 =	slt.s32 s5, $0xFFFFE001;
	p6 =	seq.s32 s30, $0x1  }
0x4f: {  	s31 =	sshrl.u32 s29, $0x1F;
	p1 =	por !p5, !p6  }
0x50: {  	s6 =	simm.s32 $0x1;
	s5 =	sadd.s32 s31, s29;
	p1 =	por !p1, !p1  }
0x51: {  	s5 =	sshra.s32 s5, $0x1;
	s6 =	simm.s32 @!p1 $0x0  }
0x52: {  	s23 =	ssub.s32 s5, s6  }
0x53: {  	p1 =	slt.s32 s23, $0x1  }
.Ltmp3:
0x54: {  	_ = 	snop;
	(pc) =	sbr.rel @p1 .LBB2_18-.Ltmp3, $1  }
0x55: {  	_ =	sdelay $0x3  }
0x56: {  	s1 =	ssub.s32 s20, s1;
	s8 =	simm.s32 $0xFFFFFFFF  }
0x57: {  	s25 =	simm.s32 $0x0;
	s21 =	smov.u32 s2;
	s5 =	simm.s32 $0x0  }
0x58: {  	v13 =	vbroadcast v13, $0xA;
	s7 =	simm.s32 $0x0;
	s28 =	simm.s32 $0x0;
	s24 =	sadd.s32 $0x2000, s1  }
.LBB2_9:
0x59: {  	s30 =	sshllo.u32 s28, $0x1  }
0x5a: {  	p1 =	sge.s32 s30, s22  }
0x5b: {  	s1 =	sshll.u32 @!p1 s30, $0xD  }
0x5c: {  	s1 =	sadd.s32 @!p1 s2, s1  }
0x5d: {  	p2 =	slt.s32 @!p1 s1, $0xF2240  }
0x5e: {  	_ =	swait.ge [sflag:s15], $0x2000;
	p2 =	por !p2, p1  }
0x5f: {  	[sflag:s15] =	ssyncset.done $0x0;
	s1 =	simm.s32 @p2 $0xF2240  }
0x60: {  	[sflag:s15] =	ssyncadd.s32 $0xFFFFE000;
	s1 =	sshrl.u32 @!p1 s1, $0x3  }
0x61: {  	s6 =	simm.s32 @!p1 $0x0;
	s9 =	simm.s32 @!p1 $0x2000;
	s1 =	sadd.s32 @!p1 s0, s1  }
0x62: {  	[tilespmem:s9], [sflag:$0x3] =	stream.linear.gather @!p1 [hbm4b:s1+s6], $0x2000, $0x38;
	[tilespmem:$0x1F0A8] =	vst v63  }
0x63: {  	s1 =	simm.s32 @!p1 $0x3  }
0x64: {  	_ =	swait.ge @!p1 [sflag:s1], $0x2000  }
0x65: {  	[sflag:s1] =	ssyncset.done @!p1 $0x0  }
0x66: {  	s14 =	sshll.u32 s28, $0xE;
	[sflag:s1] =	ssyncadd.s32 @!p1 $0xFFFFE000;
	s1 =	simm.s32 @!p1 $0x7900  }
0x67: {  	[tilespmem:s1], [sflag:$0x2] =	stream.indirect.gather @!p1 [spmem:s3], $0x1, s9, s9, $0xb8;
	[tilespmem:$0x1F0A8] =	vst v63  }
0x68: {  	s29 =	smov.u32 s24;
	s26 =	smov.u32 s21;
	s1 =	sadd.s32 s2, s14  }
0x69: {  	s18 =	sshll.u32 s28, $0x1;
	p3 =	slt.s32 s1, $0xF2240;
	s6 =	smov.u32 s1  }
0x6a: {  	p2 =	slt.s32 s24, $0xF2240;
	s6 =	simm.s32 @!p3 $0xF2240;
	p3 =	slt.s32 s21, $0xF2240  }
0x6b: {  	s31 =	sadd.s32 $0x2, s18;
	s29 =	simm.s32 @!p2 $0xF2240;
	s26 =	simm.s32 @!p3 $0xF2240;
	v14 =	vmov s6  }
.LBB2_10:
0x6c: {  	v15 =	vld [tilespmem:s25+$0xB200];
	_ =	sdelay $0x4  }
0x6d: {  	v16 =	vadd.s32 s25, v0;
	v15 =	vsub.s32 v15, v14  }
0x6e: {  	vm2 =	vlt.s32 v16, $0x186B;
	vm1 =	vlt.u32 v15, $0x2000  }
0x6f: {  	vm1 =	vmand vm2, vm1  }
0x70: {  	v61 =	vmpcnt.ones.xlane vm1;
	_ =	sdelay $0x1  }
0x71: {  	(v2sf) =	vpush v61, $0x0;
	_ =	sdelay $0xa  }
0x72: {  	v62 =	vperm.xlane v15, v3;
	_ =	sdelay $0x1  }
0x73: {  	vm2 =	vne.s32 v15, v62  }
0x74: {  	vm3 =	vgt.s32 v15, $0x0;
	vm2 =	vmor vm2, vm0  }
0x75: {  	v15 =	vnsel vm3, $0x0, v15;
	vm1 =	vmand vm2, vm1;
	s6 =	spop (v2sf)  }
0x76: {  	v15 =	vmin.u32 v15, $0x1FFF;
	p2 =	seq.s32 s6, $0x10  }
.Ltmp4:
0x77: {  	_ = 	snop;
	(pc) =	sbr.rel @p2 .LBB2_10-.Ltmp4, $3  }
0x78: {  	_ =	sdelay $0x1  }
0x79: {  	v63 =	vadd.s32 s25, v2  }
0x7a: {  	[tilespmem:v15+s4+$0x0] =	vst.idx.msk vm1, v63;
	s25 =	sadd.s32 s25, s6  }
0x7b: {  	s12 =	simm.s32 $0x20  }
0x7c: {  	v15 =	vld [tilespmem:s12+$0xFFFFFFE0];
	_ =	sdelay $0x2  }
0x7d: {  	p2 =	sgt.s32 s20, s1  }
0x7e: {  	s1 =	smov.u32 @p2 s20  }
0x7f: {  	v14 =	vmov s1;
	s1 =	simm.s32 $0x5920;
	v15 =	vxor.u32 $0x80000000, v15  }
0x80: {  	v16 =	vld [tilespmem:s1+$0xFFFFFFE0];
	(xrf0) =	vmax.scan.msk.u32 $0xffff, v15;
	_ =	sdelay $0x4  }
0x81: {  	v15 =	vmul.f32 $4.000000000e+00, v16  }
0x82: {  	v16, _, _ =	vpop (xrf0)  }
0x83: {  	v15 =	vtrunc.f32 v15;
	v16 =	vxor.u32 $0x80000000, v16  }
0x84: {  	s6 =	sadd.s32 $0x0, s26;
	v15 =	vcvt.f32.s32 v15;
	vm1 =	vgt.s32 v16, s5  }
0x85: {  	v17 =	vadd.s32 s6, v0;
	v16 =	vnsel vm1, s5, v16  }
0x86: {  	vm2 =	vlt.s32 v17, v13;
	vm1 =	vgt.s32 v15, $0x0;
	v19 =	vadd.s32 $0xFFFFFFFF, v16  }
0x87: {  	v18 =	vld [tilespmem:s12+$0x0];
	v15 =	vnsel vm1, $0x0, v15;
	vm1 =	vge.s32 v17, v14;
	vm3 =	vgt.s32 v19, $0x0  }
0x88: {  	v17 =	vld [tilespmem:s12+$0xFFFFFFF0];
	vm1 =	vmand vm1, vm2;
	v20 =	vmin.u32 v15, $0x3;
	v15 =	vnsel vm3, $0x0, v19  }
0x89: {  	v19 =	vmov s7;
	v20 =	vshll.u32 v4, v20;
	vm2 =	veq.s32 v15, s8  }
0x8a: {  	v20 =	vnsel vm1, $0x0, v20;
	v19 =	vnsel vm2, $0x0, v19  }
0x8b: {  	v21 =	vperm.xlane v15, v6;
	v19 =	vor.u32 v20, v19  }
0x8c: {  	v18 =	vxor.u32 $0x80000000, v18;
	v20 =	vperm.xlane v19, v6  }
0x8d: {  	(xrf0) =	vmax.scan.msk.u32 $0xffff, v18;
	v17 =	vxor.u32 $0x80000000, v17;
	vm1 =	veq.s32 v21, v15  }
0x8e: {  	(xrf0) =	vmax.scan.msk.u32 $0xffff, v17;
	v17 =	vnsel vm1, $0x0, v20  }
0x8f: {  	[tilespmem:s12+$0xFFFFFFE0] =	vst v1;
	v18 =	vperm.xlane v15, v7;
	v17 =	vor.u32 v19, v17  }
0x90: {  	v19 =	vld [tilespmem:s1+$0xFFFFFFF0];
	v20 =	vperm.xlane v17, v7  }
0x91: {  	vm1 =	veq.s32 v18, v15  }
0x92: {  	v18 =	vnsel vm1, $0x0, v20  }
0x93: {  	s13 =	sadd.s32 $0x10, s6;
	v28 =	vperm.xlane v15, v9;
	v17 =	vor.u32 v17, v18  }
0x94: {  	v22 =	vadd.s32 s13, v0;
	v16 =	vbroadcast v16, $0xF;
	v20, _, _ =	vpop (xrf0);
	v23 =	vperm.xlane v17, v9  }
0x95: {  	v29 =	vperm.xlane v15, v10;
	vm1 =	veq.s32 v28, v15;
	v19 =	vmul.f32 $4.000000000e+00, v19;
	v18, _, _ =	vpop (xrf0)  }
0x96: {  	v32 =	vbroadcast v15, $0xF;
	v18 =	vxor.u32 $0x80000000, v18;
	v21 =	vnsel vm1, $0x0, v23  }
0x97: {  	v19 =	vtrunc.f32 v19;
	vm3 =	vgt.s32 v18, v16;
	v17 =	vor.u32 v17, v21  }
0x98: {  	v18 =	vsel vm3, v18, v16;
	v16 =	vcvt.f32.s32 v19;
	v19 =	vperm.xlane v17, v10  }
0x99: {  	vm2 =	vge.s32 v22, v14;
	vm1 =	vlt.s32 v22, v13;
	vm3 =	veq.s32 v29, v15  }
0x9a: {  	v30 =	vadd.s32 $0xFFFFFFFF, v18;
	vm5 =	vgt.s32 v16, $0x0;
	v19 =	vnsel vm3, $0x0, v19  }
0x9b: {  	vm4 =	vgt.s32 v30, $0x0;
	v31 =	vnsel vm5, $0x0, v16;
	v17 =	vor.u32 v17, v19  }
0x9c: {  	v16 =	vnsel vm4, $0x0, v30;
	v19 =	vmin.u32 v31, $0x3;
	v33 =	vbroadcast v17, $0xF  }
0x9d: {  	vm1 =	vmand vm2, vm1;
	vm2 =	veq.s32 v16, v32;
	v19 =	vshll.u32 v4, v19  }
0x9e: {  	v19 =	vnsel vm1, $0x0, v19;
	v21 =	vnsel vm2, $0x0, v33  }
0x9f: {  	v34 =	vperm.xlane v16, v6;
	v19 =	vor.u32 v19, v21  }
0xa0: {  	v21 =	vperm.xlane v19, v6  }
0xa1: {  	[tilespmem:s12+$0xFFFFFFF0] =	vst v1;
	vm1 =	veq.s32 v34, v16  }
0xa2: {  	v35 =	vld [tilespmem:s1+$0x0];
	v21 =	vnsel vm1, $0x0, v21  }
0xa3: {  	v36 =	vperm.xlane v16, v7;
	v19 =	vor.u32 v21, v19  }
0xa4: {  	v21 =	vperm.xlane v19, v7  }
0xa5: {  	vm1 =	veq.s32 v36, v16  }
0xa6: {  	v21 =	vnsel vm1, $0x0, v21  }
0xa7: {  	s14 =	sadd.s32 $0x20, s6;
	v22 =	vmul.f32 $4.000000000e+00, v35;
	v24 =	vperm.xlane v16, v9;
	v19 =	vor.u32 v21, v19  }
0xa8: {  	v38 =	vadd.s32 s14, v0;
	v25 =	vperm.xlane v19, v9  }
0xa9: {  	v22 =	vtrunc.f32 v22;
	v18 =	vbroadcast v18, $0xF;
	vm1 =	veq.s32 v24, v16  }
0xaa: {  	v20 =	vxor.u32 $0x80000000, v20;
	v22 =	vcvt.f32.s32 v22;
	v24 =	vnsel vm1, $0x0, v25  }
0xab: {  	v39 =	vperm.xlane v16, v10;
	vm2 =	vgt.s32 v20, v18;
	v19 =	vor.u32 v24, v19  }
0xac: {  	v18 =	vsel vm2, v20, v18;
	vm1 =	vgt.s32 v22, $0x0;
	v20 =	vperm.xlane v19, v10  }
0xad: {  	vm3 =	vlt.s32 v38, v13;
	v22 =	vnsel vm1, $0x0, v22;
	vm1 =	veq.s32 v39, v16  }
0xae: {  	v37 =	vld [tilespmem:s12+$0x10];
	v41 =	vbroadcast v16, $0xF;
	v40 =	vadd.s32 $0xFFFFFFFF, v18;
	v20 =	vnsel vm1, $0x0, v20  }
0xaf: {  	vm2 =	vgt.s32 v40, $0x0;
	v22 =	vmin.u32 v22, $0x3;
	v19 =	vor.u32 v19, v20  }
0xb0: {  	vm1 =	vge.s32 v38, v14;
	v20 =	vnsel vm2, $0x0, v40;
	v42 =	vbroadcast v19, $0xF  }
0xb1: {  	v22 =	vshll.u32 v4, v22;
	vm1 =	vmand vm1, vm3;
	vm2 =	veq.s32 v20, v41  }
0xb2: {  	v22 =	vnsel vm1, $0x0, v22;
	v21 =	vnsel vm2, $0x0, v42  }
0xb3: {  	v23 =	vxor.u32 $0x80000000, v37;
	v43 =	vperm.xlane v20, v6;
	v21 =	vor.u32 v22, v21  }
0xb4: {  	[tilespmem:s12+$0x0] =	vst v1;
	(xrf0) =	vmax.scan.msk.u32 $0xffff, v23;
	v22 =	vperm.xlane v21, v6  }
0xb5: {  	v44 =	vld [tilespmem:s1+$0x10];
	vm1 =	veq.s32 v43, v20  }
0xb6: {  	v22 =	vnsel vm1, $0x0, v22  }
0xb7: {  	v24 =	vperm.xlane v20, v7;
	v21 =	vor.u32 v22, v21  }
0xb8: {  	s18 =	sadd.s32 $0x30, s6;
	v46 =	vperm.xlane v21, v7  }
0xb9: {  	v26 =	vadd.s32 s18, v0;
	v49 =	vadd.s32 $0x1, v15;
	vm1 =	veq.s32 v24, v20  }
0xba: {  	v23 =	vmul.f32 $4.000000000e+00, v44;
	v45, _, _ =	vpop (xrf0);
	v18 =	vbroadcast v18, $0xF;
	v25 =	vnsel vm1, $0x0, v46  }
0xbb: {  	v27 =	vperm.xlane v20, v9;
	v22 =	vxor.u32 $0x80000000, v45;
	v21 =	vor.u32 v25, v21  }
0xbc: {  	v23 =	vtrunc.f32 v23;
	vm2 =	vgt.s32 v22, v18;
	v25 =	vperm.xlane v21, v9  }
0xbd: {  	v23 =	vcvt.f32.s32 v23;
	v18 =	vsel vm2, v22, v18;
	vm2 =	veq.s32 v27, v20  }
0xbe: {  	v47 =	vadd.s32 $0x1, v16;
	vm3 =	vlt.s32 v26, v13;
	v25 =	vnsel vm2, $0x0, v25  }
0xbf: {  	v48 =	vperm.xlane v20, v10;
	vm1 =	vge.s32 v26, v14;
	v21 =	vor.u32 v25, v21  }
0xc0: {  	v22 =	vadd.s32 $0xFFFFFFFF, v18;
	(v2sf) =	vpush v18, $0xF;
	v18 =	vperm.xlane v21, v10  }
0xc1: {  	v50 =	vbroadcast v20, $0xF;
	vm1 =	vmand vm1, vm3;
	vm3 =	veq.s32 v48, v20  }
0xc2: {  	v51 =	vadd.s32 $0x1, v20;
	vm2 =	vgt.s32 v23, $0x0;
	v18 =	vnsel vm3, $0x0, v18  }
0xc3: {  	[tilespmem:s12+$0x10] =	vst v1;
	vm13 =	vgt.s32 v22, $0x0;
	v23 =	vnsel vm2, $0x0, v23;
	v21 =	vor.u32 v21, v18  }
0xc4: {  	v25 =	vld.idx.msk [tilespmem:v49+s16+$0x0], $0xffff;
	v23 =	vmin.u32 v23, $0x3;
	v18 =	vnsel vm13, $0x0, v22;
	v52 =	vbroadcast v21, $0xF  }
0xc5: {  	v24 =	vld.idx.msk [tilespmem:v47+s16+$0x0], $0xffff;
	v23 =	vshll.u32 v4, v23;
	(v2sf) =	vpush v18, $0xF;
	vm2 =	veq.s32 v18, v50  }
0xc6: {  	v23 =	vnsel vm1, $0x0, v23;
	v22 =	vnsel vm2, $0x0, v52  }
0xc7: {  	v53 =	vperm.xlane v18, v6;
	v29 =	vadd.s32 $0x1, v18;
	v22 =	vor.u32 v23, v22  }
0xc8: {  	v56 =	vmov s13;
	v54 =	vld.idx.msk [tilespmem:v51+s16+$0x0], $0xffff;
	v55 =	vperm.xlane v22, v6  }
0xc9: {  	v28 =	vmov s6;
	v25 =	vadd.s32 v8, v25;
	vm1 =	veq.s32 v53, v18  }
0xca: {  	v24 =	vadd.s32 v8, v24;
	v27 =	vnsel vm1, $0x0, v55;
	vm1 =	veq.s32 v28, v25  }
0xcb: {  	vm3 =	veq.s32 v56, v24;
	v30 =	vperm.xlane v18, v7;
	v22 =	vor.u32 v27, v22  }
0xcc: {  	v59 =	vld.idx.msk [tilespmem:v29+s16+$0x0], $0xffff;
	v57 =	vperm.xlane v22, v7  }
0xcd: {  	v58 =	vmov s14;
	vm2 =	veq.s32 v30, v18;
	v23 =	vadd.s32 v8, v54  }
0xce: {  	vm14 =	veq.s32 v58, v23;
	v60 =	vnsel vm2, $0x0, v57  }
0xcf: {  	v61 =	vperm.xlane v18, v9;
	v22 =	vor.u32 v60, v22  }
0xd0: {  	v63 =	vperm.xlane v22, v9;
	[tilespmem:v15+s17+$0x0] =	vst.idx.msk vm1, v17  }
0xd1: {  	vm15 =	veq.s32 v61, v18;
	v17 =	vmov s18;
	[tilespmem:v16+s17+$0x0] =	vst.idx.msk vm3, v19;
	v16 =	vadd.s32 v8, v59  }
0xd2: {  	v62 =	vperm.xlane v18, v10;
	v15 =	vnsel vm15, $0x0, v63;
	vm1 =	veq.s32 v17, v16  }
0xd3: {  	s6 =	spop (v2sf);
	v15 =	vor.u32 v15, v22  }
0xd4: {  	s13 =	simm.s32 $0x40;
	vm2 =	veq.s32 v62, v18;
	[tilespmem:v20+s17+$0x0] =	vst.idx.msk vm14, v21;
	s9 =	spop (v2sf);
	v16 =	vperm.xlane v15, v10  }
.LBB2_12:
0xd5: {  	p2 =	sne.s32 s13, $0x1FC0;
	s1 =	sadd.s32 $0x40, s1;
	s12 =	sadd.s32 $0x40, s12  }
0xd6: {  	s5 =	smov.u32 s13;
	s13 =	sadd.s32 $0x40, s13;
	v16 =	vnsel vm2, $0x0, v16  }
0xd7: {  	v15 =	vor.u32 v15, v16  }
0xd8: {  	[tilespmem:v18+s17+$0x0] =	vst.idx.msk vm1, v15;
	(v2sf) =	vpush v15, $0xF  }
0xd9: {  	v15 =	vld [tilespmem:s12+$0xFFFFFFE0]  }
0xda: {  	v16 =	vld [tilespmem:s12+$0x0];
	_ =	sdelay $0x2  }
0xdb: {  	v17 =	vld [tilespmem:s1+$0xFFFFFFE0]  }
0xdc: {  	[tilespmem:s12+$0xFFFFFFE0] =	vst v1;
	v15 =	vxor.u32 $0x80000000, v15  }
0xdd: {  	v16 =	vxor.u32 $0x80000000, v16;
	(xrf0) =	vmax.scan.msk.u32 $0xffff, v15  }
0xde: {  	(xrf0) =	vmax.scan.msk.u32 $0xffff, v16;
	_ =	sdelay $0x1  }
0xdf: {  	v15 =	vmul.f32 $4.000000000e+00, v17  }
0xe0: {  	v16 =	vld [tilespmem:s12+$0xFFFFFFF0]  }
0xe1: {  	v15 =	vtrunc.f32 v15  }
0xe2: {  	v15 =	vcvt.f32.s32 v15;
	v17, _, _ =	vpop (xrf0)  }
0xe3: {  	s8 =	sadd.s32 s5, s26;
	v17 =	vxor.u32 $0x80000000, v17;
	v19, _, _ =	vpop (xrf0)  }
0xe4: {  	s7 =	sadd.s32 $0x10, s8;
	s5 =	sadd.s32 $0x20, s8;
	v18 =	vadd.s32 s8, v0;
	vm1 =	vgt.s32 v15, $0x0;
	vm2 =	vgt.s32 v17, s6;
	s14 =	spop (v2sf)  }
0xe5: {  	s18 =	sadd.s32 $0x30, s8;
	vm3 =	vlt.s32 v18, v13;
	v16 =	vxor.u32 $0x80000000, v16;
	v17 =	vnsel vm2, s6, v17  }
0xe6: {  	v15 =	vnsel vm1, $0x0, v15;
	vm1 =	vge.s32 v18, v14;
	v20 =	vadd.s32 $0xFFFFFFFF, v17;
	(xrf0) =	vmax.scan.msk.u32 $0xffff, v16  }
0xe7: {  	vm1 =	vmand vm1, vm3;
	v16 =	vmov s14;
	vm2 =	vgt.s32 v20, $0x0  }
0xe8: {  	v18 =	vadd.s32 s5, v0;
	v21 =	vmin.u32 v15, $0x3;
	v15 =	vnsel vm2, $0x0, v20  }
0xe9: {  	v20 =	vshll.u32 v4, v21;
	vm2 =	veq.s32 v15, s9;
	v21 =	vperm.xlane v15, v6  }
0xea: {  	v20 =	vnsel vm1, $0x0, v20;
	v23 =	vperm.xlane v15, v7;
	v16 =	vnsel vm2, $0x0, v16  }
0xeb: {  	v16 =	vor.u32 v20, v16;
	vm1 =	veq.s32 v21, v15;
	v20 =	vperm.xlane v15, v9  }
0xec: {  	v17 =	vbroadcast v17, $0xF;
	vm2 =	veq.s32 v23, v15;
	v21 =	vperm.xlane v16, v6;
	v22, _, _ =	vpop (xrf0)  }
0xed: {  	v23 =	vadd.s32 s7, v0;
	v22 =	vxor.u32 $0x80000000, v22;
	vm3 =	veq.s32 v20, v15  }
0xee: {  	vm4 =	vge.s32 v23, v14;
	vm5 =	vgt.s32 v22, v17;
	v20 =	vnsel vm1, $0x0, v21  }
0xef: {  	vm1 =	vlt.s32 v23, v13;
	v21 =	vld [tilespmem:s1+$0xFFFFFFF0];
	v17 =	vsel vm5, v22, v17;
	v20 =	vor.u32 v16, v20  }
0xf0: {  	vm1 =	vmand vm4, vm1;
	[tilespmem:s12+$0xFFFFFFF0] =	vst v1;
	v16 =	vadd.s32 $0xFFFFFFFF, v17;
	v22 =	vperm.xlane v20, v7  }
0xf1: {  	v24 =	vbroadcast v17, $0xF;
	v17 =	vperm.xlane v15, v10;
	v23 =	vld [tilespmem:s1+$0x0];
	vm4 =	vgt.s32 v16, $0x0  }
0xf2: {  	v19 =	vxor.u32 $0x80000000, v19;
	v16 =	vnsel vm4, $0x0, v16;
	v22 =	vnsel vm2, $0x0, v22  }
0xf3: {  	vm4 =	veq.s32 v17, v15;
	v25 =	vld [tilespmem:s12+$0x10];
	v20 =	vor.u32 v20, v22;
	v17 =	vperm.xlane v16, v6  }
0xf4: {  	vm5 =	vgt.s32 v19, v24;
	v21 =	vmul.f32 $4.000000000e+00, v21;
	v22 =	vperm.xlane v20, v9  }
0xf5: {  	v26 =	vperm.xlane v16, v9;
	vm2 =	veq.s32 v17, v16;
	v17 =	vperm.xlane v16, v7  }
0xf6: {  	v21 =	vtrunc.f32 v21;
	v23 =	vmul.f32 $4.000000000e+00, v23;
	v22 =	vnsel vm3, $0x0, v22  }
0xf7: {  	v21 =	vcvt.f32.s32 v21;
	v20 =	vor.u32 v20, v22;
	vm3 =	veq.s32 v17, v16  }
0xf8: {  	v17 =	vtrunc.f32 v23;
	v22 =	vxor.u32 $0x80000000, v25;
	v23 =	vperm.xlane v20, v10  }
0xf9: {  	v27 =	vperm.xlane v16, v10;
	vm6 =	vgt.s32 v21, $0x0;
	v25 =	vcvt.f32.s32 v17;
	(xrf0) =	vmax.scan.msk.u32 $0xffff, v22  }
0xfa: {  	v22 =	vbroadcast v15, $0xF;
	v17 =	vnsel vm6, $0x0, v21;
	v21 =	vnsel vm4, $0x0, v23  }
0xfb: {  	v23 =	vmin.u32 v17, $0x3;
	vm4 =	vgt.s32 v25, $0x0;
	v17 =	vor.u32 v20, v21  }
0xfc: {  	vm6 =	veq.s32 v16, v22;
	v20 =	vshll.u32 v4, v23;
	v28 =	vbroadcast v17, $0xF  }
0xfd: {  	v22 =	vnsel vm4, $0x0, v25;
	vm4 =	veq.s32 v27, v16;
	v20 =	vnsel vm1, $0x0, v20  }
0xfe: {  	v22 =	vmin.u32 v22, $0x3;
	v23 =	vnsel vm6, $0x0, v28;
	vm6 =	veq.s32 v26, v16  }
0xff: {  	v19 =	vsel vm5, v19, v24;
	v22 =	vshll.u32 v4, v22;
	v20 =	vor.u32 v20, v23;
	v21, _, _ =	vpop (xrf0)  }
0x100: {  	v23 =	vadd.s32 $0xFFFFFFFF, v19;
	v21 =	vxor.u32 $0x80000000, v21;
	v24 =	vperm.xlane v20, v6  }
0x101: {  	v25 =	vadd.s32 $0x1, v16;
	v19 =	vbroadcast v19, $0xF;
	vm5 =	vgt.s32 v23, $0x0  }
0x102: {  	vm7 =	vge.s32 v18, v14;
	v26 =	vadd.s32 s18, v0;
	v24 =	vnsel vm2, $0x0, v24  }
0x103: {  	vm1 =	vge.s32 v26, v14;
	vm2 =	vgt.s32 v21, v19;
	v20 =	vor.u32 v24, v20  }
0x104: {  	vm8 =	vlt.s32 v26, v13;
	v19 =	vsel vm2, v21, v19;
	v21 =	vperm.xlane v20, v7  }
0x105: {  	v26 =	vadd.s32 $0x1, v15;
	v24 =	vadd.s32 $0xFFFFFFFF, v19;
	(v2sf) =	vpush v19, $0xF  }
0x106: {  	vm1 =	vmand vm1, vm8;
	vm2 =	vgt.s32 v24, $0x0;
	v19 =	vnsel vm3, $0x0, v21  }
0x107: {  	[tilespmem:s12+$0x0] =	vst v1;
	v19 =	vor.u32 v19, v20  }
0x108: {  	v20 =	vld [tilespmem:s1+$0x10];
	v21 =	vperm.xlane v19, v9  }
0x109: {  	[tilespmem:s12+$0x10] =	vst v1  }
0x10a: {  	v26 =	vld.idx.msk [tilespmem:v26+s16+$0x0], $0xffff;
	v21 =	vnsel vm6, $0x0, v21  }
0x10b: {  	v19 =	vor.u32 v21, v19  }
0x10c: {  	v21 =	vperm.xlane v19, v10  }
0x10d: {  	v20 =	vmul.f32 $4.000000000e+00, v20  }
0x10e: {  	vm3 =	vlt.s32 v18, v13;
	v18 =	vnsel vm4, $0x0, v21;
	v21 =	vbroadcast v16, $0xF  }
0x10f: {  	vm3 =	vmand vm7, vm3;
	v20 =	vtrunc.f32 v20;
	v19 =	vor.u32 v19, v18  }
0x110: {  	v18 =	vcvt.f32.s32 v20;
	v20 =	vnsel vm5, $0x0, v23;
	v23 =	vbroadcast v19, $0xF  }
0x111: {  	v22 =	vnsel vm3, $0x0, v22;
	vm3 =	veq.s32 v20, v21;
	v21 =	vperm.xlane v20, v9  }
0x112: {  	v27 =	vperm.xlane v20, v6;
	v28 =	vperm.xlane v20, v7;
	v23 =	vnsel vm3, $0x0, v23  }
0x113: {  	vm3 =	vgt.s32 v18, $0x0;
	v22 =	vor.u32 v22, v23;
	v23 =	vperm.xlane v20, v10  }
0x114: {  	vm5 =	veq.s32 v28, v20;
	vm4 =	veq.s32 v21, v20;
	v29 =	vperm.xlane v22, v6;
	s6 =	spop (v2sf)  }
0x115: {  	v18 =	vnsel vm3, $0x0, v18;
	vm6 =	veq.s32 v27, v20;
	vm3 =	veq.s32 v23, v20  }
0x116: {  	v18 =	vmin.u32 v18, $0x3;
	v21 =	vld.idx.msk [tilespmem:v25+s16+$0x0], $0xffff;
	v23 =	vnsel vm6, $0x0, v29;
	v25 =	vbroadcast v20, $0xF  }
0x117: {  	v28 =	vadd.s32 $0x1, v20;
	v27 =	vshll.u32 v4, v18;
	v22 =	vor.u32 v23, v22  }
0x118: {  	v18 =	vmov s8;
	v23 =	vadd.s32 v8, v26;
	v26 =	vperm.xlane v22, v7  }
0x119: {  	vm6 =	veq.s32 v18, v23  }
0x11a: {  	v23 =	vnsel vm5, $0x0, v26  }
0x11b: {  	v18 =	vnsel vm2, $0x0, v24;
	v26 =	vmov s7;
	v22 =	vor.u32 v23, v22  }
0x11c: {  	v21 =	vadd.s32 v8, v21;
	v23 =	vld.idx.msk [tilespmem:v28+s16+$0x0], $0xffff;
	v24 =	vperm.xlane v22, v9;
	v28 =	vperm.xlane v18, v7  }
0x11d: {  	vm8 =	veq.s32 v26, v21;
	v21 =	vadd.s32 $0x1, v18;
	v26 =	vperm.xlane v18, v6  }
0x11e: {  	v29 =	vperm.xlane v18, v9;
	v30 =	vperm.xlane v18, v10;
	v24 =	vnsel vm4, $0x0, v24  }
0x11f: {  	vm7 =	veq.s32 v26, v18;
	vm5 =	veq.s32 v28, v18;
	v22 =	vor.u32 v24, v22  }
0x120: {  	vm4 =	veq.s32 v29, v18;
	v24 =	vperm.xlane v22, v10;
	(v2sf) =	vpush v18, $0xF  }
0x121: {  	vm2 =	veq.s32 v30, v18  }
0x122: {  	v26 =	vmov s5;
	v23 =	vadd.s32 v8, v23;
	v21 =	vld.idx.msk [tilespmem:v21+s16+$0x0], $0xffff;
	v24 =	vnsel vm3, $0x0, v24  }
0x123: {  	vm3 =	veq.s32 v26, v23;
	v22 =	vor.u32 v22, v24;
	[tilespmem:v15+s17+$0x0] =	vst.idx.msk vm6, v17  }
0x124: {  	v15 =	vbroadcast v22, $0xF;
	[tilespmem:v16+s17+$0x0] =	vst.idx.msk vm8, v19  }
0x125: {  	vm6 =	veq.s32 v18, v25  }
0x126: {  	v16 =	vnsel vm1, $0x0, v27;
	v15 =	vnsel vm6, $0x0, v15  }
0x127: {  	v15 =	vor.u32 v16, v15  }
0x128: {  	v16 =	vadd.s32 v8, v21;
	v17 =	vperm.xlane v15, v6  }
0x129: {  	[tilespmem:v20+s17+$0x0] =	vst.idx.msk vm3, v22  }
0x12a: {  	v17 =	vnsel vm7, $0x0, v17  }
0x12b: {  	v15 =	vor.u32 v17, v15  }
0x12c: {  	v17 =	vperm.xlane v15, v7;
	_ =	sdelay $0x1  }
0x12d: {  	v17 =	vnsel vm5, $0x0, v17  }
0x12e: {  	v15 =	vor.u32 v17, v15;
	s9 =	spop (v2sf)  }
.Ltmp5:
0x12f: {  	v17 =	vperm.xlane v15, v9;
	(pc) =	sbr.rel @p2 .LBB2_12-.Ltmp5, $4  }
0x130: {  	v19 =	vmov s18  }
0x131: {  	vm1 =	veq.s32 v19, v16;
	v16 =	vnsel vm4, $0x0, v17  }
0x132: {  	v15 =	vor.u32 v16, v15  }
0x133: {  	v16 =	vperm.xlane v15, v10  }
0x134: {  	_ = 	snop  }
0x135: {  	v14 =	vnsel vm2, $0x0, v16  }
0x136: {  	v14 =	vor.u32 v15, v14  }
0x137: {  	(v2sf) =	vpush v14, $0xF;
	_ =	sdelay $0xa  }
0x138: {  	p2 =	sge.s32 s31, s22  }
0x139: {  	s1 =	sshll.u32 @!p2 s31, $0xD  }
0x13a: {  	s1 =	sadd.s32 @!p2 s2, s1  }
0x13b: {  	p3 =	slt.s32 @!p2 s1, $0xF2240  }
0x13c: {  	s5 =	simm.s32 @!p1 $0x2;
	[tilespmem:v18+s17+$0x0] =	vst.idx.msk vm1, v14;
	p3 =	por !p3, p2;
	s7 =	spop (v2sf)  }
0x13d: {  	s1 =	simm.s32 @p3 $0xF2240;
	_ =	swait.ge @!p1 [sflag:s5], $0x2000  }
0x13e: {  	s8 =	simm.s32 @!p2 $0x2000;
	s1 =	sshrl.u32 @!p2 s1, $0x3;
	[sflag:s5] =	ssyncset.done @!p1 $0x0  }
0x13f: {  	s1 =	sadd.s32 @!p2 s0, s1;
	[sflag:s5] =	ssyncadd.s32 @!p1 $0xFFFFE000;
	s5 =	simm.s32 @!p2 $0x0  }
0x140: {  	[tilespmem:s8], [sflag:$0x3] =	stream.linear.gather @!p2 [hbm4b:s1+s5], $0x2000, $0x38;
	[tilespmem:$0x1F0A8] =	vst v63  }
0x141: {  	s1 =	simm.s32 @!p2 $0x3  }
0x142: {  	_ =	swait.ge @!p2 [sflag:s1], $0x2000  }
0x143: {  	[sflag:s1] =	ssyncset.done @!p2 $0x0  }
0x144: {  	s31 =	sshll.u32 s30, $0xD;
	[sflag:s1] =	ssyncadd.s32 @!p2 $0xFFFFE000;
	s1 =	simm.s32 @!p2 $0x5900  }
0x145: {  	[tilespmem:s1], [sflag:$0x1] =	stream.indirect.gather @!p2 [spmem:s3], $0x1, s8, s8, $0xb8;
	[tilespmem:$0x1F0A8] =	vst v63  }
0x146: {  	s1 =	sadd.s32 s2, s31  }
0x147: {  	p1 =	slt.s32 s1, $0xF2240;
	s5 =	smov.u32 s1  }
0x148: {  	s5 =	simm.s32 @!p1 $0xF2240  }
0x149: {  	v14 =	vmov s5  }
.LBB2_14:
0x14a: {  	v15 =	vld [tilespmem:s25+$0xB200];
	_ =	sdelay $0x4  }
0x14b: {  	v16 =	vadd.s32 s25, v0;
	v15 =	vsub.s32 v15, v14  }
0x14c: {  	vm2 =	vlt.s32 v16, $0x186B;
	vm1 =	vlt.u32 v15, $0x2000  }
0x14d: {  	vm1 =	vmand vm2, vm1  }
0x14e: {  	v61 =	vmpcnt.ones.xlane vm1;
	_ =	sdelay $0x1  }
0x14f: {  	(v2sf) =	vpush v61, $0x0;
	_ =	sdelay $0xa  }
0x150: {  	v62 =	vperm.xlane v15, v3;
	_ =	sdelay $0x1  }
0x151: {  	vm2 =	vne.s32 v15, v62  }
0x152: {  	vm3 =	vgt.s32 v15, $0x0;
	vm2 =	vmor vm2, vm0  }
0x153: {  	v15 =	vnsel vm3, $0x0, v15;
	vm1 =	vmand vm2, vm1;
	s5 =	spop (v2sf)  }
0x154: {  	v15 =	vmin.u32 v15, $0x1FFF;
	p1 =	seq.s32 s5, $0x10  }
.Ltmp6:
0x155: {  	_ = 	snop;
	(pc) =	sbr.rel @p1 .LBB2_14-.Ltmp6, $3  }
0x156: {  	_ =	sdelay $0x1  }
0x157: {  	v63 =	vadd.s32 s25, v2  }
0x158: {  	[tilespmem:v15+s4+$0x0] =	vst.idx.msk vm1, v63;
	s25 =	sadd.s32 s25, s5  }
0x159: {  	s12 =	simm.s32 $0x20  }
0x15a: {  	v15 =	vld [tilespmem:s12+$0xFFFFFFE0];
	_ =	sdelay $0x2  }
0x15b: {  	p1 =	sgt.s32 s20, s1  }
0x15c: {  	s1 =	smov.u32 @p1 s20  }
0x15d: {  	v14 =	vmov s1;
	s1 =	simm.s32 $0x7920;
	v15 =	vxor.u32 $0x80000000, v15  }
0x15e: {  	v16 =	vld [tilespmem:s1+$0xFFFFFFE0];
	(xrf0) =	vmax.scan.msk.u32 $0xffff, v15;
	_ =	sdelay $0x4  }
0x15f: {  	v15 =	vmul.f32 $4.000000000e+00, v16  }
0x160: {  	v16, _, _ =	vpop (xrf0)  }
0x161: {  	v15 =	vtrunc.f32 v15;
	v16 =	vxor.u32 $0x80000000, v16  }
0x162: {  	s5 =	sadd.s32 $0x0, s29;
	v15 =	vcvt.f32.s32 v15;
	vm1 =	vgt.s32 v16, s6  }
0x163: {  	v17 =	vadd.s32 s5, v0;
	v16 =	vnsel vm1, s6, v16  }
0x164: {  	vm2 =	vlt.s32 v17, v13;
	vm1 =	vgt.s32 v15, $0x0;
	v19 =	vadd.s32 $0xFFFFFFFF, v16  }
0x165: {  	v18 =	vld [tilespmem:s12+$0x0];
	v15 =	vnsel vm1, $0x0, v15;
	vm1 =	vge.s32 v17, v14;
	vm3 =	vgt.s32 v19, $0x0  }
0x166: {  	v17 =	vld [tilespmem:s12+$0xFFFFFFF0];
	vm1 =	vmand vm1, vm2;
	v20 =	vmin.u32 v15, $0x3;
	v15 =	vnsel vm3, $0x0, v19  }
0x167: {  	v19 =	vmov s7;
	v20 =	vshll.u32 v4, v20;
	vm2 =	veq.s32 v15, s9  }
0x168: {  	v20 =	vnsel vm1, $0x0, v20;
	v19 =	vnsel vm2, $0x0, v19  }
0x169: {  	v21 =	vperm.xlane v15, v6;
	v19 =	vor.u32 v20, v19  }
0x16a: {  	v18 =	vxor.u32 $0x80000000, v18;
	v20 =	vperm.xlane v19, v6  }
0x16b: {  	(xrf0) =	vmax.scan.msk.u32 $0xffff, v18;
	v17 =	vxor.u32 $0x80000000, v17;
	vm1 =	veq.s32 v21, v15  }
0x16c: {  	(xrf0) =	vmax.scan.msk.u32 $0xffff, v17;
	v17 =	vnsel vm1, $0x0, v20  }
0x16d: {  	[tilespmem:s12+$0xFFFFFFE0] =	vst v1;
	v18 =	vperm.xlane v15, v7;
	v17 =	vor.u32 v19, v17  }
0x16e: {  	v19 =	vld [tilespmem:s1+$0xFFFFFFF0];
	v20 =	vperm.xlane v17, v7  }
0x16f: {  	vm1 =	veq.s32 v18, v15  }
0x170: {  	v18 =	vnsel vm1, $0x0, v20  }
0x171: {  	s30 =	sadd.s32 $0x10, s5;
	v28 =	vperm.xlane v15, v9;
	v17 =	vor.u32 v17, v18  }
0x172: {  	v22 =	vadd.s32 s30, v0;
	v16 =	vbroadcast v16, $0xF;
	v20, _, _ =	vpop (xrf0);
	v23 =	vperm.xlane v17, v9  }
0x173: {  	v29 =	vperm.xlane v15, v10;
	vm1 =	veq.s32 v28, v15;
	v19 =	vmul.f32 $4.000000000e+00, v19;
	v18, _, _ =	vpop (xrf0)  }
0x174: {  	v32 =	vbroadcast v15, $0xF;
	v18 =	vxor.u32 $0x80000000, v18;
	v21 =	vnsel vm1, $0x0, v23  }
0x175: {  	v19 =	vtrunc.f32 v19;
	vm3 =	vgt.s32 v18, v16;
	v17 =	vor.u32 v17, v21  }
0x176: {  	v18 =	vsel vm3, v18, v16;
	v16 =	vcvt.f32.s32 v19;
	v19 =	vperm.xlane v17, v10  }
0x177: {  	vm2 =	vge.s32 v22, v14;
	vm1 =	vlt.s32 v22, v13;
	vm3 =	veq.s32 v29, v15  }
0x178: {  	v30 =	vadd.s32 $0xFFFFFFFF, v18;
	vm5 =	vgt.s32 v16, $0x0;
	v19 =	vnsel vm3, $0x0, v19  }
0x179: {  	vm4 =	vgt.s32 v30, $0x0;
	v31 =	vnsel vm5, $0x0, v16;
	v17 =	vor.u32 v17, v19  }
0x17a: {  	v16 =	vnsel vm4, $0x0, v30;
	v19 =	vmin.u32 v31, $0x3;
	v33 =	vbroadcast v17, $0xF  }
0x17b: {  	vm1 =	vmand vm2, vm1;
	vm2 =	veq.s32 v16, v32;
	v19 =	vshll.u32 v4, v19  }
0x17c: {  	v19 =	vnsel vm1, $0x0, v19;
	v21 =	vnsel vm2, $0x0, v33  }
0x17d: {  	v34 =	vperm.xlane v16, v6;
	v19 =	vor.u32 v19, v21  }
0x17e: {  	v21 =	vperm.xlane v19, v6  }
0x17f: {  	[tilespmem:s12+$0xFFFFFFF0] =	vst v1;
	vm1 =	veq.s32 v34, v16  }
0x180: {  	v35 =	vld [tilespmem:s1+$0x0];
	v21 =	vnsel vm1, $0x0, v21  }
0x181: {  	v36 =	vperm.xlane v16, v7;
	v19 =	vor.u32 v21, v19  }
0x182: {  	v21 =	vperm.xlane v19, v7  }
0x183: {  	vm1 =	veq.s32 v36, v16  }
0x184: {  	v21 =	vnsel vm1, $0x0, v21  }
0x185: {  	s31 =	sadd.s32 $0x20, s5;
	v22 =	vmul.f32 $4.000000000e+00, v35;
	v24 =	vperm.xlane v16, v9;
	v19 =	vor.u32 v21, v19  }
0x186: {  	v38 =	vadd.s32 s31, v0;
	v25 =	vperm.xlane v19, v9  }
0x187: {  	v22 =	vtrunc.f32 v22;
	v18 =	vbroadcast v18, $0xF;
	vm1 =	veq.s32 v24, v16  }
0x188: {  	v20 =	vxor.u32 $0x80000000, v20;
	v22 =	vcvt.f32.s32 v22;
	v24 =	vnsel vm1, $0x0, v25  }
0x189: {  	v39 =	vperm.xlane v16, v10;
	vm2 =	vgt.s32 v20, v18;
	v19 =	vor.u32 v24, v19  }
0x18a: {  	v18 =	vsel vm2, v20, v18;
	vm1 =	vgt.s32 v22, $0x0;
	v20 =	vperm.xlane v19, v10  }
0x18b: {  	vm3 =	vlt.s32 v38, v13;
	v22 =	vnsel vm1, $0x0, v22;
	vm1 =	veq.s32 v39, v16  }
0x18c: {  	v37 =	vld [tilespmem:s12+$0x10];
	v41 =	vbroadcast v16, $0xF;
	v40 =	vadd.s32 $0xFFFFFFFF, v18;
	v20 =	vnsel vm1, $0x0, v20  }
0x18d: {  	vm2 =	vgt.s32 v40, $0x0;
	v22 =	vmin.u32 v22, $0x3;
	v19 =	vor.u32 v19, v20  }
0x18e: {  	vm1 =	vge.s32 v38, v14;
	v20 =	vnsel vm2, $0x0, v40;
	v42 =	vbroadcast v19, $0xF  }
0x18f: {  	v22 =	vshll.u32 v4, v22;
	vm1 =	vmand vm1, vm3;
	vm2 =	veq.s32 v20, v41  }
0x190: {  	v22 =	vnsel vm1, $0x0, v22;
	v21 =	vnsel vm2, $0x0, v42  }
0x191: {  	v23 =	vxor.u32 $0x80000000, v37;
	v43 =	vperm.xlane v20, v6;
	v21 =	vor.u32 v22, v21  }
0x192: {  	[tilespmem:s12+$0x0] =	vst v1;
	(xrf0) =	vmax.scan.msk.u32 $0xffff, v23;
	v22 =	vperm.xlane v21, v6  }
0x193: {  	v44 =	vld [tilespmem:s1+$0x10];
	vm1 =	veq.s32 v43, v20  }
0x194: {  	v22 =	vnsel vm1, $0x0, v22  }
0x195: {  	v24 =	vperm.xlane v20, v7;
	v21 =	vor.u32 v22, v21  }
0x196: {  	s8 =	sadd.s32 $0x30, s5;
	v46 =	vperm.xlane v21, v7  }
0x197: {  	v26 =	vadd.s32 s8, v0;
	v49 =	vadd.s32 $0x1, v15;
	vm1 =	veq.s32 v24, v20  }
0x198: {  	v23 =	vmul.f32 $4.000000000e+00, v44;
	v45, _, _ =	vpop (xrf0);
	v18 =	vbroadcast v18, $0xF;
	v25 =	vnsel vm1, $0x0, v46  }
0x199: {  	v27 =	vperm.xlane v20, v9;
	v22 =	vxor.u32 $0x80000000, v45;
	v21 =	vor.u32 v25, v21  }
0x19a: {  	v23 =	vtrunc.f32 v23;
	vm2 =	vgt.s32 v22, v18;
	v25 =	vperm.xlane v21, v9  }
0x19b: {  	v23 =	vcvt.f32.s32 v23;
	v18 =	vsel vm2, v22, v18;
	vm2 =	veq.s32 v27, v20  }
0x19c: {  	v47 =	vadd.s32 $0x1, v16;
	vm3 =	vlt.s32 v26, v13;
	v25 =	vnsel vm2, $0x0, v25  }
0x19d: {  	v48 =	vperm.xlane v20, v10;
	vm1 =	vge.s32 v26, v14;
	v21 =	vor.u32 v25, v21  }
0x19e: {  	v22 =	vadd.s32 $0xFFFFFFFF, v18;
	(v2sf) =	vpush v18, $0xF;
	v18 =	vperm.xlane v21, v10  }
0x19f: {  	v50 =	vbroadcast v20, $0xF;
	vm1 =	vmand vm1, vm3;
	vm3 =	veq.s32 v48, v20  }
0x1a0: {  	v51 =	vadd.s32 $0x1, v20;
	vm2 =	vgt.s32 v23, $0x0;
	v18 =	vnsel vm3, $0x0, v18  }
0x1a1: {  	[tilespmem:s12+$0x10] =	vst v1;
	vm13 =	vgt.s32 v22, $0x0;
	v23 =	vnsel vm2, $0x0, v23;
	v21 =	vor.u32 v21, v18  }
0x1a2: {  	v25 =	vld.idx.msk [tilespmem:v49+s16+$0x0], $0xffff;
	v23 =	vmin.u32 v23, $0x3;
	v18 =	vnsel vm13, $0x0, v22;
	v52 =	vbroadcast v21, $0xF  }
0x1a3: {  	v24 =	vld.idx.msk [tilespmem:v47+s16+$0x0], $0xffff;
	v23 =	vshll.u32 v4, v23;
	(v2sf) =	vpush v18, $0xF;
	vm2 =	veq.s32 v18, v50  }
0x1a4: {  	v23 =	vnsel vm1, $0x0, v23;
	v22 =	vnsel vm2, $0x0, v52  }
0x1a5: {  	v53 =	vperm.xlane v18, v6;
	v29 =	vadd.s32 $0x1, v18;
	v22 =	vor.u32 v23, v22  }
0x1a6: {  	v56 =	vmov s30;
	v54 =	vld.idx.msk [tilespmem:v51+s16+$0x0], $0xffff;
	v55 =	vperm.xlane v22, v6  }
0x1a7: {  	v28 =	vmov s5;
	v25 =	vadd.s32 v8, v25;
	vm1 =	veq.s32 v53, v18  }
0x1a8: {  	v24 =	vadd.s32 v8, v24;
	v27 =	vnsel vm1, $0x0, v55;
	vm1 =	veq.s32 v28, v25  }
0x1a9: {  	vm3 =	veq.s32 v56, v24;
	v30 =	vperm.xlane v18, v7;
	v22 =	vor.u32 v27, v22  }
0x1aa: {  	v59 =	vld.idx.msk [tilespmem:v29+s16+$0x0], $0xffff;
	v57 =	vperm.xlane v22, v7  }
0x1ab: {  	v58 =	vmov s31;
	vm2 =	veq.s32 v30, v18;
	v23 =	vadd.s32 v8, v54  }
0x1ac: {  	vm14 =	veq.s32 v58, v23;
	v60 =	vnsel vm2, $0x0, v57  }
0x1ad: {  	v61 =	vperm.xlane v18, v9;
	v22 =	vor.u32 v60, v22  }
0x1ae: {  	v63 =	vperm.xlane v22, v9;
	[tilespmem:v15+s17+$0x0] =	vst.idx.msk vm1, v17  }
0x1af: {  	vm15 =	veq.s32 v61, v18;
	v17 =	vmov s8;
	[tilespmem:v16+s17+$0x0] =	vst.idx.msk vm3, v19;
	v16 =	vadd.s32 v8, v59  }
0x1b0: {  	v62 =	vperm.xlane v18, v10;
	v15 =	vnsel vm15, $0x0, v63;
	vm1 =	veq.s32 v17, v16  }
0x1b1: {  	s5 =	spop (v2sf);
	v15 =	vor.u32 v15, v22  }
0x1b2: {  	s13 =	simm.s32 $0x40;
	vm2 =	veq.s32 v62, v18;
	[tilespmem:v20+s17+$0x0] =	vst.idx.msk vm14, v21;
	s8 =	spop (v2sf);
	v16 =	vperm.xlane v15, v10  }
.LBB2_16:
0x1b3: {  	p1 =	sne.s32 s13, $0x1FC0;
	s1 =	sadd.s32 $0x40, s1;
	s12 =	sadd.s32 $0x40, s12  }
0x1b4: {  	s6 =	smov.u32 s13;
	s13 =	sadd.s32 $0x40, s13;
	v16 =	vnsel vm2, $0x0, v16  }
0x1b5: {  	v15 =	vor.u32 v15, v16  }
0x1b6: {  	[tilespmem:v18+s17+$0x0] =	vst.idx.msk vm1, v15;
	(v2sf) =	vpush v15, $0xF  }
0x1b7: {  	v15 =	vld [tilespmem:s12+$0xFFFFFFE0]  }
0x1b8: {  	v16 =	vld [tilespmem:s12+$0x0];
	_ =	sdelay $0x2  }
0x1b9: {  	v17 =	vld [tilespmem:s1+$0xFFFFFFE0]  }
0x1ba: {  	[tilespmem:s12+$0xFFFFFFE0] =	vst v1;
	v15 =	vxor.u32 $0x80000000, v15  }
0x1bb: {  	v16 =	vxor.u32 $0x80000000, v16;
	(xrf0) =	vmax.scan.msk.u32 $0xffff, v15  }
0x1bc: {  	(xrf0) =	vmax.scan.msk.u32 $0xffff, v16;
	_ =	sdelay $0x1  }
0x1bd: {  	v15 =	vmul.f32 $4.000000000e+00, v17  }
0x1be: {  	v16 =	vld [tilespmem:s12+$0xFFFFFFF0]  }
0x1bf: {  	v15 =	vtrunc.f32 v15  }
0x1c0: {  	v15 =	vcvt.f32.s32 v15;
	v17, _, _ =	vpop (xrf0)  }
0x1c1: {  	s7 =	sadd.s32 s6, s29;
	v17 =	vxor.u32 $0x80000000, v17;
	v19, _, _ =	vpop (xrf0)  }
0x1c2: {  	s6 =	sadd.s32 $0x10, s7;
	s26 =	sadd.s32 $0x20, s7;
	v18 =	vadd.s32 s7, v0;
	vm1 =	vgt.s32 v15, $0x0;
	vm2 =	vgt.s32 v17, s5;
	s9 =	spop (v2sf)  }
0x1c3: {  	s18 =	sadd.s32 $0x30, s7;
	vm3 =	vlt.s32 v18, v13;
	v16 =	vxor.u32 $0x80000000, v16;
	v17 =	vnsel vm2, s5, v17  }
0x1c4: {  	v15 =	vnsel vm1, $0x0, v15;
	vm1 =	vge.s32 v18, v14;
	v20 =	vadd.s32 $0xFFFFFFFF, v17;
	(xrf0) =	vmax.scan.msk.u32 $0xffff, v16  }
0x1c5: {  	vm1 =	vmand vm1, vm3;
	v16 =	vmov s9;
	vm2 =	vgt.s32 v20, $0x0  }
0x1c6: {  	v18 =	vadd.s32 s26, v0;
	v21 =	vmin.u32 v15, $0x3;
	v15 =	vnsel vm2, $0x0, v20  }
0x1c7: {  	v20 =	vshll.u32 v4, v21;
	vm2 =	veq.s32 v15, s8;
	v21 =	vperm.xlane v15, v6  }
0x1c8: {  	v20 =	vnsel vm1, $0x0, v20;
	v23 =	vperm.xlane v15, v7;
	v16 =	vnsel vm2, $0x0, v16  }
0x1c9: {  	v16 =	vor.u32 v20, v16;
	vm1 =	veq.s32 v21, v15;
	v20 =	vperm.xlane v15, v9  }
0x1ca: {  	v17 =	vbroadcast v17, $0xF;
	vm2 =	veq.s32 v23, v15;
	v21 =	vperm.xlane v16, v6;
	v22, _, _ =	vpop (xrf0)  }
0x1cb: {  	v23 =	vadd.s32 s6, v0;
	v22 =	vxor.u32 $0x80000000, v22;
	vm3 =	veq.s32 v20, v15  }
0x1cc: {  	vm4 =	vge.s32 v23, v14;
	vm5 =	vgt.s32 v22, v17;
	v20 =	vnsel vm1, $0x0, v21  }
0x1cd: {  	vm1 =	vlt.s32 v23, v13;
	v21 =	vld [tilespmem:s1+$0xFFFFFFF0];
	v17 =	vsel vm5, v22, v17;
	v20 =	vor.u32 v16, v20  }
0x1ce: {  	vm1 =	vmand vm4, vm1;
	[tilespmem:s12+$0xFFFFFFF0] =	vst v1;
	v16 =	vadd.s32 $0xFFFFFFFF, v17;
	v22 =	vperm.xlane v20, v7  }
0x1cf: {  	v24 =	vbroadcast v17, $0xF;
	v17 =	vperm.xlane v15, v10;
	v23 =	vld [tilespmem:s1+$0x0];
	vm4 =	vgt.s32 v16, $0x0  }
0x1d0: {  	v19 =	vxor.u32 $0x80000000, v19;
	v16 =	vnsel vm4, $0x0, v16;
	v22 =	vnsel vm2, $0x0, v22  }
0x1d1: {  	vm4 =	veq.s32 v17, v15;
	v25 =	vld [tilespmem:s12+$0x10];
	v20 =	vor.u32 v20, v22;
	v17 =	vperm.xlane v16, v6  }
0x1d2: {  	vm5 =	vgt.s32 v19, v24;
	v21 =	vmul.f32 $4.000000000e+00, v21;
	v22 =	vperm.xlane v20, v9  }
0x1d3: {  	v26 =	vperm.xlane v16, v9;
	vm2 =	veq.s32 v17, v16;
	v17 =	vperm.xlane v16, v7  }
0x1d4: {  	v21 =	vtrunc.f32 v21;
	v23 =	vmul.f32 $4.000000000e+00, v23;
	v22 =	vnsel vm3, $0x0, v22  }
0x1d5: {  	v21 =	vcvt.f32.s32 v21;
	v20 =	vor.u32 v20, v22;
	vm3 =	veq.s32 v17, v16  }
0x1d6: {  	v17 =	vtrunc.f32 v23;
	v22 =	vxor.u32 $0x80000000, v25;
	v23 =	vperm.xlane v20, v10  }
0x1d7: {  	v27 =	vperm.xlane v16, v10;
	vm6 =	vgt.s32 v21, $0x0;
	v25 =	vcvt.f32.s32 v17;
	(xrf0) =	vmax.scan.msk.u32 $0xffff, v22  }
0x1d8: {  	v22 =	vbroadcast v15, $0xF;
	v17 =	vnsel vm6, $0x0, v21;
	v21 =	vnsel vm4, $0x0, v23  }
0x1d9: {  	v23 =	vmin.u32 v17, $0x3;
	vm4 =	vgt.s32 v25, $0x0;
	v17 =	vor.u32 v20, v21  }
0x1da: {  	vm6 =	veq.s32 v16, v22;
	v20 =	vshll.u32 v4, v23;
	v28 =	vbroadcast v17, $0xF  }
0x1db: {  	v22 =	vnsel vm4, $0x0, v25;
	vm4 =	veq.s32 v27, v16;
	v20 =	vnsel vm1, $0x0, v20  }
0x1dc: {  	v22 =	vmin.u32 v22, $0x3;
	v23 =	vnsel vm6, $0x0, v28;
	vm6 =	veq.s32 v26, v16  }
0x1dd: {  	v19 =	vsel vm5, v19, v24;
	v22 =	vshll.u32 v4, v22;
	v20 =	vor.u32 v20, v23;
	v21, _, _ =	vpop (xrf0)  }
0x1de: {  	v23 =	vadd.s32 $0xFFFFFFFF, v19;
	v21 =	vxor.u32 $0x80000000, v21;
	v24 =	vperm.xlane v20, v6  }
0x1df: {  	v25 =	vadd.s32 $0x1, v16;
	v19 =	vbroadcast v19, $0xF;
	vm5 =	vgt.s32 v23, $0x0  }
0x1e0: {  	vm7 =	vge.s32 v18, v14;
	v26 =	vadd.s32 s18, v0;
	v24 =	vnsel vm2, $0x0, v24  }
0x1e1: {  	vm1 =	vge.s32 v26, v14;
	vm2 =	vgt.s32 v21, v19;
	v20 =	vor.u32 v24, v20  }
0x1e2: {  	vm8 =	vlt.s32 v26, v13;
	v19 =	vsel vm2, v21, v19;
	v21 =	vperm.xlane v20, v7  }
0x1e3: {  	v26 =	vadd.s32 $0x1, v15;
	v24 =	vadd.s32 $0xFFFFFFFF, v19;
	(v2sf) =	vpush v19, $0xF  }
0x1e4: {  	vm1 =	vmand vm1, vm8;
	vm2 =	vgt.s32 v24, $0x0;
	v19 =	vnsel vm3, $0x0, v21  }
0x1e5: {  	[tilespmem:s12+$0x0] =	vst v1;
	v19 =	vor.u32 v19, v20  }
0x1e6: {  	v20 =	vld [tilespmem:s1+$0x10];
	v21 =	vperm.xlane v19, v9  }
0x1e7: {  	[tilespmem:s12+$0x10] =	vst v1  }
0x1e8: {  	v26 =	vld.idx.msk [tilespmem:v26+s16+$0x0], $0xffff;
	v21 =	vnsel vm6, $0x0, v21  }
0x1e9: {  	v19 =	vor.u32 v21, v19  }
0x1ea: {  	v21 =	vperm.xlane v19, v10  }
0x1eb: {  	v20 =	vmul.f32 $4.000000000e+00, v20  }
0x1ec: {  	vm3 =	vlt.s32 v18, v13;
	v18 =	vnsel vm4, $0x0, v21;
	v21 =	vbroadcast v16, $0xF  }
0x1ed: {  	vm3 =	vmand vm7, vm3;
	v20 =	vtrunc.f32 v20;
	v19 =	vor.u32 v19, v18  }
0x1ee: {  	v18 =	vcvt.f32.s32 v20;
	v20 =	vnsel vm5, $0x0, v23;
	v23 =	vbroadcast v19, $0xF  }
0x1ef: {  	v22 =	vnsel vm3, $0x0, v22;
	vm3 =	veq.s32 v20, v21;
	v21 =	vperm.xlane v20, v9  }
0x1f0: {  	v27 =	vperm.xlane v20, v6;
	v28 =	vperm.xlane v20, v7;
	v23 =	vnsel vm3, $0x0, v23  }
0x1f1: {  	vm3 =	vgt.s32 v18, $0x0;
	v22 =	vor.u32 v22, v23;
	v23 =	vperm.xlane v20, v10  }
0x1f2: {  	vm5 =	veq.s32 v28, v20;
	vm4 =	veq.s32 v21, v20;
	v29 =	vperm.xlane v22, v6;
	s5 =	spop (v2sf)  }
0x1f3: {  	v18 =	vnsel vm3, $0x0, v18;
	vm6 =	veq.s32 v27, v20;
	vm3 =	veq.s32 v23, v20  }
0x1f4: {  	v18 =	vmin.u32 v18, $0x3;
	v21 =	vld.idx.msk [tilespmem:v25+s16+$0x0], $0xffff;
	v23 =	vnsel vm6, $0x0, v29;
	v25 =	vbroadcast v20, $0xF  }
0x1f5: {  	v28 =	vadd.s32 $0x1, v20;
	v27 =	vshll.u32 v4, v18;
	v22 =	vor.u32 v23, v22  }
0x1f6: {  	v18 =	vmov s7;
	v23 =	vadd.s32 v8, v26;
	v26 =	vperm.xlane v22, v7  }
0x1f7: {  	vm6 =	veq.s32 v18, v23  }
0x1f8: {  	v23 =	vnsel vm5, $0x0, v26  }
0x1f9: {  	v18 =	vnsel vm2, $0x0, v24;
	v26 =	vmov s6;
	v22 =	vor.u32 v23, v22  }
0x1fa: {  	v21 =	vadd.s32 v8, v21;
	v23 =	vld.idx.msk [tilespmem:v28+s16+$0x0], $0xffff;
	v24 =	vperm.xlane v22, v9;
	v28 =	vperm.xlane v18, v7  }
0x1fb: {  	vm8 =	veq.s32 v26, v21;
	v21 =	vadd.s32 $0x1, v18;
	v26 =	vperm.xlane v18, v6  }
0x1fc: {  	v29 =	vperm.xlane v18, v9;
	v30 =	vperm.xlane v18, v10;
	v24 =	vnsel vm4, $0x0, v24  }
0x1fd: {  	vm7 =	veq.s32 v26, v18;
	vm5 =	veq.s32 v28, v18;
	v22 =	vor.u32 v24, v22  }
0x1fe: {  	vm4 =	veq.s32 v29, v18;
	v24 =	vperm.xlane v22, v10;
	(v2sf) =	vpush v18, $0xF  }
0x1ff: {  	vm2 =	veq.s32 v30, v18  }
0x200: {  	v26 =	vmov s26;
	v23 =	vadd.s32 v8, v23;
	v21 =	vld.idx.msk [tilespmem:v21+s16+$0x0], $0xffff;
	v24 =	vnsel vm3, $0x0, v24  }
0x201: {  	vm3 =	veq.s32 v26, v23;
	v22 =	vor.u32 v22, v24;
	[tilespmem:v15+s17+$0x0] =	vst.idx.msk vm6, v17  }
0x202: {  	v15 =	vbroadcast v22, $0xF;
	[tilespmem:v16+s17+$0x0] =	vst.idx.msk vm8, v19  }
0x203: {  	vm6 =	veq.s32 v18, v25  }
0x204: {  	v16 =	vnsel vm1, $0x0, v27;
	v15 =	vnsel vm6, $0x0, v15  }
0x205: {  	v15 =	vor.u32 v16, v15  }
0x206: {  	v16 =	vadd.s32 v8, v21;
	v17 =	vperm.xlane v15, v6  }
0x207: {  	[tilespmem:v20+s17+$0x0] =	vst.idx.msk vm3, v22  }
0x208: {  	v17 =	vnsel vm7, $0x0, v17  }
0x209: {  	v15 =	vor.u32 v17, v15  }
0x20a: {  	v17 =	vperm.xlane v15, v7;
	_ =	sdelay $0x1  }
0x20b: {  	v17 =	vnsel vm5, $0x0, v17  }
0x20c: {  	v15 =	vor.u32 v17, v15;
	s8 =	spop (v2sf)  }
.Ltmp7:
0x20d: {  	v17 =	vperm.xlane v15, v9;
	(pc) =	sbr.rel @p1 .LBB2_16-.Ltmp7, $4  }
0x20e: {  	v19 =	vmov s18  }
0x20f: {  	vm1 =	veq.s32 v19, v16;
	v16 =	vnsel vm4, $0x0, v17  }
0x210: {  	v15 =	vor.u32 v16, v15  }
0x211: {  	v16 =	vperm.xlane v15, v10  }
0x212: {  	_ = 	snop  }
0x213: {  	v14 =	vnsel vm2, $0x0, v16  }
0x214: {  	v14 =	vor.u32 v15, v14  }
0x215: {  	(v2sf) =	vpush v14, $0xF;
	_ =	sdelay $0x8  }
0x216: {  	s28 =	sadd.s32 $0x1, s28  }
0x217: {  	p1 =	sne.s32 s28, s23  }
.Ltmp8:
0x218: {  	_ = 	snop;
	(pc) =	sbr.rel @p1 .LBB2_9-.Ltmp8, $2  }
0x219: {  	_ =	sdelay $0x2  }
0x21a: {  	s21 =	sadd.s32 $0x4000, s21;
	s24 =	sadd.s32 $0x4000, s24;
	[tilespmem:v18+s17+$0x0] =	vst.idx.msk vm1, v14;
	s7 =	spop (v2sf)  }
.LBB2_18:
0x21b: {  	s1 =	simm.s32 $0x4000  }
0x21c: {  	v13 =	vld [tilespmem:s1+$0x0];
	_ =	sdelay $0x5  }
0x21d: {  	s31 =	simm.s32 $0x4010  }
0x21e: {  	v14 =	vld [tilespmem:s31+$0x0]  }
0x21f: {  	v13 =	vld.idx.msk [tilespmem:v13+s10+$0x0], $0xffff  }
0x220: {  	s1 =	simm.s32 $0x1D828  }
0x221: {  	v15 =	vld [tilespmem:s1+$0x0];
	_ =	sdelay $0x2  }
0x222: {  	v16 =	vcvt.s32.f32 v13  }
0x223: {  	s2 =	simm.s32 $0x0  }
0x224: {  	v17 =	vmov s2;
	v13 =	vadd.s32 $0x186A, v5;
	v18 =	vmul.f32 v16, v15  }
0x225: {  	s6 =	simm.s32 $0x4020;
	vm1 =	vlt.u32 v17, v13;
	v15 =	vld.idx.msk [tilespmem:v14+s10+$0x0], $0xffff  }
0x226: {  	s5 =	simm.s32 $0x10;
	s7 =	simm.s32 $0x30;
	s2 =	simm.s32 $0x20;
	v14 =	vimm.f32 $0.0e+00;
	v16 =	vld [tilespmem:s6+$0x0];
	v17 =	vnsel vm1, $0x0, v18  }
.LBB2_19:
0x227: {  	p1 =	sne.s32 s7, $0x1860;
	v14 =	vadd.f32 v17, v14;
	s1 =	sadd.s32 $0x10, s1  }
0x228: {  	v17 =	vld [tilespmem:s1+$0x0];
	_ =	sdelay $0x2  }
.Ltmp9:
0x229: {  	v15 =	vcvt.s32.f32 v15;
	(pc) =	sbr.rel @p1 .LBB2_19-.Ltmp9, $4  }
0x22a: {  	_ = 	snop  }
0x22b: {  	v18 =	vmov s5;
	s5 =	smov.u32 s2;
	s2 =	smov.u32 s7;
	v17 =	vmul.f32 v15, v17  }
0x22c: {  	s6 =	sadd.s32 $0x10, s6;
	vm1 =	vlt.u32 v18, v13;
	v15 =	vld.idx.msk [tilespmem:v16+s10+$0x0], $0xffff  }
0x22d: {  	s7 =	sadd.s32 $0x10, s7;
	v16 =	vld [tilespmem:s6+$0x0];
	v17 =	vnsel vm1, $0x0, v17  }
0x22e: {  	_ =	sdelay $0x5  }
0x22f: {  	s1 =	sadd.s32 $0x10, s1  }
0x230: {  	v18 =	vld [tilespmem:s1+$0x0]  }
0x231: {  	v16 =	vld.idx.msk [tilespmem:v16+s10+$0x0], $0xffff  }
0x232: {  	s1 =	sadd.s32 $0x10, s1  }
0x233: {  	v19 =	vld [tilespmem:s1+$0x0]  }
0x234: {  	v15 =	vcvt.s32.f32 v15;
	_ =	sdelay $0x1  }
0x235: {  	v62 =	vmov s5;
	v15 =	vmul.f32 v15, v18;
	v16 =	vcvt.s32.f32 v16  }
0x236: {  	v14 =	vadd.f32 v17, v14;
	vm1 =	vlt.u32 v62, v13  }
0x237: {  	v63 =	vmov s2;
	v15 =	vnsel vm1, $0x0, v15;
	v16 =	vmul.f32 v16, v19  }
0x238: {  	vm1 =	vlt.u32 v63, v13;
	v14 =	vadd.f32 v15, v14  }
0x239: {  	v13 =	vnsel vm1, $0x0, v16  }
0x23a: {  	v13 =	vadd.f32 v13, v14;
	_ =	sdelay $0x1  }
0x23b: {  	s29 =	rddreg [dreg:$0x8];
	s30 =	simm.s32 $0x5880;
	[tilespmem:$0x5880] =	vst v13  }
0x23c: {  	[hbm4b:s29+s4] =	stream.linear.scatter [tilespmem:s30], [sflag:$0x3], $0x80, $0x38;
	[tilespmem:$0x1F0A8] =	vst v63  }
0x23d: {  	_ =	swait.ge [sflag:s11], $0x80  }
0x23e: {  	s19 =	sadd.s32 $0x1, s19;
	s31 =	rddreg [dreg:$0x9]  }
0x23f: {  	p1 =	sne.s32 s19, s31  }
.Ltmp10:
0x240: {  	_ = 	snop;
	(pc) =	sbr.rel @p1 .LBB2_1-.Ltmp10, $3  }
0x241: {  	_ =	sdelay $0x1  }
0x242: {  	[sflag:s11] =	ssyncset.done $0x0  }
0x243: {  	[sflag:s11] =	ssyncadd.s32 $0xFFFFFF80  }
0x244: {  	_ =	sfence.sel $0x180000  }
0x245: {  	[bflag:$0x0] =	sbarrier.arrive $0xFFFF  }
0x246: {  	_ =	strace $0x90000047  }
0x247: {  	[bflag:$0x2] =	sbarrier.arrive $0xFFFF  }
0x248: {  	s0 =	rddreg [dreg:$0x4]  }
0x249: {  	s0 =	sadd.s32 @!p0 $0x100000, s0  }
0x24a: {  	[sflag:s0] =	ssyncadd.tile.s32 @!p0 $0x1;
	_ =	shalt  }
.Lfunc_end2:
_tile_overlayer_lowered:
.L_overlay_start_2:
0x24b: {  	(tag) =	ssettag $0x2  }
0x24c: {  	s0 =	rddreg [dreg:$0x0];
	s2 =	stileid.u32  }
0x24d: {  	s1 =	rddreg [dreg:$0x1];
	p0 =	sne.s32 s2, $0x0  }
0x24e: {  	s3 =	rddreg [dreg:$0x2];
	[bflag:$0x3] =	sbarrier.arrive $0xFFFF;
	s2 =	simm.s32 @!p0 $0x1C03  }
0x24f: {  	[timem:s3], [sflag:s2] =	dma.local @!p0 [hbm:s0], s1  }
0x250: {  	s0 =	simm.s32 @!p0 $0x3  }
0x251: {  	_ =	swait.ge @!p0 [sflag:s0], s1  }
0x252: {  	s1 =	ssub.s32 @!p0 $0x0, s1;
	[sflag:s0] =	ssyncset.done @!p0 $0x0  }
0x253: {  	[sflag:s0] =	ssyncadd.s32 @!p0 s1  }
0x254: {  	[bflag:$0x3] =	sbarrier.arrive $0xFFFF  }
0x255: {  	_ =	shalt  }

</sc_bundles>
